<compile_context>
chip_gen: v7x
topology: tpu7x:2x2x1
jax: 0.10.2.dev20260603
libtpu: 0.0.44.dev20260713+nightly
codegen_flags: <defaults>
</compile_context>

<pallas_src>
import functools

import jax
import jax.numpy as jnp
from jax import lax
from jax.experimental import pallas as pl
from jax.experimental.pallas import tpu as pltpu

_DIM = 256
_BLOCK = 50
_HEADS = 8
_HD = _DIM // _HEADS
_SCALE = _HD ** -0.5
_QP = 56
_KP = 64
_G = 4
_NEG = -1e30


def _attn_body(x_ref, m_ref, f0_ref, f1_ref, f2_ref, f3_ref,
               wqkv_ref, bqkv_ref, wproj_ref, bproj_ref, wg_ref, bg_ref,
               out_ref, kv_s, attn_s):
    xb = x_ref[0]
    mean = jnp.sum(xb, axis=1) * (1.0 / _BLOCK)
    zrows = jnp.zeros((_KP - _BLOCK - 1, _DIM), dtype=jnp.float32)
    for g in range(_G):
        kv_s[pl.ds(g * _KP, _BLOCK), :] = xb[g]
        kv_s[pl.ds(g * _KP + _BLOCK, 1), :] = mean[g:g + 1]
        kv_s[pl.ds(g * _KP + _BLOCK + 1, _KP - _BLOCK - 1), :] = zrows
    qkv = jnp.dot(kv_s[...], wqkv_ref[...],
                  preferred_element_type=jnp.float32) + bqkv_ref[...]
    kidx = lax.broadcasted_iota(jnp.int32, (_QP, _KP), 1)
    qidx = lax.broadcasted_iota(jnp.int32, (_QP, _KP), 0)
    dc = (kidx == _BLOCK) | (kidx == qidx)
    for g in range(_G):
        m_g = m_ref[g]
        cond = (kidx < _BLOCK + 1) & (dc | (m_g != 0.0))
        bias = jnp.where(dc, 1.0, f3_ref[g])
        f0m = jnp.where(dc, 0.0, f0_ref[g])
        f1m = jnp.where(dc, 0.0, f1_ref[g])
        f2m = jnp.where(dc, 0.0, f2_ref[g])
        q_g = qkv[g * _KP:g * _KP + _QP, 0:_DIM]
        k_g = qkv[g * _KP:(g + 1) * _KP, _DIM:2 * _DIM]
        v_g = qkv[g * _KP:(g + 1) * _KP, 2 * _DIM:3 * _DIM]
        outs = []
        for h in range(_HEADS):
            qh = q_g[:, h * _HD:(h + 1) * _HD]
            kh = k_g[:, h * _HD:(h + 1) * _HD]
            vh = v_g[:, h * _HD:(h + 1) * _HD]
            s = lax.dot_general(qh, kh, (((1,), (1,)), ((), ())),
                                preferred_element_type=jnp.float32)
            s = s * _SCALE + bias
            s = jnp.where(cond, s, _NEG)
            mrow = jnp.max(s, axis=1, keepdims=True)
            e = jnp.exp(s - mrow)
            probs = e / jnp.sum(e, axis=1, keepdims=True)
            lew = (f0m * wg_ref[0, h] + f1m * wg_ref[1, h]
                   + f2m * wg_ref[2, h] + bias * wg_ref[3, h] + bg_ref[0, h])
            comb = probs + jnp.where(cond, lew, 0.0)
            outs.append(lax.dot_general(comb, vh, (((1,), (0,)), ((), ())),
                                        preferred_element_type=jnp.float32))
        attn_s[pl.ds(g * _QP, _QP), :] = jnp.concatenate(outs, axis=1)
    proj = jnp.dot(attn_s[...], wproj_ref[...],
                   preferred_element_type=jnp.float32) + bproj_ref[...]
    for g in range(_G):
        out_ref[0, g] = proj[g * _QP:g * _QP + _BLOCK, :]


def _block_attention(x4, m, f0, f1, f2, f3, W_qkv, b_qkv, W_proj, b_proj,
                     W_gate, b_gate):
    Bb, nb, _, _ = x4.shape
    grid = (Bb, nb // _G)
    bspec_x = pl.BlockSpec((1, _G, _BLOCK, _DIM), lambda b, g: (b, g, 0, 0))
    bspec_m = pl.BlockSpec((_G, _QP, _KP), lambda b, g: (g, 0, 0))
    bspec_full = lambda shape: pl.BlockSpec(shape, lambda b, g: (0,) * len(shape))
    bspec_smem = pl.BlockSpec(memory_space=pltpu.SMEM)
    return pl.pallas_call(
        _attn_body,
        grid=grid,
        in_specs=[bspec_x, bspec_m, bspec_m, bspec_m, bspec_m, bspec_m,
                  bspec_full((_DIM, 3 * _DIM)), bspec_full((1, 3 * _DIM)),
                  bspec_full((_DIM, _DIM)), bspec_full((1, _DIM)),
                  bspec_smem, bspec_smem],
        out_specs=pl.BlockSpec((1, _G, _BLOCK, _DIM), lambda b, g: (b, g, 0, 0)),
        out_shape=jax.ShapeDtypeStruct((Bb, nb, _BLOCK, _DIM), jnp.float32),
        scratch_shapes=[pltpu.VMEM((_G * _KP, _DIM), jnp.float32),
                        pltpu.VMEM((_G * _QP, _DIM), jnp.float32)],
    )(x4, m, f0, f1, f2, f3, W_qkv, b_qkv, W_proj, b_proj, W_gate, b_gate)


def _build_edge_buffers(edge_index, edge_values, positions, nb):
    rows = edge_index[0]
    cols = edge_index[1]
    br = rows // _BLOCK
    bc = cols // _BLOCK
    bl = jnp.where(br == bc, br, nb)
    rl = rows % _BLOCK
    cl = cols % _BLOCK
    dx = positions[cols] - positions[rows]
    zero = jnp.zeros((nb, _QP, _KP), jnp.float32)
    m = zero.at[bl, rl, cl].add(1.0, mode='drop')
    f0 = zero.at[bl, rl, cl].add(dx[:, 0], mode='drop')
    f1 = zero.at[bl, rl, cl].add(dx[:, 1], mode='drop')
    f2 = zero.at[bl, rl, cl].add(dx[:, 2], mode='drop')
    f3 = zero.at[bl, rl, cl].add(edge_values, mode='drop')
    return m, f0, f1, f2, f3


def kernel(x, edge_index, edge_values, positions, W_qkv, b_qkv, W_proj,
           b_proj, W_gate, b_gate):
    Bb, N, C = x.shape
    nb = N // _BLOCK
    x4 = x.reshape(Bb, nb, _BLOCK, C)
    m, f0, f1, f2, f3 = _build_edge_buffers(edge_index, edge_values,
                                            positions, nb)
    out = _block_attention(x4, m, f0, f1, f2, f3,
                           W_qkv, b_qkv.reshape(1, -1),
                           W_proj, b_proj.reshape(1, -1),
                           W_gate, b_gate.reshape(1, -1))
    return out.reshape(Bb, N, C)

# --- scband reference (transcript-rebuilt; emitter-appended) ---
"""Pipeline reference for scband-leaf-block-attention-69157563400522 (READ-ONLY COPY).

The authoritative reference and input builder live on the scoring server;
editing this copy changes nothing except your own understanding.
"""

import jax, jax.numpy as jnp
import numpy as np

DIM = 256
BLOCK = 50
HEADS = 8
HEAD_DIM = DIM // HEADS
SCALE = HEAD_DIM ** -0.5
N_NODES = 10000
N_EDGES = 160000
B = 2
NUM_HOPS = 1


def setup_inputs(seed: int = 0):
    key = jax.random.key(seed)
    ks = jax.random.split(key, 10)
    x = jax.random.normal(ks[0], (B, N_NODES, DIM), dtype=jnp.float32)
    edge_index = jax.random.randint(ks[1], (2, N_EDGES), 0, N_NODES, dtype=jnp.int32)
    edge_values = jax.random.uniform(ks[2], (N_EDGES,), dtype=jnp.float32)
    positions = jax.random.normal(ks[3], (N_NODES, 3), dtype=jnp.float32)
    W_qkv = jax.random.normal(ks[4], (DIM, 3 * DIM), dtype=jnp.float32) * 0.02
    b_qkv = jnp.zeros((3 * DIM,), dtype=jnp.float32)
    W_proj = jax.random.normal(ks[5], (DIM, DIM), dtype=jnp.float32) * 0.02
    b_proj = jnp.zeros((DIM,), dtype=jnp.float32)
    W_gate = jax.random.normal(ks[6], (4, HEADS), dtype=jnp.float32) * 0.01
    b_gate = jnp.zeros((HEADS,), dtype=jnp.float32)
    return {"x": x, "edge_index": edge_index, "edge_values": edge_values, "positions": positions,
            "W_qkv": W_qkv, "b_qkv": b_qkv, "W_proj": W_proj, "b_proj": b_proj,
            "W_gate": W_gate, "b_gate": b_gate}


def reference(x, edge_index, edge_values, positions, W_qkv, b_qkv, W_proj, b_proj, W_gate, b_gate):
    Bb, N, C = x.shape
    nb = N // BLOCK
    rows = edge_index[0]
    cols = edge_index[1]
    block_r = rows // BLOCK
    block_c = cols // BLOCK
    in_block = (block_r == block_c) & (block_r < nb)
    b_l = jnp.where(in_block, block_r, nb)  # out-of-range -> dropped scatter
    r_l = rows % BLOCK
    c_l = cols % BLOCK
    # build_leaf_block_connectivity
    adj = jnp.zeros((nb, BLOCK, BLOCK), dtype=x.dtype).at[b_l, r_l, c_l].set(1.0, mode='drop')
    reachable = jnp.broadcast_to(jnp.eye(BLOCK, dtype=x.dtype), (nb, BLOCK, BLOCK))
    cur = adj
    for _ in range(NUM_HOPS):
        reachable = jnp.clip(reachable + cur, 0.0, 1.0)
        cur = jnp.matmul(cur, adj)
    attn_mask = jnp.zeros((nb, BLOCK, BLOCK + 1), dtype=x.dtype)
    attn_mask = attn_mask.at[:, :, :BLOCK].set(reachable)
    attn_mask = attn_mask.at[:, :, BLOCK].set(1.0)
    dx = positions[cols] - positions[rows]
    ef_flat = jnp.concatenate([dx, edge_values[:, None]], axis=1)
    edge_feats = jnp.zeros((nb, BLOCK, BLOCK + 1, 4), dtype=x.dtype).at[b_l, r_l, c_l, :].set(ef_flat, mode='drop')
    # bias_physics
    bias_physics = edge_feats
    bias_physics = bias_physics.at[:, :, BLOCK, :].set(0.0)
    bias_physics = bias_physics.at[:, :, BLOCK, 3].set(1.0)
    ar = jnp.arange(BLOCK)
    bias_physics = bias_physics.at[:, ar, ar, :].set(0.0)
    bias_physics = bias_physics.at[:, ar, ar, 3].set(1.0)
    # attention
    x_blk = x.reshape(Bb, nb, BLOCK, C)
    block_node = jnp.mean(x_blk, axis=2, keepdims=True)
    kv = jnp.concatenate([x_blk, block_node], axis=2)
    qkv_q = x_blk @ W_qkv + b_qkv
    qkv_kv = kv @ W_qkv + b_qkv
    q = qkv_q[..., :C].reshape(Bb, nb, BLOCK, HEADS, HEAD_DIM)
    k = qkv_kv[..., C:2 * C].reshape(Bb, nb, BLOCK + 1, HEADS, HEAD_DIM)
    v = qkv_kv[..., 2 * C:3 * C].reshape(Bb, nb, BLOCK + 1, HEADS, HEAD_DIM)
    scores = jnp.einsum('bnqhd,bnkhd->bnqkh', q, k) * SCALE
    scores = scores + bias_physics[None, :, :, :, 3:4]
    mask_e = attn_mask[None, :, :, :, None]
    scores = jnp.where(mask_e == 0, -jnp.inf, scores)
    attn_probs = jax.nn.softmax(scores, axis=3)
    lew = bias_physics @ W_gate + b_gate
    lew = jnp.where(mask_e == 0, 0.0, lew[None])
    combined = attn_probs + lew
    x_out = jnp.einsum('bnqkh,bnkhd->bnqhd', combined, v).reshape(Bb, nb, BLOCK, C)
    x_out = x_out @ W_proj + b_proj
    return x_out.reshape(Bb, N, C)

if __name__ == "__main__":
    import jax
    _d = setup_inputs()
    print(jax.jit(kernel)(*tuple(_d.values())))

</pallas_src>

<mosaic_0001>
module attributes {stable_mosaic.version = 14 : i64} {
  func.func @_attn_body(%arg0: i32, %arg1: i32, %arg2: memref<1x4x50x256xf32, #tpu.memory_space<vmem>>, %arg3: memref<4x56x64xf32, #tpu.memory_space<vmem>>, %arg4: memref<4x56x64xf32, #tpu.memory_space<vmem>>, %arg5: memref<4x56x64xf32, #tpu.memory_space<vmem>>, %arg6: memref<4x56x64xf32, #tpu.memory_space<vmem>>, %arg7: memref<4x56x64xf32, #tpu.memory_space<vmem>>, %arg8: memref<256x768xf32, #tpu.memory_space<vmem>>, %arg9: memref<1x768xf32, #tpu.memory_space<vmem>>, %arg10: memref<256x256xf32, #tpu.memory_space<vmem>>, %arg11: memref<1x256xf32, #tpu.memory_space<vmem>>, %arg12: memref<4x8xf32, #tpu.memory_space<smem>>, %arg13: memref<1x8xf32, #tpu.memory_space<smem>>, %arg14: memref<1x4x50x256xf32, #tpu.memory_space<vmem>>, %arg15: memref<256x256xf32, #tpu.memory_space<vmem>>, %arg16: memref<224x256xf32, #tpu.memory_space<vmem>>) attributes {dimension_semantics = [#tpu.dimension_semantics<arbitrary>, #tpu.dimension_semantics<arbitrary>], iteration_bounds = array<i64: 2, 50>, scalar_prefetch = 0 : i64, scratch_operands = 2 : i64, tpu.core_type = #tpu.core_type<tc>, window_params = [{transform_indices = @transform_0, window_bounds = array<i64: 1, 4, 50, 256>}, {transform_indices = @transform_1, window_bounds = array<i64: 4, 56, 64>}, {transform_indices = @transform_2, window_bounds = array<i64: 4, 56, 64>}, {transform_indices = @transform_3, window_bounds = array<i64: 4, 56, 64>}, {transform_indices = @transform_4, window_bounds = array<i64: 4, 56, 64>}, {transform_indices = @transform_5, window_bounds = array<i64: 4, 56, 64>}, {pipeline_mode = #tpu.pipeline_mode<synchronous>, transform_indices = @transform_6, window_bounds = array<i64: 256, 768>}, {pipeline_mode = #tpu.pipeline_mode<synchronous>, transform_indices = @transform_7, window_bounds = array<i64: 1, 768>}, {pipeline_mode = #tpu.pipeline_mode<synchronous>, transform_indices = @transform_8, window_bounds = array<i64: 256, 256>}, {pipeline_mode = #tpu.pipeline_mode<synchronous>, transform_indices = @transform_9, window_bounds = array<i64: 1, 256>}, {transform_indices = @transform_10, window_bounds = array<i64: 4, 8>}, {transform_indices = @transform_11, window_bounds = array<i64: 1, 8>}, {transform_indices = @transform_12, window_bounds = array<i64: 1, 4, 50, 256>}]} {
    %get3A = arith.constant 0 : index
    %get3A_0 = arith.constant 0 : index
    %get3A_1 = arith.constant 0 : index
    %get3A_2 = arith.constant 0 : index
    %get3A_3 = vector.load %arg2[%get3A, %get3A_0, %get3A_1, %get3A_2] : memref<1x4x50x256xf32, #tpu.memory_space<vmem>>, vector<1x4x50x256xf32>
    %get3A_4 = vector.shape_cast %get3A_3 : vector<1x4x50x256xf32> to vector<4x50x256xf32>
    %reduce_sum3A = arith.constant dense<0.000000e+00> : vector<4x256xf32>
    %reduce_sum3A_5 = vector.multi_reduction <add>, %get3A_4, %reduce_sum3A [1] : vector<4x50x256xf32> to vector<4x256xf32>
    %mul3A = arith.constant 2.000000e-02 : f32
    %mul3A_6 = vector.broadcast %mul3A : f32 to vector<4x256xf32>
    %mul3A_7 = arith.mulf %reduce_sum3A_5, %mul3A_6 : vector<4x256xf32>
    %broadcast_in_dim3A = arith.constant 0.000000e+00 : f32
    %broadcast_in_dim3A_8 = vector.broadcast %broadcast_in_dim3A : f32 to vector<13x256xf32>
    %slice3A = vector.extract_strided_slice %get3A_4 {offsets = [0, 0, 0], sizes = [1, 50, 256], strides = [1, 1, 1]} : vector<4x50x256xf32> to vector<1x50x256xf32>
    %squeeze3A = vector.shape_cast %slice3A : vector<1x50x256xf32> to vector<50x256xf32>
    %swap3A = arith.constant 0 : index
    %swap3A_9 = arith.constant 0 : index
    %swap3A_10 = vector.load %arg15[%swap3A, %swap3A_9] : memref<256x256xf32, #tpu.memory_space<vmem>>, vector<50x256xf32>
    tpu.vector_store %arg15[%swap3A, %swap3A_9], %squeeze3A {strides = array<i32>} : memref<256x256xf32, #tpu.memory_space<vmem>>, vector<50x256xf32>,
    %slice3A_11 = vector.extract_strided_slice %mul3A_7 {offsets = [0, 0], sizes = [1, 256], strides = [1, 1]} : vector<4x256xf32> to vector<1x256xf32>
    %swap3A_12 = arith.constant 50 : index
    %swap3A_13 = arith.constant 0 : index
    %swap3A_14 = vector.load %arg15[%swap3A_12, %swap3A_13] : memref<256x256xf32, #tpu.memory_space<vmem>>, vector<1x256xf32>
    tpu.vector_store %arg15[%swap3A_12, %swap3A_13], %slice3A_11 {strides = array<i32>} : memref<256x256xf32, #tpu.memory_space<vmem>>, vector<1x256xf32>,
    %swap3A_15 = arith.constant 51 : index
    %swap3A_16 = arith.constant 0 : index
    %swap3A_17 = vector.load %arg15[%swap3A_15, %swap3A_16] : memref<256x256xf32, #tpu.memory_space<vmem>>, vector<13x256xf32>
    tpu.vector_store %arg15[%swap3A_15, %swap3A_16], %broadcast_in_dim3A_8 {strides = array<i32>} : memref<256x256xf32, #tpu.memory_space<vmem>>, vector<13x256xf32>,
    %slice3A_18 = vector.extract_strided_slice %get3A_4 {offsets = [1, 0, 0], sizes = [1, 50, 256], strides = [1, 1, 1]} : vector<4x50x256xf32> to vector<1x50x256xf32>
    %squeeze3A_19 = vector.shape_cast %slice3A_18 : vector<1x50x256xf32> to vector<50x256xf32>
    %swap3A_20 = arith.constant 64 : index
    %swap3A_21 = arith.constant 0 : index
    %swap3A_22 = vector.load %arg15[%swap3A_20, %swap3A_21] : memref<256x256xf32, #tpu.memory_space<vmem>>, vector<50x256xf32>
    tpu.vector_store %arg15[%swap3A_20, %swap3A_21], %squeeze3A_19 {strides = array<i32>} : memref<256x256xf32, #tpu.memory_space<vmem>>, vector<50x256xf32>,
    %slice3A_23 = vector.extract_strided_slice %mul3A_7 {offsets = [1, 0], sizes = [1, 256], strides = [1, 1]} : vector<4x256xf32> to vector<1x256xf32>
    %swap3A_24 = arith.constant 114 : index
    %swap3A_25 = arith.constant 0 : index
    %swap3A_26 = vector.load %arg15[%swap3A_24, %swap3A_25] : memref<256x256xf32, #tpu.memory_space<vmem>>, vector<1x256xf32>
    tpu.vector_store %arg15[%swap3A_24, %swap3A_25], %slice3A_23 {strides = array<i32>} : memref<256x256xf32, #tpu.memory_space<vmem>>, vector<1x256xf32>,
    %swap3A_27 = arith.constant 115 : index
    %swap3A_28 = arith.constant 0 : index
    %swap3A_29 = vector.load %arg15[%swap3A_27, %swap3A_28] : memref<256x256xf32, #tpu.memory_space<vmem>>, vector<13x256xf32>
    tpu.vector_store %arg15[%swap3A_27, %swap3A_28], %broadcast_in_dim3A_8 {strides = array<i32>} : memref<256x256xf32, #tpu.memory_space<vmem>>, vector<13x256xf32>,
    %slice3A_30 = vector.extract_strided_slice %get3A_4 {offsets = [2, 0, 0], sizes = [1, 50, 256], strides = [1, 1, 1]} : vector<4x50x256xf32> to vector<1x50x256xf32>
    %squeeze3A_31 = vector.shape_cast %slice3A_30 : vector<1x50x256xf32> to vector<50x256xf32>
    %swap3A_32 = arith.constant 128 : index
    %swap3A_33 = arith.constant 0 : index
    %swap3A_34 = vector.load %arg15[%swap3A_32, %swap3A_33] : memref<256x256xf32, #tpu.memory_space<vmem>>, vector<50x256xf32>
    tpu.vector_store %arg15[%swap3A_32, %swap3A_33], %squeeze3A_31 {strides = array<i32>} : memref<256x256xf32, #tpu.memory_space<vmem>>, vector<50x256xf32>,
    %slice3A_35 = vector.extract_strided_slice %mul3A_7 {offsets = [2, 0], sizes = [1, 256], strides = [1, 1]} : vector<4x256xf32> to vector<1x256xf32>
    %swap3A_36 = arith.constant 178 : index
    %swap3A_37 = arith.constant 0 : index
    %swap3A_38 = vector.load %arg15[%swap3A_36, %swap3A_37] : memref<256x256xf32, #tpu.memory_space<vmem>>, vector<1x256xf32>
    tpu.vector_store %arg15[%swap3A_36, %swap3A_37], %slice3A_35 {strides = array<i32>} : memref<256x256xf32, #tpu.memory_space<vmem>>, vector<1x256xf32>,
    %swap3A_39 = arith.constant 179 : index
    %swap3A_40 = arith.constant 0 : index
    %swap3A_41 = vector.load %arg15[%swap3A_39, %swap3A_40] : memref<256x256xf32, #tpu.memory_space<vmem>>, vector<13x256xf32>
    tpu.vector_store %arg15[%swap3A_39, %swap3A_40], %broadcast_in_dim3A_8 {strides = array<i32>} : memref<256x256xf32, #tpu.memory_space<vmem>>, vector<13x256xf32>,
    %slice3A_42 = vector.extract_strided_slice %get3A_4 {offsets = [3, 0, 0], sizes = [1, 50, 256], strides = [1, 1, 1]} : vector<4x50x256xf32> to vector<1x50x256xf32>
    %squeeze3A_43 = vector.shape_cast %slice3A_42 : vector<1x50x256xf32> to vector<50x256xf32>
    %swap3A_44 = arith.constant 192 : index
    %swap3A_45 = arith.constant 0 : index
    %swap3A_46 = vector.load %arg15[%swap3A_44, %swap3A_45] : memref<256x256xf32, #tpu.memory_space<vmem>>, vector<50x256xf32>
    tpu.vector_store %arg15[%swap3A_44, %swap3A_45], %squeeze3A_43 {strides = array<i32>} : memref<256x256xf32, #tpu.memory_space<vmem>>, vector<50x256xf32>,
    %slice3A_47 = vector.extract_strided_slice %mul3A_7 {offsets = [3, 0], sizes = [1, 256], strides = [1, 1]} : vector<4x256xf32> to vector<1x256xf32>
    %swap3A_48 = arith.constant 242 : index
    %swap3A_49 = arith.constant 0 : index
    %swap3A_50 = vector.load %arg15[%swap3A_48, %swap3A_49] : memref<256x256xf32, #tpu.memory_space<vmem>>, vector<1x256xf32>
    tpu.vector_store %arg15[%swap3A_48, %swap3A_49], %slice3A_47 {strides = array<i32>} : memref<256x256xf32, #tpu.memory_space<vmem>>, vector<1x256xf32>,
    %swap3A_51 = arith.constant 243 : index
    %swap3A_52 = arith.constant 0 : index
    %swap3A_53 = vector.load %arg15[%swap3A_51, %swap3A_52] : memref<256x256xf32, #tpu.memory_space<vmem>>, vector<13x256xf32>
    tpu.vector_store %arg15[%swap3A_51, %swap3A_52], %broadcast_in_dim3A_8 {strides = array<i32>} : memref<256x256xf32, #tpu.memory_space<vmem>>, vector<13x256xf32>,
    %get3A_54 = arith.constant 0 : index
    %get3A_55 = arith.constant 0 : index
    %get3A_56 = vector.load %arg15[%get3A_54, %get3A_55] : memref<256x256xf32, #tpu.memory_space<vmem>>, vector<256x256xf32>
    %get3A_57 = arith.constant 0 : index
    %get3A_58 = arith.constant 0 : index
    %get3A_59 = vector.load %arg8[%get3A_57, %get3A_58] : memref<256x768xf32, #tpu.memory_space<vmem>>, vector<256x768xf32>
    %dot_general3A = arith.constant dense<0.000000e+00> : vector<256x768xf32>
    %dot_general3A_60 = tpu.matmul %get3A_56, %get3A_59, %dot_general3A {dimension_numbers = #tpu.dot_dimension_numbers<[1], [0], [0], [1], [0, 0, 1, 1], [], []>, transpose_lhs_hint = false} : vector<256x256xf32>, vector<256x768xf32>, vector<256x768xf32> -> vector<256x768xf32>
    %get3A_61 = arith.constant 0 : index
    %get3A_62 = arith.constant 0 : index
    %get3A_63 = vector.load %arg9[%get3A_61, %get3A_62] : memref<1x768xf32, #tpu.memory_space<vmem>>, vector<1x768xf32>
    %add3A = vector.broadcast %get3A_63 : vector<1x768xf32> to vector<256x768xf32>
    %add3A_64 = arith.addf %dot_general3A_60, %add3A : vector<256x768xf32>
    %iota3A = tpu.iota {dimensions = array<i32: 1>} : vector<56x64xi32>
    %iota3A_65 = tpu.iota {dimensions = array<i32: 0>} : vector<56x64xi32>
    %eq3A = arith.constant 50 : i32
    %eq3A_66 = vector.broadcast %eq3A : i32 to vector<56x64xi32>
    %eq3A_67 = arith.cmpi eq, %iota3A, %eq3A_66 : vector<56x64xi32>
    %eq3A_68 = arith.cmpi eq, %iota3A, %iota3A_65 : vector<56x64xi32>
    %or3A = arith.ori %eq3A_67, %eq3A_68 : vector<56x64xi1>
    %get3A_69 = arith.constant 0 : index
    %get3A_70 = arith.constant 0 : index
    %get3A_71 = arith.constant 0 : index
    %get3A_72 = vector.load %arg3[%get3A_69, %get3A_70, %get3A_71] : memref<4x56x64xf32, #tpu.memory_space<vmem>>, vector<1x56x64xf32>
    %get3A_73 = vector.shape_cast %get3A_72 : vector<1x56x64xf32> to vector<56x64xf32>
    %lt3A = arith.constant 51 : i32
    %lt3A_74 = vector.broadcast %lt3A : i32 to vector<56x64xi32>
    %lt3A_75 = arith.cmpi slt, %iota3A, %lt3A_74 : vector<56x64xi32>
    %ne3A = arith.constant 0.000000e+00 : f32
    %ne3A_76 = vector.broadcast %ne3A : f32 to vector<56x64xf32>
    %ne3A_77 = arith.cmpf one, %get3A_73, %ne3A_76 : vector<56x64xf32>
    %or3A_78 = arith.ori %or3A, %ne3A_77 : vector<56x64xi1>
    %and3A = arith.andi %lt3A_75, %or3A_78 : vector<56x64xi1>
    %get3A_79 = arith.constant 0 : index
    %get3A_80 = arith.constant 0 : index
    %get3A_81 = arith.constant 0 : index
    %get3A_82 = vector.load %arg7[%get3A_79, %get3A_80, %get3A_81] : memref<4x56x64xf32, #tpu.memory_space<vmem>>, vector<1x56x64xf32>
    %get3A_83 = vector.shape_cast %get3A_82 : vector<1x56x64xf32> to vector<56x64xf32>
    %jit3A = arith.constant 1.000000e+00 : f32
    %broadcast_in_dim3A_84 = vector.broadcast %jit3A : f32 to vector<56x64xf32>
    %select_n3A = arith.select %or3A, %broadcast_in_dim3A_84, %get3A_83 : vector<56x64xi1>, vector<56x64xf32>
    %get3A_85 = arith.constant 0 : index
    %get3A_86 = arith.constant 0 : index
    %get3A_87 = arith.constant 0 : index
    %get3A_88 = vector.load %arg4[%get3A_85, %get3A_86, %get3A_87] : memref<4x56x64xf32, #tpu.memory_space<vmem>>, vector<1x56x64xf32>
    %get3A_89 = vector.shape_cast %get3A_88 : vector<1x56x64xf32> to vector<56x64xf32>
    %jit3A_90 = arith.constant 0.000000e+00 : f32
    %broadcast_in_dim3A_91 = vector.broadcast %jit3A_90 : f32 to vector<56x64xf32>
    %select_n3A_92 = arith.select %or3A, %broadcast_in_dim3A_91, %get3A_89 : vector<56x64xi1>, vector<56x64xf32>
    %get3A_93 = arith.constant 0 : index
    %get3A_94 = arith.constant 0 : index
    %get3A_95 = arith.constant 0 : index
    %get3A_96 = vector.load %arg5[%get3A_93, %get3A_94, %get3A_95] : memref<4x56x64xf32, #tpu.memory_space<vmem>>, vector<1x56x64xf32>
    %get3A_97 = vector.shape_cast %get3A_96 : vector<1x56x64xf32> to vector<56x64xf32>
    %jit3A_98 = arith.constant 0.000000e+00 : f32
    %broadcast_in_dim3A_99 = vector.broadcast %jit3A_98 : f32 to vector<56x64xf32>
    %select_n3A_100 = arith.select %or3A, %broadcast_in_dim3A_99, %get3A_97 : vector<56x64xi1>, vector<56x64xf32>
    %get3A_101 = arith.constant 0 : index
    %get3A_102 = arith.constant 0 : index
    %get3A_103 = arith.constant 0 : index
    %get3A_104 = vector.load %arg6[%get3A_101, %get3A_102, %get3A_103] : memref<4x56x64xf32, #tpu.memory_space<vmem>>, vector<1x56x64xf32>
    %get3A_105 = vector.shape_cast %get3A_104 : vector<1x56x64xf32> to vector<56x64xf32>
    %jit3A_106 = arith.constant 0.000000e+00 : f32
    %broadcast_in_dim3A_107 = vector.broadcast %jit3A_106 : f32 to vector<56x64xf32>
    %select_n3A_108 = arith.select %or3A, %broadcast_in_dim3A_107, %get3A_105 : vector<56x64xi1>, vector<56x64xf32>
    %slice3A_109 = vector.extract_strided_slice %add3A_64 {offsets = [0, 0], sizes = [56, 256], strides = [1, 1]} : vector<256x768xf32> to vector<56x256xf32>
    %slice3A_110 = vector.extract_strided_slice %add3A_64 {offsets = [0, 256], sizes = [64, 256], strides = [1, 1]} : vector<256x768xf32> to vector<64x256xf32>
    %slice3A_111 = vector.extract_strided_slice %add3A_64 {offsets = [0, 512], sizes = [64, 256], strides = [1, 1]} : vector<256x768xf32> to vector<64x256xf32>
    %slice3A_112 = vector.extract_strided_slice %slice3A_109 {offsets = [0, 0], sizes = [56, 32], strides = [1, 1]} : vector<56x256xf32> to vector<56x32xf32>
    %slice3A_113 = vector.extract_strided_slice %slice3A_110 {offsets = [0, 0], sizes = [64, 32], strides = [1, 1]} : vector<64x256xf32> to vector<64x32xf32>
    %slice3A_114 = vector.extract_strided_slice %slice3A_111 {offsets = [0, 0], sizes = [64, 32], strides = [1, 1]} : vector<64x256xf32> to vector<64x32xf32>
    %dot_general3A_115 = arith.constant dense<0.000000e+00> : vector<56x64xf32>
    %dot_general3A_116 = tpu.matmul %slice3A_112, %slice3A_113, %dot_general3A_115 {dimension_numbers = #tpu.dot_dimension_numbers<[1], [1], [0], [0], [0, 0, 1, 0], [], []>, transpose_lhs_hint = false} : vector<56x32xf32>, vector<64x32xf32>, vector<56x64xf32> -> vector<56x64xf32>
    %mul3A_117 = arith.constant 0.176776692 : f32
    %mul3A_118 = vector.broadcast %mul3A_117 : f32 to vector<56x64xf32>
    %mul3A_119 = arith.mulf %dot_general3A_116, %mul3A_118 : vector<56x64xf32>
    %add3A_120 = arith.addf %mul3A_119, %select_n3A : vector<56x64xf32>
    %jit3A_121 = arith.constant -1.000000e+30 : f32
    %broadcast_in_dim3A_122 = vector.broadcast %jit3A_121 : f32 to vector<56x64xf32>
    %select_n3A_123 = arith.select %and3A, %add3A_120, %broadcast_in_dim3A_122 : vector<56x64xi1>, vector<56x64xf32>
    %reduce_max3A = arith.constant dense<0xFF800000> : vector<56xf32>
    %reduce_max3A_124 = vector.multi_reduction <maximumf>, %select_n3A_123, %reduce_max3A [1] : vector<56x64xf32> to vector<56xf32>
    %broadcast_in_dim3A_125 = vector.shape_cast %reduce_max3A_124 : vector<56xf32> to vector<56x1xf32>
    %sub3A = vector.broadcast %broadcast_in_dim3A_125 : vector<56x1xf32> to vector<56x64xf32>
    %sub3A_126 = arith.subf %select_n3A_123, %sub3A : vector<56x64xf32>
    %exp3A = math.exp %sub3A_126 : vector<56x64xf32>
    %reduce_sum3A_127 = arith.constant dense<0.000000e+00> : vector<56xf32>
    %reduce_sum3A_128 = vector.multi_reduction <add>, %exp3A, %reduce_sum3A_127 [1] : vector<56x64xf32> to vector<56xf32>
    %broadcast_in_dim3A_129 = vector.shape_cast %reduce_sum3A_128 : vector<56xf32> to vector<56x1xf32>
    %div3A = vector.broadcast %broadcast_in_dim3A_129 : vector<56x1xf32> to vector<56x64xf32>
    %div3A_130 = arith.divf %exp3A, %div3A : vector<56x64xf32>
    %get3A_131 = arith.constant 0 : index
    %get3A_132 = arith.constant 0 : index
    %get3A_133 = memref.load %arg12[%get3A_131, %get3A_132] : memref<4x8xf32, #tpu.memory_space<smem>>
    %mul3A_134 = vector.broadcast %get3A_133 : f32 to vector<56x64xf32>
    %mul3A_135 = arith.mulf %select_n3A_92, %mul3A_134 : vector<56x64xf32>
    %get3A_136 = arith.constant 1 : index
    %get3A_137 = arith.constant 0 : index
    %get3A_138 = memref.load %arg12[%get3A_136, %get3A_137] : memref<4x8xf32, #tpu.memory_space<smem>>
    %mul3A_139 = vector.broadcast %get3A_138 : f32 to vector<56x64xf32>
    %mul3A_140 = arith.mulf %select_n3A_100, %mul3A_139 : vector<56x64xf32>
    %add3A_141 = arith.addf %mul3A_135, %mul3A_140 : vector<56x64xf32>
    %get3A_142 = arith.constant 2 : index
    %get3A_143 = arith.constant 0 : index
    %get3A_144 = memref.load %arg12[%get3A_142, %get3A_143] : memref<4x8xf32, #tpu.memory_space<smem>>
    %mul3A_145 = vector.broadcast %get3A_144 : f32 to vector<56x64xf32>
    %mul3A_146 = arith.mulf %select_n3A_108, %mul3A_145 : vector<56x64xf32>
    %add3A_147 = arith.addf %add3A_141, %mul3A_146 : vector<56x64xf32>
    %get3A_148 = arith.constant 3 : index
    %get3A_149 = arith.constant 0 : index
    %get3A_150 = memref.load %arg12[%get3A_148, %get3A_149] : memref<4x8xf32, #tpu.memory_space<smem>>
    %mul3A_151 = vector.broadcast %get3A_150 : f32 to vector<56x64xf32>
    %mul3A_152 = arith.mulf %select_n3A, %mul3A_151 : vector<56x64xf32>
    %add3A_153 = arith.addf %add3A_147, %mul3A_152 : vector<56x64xf32>
    %get3A_154 = arith.constant 0 : index
    %get3A_155 = arith.constant 0 : index
    %get3A_156 = memref.load %arg13[%get3A_154, %get3A_155] : memref<1x8xf32, #tpu.memory_space<smem>>
    %add3A_157 = vector.broadcast %get3A_156 : f32 to vector<56x64xf32>
    %add3A_158 = arith.addf %add3A_153, %add3A_157 : vector<56x64xf32>
    %jit3A_159 = arith.constant 0.000000e+00 : f32
    %broadcast_in_dim3A_160 = vector.broadcast %jit3A_159 : f32 to vector<56x64xf32>
    %select_n3A_161 = arith.select %and3A, %add3A_158, %broadcast_in_dim3A_160 : vector<56x64xi1>, vector<56x64xf32>
    %add3A_162 = arith.addf %div3A_130, %select_n3A_161 : vector<56x64xf32>
    %dot_general3A_163 = arith.constant dense<0.000000e+00> : vector<56x32xf32>
    %dot_general3A_164 = tpu.matmul %add3A_162, %slice3A_114, %dot_general3A_163 {dimension_numbers = #tpu.dot_dimension_numbers<[1], [0], [0], [1], [0, 0, 1, 1], [], []>, transpose_lhs_hint = false} : vector<56x64xf32>, vector<64x32xf32>, vector<56x32xf32> -> vector<56x32xf32>
    %slice3A_165 = vector.extract_strided_slice %slice3A_109 {offsets = [0, 32], sizes = [56, 32], strides = [1, 1]} : vector<56x256xf32> to vector<56x32xf32>
    %slice3A_166 = vector.extract_strided_slice %slice3A_110 {offsets = [0, 32], sizes = [64, 32], strides = [1, 1]} : vector<64x256xf32> to vector<64x32xf32>
    %slice3A_167 = vector.extract_strided_slice %slice3A_111 {offsets = [0, 32], sizes = [64, 32], strides = [1, 1]} : vector<64x256xf32> to vector<64x32xf32>
    %dot_general3A_168 = arith.constant dense<0.000000e+00> : vector<56x64xf32>
    %dot_general3A_169 = tpu.matmul %slice3A_165, %slice3A_166, %dot_general3A_168 {dimension_numbers = #tpu.dot_dimension_numbers<[1], [1], [0], [0], [0, 0, 1, 0], [], []>, transpose_lhs_hint = false} : vector<56x32xf32>, vector<64x32xf32>, vector<56x64xf32> -> vector<56x64xf32>
    %mul3A_170 = arith.constant 0.176776692 : f32
    %mul3A_171 = vector.broadcast %mul3A_170 : f32 to vector<56x64xf32>
    %mul3A_172 = arith.mulf %dot_general3A_169, %mul3A_171 : vector<56x64xf32>
    %add3A_173 = arith.addf %mul3A_172, %select_n3A : vector<56x64xf32>
    %jit3A_174 = arith.constant -1.000000e+30 : f32
    %broadcast_in_dim3A_175 = vector.broadcast %jit3A_174 : f32 to vector<56x64xf32>
    %select_n3A_176 = arith.select %and3A, %add3A_173, %broadcast_in_dim3A_175 : vector<56x64xi1>, vector<56x64xf32>
    %reduce_max3A_177 = arith.constant dense<0xFF800000> : vector<56xf32>
    %reduce_max3A_178 = vector.multi_reduction <maximumf>, %select_n3A_176, %reduce_max3A_177 [1] : vector<56x64xf32> to vector<56xf32>
    %broadcast_in_dim3A_179 = vector.shape_cast %reduce_max3A_178 : vector<56xf32> to vector<56x1xf32>
    %sub3A_180 = vector.broadcast %broadcast_in_dim3A_179 : vector<56x1xf32> to vector<56x64xf32>
    %sub3A_181 = arith.subf %select_n3A_176, %sub3A_180 : vector<56x64xf32>
    %exp3A_182 = math.exp %sub3A_181 : vector<56x64xf32>
    %reduce_sum3A_183 = arith.constant dense<0.000000e+00> : vector<56xf32>
    %reduce_sum3A_184 = vector.multi_reduction <add>, %exp3A_182, %reduce_sum3A_183 [1] : vector<56x64xf32> to vector<56xf32>
    %broadcast_in_dim3A_185 = vector.shape_cast %reduce_sum3A_184 : vector<56xf32> to vector<56x1xf32>
    %div3A_186 = vector.broadcast %broadcast_in_dim3A_185 : vector<56x1xf32> to vector<56x64xf32>
    %div3A_187 = arith.divf %exp3A_182, %div3A_186 : vector<56x64xf32>
    %get3A_188 = arith.constant 0 : index
    %get3A_189 = arith.constant 1 : index
    %get3A_190 = memref.load %arg12[%get3A_188, %get3A_189] : memref<4x8xf32, #tpu.memory_space<smem>>
    %mul3A_191 = vector.broadcast %get3A_190 : f32 to vector<56x64xf32>
    %mul3A_192 = arith.mulf %select_n3A_92, %mul3A_191 : vector<56x64xf32>
    %get3A_193 = arith.constant 1 : index
    %get3A_194 = arith.constant 1 : index
    %get3A_195 = memref.load %arg12[%get3A_193, %get3A_194] : memref<4x8xf32, #tpu.memory_space<smem>>
    %mul3A_196 = vector.broadcast %get3A_195 : f32 to vector<56x64xf32>
    %mul3A_197 = arith.mulf %select_n3A_100, %mul3A_196 : vector<56x64xf32>
    %add3A_198 = arith.addf %mul3A_192, %mul3A_197 : vector<56x64xf32>
    %get3A_199 = arith.constant 2 : index
    %get3A_200 = arith.constant 1 : index
    %get3A_201 = memref.load %arg12[%get3A_199, %get3A_200] : memref<4x8xf32, #tpu.memory_space<smem>>
    %mul3A_202 = vector.broadcast %get3A_201 : f32 to vector<56x64xf32>
    %mul3A_203 = arith.mulf %select_n3A_108, %mul3A_202 : vector<56x64xf32>
    %add3A_204 = arith.addf %add3A_198, %mul3A_203 : vector<56x64xf32>
    %get3A_205 = arith.constant 3 : index
    %get3A_206 = arith.constant 1 : index
    %get3A_207 = memref.load %arg12[%get3A_205, %get3A_206] : memref<4x8xf32, #tpu.memory_space<smem>>
    %mul3A_208 = vector.broadcast %get3A_207 : f32 to vector<56x64xf32>
    %mul3A_209 = arith.mulf %select_n3A, %mul3A_208 : vector<56x64xf32>
    %add3A_210 = arith.addf %add3A_204, %mul3A_209 : vector<56x64xf32>
    %get3A_211 = arith.constant 0 : index
    %get3A_212 = arith.constant 1 : index
    %get3A_213 = memref.load %arg13[%get3A_211, %get3A_212] : memref<1x8xf32, #tpu.memory_space<smem>>
    %add3A_214 = vector.broadcast %get3A_213 : f32 to vector<56x64xf32>
    %add3A_215 = arith.addf %add3A_210, %add3A_214 : vector<56x64xf32>
    %jit3A_216 = arith.constant 0.000000e+00 : f32
    %broadcast_in_dim3A_217 = vector.broadcast %jit3A_216 : f32 to vector<56x64xf32>
    %select_n3A_218 = arith.select %and3A, %add3A_215, %broadcast_in_dim3A_217 : vector<56x64xi1>, vector<56x64xf32>
    %add3A_219 = arith.addf %div3A_187, %select_n3A_218 : vector<56x64xf32>
    %dot_general3A_220 = arith.constant dense<0.000000e+00> : vector<56x32xf32>
    %dot_general3A_221 = tpu.matmul %add3A_219, %slice3A_167, %dot_general3A_220 {dimension_numbers = #tpu.dot_dimension_numbers<[1], [0], [0], [1], [0, 0, 1, 1], [], []>, transpose_lhs_hint = false} : vector<56x64xf32>, vector<64x32xf32>, vector<56x32xf32> -> vector<56x32xf32>
    %slice3A_222 = vector.extract_strided_slice %slice3A_109 {offsets = [0, 64], sizes = [56, 32], strides = [1, 1]} : vector<56x256xf32> to vector<56x32xf32>
    %slice3A_223 = vector.extract_strided_slice %slice3A_110 {offsets = [0, 64], sizes = [64, 32], strides = [1, 1]} : vector<64x256xf32> to vector<64x32xf32>
    %slice3A_224 = vector.extract_strided_slice %slice3A_111 {offsets = [0, 64], sizes = [64, 32], strides = [1, 1]} : vector<64x256xf32> to vector<64x32xf32>
    %dot_general3A_225 = arith.constant dense<0.000000e+00> : vector<56x64xf32>
    %dot_general3A_226 = tpu.matmul %slice3A_222, %slice3A_223, %dot_general3A_225 {dimension_numbers = #tpu.dot_dimension_numbers<[1], [1], [0], [0], [0, 0, 1, 0], [], []>, transpose_lhs_hint = false} : vector<56x32xf32>, vector<64x32xf32>, vector<56x64xf32> -> vector<56x64xf32>
    %mul3A_227 = arith.constant 0.176776692 : f32
    %mul3A_228 = vector.broadcast %mul3A_227 : f32 to vector<56x64xf32>
    %mul3A_229 = arith.mulf %dot_general3A_226, %mul3A_228 : vector<56x64xf32>
    %add3A_230 = arith.addf %mul3A_229, %select_n3A : vector<56x64xf32>
    %jit3A_231 = arith.constant -1.000000e+30 : f32
    %broadcast_in_dim3A_232 = vector.broadcast %jit3A_231 : f32 to vector<56x64xf32>
    %select_n3A_233 = arith.select %and3A, %add3A_230, %broadcast_in_dim3A_232 : vector<56x64xi1>, vector<56x64xf32>
    %reduce_max3A_234 = arith.constant dense<0xFF800000> : vector<56xf32>
    %reduce_max3A_235 = vector.multi_reduction <maximumf>, %select_n3A_233, %reduce_max3A_234 [1] : vector<56x64xf32> to vector<56xf32>
    %broadcast_in_dim3A_236 = vector.shape_cast %reduce_max3A_235 : vector<56xf32> to vector<56x1xf32>
    %sub3A_237 = vector.broadcast %broadcast_in_dim3A_236 : vector<56x1xf32> to vector<56x64xf32>
    %sub3A_238 = arith.subf %select_n3A_233, %sub3A_237 : vector<56x64xf32>
    %exp3A_239 = math.exp %sub3A_238 : vector<56x64xf32>
    %reduce_sum3A_240 = arith.constant dense<0.000000e+00> : vector<56xf32>
    %reduce_sum3A_241 = vector.multi_reduction <add>, %exp3A_239, %reduce_sum3A_240 [1] : vector<56x64xf32> to vector<56xf32>
    %broadcast_in_dim3A_242 = vector.shape_cast %reduce_sum3A_241 : vector<56xf32> to vector<56x1xf32>
    %div3A_243 = vector.broadcast %broadcast_in_dim3A_242 : vector<56x1xf32> to vector<56x64xf32>
    %div3A_244 = arith.divf %exp3A_239, %div3A_243 : vector<56x64xf32>
    %get3A_245 = arith.constant 0 : index
    %get3A_246 = arith.constant 2 : index
    %get3A_247 = memref.load %arg12[%get3A_245, %get3A_246] : memref<4x8xf32, #tpu.memory_space<smem>>
    %mul3A_248 = vector.broadcast %get3A_247 : f32 to vector<56x64xf32>
    %mul3A_249 = arith.mulf %select_n3A_92, %mul3A_248 : vector<56x64xf32>
    %get3A_250 = arith.constant 1 : index
    %get3A_251 = arith.constant 2 : index
    %get3A_252 = memref.load %arg12[%get3A_250, %get3A_251] : memref<4x8xf32, #tpu.memory_space<smem>>
    %mul3A_253 = vector.broadcast %get3A_252 : f32 to vector<56x64xf32>
    %mul3A_254 = arith.mulf %select_n3A_100, %mul3A_253 : vector<56x64xf32>
    %add3A_255 = arith.addf %mul3A_249, %mul3A_254 : vector<56x64xf32>
    %get3A_256 = arith.constant 2 : index
    %get3A_257 = arith.constant 2 : index
    %get3A_258 = memref.load %arg12[%get3A_256, %get3A_257] : memref<4x8xf32, #tpu.memory_space<smem>>
    %mul3A_259 = vector.broadcast %get3A_258 : f32 to vector<56x64xf32>
    %mul3A_260 = arith.mulf %select_n3A_108, %mul3A_259 : vector<56x64xf32>
    %add3A_261 = arith.addf %add3A_255, %mul3A_260 : vector<56x64xf32>
    %get3A_262 = arith.constant 3 : index
    %get3A_263 = arith.constant 2 : index
    %get3A_264 = memref.load %arg12[%get3A_262, %get3A_263] : memref<4x8xf32, #tpu.memory_space<smem>>
    %mul3A_265 = vector.broadcast %get3A_264 : f32 to vector<56x64xf32>
    %mul3A_266 = arith.mulf %select_n3A, %mul3A_265 : vector<56x64xf32>
    %add3A_267 = arith.addf %add3A_261, %mul3A_266 : vector<56x64xf32>
    %get3A_268 = arith.constant 0 : index
    %get3A_269 = arith.constant 2 : index
    %get3A_270 = memref.load %arg13[%get3A_268, %get3A_269] : memref<1x8xf32, #tpu.memory_space<smem>>
    %add3A_271 = vector.broadcast %get3A_270 : f32 to vector<56x64xf32>
    %add3A_272 = arith.addf %add3A_267, %add3A_271 : vector<56x64xf32>
    %jit3A_273 = arith.constant 0.000000e+00 : f32
    %broadcast_in_dim3A_274 = vector.broadcast %jit3A_273 : f32 to vector<56x64xf32>
    %select_n3A_275 = arith.select %and3A, %add3A_272, %broadcast_in_dim3A_274 : vector<56x64xi1>, vector<56x64xf32>
    %add3A_276 = arith.addf %div3A_244, %select_n3A_275 : vector<56x64xf32>
    %dot_general3A_277 = arith.constant dense<0.000000e+00> : vector<56x32xf32>
    %dot_general3A_278 = tpu.matmul %add3A_276, %slice3A_224, %dot_general3A_277 {dimension_numbers = #tpu.dot_dimension_numbers<[1], [0], [0], [1], [0, 0, 1, 1], [], []>, transpose_lhs_hint = false} : vector<56x64xf32>, vector<64x32xf32>, vector<56x32xf32> -> vector<56x32xf32>
    %slice3A_279 = vector.extract_strided_slice %slice3A_109 {offsets = [0, 96], sizes = [56, 32], strides = [1, 1]} : vector<56x256xf32> to vector<56x32xf32>
    %slice3A_280 = vector.extract_strided_slice %slice3A_110 {offsets = [0, 96], sizes = [64, 32], strides = [1, 1]} : vector<64x256xf32> to vector<64x32xf32>
    %slice3A_281 = vector.extract_strided_slice %slice3A_111 {offsets = [0, 96], sizes = [64, 32], strides = [1, 1]} : vector<64x256xf32> to vector<64x32xf32>
    %dot_general3A_282 = arith.constant dense<0.000000e+00> : vector<56x64xf32>
    %dot_general3A_283 = tpu.matmul %slice3A_279, %slice3A_280, %dot_general3A_282 {dimension_numbers = #tpu.dot_dimension_numbers<[1], [1], [0], [0], [0, 0, 1, 0], [], []>, transpose_lhs_hint = false} : vector<56x32xf32>, vector<64x32xf32>, vector<56x64xf32> -> vector<56x64xf32>
    %mul3A_284 = arith.constant 0.176776692 : f32
    %mul3A_285 = vector.broadcast %mul3A_284 : f32 to vector<56x64xf32>
    %mul3A_286 = arith.mulf %dot_general3A_283, %mul3A_285 : vector<56x64xf32>
    %add3A_287 = arith.addf %mul3A_286, %select_n3A : vector<56x64xf32>
    %jit3A_288 = arith.constant -1.000000e+30 : f32
    %broadcast_in_dim3A_289 = vector.broadcast %jit3A_288 : f32 to vector<56x64xf32>
    %select_n3A_290 = arith.select %and3A, %add3A_287, %broadcast_in_dim3A_289 : vector<56x64xi1>, vector<56x64xf32>
    %reduce_max3A_291 = arith.constant dense<0xFF800000> : vector<56xf32>
    %reduce_max3A_292 = vector.multi_reduction <maximumf>, %select_n3A_290, %reduce_max3A_291 [1] : vector<56x64xf32> to vector<56xf32>
    %broadcast_in_dim3A_293 = vector.shape_cast %reduce_max3A_292 : vector<56xf32> to vector<56x1xf32>
    %sub3A_294 = vector.broadcast %broadcast_in_dim3A_293 : vector<56x1xf32> to vector<56x64xf32>
    %sub3A_295 = arith.subf %select_n3A_290, %sub3A_294 : vector<56x64xf32>
    %exp3A_296 = math.exp %sub3A_295 : vector<56x64xf32>
    %reduce_sum3A_297 = arith.constant dense<0.000000e+00> : vector<56xf32>
    %reduce_sum3A_298 = vector.multi_reduction <add>, %exp3A_296, %reduce_sum3A_297 [1] : vector<56x64xf32> to vector<56xf32>
    %broadcast_in_dim3A_299 = vector.shape_cast %reduce_sum3A_298 : vector<56xf32> to vector<56x1xf32>
    %div3A_300 = vector.broadcast %broadcast_in_dim3A_299 : vector<56x1xf32> to vector<56x64xf32>
    %div3A_301 = arith.divf %exp3A_296, %div3A_300 : vector<56x64xf32>
    %get3A_302 = arith.constant 0 : index
    %get3A_303 = arith.constant 3 : index
    %get3A_304 = memref.load %arg12[%get3A_302, %get3A_303] : memref<4x8xf32, #tpu.memory_space<smem>>
    %mul3A_305 = vector.broadcast %get3A_304 : f32 to vector<56x64xf32>
    %mul3A_306 = arith.mulf %select_n3A_92, %mul3A_305 : vector<56x64xf32>
    %get3A_307 = arith.constant 1 : index
    %get3A_308 = arith.constant 3 : index
    %get3A_309 = memref.load %arg12[%get3A_307, %get3A_308] : memref<4x8xf32, #tpu.memory_space<smem>>
    %mul3A_310 = vector.broadcast %get3A_309 : f32 to vector<56x64xf32>
    %mul3A_311 = arith.mulf %select_n3A_100, %mul3A_310 : vector<56x64xf32>
    %add3A_312 = arith.addf %mul3A_306, %mul3A_311 : vector<56x64xf32>
    %get3A_313 = arith.constant 2 : index
    %get3A_314 = arith.constant 3 : index
    %get3A_315 = memref.load %arg12[%get3A_313, %get3A_314] : memref<4x8xf32, #tpu.memory_space<smem>>
    %mul3A_316 = vector.broadcast %get3A_315 : f32 to vector<56x64xf32>
    %mul3A_317 = arith.mulf %select_n3A_108, %mul3A_316 : vector<56x64xf32>
    %add3A_318 = arith.addf %add3A_312, %mul3A_317 : vector<56x64xf32>
    %get3A_319 = arith.constant 3 : index
    %get3A_320 = arith.constant 3 : index
    %get3A_321 = memref.load %arg12[%get3A_319, %get3A_320] : memref<4x8xf32, #tpu.memory_space<smem>>
    %mul3A_322 = vector.broadcast %get3A_321 : f32 to vector<56x64xf32>
    %mul3A_323 = arith.mulf %select_n3A, %mul3A_322 : vector<56x64xf32>
    %add3A_324 = arith.addf %add3A_318, %mul3A_323 : vector<56x64xf32>
    %get3A_325 = arith.constant 0 : index
    %get3A_326 = arith.constant 3 : index
    %get3A_327 = memref.load %arg13[%get3A_325, %get3A_326] : memref<1x8xf32, #tpu.memory_space<smem>>
    %add3A_328 = vector.broadcast %get3A_327 : f32 to vector<56x64xf32>
    %add3A_329 = arith.addf %add3A_324, %add3A_328 : vector<56x64xf32>
    %jit3A_330 = arith.constant 0.000000e+00 : f32
    %broadcast_in_dim3A_331 = vector.broadcast %jit3A_330 : f32 to vector<56x64xf32>
    %select_n3A_332 = arith.select %and3A, %add3A_329, %broadcast_in_dim3A_331 : vector<56x64xi1>, vector<56x64xf32>
    %add3A_333 = arith.addf %div3A_301, %select_n3A_332 : vector<56x64xf32>
    %dot_general3A_334 = arith.constant dense<0.000000e+00> : vector<56x32xf32>
    %dot_general3A_335 = tpu.matmul %add3A_333, %slice3A_281, %dot_general3A_334 {dimension_numbers = #tpu.dot_dimension_numbers<[1], [0], [0], [1], [0, 0, 1, 1], [], []>, transpose_lhs_hint = false} : vector<56x64xf32>, vector<64x32xf32>, vector<56x32xf32> -> vector<56x32xf32>
    %slice3A_336 = vector.extract_strided_slice %slice3A_109 {offsets = [0, 128], sizes = [56, 32], strides = [1, 1]} : vector<56x256xf32> to vector<56x32xf32>
    %slice3A_337 = vector.extract_strided_slice %slice3A_110 {offsets = [0, 128], sizes = [64, 32], strides = [1, 1]} : vector<64x256xf32> to vector<64x32xf32>
    %slice3A_338 = vector.extract_strided_slice %slice3A_111 {offsets = [0, 128], sizes = [64, 32], strides = [1, 1]} : vector<64x256xf32> to vector<64x32xf32>
    %dot_general3A_339 = arith.constant dense<0.000000e+00> : vector<56x64xf32>
    %dot_general3A_340 = tpu.matmul %slice3A_336, %slice3A_337, %dot_general3A_339 {dimension_numbers = #tpu.dot_dimension_numbers<[1], [1], [0], [0], [0, 0, 1, 0], [], []>, transpose_lhs_hint = false} : vector<56x32xf32>, vector<64x32xf32>, vector<56x64xf32> -> vector<56x64xf32>
    %mul3A_341 = arith.constant 0.176776692 : f32
    %mul3A_342 = vector.broadcast %mul3A_341 : f32 to vector<56x64xf32>
    %mul3A_343 = arith.mulf %dot_general3A_340, %mul3A_342 : vector<56x64xf32>
    %add3A_344 = arith.addf %mul3A_343, %select_n3A : vector<56x64xf32>
    %jit3A_345 = arith.constant -1.000000e+30 : f32
    %broadcast_in_dim3A_346 = vector.broadcast %jit3A_345 : f32 to vector<56x64xf32>
    %select_n3A_347 = arith.select %and3A, %add3A_344, %broadcast_in_dim3A_346 : vector<56x64xi1>, vector<56x64xf32>
    %reduce_max3A_348 = arith.constant dense<0xFF800000> : vector<56xf32>
    %reduce_max3A_349 = vector.multi_reduction <maximumf>, %select_n3A_347, %reduce_max3A_348 [1] : vector<56x64xf32> to vector<56xf32>
    %broadcast_in_dim3A_350 = vector.shape_cast %reduce_max3A_349 : vector<56xf32> to vector<56x1xf32>
    %sub3A_351 = vector.broadcast %broadcast_in_dim3A_350 : vector<56x1xf32> to vector<56x64xf32>
    %sub3A_352 = arith.subf %select_n3A_347, %sub3A_351 : vector<56x64xf32>
    %exp3A_353 = math.exp %sub3A_352 : vector<56x64xf32>
    %reduce_sum3A_354 = arith.constant dense<0.000000e+00> : vector<56xf32>
    %reduce_sum3A_355 = vector.multi_reduction <add>, %exp3A_353, %reduce_sum3A_354 [1] : vector<56x64xf32> to vector<56xf32>
    %broadcast_in_dim3A_356 = vector.shape_cast %reduce_sum3A_355 : vector<56xf32> to vector<56x1xf32>
    %div3A_357 = vector.broadcast %broadcast_in_dim3A_356 : vector<56x1xf32> to vector<56x64xf32>
    %div3A_358 = arith.divf %exp3A_353, %div3A_357 : vector<56x64xf32>
    %get3A_359 = arith.constant 0 : index
    %get3A_360 = arith.constant 4 : index
    %get3A_361 = memref.load %arg12[%get3A_359, %get3A_360] : memref<4x8xf32, #tpu.memory_space<smem>>
    %mul3A_362 = vector.broadcast %get3A_361 : f32 to vector<56x64xf32>
    %mul3A_363 = arith.mulf %select_n3A_92, %mul3A_362 : vector<56x64xf32>
    %get3A_364 = arith.constant 1 : index
    %get3A_365 = arith.constant 4 : index
    %get3A_366 = memref.load %arg12[%get3A_364, %get3A_365] : memref<4x8xf32, #tpu.memory_space<smem>>
    %mul3A_367 = vector.broadcast %get3A_366 : f32 to vector<56x64xf32>
    %mul3A_368 = arith.mulf %select_n3A_100, %mul3A_367 : vector<56x64xf32>
    %add3A_369 = arith.addf %mul3A_363, %mul3A_368 : vector<56x64xf32>
    %get3A_370 = arith.constant 2 : index
    %get3A_371 = arith.constant 4 : index
    %get3A_372 = memref.load %arg12[%get3A_370, %get3A_371] : memref<4x8xf32, #tpu.memory_space<smem>>
    %mul3A_373 = vector.broadcast %get3A_372 : f32 to vector<56x64xf32>
    %mul3A_374 = arith.mulf %select_n3A_108, %mul3A_373 : vector<56x64xf32>
    %add3A_375 = arith.addf %add3A_369, %mul3A_374 : vector<56x64xf32>
    %get3A_376 = arith.constant 3 : index
    %get3A_377 = arith.constant 4 : index
    %get3A_378 = memref.load %arg12[%get3A_376, %get3A_377] : memref<4x8xf32, #tpu.memory_space<smem>>
    %mul3A_379 = vector.broadcast %get3A_378 : f32 to vector<56x64xf32>
    %mul3A_380 = arith.mulf %select_n3A, %mul3A_379 : vector<56x64xf32>
    %add3A_381 = arith.addf %add3A_375, %mul3A_380 : vector<56x64xf32>
    %get3A_382 = arith.constant 0 : index
    %get3A_383 = arith.constant 4 : index
    %get3A_384 = memref.load %arg13[%get3A_382, %get3A_383] : memref<1x8xf32, #tpu.memory_space<smem>>
    %add3A_385 = vector.broadcast %get3A_384 : f32 to vector<56x64xf32>
    %add3A_386 = arith.addf %add3A_381, %add3A_385 : vector<56x64xf32>
    %jit3A_387 = arith.constant 0.000000e+00 : f32
    %broadcast_in_dim3A_388 = vector.broadcast %jit3A_387 : f32 to vector<56x64xf32>
    %select_n3A_389 = arith.select %and3A, %add3A_386, %broadcast_in_dim3A_388 : vector<56x64xi1>, vector<56x64xf32>
    %add3A_390 = arith.addf %div3A_358, %select_n3A_389 : vector<56x64xf32>
    %dot_general3A_391 = arith.constant dense<0.000000e+00> : vector<56x32xf32>
    %dot_general3A_392 = tpu.matmul %add3A_390, %slice3A_338, %dot_general3A_391 {dimension_numbers = #tpu.dot_dimension_numbers<[1], [0], [0], [1], [0, 0, 1, 1], [], []>, transpose_lhs_hint = false} : vector<56x64xf32>, vector<64x32xf32>, vector<56x32xf32> -> vector<56x32xf32>
    %slice3A_393 = vector.extract_strided_slice %slice3A_109 {offsets = [0, 160], sizes = [56, 32], strides = [1, 1]} : vector<56x256xf32> to vector<56x32xf32>
    %slice3A_394 = vector.extract_strided_slice %slice3A_110 {offsets = [0, 160], sizes = [64, 32], strides = [1, 1]} : vector<64x256xf32> to vector<64x32xf32>
    %slice3A_395 = vector.extract_strided_slice %slice3A_111 {offsets = [0, 160], sizes = [64, 32], strides = [1, 1]} : vector<64x256xf32> to vector<64x32xf32>
    %dot_general3A_396 = arith.constant dense<0.000000e+00> : vector<56x64xf32>
    %dot_general3A_397 = tpu.matmul %slice3A_393, %slice3A_394, %dot_general3A_396 {dimension_numbers = #tpu.dot_dimension_numbers<[1], [1], [0], [0], [0, 0, 1, 0], [], []>, transpose_lhs_hint = false} : vector<56x32xf32>, vector<64x32xf32>, vector<56x64xf32> -> vector<56x64xf32>
    %mul3A_398 = arith.constant 0.176776692 : f32
    %mul3A_399 = vector.broadcast %mul3A_398 : f32 to vector<56x64xf32>
    %mul3A_400 = arith.mulf %dot_general3A_397, %mul3A_399 : vector<56x64xf32>
    %add3A_401 = arith.addf %mul3A_400, %select_n3A : vector<56x64xf32>
    %jit3A_402 = arith.constant -1.000000e+30 : f32
    %broadcast_in_dim3A_403 = vector.broadcast %jit3A_402 : f32 to vector<56x64xf32>
    %select_n3A_404 = arith.select %and3A, %add3A_401, %broadcast_in_dim3A_403 : vector<56x64xi1>, vector<56x64xf32>
    %reduce_max3A_405 = arith.constant dense<0xFF800000> : vector<56xf32>
    %reduce_max3A_406 = vector.multi_reduction <maximumf>, %select_n3A_404, %reduce_max3A_405 [1] : vector<56x64xf32> to vector<56xf32>
    %broadcast_in_dim3A_407 = vector.shape_cast %reduce_max3A_406 : vector<56xf32> to vector<56x1xf32>
    %sub3A_408 = vector.broadcast %broadcast_in_dim3A_407 : vector<56x1xf32> to vector<56x64xf32>
    %sub3A_409 = arith.subf %select_n3A_404, %sub3A_408 : vector<56x64xf32>
    %exp3A_410 = math.exp %sub3A_409 : vector<56x64xf32>
    %reduce_sum3A_411 = arith.constant dense<0.000000e+00> : vector<56xf32>
    %reduce_sum3A_412 = vector.multi_reduction <add>, %exp3A_410, %reduce_sum3A_411 [1] : vector<56x64xf32> to vector<56xf32>
    %broadcast_in_dim3A_413 = vector.shape_cast %reduce_sum3A_412 : vector<56xf32> to vector<56x1xf32>
    %div3A_414 = vector.broadcast %broadcast_in_dim3A_413 : vector<56x1xf32> to vector<56x64xf32>
    %div3A_415 = arith.divf %exp3A_410, %div3A_414 : vector<56x64xf32>
    %get3A_416 = arith.constant 0 : index
    %get3A_417 = arith.constant 5 : index
    %get3A_418 = memref.load %arg12[%get3A_416, %get3A_417] : memref<4x8xf32, #tpu.memory_space<smem>>
    %mul3A_419 = vector.broadcast %get3A_418 : f32 to vector<56x64xf32>
    %mul3A_420 = arith.mulf %select_n3A_92, %mul3A_419 : vector<56x64xf32>
    %get3A_421 = arith.constant 1 : index
    %get3A_422 = arith.constant 5 : index
    %get3A_423 = memref.load %arg12[%get3A_421, %get3A_422] : memref<4x8xf32, #tpu.memory_space<smem>>
    %mul3A_424 = vector.broadcast %get3A_423 : f32 to vector<56x64xf32>
    %mul3A_425 = arith.mulf %select_n3A_100, %mul3A_424 : vector<56x64xf32>
    %add3A_426 = arith.addf %mul3A_420, %mul3A_425 : vector<56x64xf32>
    %get3A_427 = arith.constant 2 : index
    %get3A_428 = arith.constant 5 : index
    %get3A_429 = memref.load %arg12[%get3A_427, %get3A_428] : memref<4x8xf32, #tpu.memory_space<smem>>
    %mul3A_430 = vector.broadcast %get3A_429 : f32 to vector<56x64xf32>
    %mul3A_431 = arith.mulf %select_n3A_108, %mul3A_430 : vector<56x64xf32>
    %add3A_432 = arith.addf %add3A_426, %mul3A_431 : vector<56x64xf32>
    %get3A_433 = arith.constant 3 : index
    %get3A_434 = arith.constant 5 : index
    %get3A_435 = memref.load %arg12[%get3A_433, %get3A_434] : memref<4x8xf32, #tpu.memory_space<smem>>
    %mul3A_436 = vector.broadcast %get3A_435 : f32 to vector<56x64xf32>
    %mul3A_437 = arith.mulf %select_n3A, %mul3A_436 : vector<56x64xf32>
    %add3A_438 = arith.addf %add3A_432, %mul3A_437 : vector<56x64xf32>
    %get3A_439 = arith.constant 0 : index
    %get3A_440 = arith.constant 5 : index
    %get3A_441 = memref.load %arg13[%get3A_439, %get3A_440] : memref<1x8xf32, #tpu.memory_space<smem>>
    %add3A_442 = vector.broadcast %get3A_441 : f32 to vector<56x64xf32>
    %add3A_443 = arith.addf %add3A_438, %add3A_442 : vector<56x64xf32>
    %jit3A_444 = arith.constant 0.000000e+00 : f32
    %broadcast_in_dim3A_445 = vector.broadcast %jit3A_444 : f32 to vector<56x64xf32>
    %select_n3A_446 = arith.select %and3A, %add3A_443, %broadcast_in_dim3A_445 : vector<56x64xi1>, vector<56x64xf32>
    %add3A_447 = arith.addf %div3A_415, %select_n3A_446 : vector<56x64xf32>
    %dot_general3A_448 = arith.constant dense<0.000000e+00> : vector<56x32xf32>
    %dot_general3A_449 = tpu.matmul %add3A_447, %slice3A_395, %dot_general3A_448 {dimension_numbers = #tpu.dot_dimension_numbers<[1], [0], [0], [1], [0, 0, 1, 1], [], []>, transpose_lhs_hint = false} : vector<56x64xf32>, vector<64x32xf32>, vector<56x32xf32> -> vector<56x32xf32>
    %slice3A_450 = vector.extract_strided_slice %slice3A_109 {offsets = [0, 192], sizes = [56, 32], strides = [1, 1]} : vector<56x256xf32> to vector<56x32xf32>
    %slice3A_451 = vector.extract_strided_slice %slice3A_110 {offsets = [0, 192], sizes = [64, 32], strides = [1, 1]} : vector<64x256xf32> to vector<64x32xf32>
    %slice3A_452 = vector.extract_strided_slice %slice3A_111 {offsets = [0, 192], sizes = [64, 32], strides = [1, 1]} : vector<64x256xf32> to vector<64x32xf32>
    %dot_general3A_453 = arith.constant dense<0.000000e+00> : vector<56x64xf32>
    %dot_general3A_454 = tpu.matmul %slice3A_450, %slice3A_451, %dot_general3A_453 {dimension_numbers = #tpu.dot_dimension_numbers<[1], [1], [0], [0], [0, 0, 1, 0], [], []>, transpose_lhs_hint = false} : vector<56x32xf32>, vector<64x32xf32>, vector<56x64xf32> -> vector<56x64xf32>
    %mul3A_455 = arith.constant 0.176776692 : f32
    %mul3A_456 = vector.broadcast %mul3A_455 : f32 to vector<56x64xf32>
    %mul3A_457 = arith.mulf %dot_general3A_454, %mul3A_456 : vector<56x64xf32>
    %add3A_458 = arith.addf %mul3A_457, %select_n3A : vector<56x64xf32>
    %jit3A_459 = arith.constant -1.000000e+30 : f32
    %broadcast_in_dim3A_460 = vector.broadcast %jit3A_459 : f32 to vector<56x64xf32>
    %select_n3A_461 = arith.select %and3A, %add3A_458, %broadcast_in_dim3A_460 : vector<56x64xi1>, vector<56x64xf32>
    %reduce_max3A_462 = arith.constant dense<0xFF800000> : vector<56xf32>
    %reduce_max3A_463 = vector.multi_reduction <maximumf>, %select_n3A_461, %reduce_max3A_462 [1] : vector<56x64xf32> to vector<56xf32>
    %broadcast_in_dim3A_464 = vector.shape_cast %reduce_max3A_463 : vector<56xf32> to vector<56x1xf32>
    %sub3A_465 = vector.broadcast %broadcast_in_dim3A_464 : vector<56x1xf32> to vector<56x64xf32>
    %sub3A_466 = arith.subf %select_n3A_461, %sub3A_465 : vector<56x64xf32>
    %exp3A_467 = math.exp %sub3A_466 : vector<56x64xf32>
    %reduce_sum3A_468 = arith.constant dense<0.000000e+00> : vector<56xf32>
    %reduce_sum3A_469 = vector.multi_reduction <add>, %exp3A_467, %reduce_sum3A_468 [1] : vector<56x64xf32> to vector<56xf32>
    %broadcast_in_dim3A_470 = vector.shape_cast %reduce_sum3A_469 : vector<56xf32> to vector<56x1xf32>
    %div3A_471 = vector.broadcast %broadcast_in_dim3A_470 : vector<56x1xf32> to vector<56x64xf32>
    %div3A_472 = arith.divf %exp3A_467, %div3A_471 : vector<56x64xf32>
    %get3A_473 = arith.constant 0 : index
    %get3A_474 = arith.constant 6 : index
    %get3A_475 = memref.load %arg12[%get3A_473, %get3A_474] : memref<4x8xf32, #tpu.memory_space<smem>>
    %mul3A_476 = vector.broadcast %get3A_475 : f32 to vector<56x64xf32>
    %mul3A_477 = arith.mulf %select_n3A_92, %mul3A_476 : vector<56x64xf32>
    %get3A_478 = arith.constant 1 : index
    %get3A_479 = arith.constant 6 : index
    %get3A_480 = memref.load %arg12[%get3A_478, %get3A_479] : memref<4x8xf32, #tpu.memory_space<smem>>
    %mul3A_481 = vector.broadcast %get3A_480 : f32 to vector<56x64xf32>
    %mul3A_482 = arith.mulf %select_n3A_100, %mul3A_481 : vector<56x64xf32>
    %add3A_483 = arith.addf %mul3A_477, %mul3A_482 : vector<56x64xf32>
    %get3A_484 = arith.constant 2 : index
    %get3A_485 = arith.constant 6 : index
    %get3A_486 = memref.load %arg12[%get3A_484, %get3A_485] : memref<4x8xf32, #tpu.memory_space<smem>>
    %mul3A_487 = vector.broadcast %get3A_486 : f32 to vector<56x64xf32>
    %mul3A_488 = arith.mulf %select_n3A_108, %mul3A_487 : vector<56x64xf32>
    %add3A_489 = arith.addf %add3A_483, %mul3A_488 : vector<56x64xf32>
    %get3A_490 = arith.constant 3 : index
    %get3A_491 = arith.constant 6 : index
    %get3A_492 = memref.load %arg12[%get3A_490, %get3A_491] : memref<4x8xf32, #tpu.memory_space<smem>>
    %mul3A_493 = vector.broadcast %get3A_492 : f32 to vector<56x64xf32>
    %mul3A_494 = arith.mulf %select_n3A, %mul3A_493 : vector<56x64xf32>
    %add3A_495 = arith.addf %add3A_489, %mul3A_494 : vector<56x64xf32>
    %get3A_496 = arith.constant 0 : index
    %get3A_497 = arith.constant 6 : index
    %get3A_498 = memref.load %arg13[%get3A_496, %get3A_497] : memref<1x8xf32, #tpu.memory_space<smem>>
    %add3A_499 = vector.broadcast %get3A_498 : f32 to vector<56x64xf32>
    %add3A_500 = arith.addf %add3A_495, %add3A_499 : vector<56x64xf32>
    %jit3A_501 = arith.constant 0.000000e+00 : f32
    %broadcast_in_dim3A_502 = vector.broadcast %jit3A_501 : f32 to vector<56x64xf32>
    %select_n3A_503 = arith.select %and3A, %add3A_500, %broadcast_in_dim3A_502 : vector<56x64xi1>, vector<56x64xf32>
    %add3A_504 = arith.addf %div3A_472, %select_n3A_503 : vector<56x64xf32>
    %dot_general3A_505 = arith.constant dense<0.000000e+00> : vector<56x32xf32>
    %dot_general3A_506 = tpu.matmul %add3A_504, %slice3A_452, %dot_general3A_505 {dimension_numbers = #tpu.dot_dimension_numbers<[1], [0], [0], [1], [0, 0, 1, 1], [], []>, transpose_lhs_hint = false} : vector<56x64xf32>, vector<64x32xf32>, vector<56x32xf32> -> vector<56x32xf32>
    %slice3A_507 = vector.extract_strided_slice %slice3A_109 {offsets = [0, 224], sizes = [56, 32], strides = [1, 1]} : vector<56x256xf32> to vector<56x32xf32>
    %slice3A_508 = vector.extract_strided_slice %slice3A_110 {offsets = [0, 224], sizes = [64, 32], strides = [1, 1]} : vector<64x256xf32> to vector<64x32xf32>
    %slice3A_509 = vector.extract_strided_slice %slice3A_111 {offsets = [0, 224], sizes = [64, 32], strides = [1, 1]} : vector<64x256xf32> to vector<64x32xf32>
    %dot_general3A_510 = arith.constant dense<0.000000e+00> : vector<56x64xf32>
    %dot_general3A_511 = tpu.matmul %slice3A_507, %slice3A_508, %dot_general3A_510 {dimension_numbers = #tpu.dot_dimension_numbers<[1], [1], [0], [0], [0, 0, 1, 0], [], []>, transpose_lhs_hint = false} : vector<56x32xf32>, vector<64x32xf32>, vector<56x64xf32> -> vector<56x64xf32>
    %mul3A_512 = arith.constant 0.176776692 : f32
    %mul3A_513 = vector.broadcast %mul3A_512 : f32 to vector<56x64xf32>
    %mul3A_514 = arith.mulf %dot_general3A_511, %mul3A_513 : vector<56x64xf32>
    %add3A_515 = arith.addf %mul3A_514, %select_n3A : vector<56x64xf32>
    %jit3A_516 = arith.constant -1.000000e+30 : f32
    %broadcast_in_dim3A_517 = vector.broadcast %jit3A_516 : f32 to vector<56x64xf32>
    %select_n3A_518 = arith.select %and3A, %add3A_515, %broadcast_in_dim3A_517 : vector<56x64xi1>, vector<56x64xf32>
    %reduce_max3A_519 = arith.constant dense<0xFF800000> : vector<56xf32>
    %reduce_max3A_520 = vector.multi_reduction <maximumf>, %select_n3A_518, %reduce_max3A_519 [1] : vector<56x64xf32> to vector<56xf32>
    %broadcast_in_dim3A_521 = vector.shape_cast %reduce_max3A_520 : vector<56xf32> to vector<56x1xf32>
    %sub3A_522 = vector.broadcast %broadcast_in_dim3A_521 : vector<56x1xf32> to vector<56x64xf32>
    %sub3A_523 = arith.subf %select_n3A_518, %sub3A_522 : vector<56x64xf32>
    %exp3A_524 = math.exp %sub3A_523 : vector<56x64xf32>
    %reduce_sum3A_525 = arith.constant dense<0.000000e+00> : vector<56xf32>
    %reduce_sum3A_526 = vector.multi_reduction <add>, %exp3A_524, %reduce_sum3A_525 [1] : vector<56x64xf32> to vector<56xf32>
    %broadcast_in_dim3A_527 = vector.shape_cast %reduce_sum3A_526 : vector<56xf32> to vector<56x1xf32>
    %div3A_528 = vector.broadcast %broadcast_in_dim3A_527 : vector<56x1xf32> to vector<56x64xf32>
    %div3A_529 = arith.divf %exp3A_524, %div3A_528 : vector<56x64xf32>
    %get3A_530 = arith.constant 0 : index
    %get3A_531 = arith.constant 7 : index
    %get3A_532 = memref.load %arg12[%get3A_530, %get3A_531] : memref<4x8xf32, #tpu.memory_space<smem>>
    %mul3A_533 = vector.broadcast %get3A_532 : f32 to vector<56x64xf32>
    %mul3A_534 = arith.mulf %select_n3A_92, %mul3A_533 : vector<56x64xf32>
    %get3A_535 = arith.constant 1 : index
    %get3A_536 = arith.constant 7 : index
    %get3A_537 = memref.load %arg12[%get3A_535, %get3A_536] : memref<4x8xf32, #tpu.memory_space<smem>>
    %mul3A_538 = vector.broadcast %get3A_537 : f32 to vector<56x64xf32>
    %mul3A_539 = arith.mulf %select_n3A_100, %mul3A_538 : vector<56x64xf32>
    %add3A_540 = arith.addf %mul3A_534, %mul3A_539 : vector<56x64xf32>
    %get3A_541 = arith.constant 2 : index
    %get3A_542 = arith.constant 7 : index
    %get3A_543 = memref.load %arg12[%get3A_541, %get3A_542] : memref<4x8xf32, #tpu.memory_space<smem>>
    %mul3A_544 = vector.broadcast %get3A_543 : f32 to vector<56x64xf32>
    %mul3A_545 = arith.mulf %select_n3A_108, %mul3A_544 : vector<56x64xf32>
    %add3A_546 = arith.addf %add3A_540, %mul3A_545 : vector<56x64xf32>
    %get3A_547 = arith.constant 3 : index
    %get3A_548 = arith.constant 7 : index
    %get3A_549 = memref.load %arg12[%get3A_547, %get3A_548] : memref<4x8xf32, #tpu.memory_space<smem>>
    %mul3A_550 = vector.broadcast %get3A_549 : f32 to vector<56x64xf32>
    %mul3A_551 = arith.mulf %select_n3A, %mul3A_550 : vector<56x64xf32>
    %add3A_552 = arith.addf %add3A_546, %mul3A_551 : vector<56x64xf32>
    %get3A_553 = arith.constant 0 : index
    %get3A_554 = arith.constant 7 : index
    %get3A_555 = memref.load %arg13[%get3A_553, %get3A_554] : memref<1x8xf32, #tpu.memory_space<smem>>
    %add3A_556 = vector.broadcast %get3A_555 : f32 to vector<56x64xf32>
    %add3A_557 = arith.addf %add3A_552, %add3A_556 : vector<56x64xf32>
    %jit3A_558 = arith.constant 0.000000e+00 : f32
    %broadcast_in_dim3A_559 = vector.broadcast %jit3A_558 : f32 to vector<56x64xf32>
    %select_n3A_560 = arith.select %and3A, %add3A_557, %broadcast_in_dim3A_559 : vector<56x64xi1>, vector<56x64xf32>
    %add3A_561 = arith.addf %div3A_529, %select_n3A_560 : vector<56x64xf32>
    %dot_general3A_562 = arith.constant dense<0.000000e+00> : vector<56x32xf32>
    %dot_general3A_563 = tpu.matmul %add3A_561, %slice3A_509, %dot_general3A_562 {dimension_numbers = #tpu.dot_dimension_numbers<[1], [0], [0], [1], [0, 0, 1, 1], [], []>, transpose_lhs_hint = false} : vector<56x64xf32>, vector<64x32xf32>, vector<56x32xf32> -> vector<56x32xf32>
    %concatenate3A = tpu.concatenate %dot_general3A_164, %dot_general3A_221, %dot_general3A_278, %dot_general3A_335, %dot_general3A_392, %dot_general3A_449, %dot_general3A_506, %dot_general3A_563 in 1 : vector<56x32xf32>, vector<56x32xf32>, vector<56x32xf32>, vector<56x32xf32>, vector<56x32xf32>, vector<56x32xf32>, vector<56x32xf32>, vector<56x32xf32> -> vector<56x256xf32>
    %swap3A_564 = arith.constant 0 : index
    %swap3A_565 = arith.constant 0 : index
    %swap3A_566 = vector.load %arg16[%swap3A_564, %swap3A_565] : memref<224x256xf32, #tpu.memory_space<vmem>>, vector<56x256xf32>
    tpu.vector_store %arg16[%swap3A_564, %swap3A_565], %concatenate3A {strides = array<i32>} : memref<224x256xf32, #tpu.memory_space<vmem>>, vector<56x256xf32>,
    %get3A_567 = arith.constant 1 : index
    %get3A_568 = arith.constant 0 : index
    %get3A_569 = arith.constant 0 : index
    %get3A_570 = vector.load %arg3[%get3A_567, %get3A_568, %get3A_569] : memref<4x56x64xf32, #tpu.memory_space<vmem>>, vector<1x56x64xf32>
    %get3A_571 = vector.shape_cast %get3A_570 : vector<1x56x64xf32> to vector<56x64xf32>
    %lt3A_572 = arith.constant 51 : i32
    %lt3A_573 = vector.broadcast %lt3A_572 : i32 to vector<56x64xi32>
    %lt3A_574 = arith.cmpi slt, %iota3A, %lt3A_573 : vector<56x64xi32>
    %ne3A_575 = arith.constant 0.000000e+00 : f32
    %ne3A_576 = vector.broadcast %ne3A_575 : f32 to vector<56x64xf32>
    %ne3A_577 = arith.cmpf one, %get3A_571, %ne3A_576 : vector<56x64xf32>
    %or3A_578 = arith.ori %or3A, %ne3A_577 : vector<56x64xi1>
    %and3A_579 = arith.andi %lt3A_574, %or3A_578 : vector<56x64xi1>
    %get3A_580 = arith.constant 1 : index
    %get3A_581 = arith.constant 0 : index
    %get3A_582 = arith.constant 0 : index
    %get3A_583 = vector.load %arg7[%get3A_580, %get3A_581, %get3A_582] : memref<4x56x64xf32, #tpu.memory_space<vmem>>, vector<1x56x64xf32>
    %get3A_584 = vector.shape_cast %get3A_583 : vector<1x56x64xf32> to vector<56x64xf32>
    %jit3A_585 = arith.constant 1.000000e+00 : f32
    %broadcast_in_dim3A_586 = vector.broadcast %jit3A_585 : f32 to vector<56x64xf32>
    %select_n3A_587 = arith.select %or3A, %broadcast_in_dim3A_586, %get3A_584 : vector<56x64xi1>, vector<56x64xf32>
    %get3A_588 = arith.constant 1 : index
    %get3A_589 = arith.constant 0 : index
    %get3A_590 = arith.constant 0 : index
    %get3A_591 = vector.load %arg4[%get3A_588, %get3A_589, %get3A_590] : memref<4x56x64xf32, #tpu.memory_space<vmem>>, vector<1x56x64xf32>
    %get3A_592 = vector.shape_cast %get3A_591 : vector<1x56x64xf32> to vector<56x64xf32>
    %jit3A_593 = arith.constant 0.000000e+00 : f32
    %broadcast_in_dim3A_594 = vector.broadcast %jit3A_593 : f32 to vector<56x64xf32>
    %select_n3A_595 = arith.select %or3A, %broadcast_in_dim3A_594, %get3A_592 : vector<56x64xi1>, vector<56x64xf32>
    %get3A_596 = arith.constant 1 : index
    %get3A_597 = arith.constant 0 : index
    %get3A_598 = arith.constant 0 : index
    %get3A_599 = vector.load %arg5[%get3A_596, %get3A_597, %get3A_598] : memref<4x56x64xf32, #tpu.memory_space<vmem>>, vector<1x56x64xf32>
    %get3A_600 = vector.shape_cast %get3A_599 : vector<1x56x64xf32> to vector<56x64xf32>
    %jit3A_601 = arith.constant 0.000000e+00 : f32
    %broadcast_in_dim3A_602 = vector.broadcast %jit3A_601 : f32 to vector<56x64xf32>
    %select_n3A_603 = arith.select %or3A, %broadcast_in_dim3A_602, %get3A_600 : vector<56x64xi1>, vector<56x64xf32>
    %get3A_604 = arith.constant 1 : index
    %get3A_605 = arith.constant 0 : index
    %get3A_606 = arith.constant 0 : index
    %get3A_607 = vector.load %arg6[%get3A_604, %get3A_605, %get3A_606] : memref<4x56x64xf32, #tpu.memory_space<vmem>>, vector<1x56x64xf32>
    %get3A_608 = vector.shape_cast %get3A_607 : vector<1x56x64xf32> to vector<56x64xf32>
    %jit3A_609 = arith.constant 0.000000e+00 : f32
    %broadcast_in_dim3A_610 = vector.broadcast %jit3A_609 : f32 to vector<56x64xf32>
    %select_n3A_611 = arith.select %or3A, %broadcast_in_dim3A_610, %get3A_608 : vector<56x64xi1>, vector<56x64xf32>
    %slice3A_612 = vector.extract_strided_slice %add3A_64 {offsets = [64, 0], sizes = [56, 256], strides = [1, 1]} : vector<256x768xf32> to vector<56x256xf32>
    %slice3A_613 = vector.extract_strided_slice %add3A_64 {offsets = [64, 256], sizes = [64, 256], strides = [1, 1]} : vector<256x768xf32> to vector<64x256xf32>
    %slice3A_614 = vector.extract_strided_slice %add3A_64 {offsets = [64, 512], sizes = [64, 256], strides = [1, 1]} : vector<256x768xf32> to vector<64x256xf32>
    %slice3A_615 = vector.extract_strided_slice %slice3A_612 {offsets = [0, 0], sizes = [56, 32], strides = [1, 1]} : vector<56x256xf32> to vector<56x32xf32>
    %slice3A_616 = vector.extract_strided_slice %slice3A_613 {offsets = [0, 0], sizes = [64, 32], strides = [1, 1]} : vector<64x256xf32> to vector<64x32xf32>
    %slice3A_617 = vector.extract_strided_slice %slice3A_614 {offsets = [0, 0], sizes = [64, 32], strides = [1, 1]} : vector<64x256xf32> to vector<64x32xf32>
    %dot_general3A_618 = arith.constant dense<0.000000e+00> : vector<56x64xf32>
    %dot_general3A_619 = tpu.matmul %slice3A_615, %slice3A_616, %dot_general3A_618 {dimension_numbers = #tpu.dot_dimension_numbers<[1], [1], [0], [0], [0, 0, 1, 0], [], []>, transpose_lhs_hint = false} : vector<56x32xf32>, vector<64x32xf32>, vector<56x64xf32> -> vector<56x64xf32>
    %mul3A_620 = arith.constant 0.176776692 : f32
    %mul3A_621 = vector.broadcast %mul3A_620 : f32 to vector<56x64xf32>
    %mul3A_622 = arith.mulf %dot_general3A_619, %mul3A_621 : vector<56x64xf32>
    %add3A_623 = arith.addf %mul3A_622, %select_n3A_587 : vector<56x64xf32>
    %jit3A_624 = arith.constant -1.000000e+30 : f32
    %broadcast_in_dim3A_625 = vector.broadcast %jit3A_624 : f32 to vector<56x64xf32>
    %select_n3A_626 = arith.select %and3A_579, %add3A_623, %broadcast_in_dim3A_625 : vector<56x64xi1>, vector<56x64xf32>
    %reduce_max3A_627 = arith.constant dense<0xFF800000> : vector<56xf32>
    %reduce_max3A_628 = vector.multi_reduction <maximumf>, %select_n3A_626, %reduce_max3A_627 [1] : vector<56x64xf32> to vector<56xf32>
    %broadcast_in_dim3A_629 = vector.shape_cast %reduce_max3A_628 : vector<56xf32> to vector<56x1xf32>
    %sub3A_630 = vector.broadcast %broadcast_in_dim3A_629 : vector<56x1xf32> to vector<56x64xf32>
    %sub3A_631 = arith.subf %select_n3A_626, %sub3A_630 : vector<56x64xf32>
    %exp3A_632 = math.exp %sub3A_631 : vector<56x64xf32>
    %reduce_sum3A_633 = arith.constant dense<0.000000e+00> : vector<56xf32>
    %reduce_sum3A_634 = vector.multi_reduction <add>, %exp3A_632, %reduce_sum3A_633 [1] : vector<56x64xf32> to vector<56xf32>
    %broadcast_in_dim3A_635 = vector.shape_cast %reduce_sum3A_634 : vector<56xf32> to vector<56x1xf32>
    %div3A_636 = vector.broadcast %broadcast_in_dim3A_635 : vector<56x1xf32> to vector<56x64xf32>
    %div3A_637 = arith.divf %exp3A_632, %div3A_636 : vector<56x64xf32>
    %get3A_638 = arith.constant 0 : index
    %get3A_639 = arith.constant 0 : index
    %get3A_640 = memref.load %arg12[%get3A_638, %get3A_639] : memref<4x8xf32, #tpu.memory_space<smem>>
    %mul3A_641 = vector.broadcast %get3A_640 : f32 to vector<56x64xf32>
    %mul3A_642 = arith.mulf %select_n3A_595, %mul3A_641 : vector<56x64xf32>
    %get3A_643 = arith.constant 1 : index
    %get3A_644 = arith.constant 0 : index
    %get3A_645 = memref.load %arg12[%get3A_643, %get3A_644] : memref<4x8xf32, #tpu.memory_space<smem>>
    %mul3A_646 = vector.broadcast %get3A_645 : f32 to vector<56x64xf32>
    %mul3A_647 = arith.mulf %select_n3A_603, %mul3A_646 : vector<56x64xf32>
    %add3A_648 = arith.addf %mul3A_642, %mul3A_647 : vector<56x64xf32>
    %get3A_649 = arith.constant 2 : index
    %get3A_650 = arith.constant 0 : index
    %get3A_651 = memref.load %arg12[%get3A_649, %get3A_650] : memref<4x8xf32, #tpu.memory_space<smem>>
    %mul3A_652 = vector.broadcast %get3A_651 : f32 to vector<56x64xf32>
    %mul3A_653 = arith.mulf %select_n3A_611, %mul3A_652 : vector<56x64xf32>
    %add3A_654 = arith.addf %add3A_648, %mul3A_653 : vector<56x64xf32>
    %get3A_655 = arith.constant 3 : index
    %get3A_656 = arith.constant 0 : index
    %get3A_657 = memref.load %arg12[%get3A_655, %get3A_656] : memref<4x8xf32, #tpu.memory_space<smem>>
    %mul3A_658 = vector.broadcast %get3A_657 : f32 to vector<56x64xf32>
    %mul3A_659 = arith.mulf %select_n3A_587, %mul3A_658 : vector<56x64xf32>
    %add3A_660 = arith.addf %add3A_654, %mul3A_659 : vector<56x64xf32>
    %get3A_661 = arith.constant 0 : index
    %get3A_662 = arith.constant 0 : index
    %get3A_663 = memref.load %arg13[%get3A_661, %get3A_662] : memref<1x8xf32, #tpu.memory_space<smem>>
    %add3A_664 = vector.broadcast %get3A_663 : f32 to vector<56x64xf32>
    %add3A_665 = arith.addf %add3A_660, %add3A_664 : vector<56x64xf32>
    %jit3A_666 = arith.constant 0.000000e+00 : f32
    %broadcast_in_dim3A_667 = vector.broadcast %jit3A_666 : f32 to vector<56x64xf32>
    %select_n3A_668 = arith.select %and3A_579, %add3A_665, %broadcast_in_dim3A_667 : vector<56x64xi1>, vector<56x64xf32>
    %add3A_669 = arith.addf %div3A_637, %select_n3A_668 : vector<56x64xf32>
    %dot_general3A_670 = arith.constant dense<0.000000e+00> : vector<56x32xf32>
    %dot_general3A_671 = tpu.matmul %add3A_669, %slice3A_617, %dot_general3A_670 {dimension_numbers = #tpu.dot_dimension_numbers<[1], [0], [0], [1], [0, 0, 1, 1], [], []>, transpose_lhs_hint = false} : vector<56x64xf32>, vector<64x32xf32>, vector<56x32xf32> -> vector<56x32xf32>
    %slice3A_672 = vector.extract_strided_slice %slice3A_612 {offsets = [0, 32], sizes = [56, 32], strides = [1, 1]} : vector<56x256xf32> to vector<56x32xf32>
    %slice3A_673 = vector.extract_strided_slice %slice3A_613 {offsets = [0, 32], sizes = [64, 32], strides = [1, 1]} : vector<64x256xf32> to vector<64x32xf32>
    %slice3A_674 = vector.extract_strided_slice %slice3A_614 {offsets = [0, 32], sizes = [64, 32], strides = [1, 1]} : vector<64x256xf32> to vector<64x32xf32>
    %dot_general3A_675 = arith.constant dense<0.000000e+00> : vector<56x64xf32>
    %dot_general3A_676 = tpu.matmul %slice3A_672, %slice3A_673, %dot_general3A_675 {dimension_numbers = #tpu.dot_dimension_numbers<[1], [1], [0], [0], [0, 0, 1, 0], [], []>, transpose_lhs_hint = false} : vector<56x32xf32>, vector<64x32xf32>, vector<56x64xf32> -> vector<56x64xf32>
    %mul3A_677 = arith.constant 0.176776692 : f32
    %mul3A_678 = vector.broadcast %mul3A_677 : f32 to vector<56x64xf32>
    %mul3A_679 = arith.mulf %dot_general3A_676, %mul3A_678 : vector<56x64xf32>
    %add3A_680 = arith.addf %mul3A_679, %select_n3A_587 : vector<56x64xf32>
    %jit3A_681 = arith.constant -1.000000e+30 : f32
    %broadcast_in_dim3A_682 = vector.broadcast %jit3A_681 : f32 to vector<56x64xf32>
    %select_n3A_683 = arith.select %and3A_579, %add3A_680, %broadcast_in_dim3A_682 : vector<56x64xi1>, vector<56x64xf32>
    %reduce_max3A_684 = arith.constant dense<0xFF800000> : vector<56xf32>
    %reduce_max3A_685 = vector.multi_reduction <maximumf>, %select_n3A_683, %reduce_max3A_684 [1] : vector<56x64xf32> to vector<56xf32>
    %broadcast_in_dim3A_686 = vector.shape_cast %reduce_max3A_685 : vector<56xf32> to vector<56x1xf32>
    %sub3A_687 = vector.broadcast %broadcast_in_dim3A_686 : vector<56x1xf32> to vector<56x64xf32>
    %sub3A_688 = arith.subf %select_n3A_683, %sub3A_687 : vector<56x64xf32>
    %exp3A_689 = math.exp %sub3A_688 : vector<56x64xf32>
    %reduce_sum3A_690 = arith.constant dense<0.000000e+00> : vector<56xf32>
    %reduce_sum3A_691 = vector.multi_reduction <add>, %exp3A_689, %reduce_sum3A_690 [1] : vector<56x64xf32> to vector<56xf32>
    %broadcast_in_dim3A_692 = vector.shape_cast %reduce_sum3A_691 : vector<56xf32> to vector<56x1xf32>
    %div3A_693 = vector.broadcast %broadcast_in_dim3A_692 : vector<56x1xf32> to vector<56x64xf32>
    %div3A_694 = arith.divf %exp3A_689, %div3A_693 : vector<56x64xf32>
    %get3A_695 = arith.constant 0 : index
    %get3A_696 = arith.constant 1 : index
    %get3A_697 = memref.load %arg12[%get3A_695, %get3A_696] : memref<4x8xf32, #tpu.memory_space<smem>>
    %mul3A_698 = vector.broadcast %get3A_697 : f32 to vector<56x64xf32>
    %mul3A_699 = arith.mulf %select_n3A_595, %mul3A_698 : vector<56x64xf32>
    %get3A_700 = arith.constant 1 : index
    %get3A_701 = arith.constant 1 : index
    %get3A_702 = memref.load %arg12[%get3A_700, %get3A_701] : memref<4x8xf32, #tpu.memory_space<smem>>
    %mul3A_703 = vector.broadcast %get3A_702 : f32 to vector<56x64xf32>
    %mul3A_704 = arith.mulf %select_n3A_603, %mul3A_703 : vector<56x64xf32>
    %add3A_705 = arith.addf %mul3A_699, %mul3A_704 : vector<56x64xf32>
    %get3A_706 = arith.constant 2 : index
    %get3A_707 = arith.constant 1 : index
    %get3A_708 = memref.load %arg12[%get3A_706, %get3A_707] : memref<4x8xf32, #tpu.memory_space<smem>>
    %mul3A_709 = vector.broadcast %get3A_708 : f32 to vector<56x64xf32>
    %mul3A_710 = arith.mulf %select_n3A_611, %mul3A_709 : vector<56x64xf32>
    %add3A_711 = arith.addf %add3A_705, %mul3A_710 : vector<56x64xf32>
    %get3A_712 = arith.constant 3 : index
    %get3A_713 = arith.constant 1 : index
    %get3A_714 = memref.load %arg12[%get3A_712, %get3A_713] : memref<4x8xf32, #tpu.memory_space<smem>>
    %mul3A_715 = vector.broadcast %get3A_714 : f32 to vector<56x64xf32>
    %mul3A_716 = arith.mulf %select_n3A_587, %mul3A_715 : vector<56x64xf32>
    %add3A_717 = arith.addf %add3A_711, %mul3A_716 : vector<56x64xf32>
    %get3A_718 = arith.constant 0 : index
    %get3A_719 = arith.constant 1 : index
    %get3A_720 = memref.load %arg13[%get3A_718, %get3A_719] : memref<1x8xf32, #tpu.memory_space<smem>>
    %add3A_721 = vector.broadcast %get3A_720 : f32 to vector<56x64xf32>
    %add3A_722 = arith.addf %add3A_717, %add3A_721 : vector<56x64xf32>
    %jit3A_723 = arith.constant 0.000000e+00 : f32
    %broadcast_in_dim3A_724 = vector.broadcast %jit3A_723 : f32 to vector<56x64xf32>
    %select_n3A_725 = arith.select %and3A_579, %add3A_722, %broadcast_in_dim3A_724 : vector<56x64xi1>, vector<56x64xf32>
    %add3A_726 = arith.addf %div3A_694, %select_n3A_725 : vector<56x64xf32>
    %dot_general3A_727 = arith.constant dense<0.000000e+00> : vector<56x32xf32>
    %dot_general3A_728 = tpu.matmul %add3A_726, %slice3A_674, %dot_general3A_727 {dimension_numbers = #tpu.dot_dimension_numbers<[1], [0], [0], [1], [0, 0, 1, 1], [], []>, transpose_lhs_hint = false} : vector<56x64xf32>, vector<64x32xf32>, vector<56x32xf32> -> vector<56x32xf32>
    %slice3A_729 = vector.extract_strided_slice %slice3A_612 {offsets = [0, 64], sizes = [56, 32], strides = [1, 1]} : vector<56x256xf32> to vector<56x32xf32>
    %slice3A_730 = vector.extract_strided_slice %slice3A_613 {offsets = [0, 64], sizes = [64, 32], strides = [1, 1]} : vector<64x256xf32> to vector<64x32xf32>
    %slice3A_731 = vector.extract_strided_slice %slice3A_614 {offsets = [0, 64], sizes = [64, 32], strides = [1, 1]} : vector<64x256xf32> to vector<64x32xf32>
    %dot_general3A_732 = arith.constant dense<0.000000e+00> : vector<56x64xf32>
    %dot_general3A_733 = tpu.matmul %slice3A_729, %slice3A_730, %dot_general3A_732 {dimension_numbers = #tpu.dot_dimension_numbers<[1], [1], [0], [0], [0, 0, 1, 0], [], []>, transpose_lhs_hint = false} : vector<56x32xf32>, vector<64x32xf32>, vector<56x64xf32> -> vector<56x64xf32>
    %mul3A_734 = arith.constant 0.176776692 : f32
    %mul3A_735 = vector.broadcast %mul3A_734 : f32 to vector<56x64xf32>
    %mul3A_736 = arith.mulf %dot_general3A_733, %mul3A_735 : vector<56x64xf32>
    %add3A_737 = arith.addf %mul3A_736, %select_n3A_587 : vector<56x64xf32>
    %jit3A_738 = arith.constant -1.000000e+30 : f32
    %broadcast_in_dim3A_739 = vector.broadcast %jit3A_738 : f32 to vector<56x64xf32>
    %select_n3A_740 = arith.select %and3A_579, %add3A_737, %broadcast_in_dim3A_739 : vector<56x64xi1>, vector<56x64xf32>
    %reduce_max3A_741 = arith.constant dense<0xFF800000> : vector<56xf32>
    %reduce_max3A_742 = vector.multi_reduction <maximumf>, %select_n3A_740, %reduce_max3A_741 [1] : vector<56x64xf32> to vector<56xf32>
    %broadcast_in_dim3A_743 = vector.shape_cast %reduce_max3A_742 : vector<56xf32> to vector<56x1xf32>
    %sub3A_744 = vector.broadcast %broadcast_in_dim3A_743 : vector<56x1xf32> to vector<56x64xf32>
    %sub3A_745 = arith.subf %select_n3A_740, %sub3A_744 : vector<56x64xf32>
    %exp3A_746 = math.exp %sub3A_745 : vector<56x64xf32>
    %reduce_sum3A_747 = arith.constant dense<0.000000e+00> : vector<56xf32>
    %reduce_sum3A_748 = vector.multi_reduction <add>, %exp3A_746, %reduce_sum3A_747 [1] : vector<56x64xf32> to vector<56xf32>
    %broadcast_in_dim3A_749 = vector.shape_cast %reduce_sum3A_748 : vector<56xf32> to vector<56x1xf32>
    %div3A_750 = vector.broadcast %broadcast_in_dim3A_749 : vector<56x1xf32> to vector<56x64xf32>
    %div3A_751 = arith.divf %exp3A_746, %div3A_750 : vector<56x64xf32>
    %get3A_752 = arith.constant 0 : index
    %get3A_753 = arith.constant 2 : index
    %get3A_754 = memref.load %arg12[%get3A_752, %get3A_753] : memref<4x8xf32, #tpu.memory_space<smem>>
    %mul3A_755 = vector.broadcast %get3A_754 : f32 to vector<56x64xf32>
    %mul3A_756 = arith.mulf %select_n3A_595, %mul3A_755 : vector<56x64xf32>
    %get3A_757 = arith.constant 1 : index
    %get3A_758 = arith.constant 2 : index
    %get3A_759 = memref.load %arg12[%get3A_757, %get3A_758] : memref<4x8xf32, #tpu.memory_space<smem>>
    %mul3A_760 = vector.broadcast %get3A_759 : f32 to vector<56x64xf32>
    %mul3A_761 = arith.mulf %select_n3A_603, %mul3A_760 : vector<56x64xf32>
    %add3A_762 = arith.addf %mul3A_756, %mul3A_761 : vector<56x64xf32>
    %get3A_763 = arith.constant 2 : index
    %get3A_764 = arith.constant 2 : index
    %get3A_765 = memref.load %arg12[%get3A_763, %get3A_764] : memref<4x8xf32, #tpu.memory_space<smem>>
    %mul3A_766 = vector.broadcast %get3A_765 : f32 to vector<56x64xf32>
    %mul3A_767 = arith.mulf %select_n3A_611, %mul3A_766 : vector<56x64xf32>
    %add3A_768 = arith.addf %add3A_762, %mul3A_767 : vector<56x64xf32>
    %get3A_769 = arith.constant 3 : index
    %get3A_770 = arith.constant 2 : index
    %get3A_771 = memref.load %arg12[%get3A_769, %get3A_770] : memref<4x8xf32, #tpu.memory_space<smem>>
    %mul3A_772 = vector.broadcast %get3A_771 : f32 to vector<56x64xf32>
    %mul3A_773 = arith.mulf %select_n3A_587, %mul3A_772 : vector<56x64xf32>
    %add3A_774 = arith.addf %add3A_768, %mul3A_773 : vector<56x64xf32>
    %get3A_775 = arith.constant 0 : index
    %get3A_776 = arith.constant 2 : index
    %get3A_777 = memref.load %arg13[%get3A_775, %get3A_776] : memref<1x8xf32, #tpu.memory_space<smem>>
    %add3A_778 = vector.broadcast %get3A_777 : f32 to vector<56x64xf32>
    %add3A_779 = arith.addf %add3A_774, %add3A_778 : vector<56x64xf32>
    %jit3A_780 = arith.constant 0.000000e+00 : f32
    %broadcast_in_dim3A_781 = vector.broadcast %jit3A_780 : f32 to vector<56x64xf32>
    %select_n3A_782 = arith.select %and3A_579, %add3A_779, %broadcast_in_dim3A_781 : vector<56x64xi1>, vector<56x64xf32>
    %add3A_783 = arith.addf %div3A_751, %select_n3A_782 : vector<56x64xf32>
    %dot_general3A_784 = arith.constant dense<0.000000e+00> : vector<56x32xf32>
    %dot_general3A_785 = tpu.matmul %add3A_783, %slice3A_731, %dot_general3A_784 {dimension_numbers = #tpu.dot_dimension_numbers<[1], [0], [0], [1], [0, 0, 1, 1], [], []>, transpose_lhs_hint = false} : vector<56x64xf32>, vector<64x32xf32>, vector<56x32xf32> -> vector<56x32xf32>
    %slice3A_786 = vector.extract_strided_slice %slice3A_612 {offsets = [0, 96], sizes = [56, 32], strides = [1, 1]} : vector<56x256xf32> to vector<56x32xf32>
    %slice3A_787 = vector.extract_strided_slice %slice3A_613 {offsets = [0, 96], sizes = [64, 32], strides = [1, 1]} : vector<64x256xf32> to vector<64x32xf32>
    %slice3A_788 = vector.extract_strided_slice %slice3A_614 {offsets = [0, 96], sizes = [64, 32], strides = [1, 1]} : vector<64x256xf32> to vector<64x32xf32>
    %dot_general3A_789 = arith.constant dense<0.000000e+00> : vector<56x64xf32>
    %dot_general3A_790 = tpu.matmul %slice3A_786, %slice3A_787, %dot_general3A_789 {dimension_numbers = #tpu.dot_dimension_numbers<[1], [1], [0], [0], [0, 0, 1, 0], [], []>, transpose_lhs_hint = false} : vector<56x32xf32>, vector<64x32xf32>, vector<56x64xf32> -> vector<56x64xf32>
    %mul3A_791 = arith.constant 0.176776692 : f32
    %mul3A_792 = vector.broadcast %mul3A_791 : f32 to vector<56x64xf32>
    %mul3A_793 = arith.mulf %dot_general3A_790, %mul3A_792 : vector<56x64xf32>
    %add3A_794 = arith.addf %mul3A_793, %select_n3A_587 : vector<56x64xf32>
    %jit3A_795 = arith.constant -1.000000e+30 : f32
    %broadcast_in_dim3A_796 = vector.broadcast %jit3A_795 : f32 to vector<56x64xf32>
    %select_n3A_797 = arith.select %and3A_579, %add3A_794, %broadcast_in_dim3A_796 : vector<56x64xi1>, vector<56x64xf32>
    %reduce_max3A_798 = arith.constant dense<0xFF800000> : vector<56xf32>
    %reduce_max3A_799 = vector.multi_reduction <maximumf>, %select_n3A_797, %reduce_max3A_798 [1] : vector<56x64xf32> to vector<56xf32>
    %broadcast_in_dim3A_800 = vector.shape_cast %reduce_max3A_799 : vector<56xf32> to vector<56x1xf32>
    %sub3A_801 = vector.broadcast %broadcast_in_dim3A_800 : vector<56x1xf32> to vector<56x64xf32>
    %sub3A_802 = arith.subf %select_n3A_797, %sub3A_801 : vector<56x64xf32>
    %exp3A_803 = math.exp %sub3A_802 : vector<56x64xf32>
    %reduce_sum3A_804 = arith.constant dense<0.000000e+00> : vector<56xf32>
    %reduce_sum3A_805 = vector.multi_reduction <add>, %exp3A_803, %reduce_sum3A_804 [1] : vector<56x64xf32> to vector<56xf32>
    %broadcast_in_dim3A_806 = vector.shape_cast %reduce_sum3A_805 : vector<56xf32> to vector<56x1xf32>
    %div3A_807 = vector.broadcast %broadcast_in_dim3A_806 : vector<56x1xf32> to vector<56x64xf32>
    %div3A_808 = arith.divf %exp3A_803, %div3A_807 : vector<56x64xf32>
    %get3A_809 = arith.constant 0 : index
    %get3A_810 = arith.constant 3 : index
    %get3A_811 = memref.load %arg12[%get3A_809, %get3A_810] : memref<4x8xf32, #tpu.memory_space<smem>>
    %mul3A_812 = vector.broadcast %get3A_811 : f32 to vector<56x64xf32>
    %mul3A_813 = arith.mulf %select_n3A_595, %mul3A_812 : vector<56x64xf32>
    %get3A_814 = arith.constant 1 : index
    %get3A_815 = arith.constant 3 : index
    %get3A_816 = memref.load %arg12[%get3A_814, %get3A_815] : memref<4x8xf32, #tpu.memory_space<smem>>
    %mul3A_817 = vector.broadcast %get3A_816 : f32 to vector<56x64xf32>
    %mul3A_818 = arith.mulf %select_n3A_603, %mul3A_817 : vector<56x64xf32>
    %add3A_819 = arith.addf %mul3A_813, %mul3A_818 : vector<56x64xf32>
    %get3A_820 = arith.constant 2 : index
    %get3A_821 = arith.constant 3 : index
    %get3A_822 = memref.load %arg12[%get3A_820, %get3A_821] : memref<4x8xf32, #tpu.memory_space<smem>>
    %mul3A_823 = vector.broadcast %get3A_822 : f32 to vector<56x64xf32>
    %mul3A_824 = arith.mulf %select_n3A_611, %mul3A_823 : vector<56x64xf32>
    %add3A_825 = arith.addf %add3A_819, %mul3A_824 : vector<56x64xf32>
    %get3A_826 = arith.constant 3 : index
    %get3A_827 = arith.constant 3 : index
    %get3A_828 = memref.load %arg12[%get3A_826, %get3A_827] : memref<4x8xf32, #tpu.memory_space<smem>>
    %mul3A_829 = vector.broadcast %get3A_828 : f32 to vector<56x64xf32>
    %mul3A_830 = arith.mulf %select_n3A_587, %mul3A_829 : vector<56x64xf32>
    %add3A_831 = arith.addf %add3A_825, %mul3A_830 : vector<56x64xf32>
    %get3A_832 = arith.constant 0 : index
    %get3A_833 = arith.constant 3 : index
    %get3A_834 = memref.load %arg13[%get3A_832, %get3A_833] : memref<1x8xf32, #tpu.memory_space<smem>>
    %add3A_835 = vector.broadcast %get3A_834 : f32 to vector<56x64xf32>
    %add3A_836 = arith.addf %add3A_831, %add3A_835 : vector<56x64xf32>
    %jit3A_837 = arith.constant 0.000000e+00 : f32
    %broadcast_in_dim3A_838 = vector.broadcast %jit3A_837 : f32 to vector<56x64xf32>
    %select_n3A_839 = arith.select %and3A_579, %add3A_836, %broadcast_in_dim3A_838 : vector<56x64xi1>, vector<56x64xf32>
    %add3A_840 = arith.addf %div3A_808, %select_n3A_839 : vector<56x64xf32>
    %dot_general3A_841 = arith.constant dense<0.000000e+00> : vector<56x32xf32>
    %dot_general3A_842 = tpu.matmul %add3A_840, %slice3A_788, %dot_general3A_841 {dimension_numbers = #tpu.dot_dimension_numbers<[1], [0], [0], [1], [0, 0, 1, 1], [], []>, transpose_lhs_hint = false} : vector<56x64xf32>, vector<64x32xf32>, vector<56x32xf32> -> vector<56x32xf32>
    %slice3A_843 = vector.extract_strided_slice %slice3A_612 {offsets = [0, 128], sizes = [56, 32], strides = [1, 1]} : vector<56x256xf32> to vector<56x32xf32>
    %slice3A_844 = vector.extract_strided_slice %slice3A_613 {offsets = [0, 128], sizes = [64, 32], strides = [1, 1]} : vector<64x256xf32> to vector<64x32xf32>
    %slice3A_845 = vector.extract_strided_slice %slice3A_614 {offsets = [0, 128], sizes = [64, 32], strides = [1, 1]} : vector<64x256xf32> to vector<64x32xf32>
    %dot_general3A_846 = arith.constant dense<0.000000e+00> : vector<56x64xf32>
    %dot_general3A_847 = tpu.matmul %slice3A_843, %slice3A_844, %dot_general3A_846 {dimension_numbers = #tpu.dot_dimension_numbers<[1], [1], [0], [0], [0, 0, 1, 0], [], []>, transpose_lhs_hint = false} : vector<56x32xf32>, vector<64x32xf32>, vector<56x64xf32> -> vector<56x64xf32>
    %mul3A_848 = arith.constant 0.176776692 : f32
    %mul3A_849 = vector.broadcast %mul3A_848 : f32 to vector<56x64xf32>
    %mul3A_850 = arith.mulf %dot_general3A_847, %mul3A_849 : vector<56x64xf32>
    %add3A_851 = arith.addf %mul3A_850, %select_n3A_587 : vector<56x64xf32>
    %jit3A_852 = arith.constant -1.000000e+30 : f32
    %broadcast_in_dim3A_853 = vector.broadcast %jit3A_852 : f32 to vector<56x64xf32>
    %select_n3A_854 = arith.select %and3A_579, %add3A_851, %broadcast_in_dim3A_853 : vector<56x64xi1>, vector<56x64xf32>
    %reduce_max3A_855 = arith.constant dense<0xFF800000> : vector<56xf32>
    %reduce_max3A_856 = vector.multi_reduction <maximumf>, %select_n3A_854, %reduce_max3A_855 [1] : vector<56x64xf32> to vector<56xf32>
    %broadcast_in_dim3A_857 = vector.shape_cast %reduce_max3A_856 : vector<56xf32> to vector<56x1xf32>
    %sub3A_858 = vector.broadcast %broadcast_in_dim3A_857 : vector<56x1xf32> to vector<56x64xf32>
    %sub3A_859 = arith.subf %select_n3A_854, %sub3A_858 : vector<56x64xf32>
    %exp3A_860 = math.exp %sub3A_859 : vector<56x64xf32>
    %reduce_sum3A_861 = arith.constant dense<0.000000e+00> : vector<56xf32>
    %reduce_sum3A_862 = vector.multi_reduction <add>, %exp3A_860, %reduce_sum3A_861 [1] : vector<56x64xf32> to vector<56xf32>
    %broadcast_in_dim3A_863 = vector.shape_cast %reduce_sum3A_862 : vector<56xf32> to vector<56x1xf32>
    %div3A_864 = vector.broadcast %broadcast_in_dim3A_863 : vector<56x1xf32> to vector<56x64xf32>
    %div3A_865 = arith.divf %exp3A_860, %div3A_864 : vector<56x64xf32>
    %get3A_866 = arith.constant 0 : index
    %get3A_867 = arith.constant 4 : index
    %get3A_868 = memref.load %arg12[%get3A_866, %get3A_867] : memref<4x8xf32, #tpu.memory_space<smem>>
    %mul3A_869 = vector.broadcast %get3A_868 : f32 to vector<56x64xf32>
    %mul3A_870 = arith.mulf %select_n3A_595, %mul3A_869 : vector<56x64xf32>
    %get3A_871 = arith.constant 1 : index
    %get3A_872 = arith.constant 4 : index
    %get3A_873 = memref.load %arg12[%get3A_871, %get3A_872] : memref<4x8xf32, #tpu.memory_space<smem>>
    %mul3A_874 = vector.broadcast %get3A_873 : f32 to vector<56x64xf32>
    %mul3A_875 = arith.mulf %select_n3A_603, %mul3A_874 : vector<56x64xf32>
    %add3A_876 = arith.addf %mul3A_870, %mul3A_875 : vector<56x64xf32>
    %get3A_877 = arith.constant 2 : index
    %get3A_878 = arith.constant 4 : index
    %get3A_879 = memref.load %arg12[%get3A_877, %get3A_878] : memref<4x8xf32, #tpu.memory_space<smem>>
    %mul3A_880 = vector.broadcast %get3A_879 : f32 to vector<56x64xf32>
    %mul3A_881 = arith.mulf %select_n3A_611, %mul3A_880 : vector<56x64xf32>
    %add3A_882 = arith.addf %add3A_876, %mul3A_881 : vector<56x64xf32>
    %get3A_883 = arith.constant 3 : index
    %get3A_884 = arith.constant 4 : index
    %get3A_885 = memref.load %arg12[%get3A_883, %get3A_884] : memref<4x8xf32, #tpu.memory_space<smem>>
    %mul3A_886 = vector.broadcast %get3A_885 : f32 to vector<56x64xf32>
    %mul3A_887 = arith.mulf %select_n3A_587, %mul3A_886 : vector<56x64xf32>
    %add3A_888 = arith.addf %add3A_882, %mul3A_887 : vector<56x64xf32>
    %get3A_889 = arith.constant 0 : index
    %get3A_890 = arith.constant 4 : index
    %get3A_891 = memref.load %arg13[%get3A_889, %get3A_890] : memref<1x8xf32, #tpu.memory_space<smem>>
    %add3A_892 = vector.broadcast %get3A_891 : f32 to vector<56x64xf32>
    %add3A_893 = arith.addf %add3A_888, %add3A_892 : vector<56x64xf32>
    %jit3A_894 = arith.constant 0.000000e+00 : f32
    %broadcast_in_dim3A_895 = vector.broadcast %jit3A_894 : f32 to vector<56x64xf32>
    %select_n3A_896 = arith.select %and3A_579, %add3A_893, %broadcast_in_dim3A_895 : vector<56x64xi1>, vector<56x64xf32>
    %add3A_897 = arith.addf %div3A_865, %select_n3A_896 : vector<56x64xf32>
    %dot_general3A_898 = arith.constant dense<0.000000e+00> : vector<56x32xf32>
    %dot_general3A_899 = tpu.matmul %add3A_897, %slice3A_845, %dot_general3A_898 {dimension_numbers = #tpu.dot_dimension_numbers<[1], [0], [0], [1], [0, 0, 1, 1], [], []>, transpose_lhs_hint = false} : vector<56x64xf32>, vector<64x32xf32>, vector<56x32xf32> -> vector<56x32xf32>
    %slice3A_900 = vector.extract_strided_slice %slice3A_612 {offsets = [0, 160], sizes = [56, 32], strides = [1, 1]} : vector<56x256xf32> to vector<56x32xf32>
    %slice3A_901 = vector.extract_strided_slice %slice3A_613 {offsets = [0, 160], sizes = [64, 32], strides = [1, 1]} : vector<64x256xf32> to vector<64x32xf32>
    %slice3A_902 = vector.extract_strided_slice %slice3A_614 {offsets = [0, 160], sizes = [64, 32], strides = [1, 1]} : vector<64x256xf32> to vector<64x32xf32>
    %dot_general3A_903 = arith.constant dense<0.000000e+00> : vector<56x64xf32>
    %dot_general3A_904 = tpu.matmul %slice3A_900, %slice3A_901, %dot_general3A_903 {dimension_numbers = #tpu.dot_dimension_numbers<[1], [1], [0], [0], [0, 0, 1, 0], [], []>, transpose_lhs_hint = false} : vector<56x32xf32>, vector<64x32xf32>, vector<56x64xf32> -> vector<56x64xf32>
    %mul3A_905 = arith.constant 0.176776692 : f32
    %mul3A_906 = vector.broadcast %mul3A_905 : f32 to vector<56x64xf32>
    %mul3A_907 = arith.mulf %dot_general3A_904, %mul3A_906 : vector<56x64xf32>
    %add3A_908 = arith.addf %mul3A_907, %select_n3A_587 : vector<56x64xf32>
    %jit3A_909 = arith.constant -1.000000e+30 : f32
    %broadcast_in_dim3A_910 = vector.broadcast %jit3A_909 : f32 to vector<56x64xf32>
    %select_n3A_911 = arith.select %and3A_579, %add3A_908, %broadcast_in_dim3A_910 : vector<56x64xi1>, vector<56x64xf32>
    %reduce_max3A_912 = arith.constant dense<0xFF800000> : vector<56xf32>
    %reduce_max3A_913 = vector.multi_reduction <maximumf>, %select_n3A_911, %reduce_max3A_912 [1] : vector<56x64xf32> to vector<56xf32>
    %broadcast_in_dim3A_914 = vector.shape_cast %reduce_max3A_913 : vector<56xf32> to vector<56x1xf32>
    %sub3A_915 = vector.broadcast %broadcast_in_dim3A_914 : vector<56x1xf32> to vector<56x64xf32>
    %sub3A_916 = arith.subf %select_n3A_911, %sub3A_915 : vector<56x64xf32>
    %exp3A_917 = math.exp %sub3A_916 : vector<56x64xf32>
    %reduce_sum3A_918 = arith.constant dense<0.000000e+00> : vector<56xf32>
    %reduce_sum3A_919 = vector.multi_reduction <add>, %exp3A_917, %reduce_sum3A_918 [1] : vector<56x64xf32> to vector<56xf32>
    %broadcast_in_dim3A_920 = vector.shape_cast %reduce_sum3A_919 : vector<56xf32> to vector<56x1xf32>
    %div3A_921 = vector.broadcast %broadcast_in_dim3A_920 : vector<56x1xf32> to vector<56x64xf32>
    %div3A_922 = arith.divf %exp3A_917, %div3A_921 : vector<56x64xf32>
    %get3A_923 = arith.constant 0 : index
    %get3A_924 = arith.constant 5 : index
    %get3A_925 = memref.load %arg12[%get3A_923, %get3A_924] : memref<4x8xf32, #tpu.memory_space<smem>>
    %mul3A_926 = vector.broadcast %get3A_925 : f32 to vector<56x64xf32>
    %mul3A_927 = arith.mulf %select_n3A_595, %mul3A_926 : vector<56x64xf32>
    %get3A_928 = arith.constant 1 : index
    %get3A_929 = arith.constant 5 : index
    %get3A_930 = memref.load %arg12[%get3A_928, %get3A_929] : memref<4x8xf32, #tpu.memory_space<smem>>
    %mul3A_931 = vector.broadcast %get3A_930 : f32 to vector<56x64xf32>
    %mul3A_932 = arith.mulf %select_n3A_603, %mul3A_931 : vector<56x64xf32>
    %add3A_933 = arith.addf %mul3A_927, %mul3A_932 : vector<56x64xf32>
    %get3A_934 = arith.constant 2 : index
    %get3A_935 = arith.constant 5 : index
    %get3A_936 = memref.load %arg12[%get3A_934, %get3A_935] : memref<4x8xf32, #tpu.memory_space<smem>>
    %mul3A_937 = vector.broadcast %get3A_936 : f32 to vector<56x64xf32>
    %mul3A_938 = arith.mulf %select_n3A_611, %mul3A_937 : vector<56x64xf32>
    %add3A_939 = arith.addf %add3A_933, %mul3A_938 : vector<56x64xf32>
    %get3A_940 = arith.constant 3 : index
    %get3A_941 = arith.constant 5 : index
    %get3A_942 = memref.load %arg12[%get3A_940, %get3A_941] : memref<4x8xf32, #tpu.memory_space<smem>>
    %mul3A_943 = vector.broadcast %get3A_942 : f32 to vector<56x64xf32>
    %mul3A_944 = arith.mulf %select_n3A_587, %mul3A_943 : vector<56x64xf32>
    %add3A_945 = arith.addf %add3A_939, %mul3A_944 : vector<56x64xf32>
    %get3A_946 = arith.constant 0 : index
    %get3A_947 = arith.constant 5 : index
    %get3A_948 = memref.load %arg13[%get3A_946, %get3A_947] : memref<1x8xf32, #tpu.memory_space<smem>>
    %add3A_949 = vector.broadcast %get3A_948 : f32 to vector<56x64xf32>
    %add3A_950 = arith.addf %add3A_945, %add3A_949 : vector<56x64xf32>
    %jit3A_951 = arith.constant 0.000000e+00 : f32
    %broadcast_in_dim3A_952 = vector.broadcast %jit3A_951 : f32 to vector<56x64xf32>
    %select_n3A_953 = arith.select %and3A_579, %add3A_950, %broadcast_in_dim3A_952 : vector<56x64xi1>, vector<56x64xf32>
    %add3A_954 = arith.addf %div3A_922, %select_n3A_953 : vector<56x64xf32>
    %dot_general3A_955 = arith.constant dense<0.000000e+00> : vector<56x32xf32>
    %dot_general3A_956 = tpu.matmul %add3A_954, %slice3A_902, %dot_general3A_955 {dimension_numbers = #tpu.dot_dimension_numbers<[1], [0], [0], [1], [0, 0, 1, 1], [], []>, transpose_lhs_hint = false} : vector<56x64xf32>, vector<64x32xf32>, vector<56x32xf32> -> vector<56x32xf32>
    %slice3A_957 = vector.extract_strided_slice %slice3A_612 {offsets = [0, 192], sizes = [56, 32], strides = [1, 1]} : vector<56x256xf32> to vector<56x32xf32>
    %slice3A_958 = vector.extract_strided_slice %slice3A_613 {offsets = [0, 192], sizes = [64, 32], strides = [1, 1]} : vector<64x256xf32> to vector<64x32xf32>
    %slice3A_959 = vector.extract_strided_slice %slice3A_614 {offsets = [0, 192], sizes = [64, 32], strides = [1, 1]} : vector<64x256xf32> to vector<64x32xf32>
    %dot_general3A_960 = arith.constant dense<0.000000e+00> : vector<56x64xf32>
    %dot_general3A_961 = tpu.matmul %slice3A_957, %slice3A_958, %dot_general3A_960 {dimension_numbers = #tpu.dot_dimension_numbers<[1], [1], [0], [0], [0, 0, 1, 0], [], []>, transpose_lhs_hint = false} : vector<56x32xf32>, vector<64x32xf32>, vector<56x64xf32> -> vector<56x64xf32>
    %mul3A_962 = arith.constant 0.176776692 : f32
    %mul3A_963 = vector.broadcast %mul3A_962 : f32 to vector<56x64xf32>
    %mul3A_964 = arith.mulf %dot_general3A_961, %mul3A_963 : vector<56x64xf32>
    %add3A_965 = arith.addf %mul3A_964, %select_n3A_587 : vector<56x64xf32>
    %jit3A_966 = arith.constant -1.000000e+30 : f32
    %broadcast_in_dim3A_967 = vector.broadcast %jit3A_966 : f32 to vector<56x64xf32>
    %select_n3A_968 = arith.select %and3A_579, %add3A_965, %broadcast_in_dim3A_967 : vector<56x64xi1>, vector<56x64xf32>
    %reduce_max3A_969 = arith.constant dense<0xFF800000> : vector<56xf32>
    %reduce_max3A_970 = vector.multi_reduction <maximumf>, %select_n3A_968, %reduce_max3A_969 [1] : vector<56x64xf32> to vector<56xf32>
    %broadcast_in_dim3A_971 = vector.shape_cast %reduce_max3A_970 : vector<56xf32> to vector<56x1xf32>
    %sub3A_972 = vector.broadcast %broadcast_in_dim3A_971 : vector<56x1xf32> to vector<56x64xf32>
    %sub3A_973 = arith.subf %select_n3A_968, %sub3A_972 : vector<56x64xf32>
    %exp3A_974 = math.exp %sub3A_973 : vector<56x64xf32>
    %reduce_sum3A_975 = arith.constant dense<0.000000e+00> : vector<56xf32>
    %reduce_sum3A_976 = vector.multi_reduction <add>, %exp3A_974, %reduce_sum3A_975 [1] : vector<56x64xf32> to vector<56xf32>
    %broadcast_in_dim3A_977 = vector.shape_cast %reduce_sum3A_976 : vector<56xf32> to vector<56x1xf32>
    %div3A_978 = vector.broadcast %broadcast_in_dim3A_977 : vector<56x1xf32> to vector<56x64xf32>
    %div3A_979 = arith.divf %exp3A_974, %div3A_978 : vector<56x64xf32>
    %get3A_980 = arith.constant 0 : index
    %get3A_981 = arith.constant 6 : index
    %get3A_982 = memref.load %arg12[%get3A_980, %get3A_981] : memref<4x8xf32, #tpu.memory_space<smem>>
    %mul3A_983 = vector.broadcast %get3A_982 : f32 to vector<56x64xf32>
    %mul3A_984 = arith.mulf %select_n3A_595, %mul3A_983 : vector<56x64xf32>
    %get3A_985 = arith.constant 1 : index
    %get3A_986 = arith.constant 6 : index
    %get3A_987 = memref.load %arg12[%get3A_985, %get3A_986] : memref<4x8xf32, #tpu.memory_space<smem>>
    %mul3A_988 = vector.broadcast %get3A_987 : f32 to vector<56x64xf32>
    %mul3A_989 = arith.mulf %select_n3A_603, %mul3A_988 : vector<56x64xf32>
    %add3A_990 = arith.addf %mul3A_984, %mul3A_989 : vector<56x64xf32>
    %get3A_991 = arith.constant 2 : index
    %get3A_992 = arith.constant 6 : index
    %get3A_993 = memref.load %arg12[%get3A_991, %get3A_992] : memref<4x8xf32, #tpu.memory_space<smem>>
    %mul3A_994 = vector.broadcast %get3A_993 : f32 to vector<56x64xf32>
    %mul3A_995 = arith.mulf %select_n3A_611, %mul3A_994 : vector<56x64xf32>
    %add3A_996 = arith.addf %add3A_990, %mul3A_995 : vector<56x64xf32>
    %get3A_997 = arith.constant 3 : index
    %get3A_998 = arith.constant 6 : index
    %get3A_999 = memref.load %arg12[%get3A_997, %get3A_998] : memref<4x8xf32, #tpu.memory_space<smem>>
    %mul3A_1000 = vector.broadcast %get3A_999 : f32 to vector<56x64xf32>
    %mul3A_1001 = arith.mulf %select_n3A_587, %mul3A_1000 : vector<56x64xf32>
    %add3A_1002 = arith.addf %add3A_996, %mul3A_1001 : vector<56x64xf32>
    %get3A_1003 = arith.constant 0 : index
    %get3A_1004 = arith.constant 6 : index
    %get3A_1005 = memref.load %arg13[%get3A_1003, %get3A_1004] : memref<1x8xf32, #tpu.memory_space<smem>>
    %add3A_1006 = vector.broadcast %get3A_1005 : f32 to vector<56x64xf32>
    %add3A_1007 = arith.addf %add3A_1002, %add3A_1006 : vector<56x64xf32>
    %jit3A_1008 = arith.constant 0.000000e+00 : f32
    %broadcast_in_dim3A_1009 = vector.broadcast %jit3A_1008 : f32 to vector<56x64xf32>
    %select_n3A_1010 = arith.select %and3A_579, %add3A_1007, %broadcast_in_dim3A_1009 : vector<56x64xi1>, vector<56x64xf32>
    %add3A_1011 = arith.addf %div3A_979, %select_n3A_1010 : vector<56x64xf32>
    %dot_general3A_1012 = arith.constant dense<0.000000e+00> : vector<56x32xf32>
    %dot_general3A_1013 = tpu.matmul %add3A_1011, %slice3A_959, %dot_general3A_1012 {dimension_numbers = #tpu.dot_dimension_numbers<[1], [0], [0], [1], [0, 0, 1, 1], [], []>, transpose_lhs_hint = false} : vector<56x64xf32>, vector<64x32xf32>, vector<56x32xf32> -> vector<56x32xf32>
    %slice3A_1014 = vector.extract_strided_slice %slice3A_612 {offsets = [0, 224], sizes = [56, 32], strides = [1, 1]} : vector<56x256xf32> to vector<56x32xf32>
    %slice3A_1015 = vector.extract_strided_slice %slice3A_613 {offsets = [0, 224], sizes = [64, 32], strides = [1, 1]} : vector<64x256xf32> to vector<64x32xf32>
    %slice3A_1016 = vector.extract_strided_slice %slice3A_614 {offsets = [0, 224], sizes = [64, 32], strides = [1, 1]} : vector<64x256xf32> to vector<64x32xf32>
    %dot_general3A_1017 = arith.constant dense<0.000000e+00> : vector<56x64xf32>
    %dot_general3A_1018 = tpu.matmul %slice3A_1014, %slice3A_1015, %dot_general3A_1017 {dimension_numbers = #tpu.dot_dimension_numbers<[1], [1], [0], [0], [0, 0, 1, 0], [], []>, transpose_lhs_hint = false} : vector<56x32xf32>, vector<64x32xf32>, vector<56x64xf32> -> vector<56x64xf32>
    %mul3A_1019 = arith.constant 0.176776692 : f32
    %mul3A_1020 = vector.broadcast %mul3A_1019 : f32 to vector<56x64xf32>
    %mul3A_1021 = arith.mulf %dot_general3A_1018, %mul3A_1020 : vector<56x64xf32>
    %add3A_1022 = arith.addf %mul3A_1021, %select_n3A_587 : vector<56x64xf32>
    %jit3A_1023 = arith.constant -1.000000e+30 : f32
    %broadcast_in_dim3A_1024 = vector.broadcast %jit3A_1023 : f32 to vector<56x64xf32>
    %select_n3A_1025 = arith.select %and3A_579, %add3A_1022, %broadcast_in_dim3A_1024 : vector<56x64xi1>, vector<56x64xf32>
    %reduce_max3A_1026 = arith.constant dense<0xFF800000> : vector<56xf32>
    %reduce_max3A_1027 = vector.multi_reduction <maximumf>, %select_n3A_1025, %reduce_max3A_1026 [1] : vector<56x64xf32> to vector<56xf32>
    %broadcast_in_dim3A_1028 = vector.shape_cast %reduce_max3A_1027 : vector<56xf32> to vector<56x1xf32>
    %sub3A_1029 = vector.broadcast %broadcast_in_dim3A_1028 : vector<56x1xf32> to vector<56x64xf32>
    %sub3A_1030 = arith.subf %select_n3A_1025, %sub3A_1029 : vector<56x64xf32>
    %exp3A_1031 = math.exp %sub3A_1030 : vector<56x64xf32>
    %reduce_sum3A_1032 = arith.constant dense<0.000000e+00> : vector<56xf32>
    %reduce_sum3A_1033 = vector.multi_reduction <add>, %exp3A_1031, %reduce_sum3A_1032 [1] : vector<56x64xf32> to vector<56xf32>
    %broadcast_in_dim3A_1034 = vector.shape_cast %reduce_sum3A_1033 : vector<56xf32> to vector<56x1xf32>
    %div3A_1035 = vector.broadcast %broadcast_in_dim3A_1034 : vector<56x1xf32> to vector<56x64xf32>
    %div3A_1036 = arith.divf %exp3A_1031, %div3A_1035 : vector<56x64xf32>
    %get3A_1037 = arith.constant 0 : index
    %get3A_1038 = arith.constant 7 : index
    %get3A_1039 = memref.load %arg12[%get3A_1037, %get3A_1038] : memref<4x8xf32, #tpu.memory_space<smem>>
    %mul3A_1040 = vector.broadcast %get3A_1039 : f32 to vector<56x64xf32>
    %mul3A_1041 = arith.mulf %select_n3A_595, %mul3A_1040 : vector<56x64xf32>
    %get3A_1042 = arith.constant 1 : index
    %get3A_1043 = arith.constant 7 : index
    %get3A_1044 = memref.load %arg12[%get3A_1042, %get3A_1043] : memref<4x8xf32, #tpu.memory_space<smem>>
    %mul3A_1045 = vector.broadcast %get3A_1044 : f32 to vector<56x64xf32>
    %mul3A_1046 = arith.mulf %select_n3A_603, %mul3A_1045 : vector<56x64xf32>
    %add3A_1047 = arith.addf %mul3A_1041, %mul3A_1046 : vector<56x64xf32>
    %get3A_1048 = arith.constant 2 : index
    %get3A_1049 = arith.constant 7 : index
    %get3A_1050 = memref.load %arg12[%get3A_1048, %get3A_1049] : memref<4x8xf32, #tpu.memory_space<smem>>
    %mul3A_1051 = vector.broadcast %get3A_1050 : f32 to vector<56x64xf32>
    %mul3A_1052 = arith.mulf %select_n3A_611, %mul3A_1051 : vector<56x64xf32>
    %add3A_1053 = arith.addf %add3A_1047, %mul3A_1052 : vector<56x64xf32>
    %get3A_1054 = arith.constant 3 : index
    %get3A_1055 = arith.constant 7 : index
    %get3A_1056 = memref.load %arg12[%get3A_1054, %get3A_1055] : memref<4x8xf32, #tpu.memory_space<smem>>
    %mul3A_1057 = vector.broadcast %get3A_1056 : f32 to vector<56x64xf32>
    %mul3A_1058 = arith.mulf %select_n3A_587, %mul3A_1057 : vector<56x64xf32>
    %add3A_1059 = arith.addf %add3A_1053, %mul3A_1058 : vector<56x64xf32>
    %get3A_1060 = arith.constant 0 : index
    %get3A_1061 = arith.constant 7 : index
    %get3A_1062 = memref.load %arg13[%get3A_1060, %get3A_1061] : memref<1x8xf32, #tpu.memory_space<smem>>
    %add3A_1063 = vector.broadcast %get3A_1062 : f32 to vector<56x64xf32>
    %add3A_1064 = arith.addf %add3A_1059, %add3A_1063 : vector<56x64xf32>
    %jit3A_1065 = arith.constant 0.000000e+00 : f32
    %broadcast_in_dim3A_1066 = vector.broadcast %jit3A_1065 : f32 to vector<56x64xf32>
    %select_n3A_1067 = arith.select %and3A_579, %add3A_1064, %broadcast_in_dim3A_1066 : vector<56x64xi1>, vector<56x64xf32>
    %add3A_1068 = arith.addf %div3A_1036, %select_n3A_1067 : vector<56x64xf32>
    %dot_general3A_1069 = arith.constant dense<0.000000e+00> : vector<56x32xf32>
    %dot_general3A_1070 = tpu.matmul %add3A_1068, %slice3A_1016, %dot_general3A_1069 {dimension_numbers = #tpu.dot_dimension_numbers<[1], [0], [0], [1], [0, 0, 1, 1], [], []>, transpose_lhs_hint = false} : vector<56x64xf32>, vector<64x32xf32>, vector<56x32xf32> -> vector<56x32xf32>
    %concatenate3A_1071 = tpu.concatenate %dot_general3A_671, %dot_general3A_728, %dot_general3A_785, %dot_general3A_842, %dot_general3A_899, %dot_general3A_956, %dot_general3A_1013, %dot_general3A_1070 in 1 : vector<56x32xf32>, vector<56x32xf32>, vector<56x32xf32>, vector<56x32xf32>, vector<56x32xf32>, vector<56x32xf32>, vector<56x32xf32>, vector<56x32xf32> -> vector<56x256xf32>
    %swap3A_1072 = arith.constant 56 : index
    %swap3A_1073 = arith.constant 0 : index
    %swap3A_1074 = vector.load %arg16[%swap3A_1072, %swap3A_1073] : memref<224x256xf32, #tpu.memory_space<vmem>>, vector<56x256xf32>
    tpu.vector_store %arg16[%swap3A_1072, %swap3A_1073], %concatenate3A_1071 {strides = array<i32>} : memref<224x256xf32, #tpu.memory_space<vmem>>, vector<56x256xf32>,
    %get3A_1075 = arith.constant 2 : index
    %get3A_1076 = arith.constant 0 : index
    %get3A_1077 = arith.constant 0 : index
    %get3A_1078 = vector.load %arg3[%get3A_1075, %get3A_1076, %get3A_1077] : memref<4x56x64xf32, #tpu.memory_space<vmem>>, vector<1x56x64xf32>
    %get3A_1079 = vector.shape_cast %get3A_1078 : vector<1x56x64xf32> to vector<56x64xf32>
    %lt3A_1080 = arith.constant 51 : i32
    %lt3A_1081 = vector.broadcast %lt3A_1080 : i32 to vector<56x64xi32>
    %lt3A_1082 = arith.cmpi slt, %iota3A, %lt3A_1081 : vector<56x64xi32>
    %ne3A_1083 = arith.constant 0.000000e+00 : f32
    %ne3A_1084 = vector.broadcast %ne3A_1083 : f32 to vector<56x64xf32>
    %ne3A_1085 = arith.cmpf one, %get3A_1079, %ne3A_1084 : vector<56x64xf32>
    %or3A_1086 = arith.ori %or3A, %ne3A_1085 : vector<56x64xi1>
    %and3A_1087 = arith.andi %lt3A_1082, %or3A_1086 : vector<56x64xi1>
    %get3A_1088 = arith.constant 2 : index
    %get3A_1089 = arith.constant 0 : index
    %get3A_1090 = arith.constant 0 : index
    %get3A_1091 = vector.load %arg7[%get3A_1088, %get3A_1089, %get3A_1090] : memref<4x56x64xf32, #tpu.memory_space<vmem>>, vector<1x56x64xf32>
    %get3A_1092 = vector.shape_cast %get3A_1091 : vector<1x56x64xf32> to vector<56x64xf32>
    %jit3A_1093 = arith.constant 1.000000e+00 : f32
    %broadcast_in_dim3A_1094 = vector.broadcast %jit3A_1093 : f32 to vector<56x64xf32>
    %select_n3A_1095 = arith.select %or3A, %broadcast_in_dim3A_1094, %get3A_1092 : vector<56x64xi1>, vector<56x64xf32>
    %get3A_1096 = arith.constant 2 : index
    %get3A_1097 = arith.constant 0 : index
    %get3A_1098 = arith.constant 0 : index
    %get3A_1099 = vector.load %arg4[%get3A_1096, %get3A_1097, %get3A_1098] : memref<4x56x64xf32, #tpu.memory_space<vmem>>, vector<1x56x64xf32>
    %get3A_1100 = vector.shape_cast %get3A_1099 : vector<1x56x64xf32> to vector<56x64xf32>
    %jit3A_1101 = arith.constant 0.000000e+00 : f32
    %broadcast_in_dim3A_1102 = vector.broadcast %jit3A_1101 : f32 to vector<56x64xf32>
    %select_n3A_1103 = arith.select %or3A, %broadcast_in_dim3A_1102, %get3A_1100 : vector<56x64xi1>, vector<56x64xf32>
    %get3A_1104 = arith.constant 2 : index
    %get3A_1105 = arith.constant 0 : index
    %get3A_1106 = arith.constant 0 : index
    %get3A_1107 = vector.load %arg5[%get3A_1104, %get3A_1105, %get3A_1106] : memref<4x56x64xf32, #tpu.memory_space<vmem>>, vector<1x56x64xf32>
    %get3A_1108 = vector.shape_cast %get3A_1107 : vector<1x56x64xf32> to vector<56x64xf32>
    %jit3A_1109 = arith.constant 0.000000e+00 : f32
    %broadcast_in_dim3A_1110 = vector.broadcast %jit3A_1109 : f32 to vector<56x64xf32>
    %select_n3A_1111 = arith.select %or3A, %broadcast_in_dim3A_1110, %get3A_1108 : vector<56x64xi1>, vector<56x64xf32>
    %get3A_1112 = arith.constant 2 : index
    %get3A_1113 = arith.constant 0 : index
    %get3A_1114 = arith.constant 0 : index
    %get3A_1115 = vector.load %arg6[%get3A_1112, %get3A_1113, %get3A_1114] : memref<4x56x64xf32, #tpu.memory_space<vmem>>, vector<1x56x64xf32>
    %get3A_1116 = vector.shape_cast %get3A_1115 : vector<1x56x64xf32> to vector<56x64xf32>
    %jit3A_1117 = arith.constant 0.000000e+00 : f32
    %broadcast_in_dim3A_1118 = vector.broadcast %jit3A_1117 : f32 to vector<56x64xf32>
    %select_n3A_1119 = arith.select %or3A, %broadcast_in_dim3A_1118, %get3A_1116 : vector<56x64xi1>, vector<56x64xf32>
    %slice3A_1120 = vector.extract_strided_slice %add3A_64 {offsets = [128, 0], sizes = [56, 256], strides = [1, 1]} : vector<256x768xf32> to vector<56x256xf32>
    %slice3A_1121 = vector.extract_strided_slice %add3A_64 {offsets = [128, 256], sizes = [64, 256], strides = [1, 1]} : vector<256x768xf32> to vector<64x256xf32>
    %slice3A_1122 = vector.extract_strided_slice %add3A_64 {offsets = [128, 512], sizes = [64, 256], strides = [1, 1]} : vector<256x768xf32> to vector<64x256xf32>
    %slice3A_1123 = vector.extract_strided_slice %slice3A_1120 {offsets = [0, 0], sizes = [56, 32], strides = [1, 1]} : vector<56x256xf32> to vector<56x32xf32>
    %slice3A_1124 = vector.extract_strided_slice %slice3A_1121 {offsets = [0, 0], sizes = [64, 32], strides = [1, 1]} : vector<64x256xf32> to vector<64x32xf32>
    %slice3A_1125 = vector.extract_strided_slice %slice3A_1122 {offsets = [0, 0], sizes = [64, 32], strides = [1, 1]} : vector<64x256xf32> to vector<64x32xf32>
    %dot_general3A_1126 = arith.constant dense<0.000000e+00> : vector<56x64xf32>
    %dot_general3A_1127 = tpu.matmul %slice3A_1123, %slice3A_1124, %dot_general3A_1126 {dimension_numbers = #tpu.dot_dimension_numbers<[1], [1], [0], [0], [0, 0, 1, 0], [], []>, transpose_lhs_hint = false} : vector<56x32xf32>, vector<64x32xf32>, vector<56x64xf32> -> vector<56x64xf32>
    %mul3A_1128 = arith.constant 0.176776692 : f32
    %mul3A_1129 = vector.broadcast %mul3A_1128 : f32 to vector<56x64xf32>
    %mul3A_1130 = arith.mulf %dot_general3A_1127, %mul3A_1129 : vector<56x64xf32>
    %add3A_1131 = arith.addf %mul3A_1130, %select_n3A_1095 : vector<56x64xf32>
    %jit3A_1132 = arith.constant -1.000000e+30 : f32
    %broadcast_in_dim3A_1133 = vector.broadcast %jit3A_1132 : f32 to vector<56x64xf32>
    %select_n3A_1134 = arith.select %and3A_1087, %add3A_1131, %broadcast_in_dim3A_1133 : vector<56x64xi1>, vector<56x64xf32>
    %reduce_max3A_1135 = arith.constant dense<0xFF800000> : vector<56xf32>
    %reduce_max3A_1136 = vector.multi_reduction <maximumf>, %select_n3A_1134, %reduce_max3A_1135 [1] : vector<56x64xf32> to vector<56xf32>
    %broadcast_in_dim3A_1137 = vector.shape_cast %reduce_max3A_1136 : vector<56xf32> to vector<56x1xf32>
    %sub3A_1138 = vector.broadcast %broadcast_in_dim3A_1137 : vector<56x1xf32> to vector<56x64xf32>
    %sub3A_1139 = arith.subf %select_n3A_1134, %sub3A_1138 : vector<56x64xf32>
    %exp3A_1140 = math.exp %sub3A_1139 : vector<56x64xf32>
    %reduce_sum3A_1141 = arith.constant dense<0.000000e+00> : vector<56xf32>
    %reduce_sum3A_1142 = vector.multi_reduction <add>, %exp3A_1140, %reduce_sum3A_1141 [1] : vector<56x64xf32> to vector<56xf32>
    %broadcast_in_dim3A_1143 = vector.shape_cast %reduce_sum3A_1142 : vector<56xf32> to vector<56x1xf32>
    %div3A_1144 = vector.broadcast %broadcast_in_dim3A_1143 : vector<56x1xf32> to vector<56x64xf32>
    %div3A_1145 = arith.divf %exp3A_1140, %div3A_1144 : vector<56x64xf32>
    %get3A_1146 = arith.constant 0 : index
    %get3A_1147 = arith.constant 0 : index
    %get3A_1148 = memref.load %arg12[%get3A_1146, %get3A_1147] : memref<4x8xf32, #tpu.memory_space<smem>>
    %mul3A_1149 = vector.broadcast %get3A_1148 : f32 to vector<56x64xf32>
    %mul3A_1150 = arith.mulf %select_n3A_1103, %mul3A_1149 : vector<56x64xf32>
    %get3A_1151 = arith.constant 1 : index
    %get3A_1152 = arith.constant 0 : index
    %get3A_1153 = memref.load %arg12[%get3A_1151, %get3A_1152] : memref<4x8xf32, #tpu.memory_space<smem>>
    %mul3A_1154 = vector.broadcast %get3A_1153 : f32 to vector<56x64xf32>
    %mul3A_1155 = arith.mulf %select_n3A_1111, %mul3A_1154 : vector<56x64xf32>
    %add3A_1156 = arith.addf %mul3A_1150, %mul3A_1155 : vector<56x64xf32>
    %get3A_1157 = arith.constant 2 : index
    %get3A_1158 = arith.constant 0 : index
    %get3A_1159 = memref.load %arg12[%get3A_1157, %get3A_1158] : memref<4x8xf32, #tpu.memory_space<smem>>
    %mul3A_1160 = vector.broadcast %get3A_1159 : f32 to vector<56x64xf32>
    %mul3A_1161 = arith.mulf %select_n3A_1119, %mul3A_1160 : vector<56x64xf32>
    %add3A_1162 = arith.addf %add3A_1156, %mul3A_1161 : vector<56x64xf32>
    %get3A_1163 = arith.constant 3 : index
    %get3A_1164 = arith.constant 0 : index
    %get3A_1165 = memref.load %arg12[%get3A_1163, %get3A_1164] : memref<4x8xf32, #tpu.memory_space<smem>>
    %mul3A_1166 = vector.broadcast %get3A_1165 : f32 to vector<56x64xf32>
    %mul3A_1167 = arith.mulf %select_n3A_1095, %mul3A_1166 : vector<56x64xf32>
    %add3A_1168 = arith.addf %add3A_1162, %mul3A_1167 : vector<56x64xf32>
    %get3A_1169 = arith.constant 0 : index
    %get3A_1170 = arith.constant 0 : index
    %get3A_1171 = memref.load %arg13[%get3A_1169, %get3A_1170] : memref<1x8xf32, #tpu.memory_space<smem>>
    %add3A_1172 = vector.broadcast %get3A_1171 : f32 to vector<56x64xf32>
    %add3A_1173 = arith.addf %add3A_1168, %add3A_1172 : vector<56x64xf32>
    %jit3A_1174 = arith.constant 0.000000e+00 : f32
    %broadcast_in_dim3A_1175 = vector.broadcast %jit3A_1174 : f32 to vector<56x64xf32>
    %select_n3A_1176 = arith.select %and3A_1087, %add3A_1173, %broadcast_in_dim3A_1175 : vector<56x64xi1>, vector<56x64xf32>
    %add3A_1177 = arith.addf %div3A_1145, %select_n3A_1176 : vector<56x64xf32>
    %dot_general3A_1178 = arith.constant dense<0.000000e+00> : vector<56x32xf32>
    %dot_general3A_1179 = tpu.matmul %add3A_1177, %slice3A_1125, %dot_general3A_1178 {dimension_numbers = #tpu.dot_dimension_numbers<[1], [0], [0], [1], [0, 0, 1, 1], [], []>, transpose_lhs_hint = false} : vector<56x64xf32>, vector<64x32xf32>, vector<56x32xf32> -> vector<56x32xf32>
    %slice3A_1180 = vector.extract_strided_slice %slice3A_1120 {offsets = [0, 32], sizes = [56, 32], strides = [1, 1]} : vector<56x256xf32> to vector<56x32xf32>
    %slice3A_1181 = vector.extract_strided_slice %slice3A_1121 {offsets = [0, 32], sizes = [64, 32], strides = [1, 1]} : vector<64x256xf32> to vector<64x32xf32>
    %slice3A_1182 = vector.extract_strided_slice %slice3A_1122 {offsets = [0, 32], sizes = [64, 32], strides = [1, 1]} : vector<64x256xf32> to vector<64x32xf32>
    %dot_general3A_1183 = arith.constant dense<0.000000e+00> : vector<56x64xf32>
    %dot_general3A_1184 = tpu.matmul %slice3A_1180, %slice3A_1181, %dot_general3A_1183 {dimension_numbers = #tpu.dot_dimension_numbers<[1], [1], [0], [0], [0, 0, 1, 0], [], []>, transpose_lhs_hint = false} : vector<56x32xf32>, vector<64x32xf32>, vector<56x64xf32> -> vector<56x64xf32>
    %mul3A_1185 = arith.constant 0.176776692 : f32
    %mul3A_1186 = vector.broadcast %mul3A_1185 : f32 to vector<56x64xf32>
    %mul3A_1187 = arith.mulf %dot_general3A_1184, %mul3A_1186 : vector<56x64xf32>
    %add3A_1188 = arith.addf %mul3A_1187, %select_n3A_1095 : vector<56x64xf32>
    %jit3A_1189 = arith.constant -1.000000e+30 : f32
    %broadcast_in_dim3A_1190 = vector.broadcast %jit3A_1189 : f32 to vector<56x64xf32>
    %select_n3A_1191 = arith.select %and3A_1087, %add3A_1188, %broadcast_in_dim3A_1190 : vector<56x64xi1>, vector<56x64xf32>
    %reduce_max3A_1192 = arith.constant dense<0xFF800000> : vector<56xf32>
    %reduce_max3A_1193 = vector.multi_reduction <maximumf>, %select_n3A_1191, %reduce_max3A_1192 [1] : vector<56x64xf32> to vector<56xf32>
    %broadcast_in_dim3A_1194 = vector.shape_cast %reduce_max3A_1193 : vector<56xf32> to vector<56x1xf32>
    %sub3A_1195 = vector.broadcast %broadcast_in_dim3A_1194 : vector<56x1xf32> to vector<56x64xf32>
    %sub3A_1196 = arith.subf %select_n3A_1191, %sub3A_1195 : vector<56x64xf32>
    %exp3A_1197 = math.exp %sub3A_1196 : vector<56x64xf32>
    %reduce_sum3A_1198 = arith.constant dense<0.000000e+00> : vector<56xf32>
    %reduce_sum3A_1199 = vector.multi_reduction <add>, %exp3A_1197, %reduce_sum3A_1198 [1] : vector<56x64xf32> to vector<56xf32>
    %broadcast_in_dim3A_1200 = vector.shape_cast %reduce_sum3A_1199 : vector<56xf32> to vector<56x1xf32>
    %div3A_1201 = vector.broadcast %broadcast_in_dim3A_1200 : vector<56x1xf32> to vector<56x64xf32>
    %div3A_1202 = arith.divf %exp3A_1197, %div3A_1201 : vector<56x64xf32>
    %get3A_1203 = arith.constant 0 : index
    %get3A_1204 = arith.constant 1 : index
    %get3A_1205 = memref.load %arg12[%get3A_1203, %get3A_1204] : memref<4x8xf32, #tpu.memory_space<smem>>
    %mul3A_1206 = vector.broadcast %get3A_1205 : f32 to vector<56x64xf32>
    %mul3A_1207 = arith.mulf %select_n3A_1103, %mul3A_1206 : vector<56x64xf32>
    %get3A_1208 = arith.constant 1 : index
    %get3A_1209 = arith.constant 1 : index
    %get3A_1210 = memref.load %arg12[%get3A_1208, %get3A_1209] : memref<4x8xf32, #tpu.memory_space<smem>>
    %mul3A_1211 = vector.broadcast %get3A_1210 : f32 to vector<56x64xf32>
    %mul3A_1212 = arith.mulf %select_n3A_1111, %mul3A_1211 : vector<56x64xf32>
    %add3A_1213 = arith.addf %mul3A_1207, %mul3A_1212 : vector<56x64xf32>
    %get3A_1214 = arith.constant 2 : index
    %get3A_1215 = arith.constant 1 : index
    %get3A_1216 = memref.load %arg12[%get3A_1214, %get3A_1215] : memref<4x8xf32, #tpu.memory_space<smem>>
    %mul3A_1217 = vector.broadcast %get3A_1216 : f32 to vector<56x64xf32>
    %mul3A_1218 = arith.mulf %select_n3A_1119, %mul3A_1217 : vector<56x64xf32>
    %add3A_1219 = arith.addf %add3A_1213, %mul3A_1218 : vector<56x64xf32>
    %get3A_1220 = arith.constant 3 : index
    %get3A_1221 = arith.constant 1 : index
    %get3A_1222 = memref.load %arg12[%get3A_1220, %get3A_1221] : memref<4x8xf32, #tpu.memory_space<smem>>
    %mul3A_1223 = vector.broadcast %get3A_1222 : f32 to vector<56x64xf32>
    %mul3A_1224 = arith.mulf %select_n3A_1095, %mul3A_1223 : vector<56x64xf32>
    %add3A_1225 = arith.addf %add3A_1219, %mul3A_1224 : vector<56x64xf32>
    %get3A_1226 = arith.constant 0 : index
    %get3A_1227 = arith.constant 1 : index
    %get3A_1228 = memref.load %arg13[%get3A_1226, %get3A_1227] : memref<1x8xf32, #tpu.memory_space<smem>>
    %add3A_1229 = vector.broadcast %get3A_1228 : f32 to vector<56x64xf32>
    %add3A_1230 = arith.addf %add3A_1225, %add3A_1229 : vector<56x64xf32>
    %jit3A_1231 = arith.constant 0.000000e+00 : f32
    %broadcast_in_dim3A_1232 = vector.broadcast %jit3A_1231 : f32 to vector<56x64xf32>
    %select_n3A_1233 = arith.select %and3A_1087, %add3A_1230, %broadcast_in_dim3A_1232 : vector<56x64xi1>, vector<56x64xf32>
    %add3A_1234 = arith.addf %div3A_1202, %select_n3A_1233 : vector<56x64xf32>
    %dot_general3A_1235 = arith.constant dense<0.000000e+00> : vector<56x32xf32>
    %dot_general3A_1236 = tpu.matmul %add3A_1234, %slice3A_1182, %dot_general3A_1235 {dimension_numbers = #tpu.dot_dimension_numbers<[1], [0], [0], [1], [0, 0, 1, 1], [], []>, transpose_lhs_hint = false} : vector<56x64xf32>, vector<64x32xf32>, vector<56x32xf32> -> vector<56x32xf32>
    %slice3A_1237 = vector.extract_strided_slice %slice3A_1120 {offsets = [0, 64], sizes = [56, 32], strides = [1, 1]} : vector<56x256xf32> to vector<56x32xf32>
    %slice3A_1238 = vector.extract_strided_slice %slice3A_1121 {offsets = [0, 64], sizes = [64, 32], strides = [1, 1]} : vector<64x256xf32> to vector<64x32xf32>
    %slice3A_1239 = vector.extract_strided_slice %slice3A_1122 {offsets = [0, 64], sizes = [64, 32], strides = [1, 1]} : vector<64x256xf32> to vector<64x32xf32>
    %dot_general3A_1240 = arith.constant dense<0.000000e+00> : vector<56x64xf32>
    %dot_general3A_1241 = tpu.matmul %slice3A_1237, %slice3A_1238, %dot_general3A_1240 {dimension_numbers = #tpu.dot_dimension_numbers<[1], [1], [0], [0], [0, 0, 1, 0], [], []>, transpose_lhs_hint = false} : vector<56x32xf32>, vector<64x32xf32>, vector<56x64xf32> -> vector<56x64xf32>
    %mul3A_1242 = arith.constant 0.176776692 : f32
    %mul3A_1243 = vector.broadcast %mul3A_1242 : f32 to vector<56x64xf32>
    %mul3A_1244 = arith.mulf %dot_general3A_1241, %mul3A_1243 : vector<56x64xf32>
    %add3A_1245 = arith.addf %mul3A_1244, %select_n3A_1095 : vector<56x64xf32>
    %jit3A_1246 = arith.constant -1.000000e+30 : f32
    %broadcast_in_dim3A_1247 = vector.broadcast %jit3A_1246 : f32 to vector<56x64xf32>
    %select_n3A_1248 = arith.select %and3A_1087, %add3A_1245, %broadcast_in_dim3A_1247 : vector<56x64xi1>, vector<56x64xf32>
    %reduce_max3A_1249 = arith.constant dense<0xFF800000> : vector<56xf32>
    %reduce_max3A_1250 = vector.multi_reduction <maximumf>, %select_n3A_1248, %reduce_max3A_1249 [1] : vector<56x64xf32> to vector<56xf32>
    %broadcast_in_dim3A_1251 = vector.shape_cast %reduce_max3A_1250 : vector<56xf32> to vector<56x1xf32>
    %sub3A_1252 = vector.broadcast %broadcast_in_dim3A_1251 : vector<56x1xf32> to vector<56x64xf32>
    %sub3A_1253 = arith.subf %select_n3A_1248, %sub3A_1252 : vector<56x64xf32>
    %exp3A_1254 = math.exp %sub3A_1253 : vector<56x64xf32>
    %reduce_sum3A_1255 = arith.constant dense<0.000000e+00> : vector<56xf32>
    %reduce_sum3A_1256 = vector.multi_reduction <add>, %exp3A_1254, %reduce_sum3A_1255 [1] : vector<56x64xf32> to vector<56xf32>
    %broadcast_in_dim3A_1257 = vector.shape_cast %reduce_sum3A_1256 : vector<56xf32> to vector<56x1xf32>
    %div3A_1258 = vector.broadcast %broadcast_in_dim3A_1257 : vector<56x1xf32> to vector<56x64xf32>
    %div3A_1259 = arith.divf %exp3A_1254, %div3A_1258 : vector<56x64xf32>
    %get3A_1260 = arith.constant 0 : index
    %get3A_1261 = arith.constant 2 : index
    %get3A_1262 = memref.load %arg12[%get3A_1260, %get3A_1261] : memref<4x8xf32, #tpu.memory_space<smem>>
    %mul3A_1263 = vector.broadcast %get3A_1262 : f32 to vector<56x64xf32>
    %mul3A_1264 = arith.mulf %select_n3A_1103, %mul3A_1263 : vector<56x64xf32>
    %get3A_1265 = arith.constant 1 : index
    %get3A_1266 = arith.constant 2 : index
    %get3A_1267 = memref.load %arg12[%get3A_1265, %get3A_1266] : memref<4x8xf32, #tpu.memory_space<smem>>
    %mul3A_1268 = vector.broadcast %get3A_1267 : f32 to vector<56x64xf32>
    %mul3A_1269 = arith.mulf %select_n3A_1111, %mul3A_1268 : vector<56x64xf32>
    %add3A_1270 = arith.addf %mul3A_1264, %mul3A_1269 : vector<56x64xf32>
    %get3A_1271 = arith.constant 2 : index
    %get3A_1272 = arith.constant 2 : index
    %get3A_1273 = memref.load %arg12[%get3A_1271, %get3A_1272] : memref<4x8xf32, #tpu.memory_space<smem>>
    %mul3A_1274 = vector.broadcast %get3A_1273 : f32 to vector<56x64xf32>
    %mul3A_1275 = arith.mulf %select_n3A_1119, %mul3A_1274 : vector<56x64xf32>
    %add3A_1276 = arith.addf %add3A_1270, %mul3A_1275 : vector<56x64xf32>
    %get3A_1277 = arith.constant 3 : index
    %get3A_1278 = arith.constant 2 : index
    %get3A_1279 = memref.load %arg12[%get3A_1277, %get3A_1278] : memref<4x8xf32, #tpu.memory_space<smem>>
    %mul3A_1280 = vector.broadcast %get3A_1279 : f32 to vector<56x64xf32>
    %mul3A_1281 = arith.mulf %select_n3A_1095, %mul3A_1280 : vector<56x64xf32>
    %add3A_1282 = arith.addf %add3A_1276, %mul3A_1281 : vector<56x64xf32>
    %get3A_1283 = arith.constant 0 : index
    %get3A_1284 = arith.constant 2 : index
    %get3A_1285 = memref.load %arg13[%get3A_1283, %get3A_1284] : memref<1x8xf32, #tpu.memory_space<smem>>
    %add3A_1286 = vector.broadcast %get3A_1285 : f32 to vector<56x64xf32>
    %add3A_1287 = arith.addf %add3A_1282, %add3A_1286 : vector<56x64xf32>
    %jit3A_1288 = arith.constant 0.000000e+00 : f32
    %broadcast_in_dim3A_1289 = vector.broadcast %jit3A_1288 : f32 to vector<56x64xf32>
    %select_n3A_1290 = arith.select %and3A_1087, %add3A_1287, %broadcast_in_dim3A_1289 : vector<56x64xi1>, vector<56x64xf32>
    %add3A_1291 = arith.addf %div3A_1259, %select_n3A_1290 : vector<56x64xf32>
    %dot_general3A_1292 = arith.constant dense<0.000000e+00> : vector<56x32xf32>
    %dot_general3A_1293 = tpu.matmul %add3A_1291, %slice3A_1239, %dot_general3A_1292 {dimension_numbers = #tpu.dot_dimension_numbers<[1], [0], [0], [1], [0, 0, 1, 1], [], []>, transpose_lhs_hint = false} : vector<56x64xf32>, vector<64x32xf32>, vector<56x32xf32> -> vector<56x32xf32>
    %slice3A_1294 = vector.extract_strided_slice %slice3A_1120 {offsets = [0, 96], sizes = [56, 32], strides = [1, 1]} : vector<56x256xf32> to vector<56x32xf32>
    %slice3A_1295 = vector.extract_strided_slice %slice3A_1121 {offsets = [0, 96], sizes = [64, 32], strides = [1, 1]} : vector<64x256xf32> to vector<64x32xf32>
    %slice3A_1296 = vector.extract_strided_slice %slice3A_1122 {offsets = [0, 96], sizes = [64, 32], strides = [1, 1]} : vector<64x256xf32> to vector<64x32xf32>
    %dot_general3A_1297 = arith.constant dense<0.000000e+00> : vector<56x64xf32>
    %dot_general3A_1298 = tpu.matmul %slice3A_1294, %slice3A_1295, %dot_general3A_1297 {dimension_numbers = #tpu.dot_dimension_numbers<[1], [1], [0], [0], [0, 0, 1, 0], [], []>, transpose_lhs_hint = false} : vector<56x32xf32>, vector<64x32xf32>, vector<56x64xf32> -> vector<56x64xf32>
    %mul3A_1299 = arith.constant 0.176776692 : f32
    %mul3A_1300 = vector.broadcast %mul3A_1299 : f32 to vector<56x64xf32>
    %mul3A_1301 = arith.mulf %dot_general3A_1298, %mul3A_1300 : vector<56x64xf32>
    %add3A_1302 = arith.addf %mul3A_1301, %select_n3A_1095 : vector<56x64xf32>
    %jit3A_1303 = arith.constant -1.000000e+30 : f32
    %broadcast_in_dim3A_1304 = vector.broadcast %jit3A_1303 : f32 to vector<56x64xf32>
    %select_n3A_1305 = arith.select %and3A_1087, %add3A_1302, %broadcast_in_dim3A_1304 : vector<56x64xi1>, vector<56x64xf32>
    %reduce_max3A_1306 = arith.constant dense<0xFF800000> : vector<56xf32>
    %reduce_max3A_1307 = vector.multi_reduction <maximumf>, %select_n3A_1305, %reduce_max3A_1306 [1] : vector<56x64xf32> to vector<56xf32>
    %broadcast_in_dim3A_1308 = vector.shape_cast %reduce_max3A_1307 : vector<56xf32> to vector<56x1xf32>
    %sub3A_1309 = vector.broadcast %broadcast_in_dim3A_1308 : vector<56x1xf32> to vector<56x64xf32>
    %sub3A_1310 = arith.subf %select_n3A_1305, %sub3A_1309 : vector<56x64xf32>
    %exp3A_1311 = math.exp %sub3A_1310 : vector<56x64xf32>
    %reduce_sum3A_1312 = arith.constant dense<0.000000e+00> : vector<56xf32>
    %reduce_sum3A_1313 = vector.multi_reduction <add>, %exp3A_1311, %reduce_sum3A_1312 [1] : vector<56x64xf32> to vector<56xf32>
    %broadcast_in_dim3A_1314 = vector.shape_cast %reduce_sum3A_1313 : vector<56xf32> to vector<56x1xf32>
    %div3A_1315 = vector.broadcast %broadcast_in_dim3A_1314 : vector<56x1xf32> to vector<56x64xf32>
    %div3A_1316 = arith.divf %exp3A_1311, %div3A_1315 : vector<56x64xf32>
    %get3A_1317 = arith.constant 0 : index
    %get3A_1318 = arith.constant 3 : index
    %get3A_1319 = memref.load %arg12[%get3A_1317, %get3A_1318] : memref<4x8xf32, #tpu.memory_space<smem>>
    %mul3A_1320 = vector.broadcast %get3A_1319 : f32 to vector<56x64xf32>
    %mul3A_1321 = arith.mulf %select_n3A_1103, %mul3A_1320 : vector<56x64xf32>
    %get3A_1322 = arith.constant 1 : index
    %get3A_1323 = arith.constant 3 : index
    %get3A_1324 = memref.load %arg12[%get3A_1322, %get3A_1323] : memref<4x8xf32, #tpu.memory_space<smem>>
    %mul3A_1325 = vector.broadcast %get3A_1324 : f32 to vector<56x64xf32>
    %mul3A_1326 = arith.mulf %select_n3A_1111, %mul3A_1325 : vector<56x64xf32>
    %add3A_1327 = arith.addf %mul3A_1321, %mul3A_1326 : vector<56x64xf32>
    %get3A_1328 = arith.constant 2 : index
    %get3A_1329 = arith.constant 3 : index
    %get3A_1330 = memref.load %arg12[%get3A_1328, %get3A_1329] : memref<4x8xf32, #tpu.memory_space<smem>>
    %mul3A_1331 = vector.broadcast %get3A_1330 : f32 to vector<56x64xf32>
    %mul3A_1332 = arith.mulf %select_n3A_1119, %mul3A_1331 : vector<56x64xf32>
    %add3A_1333 = arith.addf %add3A_1327, %mul3A_1332 : vector<56x64xf32>
    %get3A_1334 = arith.constant 3 : index
    %get3A_1335 = arith.constant 3 : index
    %get3A_1336 = memref.load %arg12[%get3A_1334, %get3A_1335] : memref<4x8xf32, #tpu.memory_space<smem>>
    %mul3A_1337 = vector.broadcast %get3A_1336 : f32 to vector<56x64xf32>
    %mul3A_1338 = arith.mulf %select_n3A_1095, %mul3A_1337 : vector<56x64xf32>
    %add3A_1339 = arith.addf %add3A_1333, %mul3A_1338 : vector<56x64xf32>
    %get3A_1340 = arith.constant 0 : index
    %get3A_1341 = arith.constant 3 : index
    %get3A_1342 = memref.load %arg13[%get3A_1340, %get3A_1341] : memref<1x8xf32, #tpu.memory_space<smem>>
    %add3A_1343 = vector.broadcast %get3A_1342 : f32 to vector<56x64xf32>
    %add3A_1344 = arith.addf %add3A_1339, %add3A_1343 : vector<56x64xf32>
    %jit3A_1345 = arith.constant 0.000000e+00 : f32
    %broadcast_in_dim3A_1346 = vector.broadcast %jit3A_1345 : f32 to vector<56x64xf32>
    %select_n3A_1347 = arith.select %and3A_1087, %add3A_1344, %broadcast_in_dim3A_1346 : vector<56x64xi1>, vector<56x64xf32>
    %add3A_1348 = arith.addf %div3A_1316, %select_n3A_1347 : vector<56x64xf32>
    %dot_general3A_1349 = arith.constant dense<0.000000e+00> : vector<56x32xf32>
    %dot_general3A_1350 = tpu.matmul %add3A_1348, %slice3A_1296, %dot_general3A_1349 {dimension_numbers = #tpu.dot_dimension_numbers<[1], [0], [0], [1], [0, 0, 1, 1], [], []>, transpose_lhs_hint = false} : vector<56x64xf32>, vector<64x32xf32>, vector<56x32xf32> -> vector<56x32xf32>
    %slice3A_1351 = vector.extract_strided_slice %slice3A_1120 {offsets = [0, 128], sizes = [56, 32], strides = [1, 1]} : vector<56x256xf32> to vector<56x32xf32>
    %slice3A_1352 = vector.extract_strided_slice %slice3A_1121 {offsets = [0, 128], sizes = [64, 32], strides = [1, 1]} : vector<64x256xf32> to vector<64x32xf32>
    %slice3A_1353 = vector.extract_strided_slice %slice3A_1122 {offsets = [0, 128], sizes = [64, 32], strides = [1, 1]} : vector<64x256xf32> to vector<64x32xf32>
    %dot_general3A_1354 = arith.constant dense<0.000000e+00> : vector<56x64xf32>
    %dot_general3A_1355 = tpu.matmul %slice3A_1351, %slice3A_1352, %dot_general3A_1354 {dimension_numbers = #tpu.dot_dimension_numbers<[1], [1], [0], [0], [0, 0, 1, 0], [], []>, transpose_lhs_hint = false} : vector<56x32xf32>, vector<64x32xf32>, vector<56x64xf32> -> vector<56x64xf32>
    %mul3A_1356 = arith.constant 0.176776692 : f32
    %mul3A_1357 = vector.broadcast %mul3A_1356 : f32 to vector<56x64xf32>
    %mul3A_1358 = arith.mulf %dot_general3A_1355, %mul3A_1357 : vector<56x64xf32>
    %add3A_1359 = arith.addf %mul3A_1358, %select_n3A_1095 : vector<56x64xf32>
    %jit3A_1360 = arith.constant -1.000000e+30 : f32
    %broadcast_in_dim3A_1361 = vector.broadcast %jit3A_1360 : f32 to vector<56x64xf32>
    %select_n3A_1362 = arith.select %and3A_1087, %add3A_1359, %broadcast_in_dim3A_1361 : vector<56x64xi1>, vector<56x64xf32>
    %reduce_max3A_1363 = arith.constant dense<0xFF800000> : vector<56xf32>
    %reduce_max3A_1364 = vector.multi_reduction <maximumf>, %select_n3A_1362, %reduce_max3A_1363 [1] : vector<56x64xf32> to vector<56xf32>
    %broadcast_in_dim3A_1365 = vector.shape_cast %reduce_max3A_1364 : vector<56xf32> to vector<56x1xf32>
    %sub3A_1366 = vector.broadcast %broadcast_in_dim3A_1365 : vector<56x1xf32> to vector<56x64xf32>
    %sub3A_1367 = arith.subf %select_n3A_1362, %sub3A_1366 : vector<56x64xf32>
    %exp3A_1368 = math.exp %sub3A_1367 : vector<56x64xf32>
    %reduce_sum3A_1369 = arith.constant dense<0.000000e+00> : vector<56xf32>
    %reduce_sum3A_1370 = vector.multi_reduction <add>, %exp3A_1368, %reduce_sum3A_1369 [1] : vector<56x64xf32> to vector<56xf32>
    %broadcast_in_dim3A_1371 = vector.shape_cast %reduce_sum3A_1370 : vector<56xf32> to vector<56x1xf32>
    %div3A_1372 = vector.broadcast %broadcast_in_dim3A_1371 : vector<56x1xf32> to vector<56x64xf32>
    %div3A_1373 = arith.divf %exp3A_1368, %div3A_1372 : vector<56x64xf32>
    %get3A_1374 = arith.constant 0 : index
    %get3A_1375 = arith.constant 4 : index
    %get3A_1376 = memref.load %arg12[%get3A_1374, %get3A_1375] : memref<4x8xf32, #tpu.memory_space<smem>>
    %mul3A_1377 = vector.broadcast %get3A_1376 : f32 to vector<56x64xf32>
    %mul3A_1378 = arith.mulf %select_n3A_1103, %mul3A_1377 : vector<56x64xf32>
    %get3A_1379 = arith.constant 1 : index
    %get3A_1380 = arith.constant 4 : index
    %get3A_1381 = memref.load %arg12[%get3A_1379, %get3A_1380] : memref<4x8xf32, #tpu.memory_space<smem>>
    %mul3A_1382 = vector.broadcast %get3A_1381 : f32 to vector<56x64xf32>
    %mul3A_1383 = arith.mulf %select_n3A_1111, %mul3A_1382 : vector<56x64xf32>
    %add3A_1384 = arith.addf %mul3A_1378, %mul3A_1383 : vector<56x64xf32>
    %get3A_1385 = arith.constant 2 : index
    %get3A_1386 = arith.constant 4 : index
    %get3A_1387 = memref.load %arg12[%get3A_1385, %get3A_1386] : memref<4x8xf32, #tpu.memory_space<smem>>
    %mul3A_1388 = vector.broadcast %get3A_1387 : f32 to vector<56x64xf32>
    %mul3A_1389 = arith.mulf %select_n3A_1119, %mul3A_1388 : vector<56x64xf32>
    %add3A_1390 = arith.addf %add3A_1384, %mul3A_1389 : vector<56x64xf32>
    %get3A_1391 = arith.constant 3 : index
    %get3A_1392 = arith.constant 4 : index
    %get3A_1393 = memref.load %arg12[%get3A_1391, %get3A_1392] : memref<4x8xf32, #tpu.memory_space<smem>>
    %mul3A_1394 = vector.broadcast %get3A_1393 : f32 to vector<56x64xf32>
    %mul3A_1395 = arith.mulf %select_n3A_1095, %mul3A_1394 : vector<56x64xf32>
    %add3A_1396 = arith.addf %add3A_1390, %mul3A_1395 : vector<56x64xf32>
    %get3A_1397 = arith.constant 0 : index
    %get3A_1398 = arith.constant 4 : index
    %get3A_1399 = memref.load %arg13[%get3A_1397, %get3A_1398] : memref<1x8xf32, #tpu.memory_space<smem>>
    %add3A_1400 = vector.broadcast %get3A_1399 : f32 to vector<56x64xf32>
    %add3A_1401 = arith.addf %add3A_1396, %add3A_1400 : vector<56x64xf32>
    %jit3A_1402 = arith.constant 0.000000e+00 : f32
    %broadcast_in_dim3A_1403 = vector.broadcast %jit3A_1402 : f32 to vector<56x64xf32>
    %select_n3A_1404 = arith.select %and3A_1087, %add3A_1401, %broadcast_in_dim3A_1403 : vector<56x64xi1>, vector<56x64xf32>
    %add3A_1405 = arith.addf %div3A_1373, %select_n3A_1404 : vector<56x64xf32>
    %dot_general3A_1406 = arith.constant dense<0.000000e+00> : vector<56x32xf32>
    %dot_general3A_1407 = tpu.matmul %add3A_1405, %slice3A_1353, %dot_general3A_1406 {dimension_numbers = #tpu.dot_dimension_numbers<[1], [0], [0], [1], [0, 0, 1, 1], [], []>, transpose_lhs_hint = false} : vector<56x64xf32>, vector<64x32xf32>, vector<56x32xf32> -> vector<56x32xf32>
    %slice3A_1408 = vector.extract_strided_slice %slice3A_1120 {offsets = [0, 160], sizes = [56, 32], strides = [1, 1]} : vector<56x256xf32> to vector<56x32xf32>
    %slice3A_1409 = vector.extract_strided_slice %slice3A_1121 {offsets = [0, 160], sizes = [64, 32], strides = [1, 1]} : vector<64x256xf32> to vector<64x32xf32>
    %slice3A_1410 = vector.extract_strided_slice %slice3A_1122 {offsets = [0, 160], sizes = [64, 32], strides = [1, 1]} : vector<64x256xf32> to vector<64x32xf32>
    %dot_general3A_1411 = arith.constant dense<0.000000e+00> : vector<56x64xf32>
    %dot_general3A_1412 = tpu.matmul %slice3A_1408, %slice3A_1409, %dot_general3A_1411 {dimension_numbers = #tpu.dot_dimension_numbers<[1], [1], [0], [0], [0, 0, 1, 0], [], []>, transpose_lhs_hint = false} : vector<56x32xf32>, vector<64x32xf32>, vector<56x64xf32> -> vector<56x64xf32>
    %mul3A_1413 = arith.constant 0.176776692 : f32
    %mul3A_1414 = vector.broadcast %mul3A_1413 : f32 to vector<56x64xf32>
    %mul3A_1415 = arith.mulf %dot_general3A_1412, %mul3A_1414 : vector<56x64xf32>
    %add3A_1416 = arith.addf %mul3A_1415, %select_n3A_1095 : vector<56x64xf32>
    %jit3A_1417 = arith.constant -1.000000e+30 : f32
    %broadcast_in_dim3A_1418 = vector.broadcast %jit3A_1417 : f32 to vector<56x64xf32>
    %select_n3A_1419 = arith.select %and3A_1087, %add3A_1416, %broadcast_in_dim3A_1418 : vector<56x64xi1>, vector<56x64xf32>
    %reduce_max3A_1420 = arith.constant dense<0xFF800000> : vector<56xf32>
    %reduce_max3A_1421 = vector.multi_reduction <maximumf>, %select_n3A_1419, %reduce_max3A_1420 [1] : vector<56x64xf32> to vector<56xf32>
    %broadcast_in_dim3A_1422 = vector.shape_cast %reduce_max3A_1421 : vector<56xf32> to vector<56x1xf32>
    %sub3A_1423 = vector.broadcast %broadcast_in_dim3A_1422 : vector<56x1xf32> to vector<56x64xf32>
    %sub3A_1424 = arith.subf %select_n3A_1419, %sub3A_1423 : vector<56x64xf32>
    %exp3A_1425 = math.exp %sub3A_1424 : vector<56x64xf32>
    %reduce_sum3A_1426 = arith.constant dense<0.000000e+00> : vector<56xf32>
    %reduce_sum3A_1427 = vector.multi_reduction <add>, %exp3A_1425, %reduce_sum3A_1426 [1] : vector<56x64xf32> to vector<56xf32>
    %broadcast_in_dim3A_1428 = vector.shape_cast %reduce_sum3A_1427 : vector<56xf32> to vector<56x1xf32>
    %div3A_1429 = vector.broadcast %broadcast_in_dim3A_1428 : vector<56x1xf32> to vector<56x64xf32>
    %div3A_1430 = arith.divf %exp3A_1425, %div3A_1429 : vector<56x64xf32>
    %get3A_1431 = arith.constant 0 : index
    %get3A_1432 = arith.constant 5 : index
    %get3A_1433 = memref.load %arg12[%get3A_1431, %get3A_1432] : memref<4x8xf32, #tpu.memory_space<smem>>
    %mul3A_1434 = vector.broadcast %get3A_1433 : f32 to vector<56x64xf32>
    %mul3A_1435 = arith.mulf %select_n3A_1103, %mul3A_1434 : vector<56x64xf32>
    %get3A_1436 = arith.constant 1 : index
    %get3A_1437 = arith.constant 5 : index
    %get3A_1438 = memref.load %arg12[%get3A_1436, %get3A_1437] : memref<4x8xf32, #tpu.memory_space<smem>>
    %mul3A_1439 = vector.broadcast %get3A_1438 : f32 to vector<56x64xf32>
    %mul3A_1440 = arith.mulf %select_n3A_1111, %mul3A_1439 : vector<56x64xf32>
    %add3A_1441 = arith.addf %mul3A_1435, %mul3A_1440 : vector<56x64xf32>
    %get3A_1442 = arith.constant 2 : index
    %get3A_1443 = arith.constant 5 : index
    %get3A_1444 = memref.load %arg12[%get3A_1442, %get3A_1443] : memref<4x8xf32, #tpu.memory_space<smem>>
    %mul3A_1445 = vector.broadcast %get3A_1444 : f32 to vector<56x64xf32>
    %mul3A_1446 = arith.mulf %select_n3A_1119, %mul3A_1445 : vector<56x64xf32>
    %add3A_1447 = arith.addf %add3A_1441, %mul3A_1446 : vector<56x64xf32>
    %get3A_1448 = arith.constant 3 : index
    %get3A_1449 = arith.constant 5 : index
    %get3A_1450 = memref.load %arg12[%get3A_1448, %get3A_1449] : memref<4x8xf32, #tpu.memory_space<smem>>
    %mul3A_1451 = vector.broadcast %get3A_1450 : f32 to vector<56x64xf32>
    %mul3A_1452 = arith.mulf %select_n3A_1095, %mul3A_1451 : vector<56x64xf32>
    %add3A_1453 = arith.addf %add3A_1447, %mul3A_1452 : vector<56x64xf32>
    %get3A_1454 = arith.constant 0 : index
    %get3A_1455 = arith.constant 5 : index
    %get3A_1456 = memref.load %arg13[%get3A_1454, %get3A_1455] : memref<1x8xf32, #tpu.memory_space<smem>>
    %add3A_1457 = vector.broadcast %get3A_1456 : f32 to vector<56x64xf32>
    %add3A_1458 = arith.addf %add3A_1453, %add3A_1457 : vector<56x64xf32>
    %jit3A_1459 = arith.constant 0.000000e+00 : f32
    %broadcast_in_dim3A_1460 = vector.broadcast %jit3A_1459 : f32 to vector<56x64xf32>
    %select_n3A_1461 = arith.select %and3A_1087, %add3A_1458, %broadcast_in_dim3A_1460 : vector<56x64xi1>, vector<56x64xf32>
    %add3A_1462 = arith.addf %div3A_1430, %select_n3A_1461 : vector<56x64xf32>
    %dot_general3A_1463 = arith.constant dense<0.000000e+00> : vector<56x32xf32>
    %dot_general3A_1464 = tpu.matmul %add3A_1462, %slice3A_1410, %dot_general3A_1463 {dimension_numbers = #tpu.dot_dimension_numbers<[1], [0], [0], [1], [0, 0, 1, 1], [], []>, transpose_lhs_hint = false} : vector<56x64xf32>, vector<64x32xf32>, vector<56x32xf32> -> vector<56x32xf32>
    %slice3A_1465 = vector.extract_strided_slice %slice3A_1120 {offsets = [0, 192], sizes = [56, 32], strides = [1, 1]} : vector<56x256xf32> to vector<56x32xf32>
    %slice3A_1466 = vector.extract_strided_slice %slice3A_1121 {offsets = [0, 192], sizes = [64, 32], strides = [1, 1]} : vector<64x256xf32> to vector<64x32xf32>
    %slice3A_1467 = vector.extract_strided_slice %slice3A_1122 {offsets = [0, 192], sizes = [64, 32], strides = [1, 1]} : vector<64x256xf32> to vector<64x32xf32>
    %dot_general3A_1468 = arith.constant dense<0.000000e+00> : vector<56x64xf32>
    %dot_general3A_1469 = tpu.matmul %slice3A_1465, %slice3A_1466, %dot_general3A_1468 {dimension_numbers = #tpu.dot_dimension_numbers<[1], [1], [0], [0], [0, 0, 1, 0], [], []>, transpose_lhs_hint = false} : vector<56x32xf32>, vector<64x32xf32>, vector<56x64xf32> -> vector<56x64xf32>
    %mul3A_1470 = arith.constant 0.176776692 : f32
    %mul3A_1471 = vector.broadcast %mul3A_1470 : f32 to vector<56x64xf32>
    %mul3A_1472 = arith.mulf %dot_general3A_1469, %mul3A_1471 : vector<56x64xf32>
    %add3A_1473 = arith.addf %mul3A_1472, %select_n3A_1095 : vector<56x64xf32>
    %jit3A_1474 = arith.constant -1.000000e+30 : f32
    %broadcast_in_dim3A_1475 = vector.broadcast %jit3A_1474 : f32 to vector<56x64xf32>
    %select_n3A_1476 = arith.select %and3A_1087, %add3A_1473, %broadcast_in_dim3A_1475 : vector<56x64xi1>, vector<56x64xf32>
    %reduce_max3A_1477 = arith.constant dense<0xFF800000> : vector<56xf32>
    %reduce_max3A_1478 = vector.multi_reduction <maximumf>, %select_n3A_1476, %reduce_max3A_1477 [1] : vector<56x64xf32> to vector<56xf32>
    %broadcast_in_dim3A_1479 = vector.shape_cast %reduce_max3A_1478 : vector<56xf32> to vector<56x1xf32>
    %sub3A_1480 = vector.broadcast %broadcast_in_dim3A_1479 : vector<56x1xf32> to vector<56x64xf32>
    %sub3A_1481 = arith.subf %select_n3A_1476, %sub3A_1480 : vector<56x64xf32>
    %exp3A_1482 = math.exp %sub3A_1481 : vector<56x64xf32>
    %reduce_sum3A_1483 = arith.constant dense<0.000000e+00> : vector<56xf32>
    %reduce_sum3A_1484 = vector.multi_reduction <add>, %exp3A_1482, %reduce_sum3A_1483 [1] : vector<56x64xf32> to vector<56xf32>
    %broadcast_in_dim3A_1485 = vector.shape_cast %reduce_sum3A_1484 : vector<56xf32> to vector<56x1xf32>
    %div3A_1486 = vector.broadcast %broadcast_in_dim3A_1485 : vector<56x1xf32> to vector<56x64xf32>
    %div3A_1487 = arith.divf %exp3A_1482, %div3A_1486 : vector<56x64xf32>
    %get3A_1488 = arith.constant 0 : index
    %get3A_1489 = arith.constant 6 : index
    %get3A_1490 = memref.load %arg12[%get3A_1488, %get3A_1489] : memref<4x8xf32, #tpu.memory_space<smem>>
    %mul3A_1491 = vector.broadcast %get3A_1490 : f32 to vector<56x64xf32>
    %mul3A_1492 = arith.mulf %select_n3A_1103, %mul3A_1491 : vector<56x64xf32>
    %get3A_1493 = arith.constant 1 : index
    %get3A_1494 = arith.constant 6 : index
    %get3A_1495 = memref.load %arg12[%get3A_1493, %get3A_1494] : memref<4x8xf32, #tpu.memory_space<smem>>
    %mul3A_1496 = vector.broadcast %get3A_1495 : f32 to vector<56x64xf32>
    %mul3A_1497 = arith.mulf %select_n3A_1111, %mul3A_1496 : vector<56x64xf32>
    %add3A_1498 = arith.addf %mul3A_1492, %mul3A_1497 : vector<56x64xf32>
    %get3A_1499 = arith.constant 2 : index
    %get3A_1500 = arith.constant 6 : index
    %get3A_1501 = memref.load %arg12[%get3A_1499, %get3A_1500] : memref<4x8xf32, #tpu.memory_space<smem>>
    %mul3A_1502 = vector.broadcast %get3A_1501 : f32 to vector<56x64xf32>
    %mul3A_1503 = arith.mulf %select_n3A_1119, %mul3A_1502 : vector<56x64xf32>
    %add3A_1504 = arith.addf %add3A_1498, %mul3A_1503 : vector<56x64xf32>
    %get3A_1505 = arith.constant 3 : index
    %get3A_1506 = arith.constant 6 : index
    %get3A_1507 = memref.load %arg12[%get3A_1505, %get3A_1506] : memref<4x8xf32, #tpu.memory_space<smem>>
    %mul3A_1508 = vector.broadcast %get3A_1507 : f32 to vector<56x64xf32>
    %mul3A_1509 = arith.mulf %select_n3A_1095, %mul3A_1508 : vector<56x64xf32>
    %add3A_1510 = arith.addf %add3A_1504, %mul3A_1509 : vector<56x64xf32>
    %get3A_1511 = arith.constant 0 : index
    %get3A_1512 = arith.constant 6 : index
    %get3A_1513 = memref.load %arg13[%get3A_1511, %get3A_1512] : memref<1x8xf32, #tpu.memory_space<smem>>
    %add3A_1514 = vector.broadcast %get3A_1513 : f32 to vector<56x64xf32>
    %add3A_1515 = arith.addf %add3A_1510, %add3A_1514 : vector<56x64xf32>
    %jit3A_1516 = arith.constant 0.000000e+00 : f32
    %broadcast_in_dim3A_1517 = vector.broadcast %jit3A_1516 : f32 to vector<56x64xf32>
    %select_n3A_1518 = arith.select %and3A_1087, %add3A_1515, %broadcast_in_dim3A_1517 : vector<56x64xi1>, vector<56x64xf32>
    %add3A_1519 = arith.addf %div3A_1487, %select_n3A_1518 : vector<56x64xf32>
    %dot_general3A_1520 = arith.constant dense<0.000000e+00> : vector<56x32xf32>
    %dot_general3A_1521 = tpu.matmul %add3A_1519, %slice3A_1467, %dot_general3A_1520 {dimension_numbers = #tpu.dot_dimension_numbers<[1], [0], [0], [1], [0, 0, 1, 1], [], []>, transpose_lhs_hint = false} : vector<56x64xf32>, vector<64x32xf32>, vector<56x32xf32> -> vector<56x32xf32>
    %slice3A_1522 = vector.extract_strided_slice %slice3A_1120 {offsets = [0, 224], sizes = [56, 32], strides = [1, 1]} : vector<56x256xf32> to vector<56x32xf32>
    %slice3A_1523 = vector.extract_strided_slice %slice3A_1121 {offsets = [0, 224], sizes = [64, 32], strides = [1, 1]} : vector<64x256xf32> to vector<64x32xf32>
    %slice3A_1524 = vector.extract_strided_slice %slice3A_1122 {offsets = [0, 224], sizes = [64, 32], strides = [1, 1]} : vector<64x256xf32> to vector<64x32xf32>
    %dot_general3A_1525 = arith.constant dense<0.000000e+00> : vector<56x64xf32>
    %dot_general3A_1526 = tpu.matmul %slice3A_1522, %slice3A_1523, %dot_general3A_1525 {dimension_numbers = #tpu.dot_dimension_numbers<[1], [1], [0], [0], [0, 0, 1, 0], [], []>, transpose_lhs_hint = false} : vector<56x32xf32>, vector<64x32xf32>, vector<56x64xf32> -> vector<56x64xf32>
    %mul3A_1527 = arith.constant 0.176776692 : f32
    %mul3A_1528 = vector.broadcast %mul3A_1527 : f32 to vector<56x64xf32>
    %mul3A_1529 = arith.mulf %dot_general3A_1526, %mul3A_1528 : vector<56x64xf32>
    %add3A_1530 = arith.addf %mul3A_1529, %select_n3A_1095 : vector<56x64xf32>
    %jit3A_1531 = arith.constant -1.000000e+30 : f32
    %broadcast_in_dim3A_1532 = vector.broadcast %jit3A_1531 : f32 to vector<56x64xf32>
    %select_n3A_1533 = arith.select %and3A_1087, %add3A_1530, %broadcast_in_dim3A_1532 : vector<56x64xi1>, vector<56x64xf32>
    %reduce_max3A_1534 = arith.constant dense<0xFF800000> : vector<56xf32>
    %reduce_max3A_1535 = vector.multi_reduction <maximumf>, %select_n3A_1533, %reduce_max3A_1534 [1] : vector<56x64xf32> to vector<56xf32>
    %broadcast_in_dim3A_1536 = vector.shape_cast %reduce_max3A_1535 : vector<56xf32> to vector<56x1xf32>
    %sub3A_1537 = vector.broadcast %broadcast_in_dim3A_1536 : vector<56x1xf32> to vector<56x64xf32>
    %sub3A_1538 = arith.subf %select_n3A_1533, %sub3A_1537 : vector<56x64xf32>
    %exp3A_1539 = math.exp %sub3A_1538 : vector<56x64xf32>
    %reduce_sum3A_1540 = arith.constant dense<0.000000e+00> : vector<56xf32>
    %reduce_sum3A_1541 = vector.multi_reduction <add>, %exp3A_1539, %reduce_sum3A_1540 [1] : vector<56x64xf32> to vector<56xf32>
    %broadcast_in_dim3A_1542 = vector.shape_cast %reduce_sum3A_1541 : vector<56xf32> to vector<56x1xf32>
    %div3A_1543 = vector.broadcast %broadcast_in_dim3A_1542 : vector<56x1xf32> to vector<56x64xf32>
    %div3A_1544 = arith.divf %exp3A_1539, %div3A_1543 : vector<56x64xf32>
    %get3A_1545 = arith.constant 0 : index
    %get3A_1546 = arith.constant 7 : index
    %get3A_1547 = memref.load %arg12[%get3A_1545, %get3A_1546] : memref<4x8xf32, #tpu.memory_space<smem>>
    %mul3A_1548 = vector.broadcast %get3A_1547 : f32 to vector<56x64xf32>
    %mul3A_1549 = arith.mulf %select_n3A_1103, %mul3A_1548 : vector<56x64xf32>
    %get3A_1550 = arith.constant 1 : index
    %get3A_1551 = arith.constant 7 : index
    %get3A_1552 = memref.load %arg12[%get3A_1550, %get3A_1551] : memref<4x8xf32, #tpu.memory_space<smem>>
    %mul3A_1553 = vector.broadcast %get3A_1552 : f32 to vector<56x64xf32>
    %mul3A_1554 = arith.mulf %select_n3A_1111, %mul3A_1553 : vector<56x64xf32>
    %add3A_1555 = arith.addf %mul3A_1549, %mul3A_1554 : vector<56x64xf32>
    %get3A_1556 = arith.constant 2 : index
    %get3A_1557 = arith.constant 7 : index
    %get3A_1558 = memref.load %arg12[%get3A_1556, %get3A_1557] : memref<4x8xf32, #tpu.memory_space<smem>>
    %mul3A_1559 = vector.broadcast %get3A_1558 : f32 to vector<56x64xf32>
    %mul3A_1560 = arith.mulf %select_n3A_1119, %mul3A_1559 : vector<56x64xf32>
    %add3A_1561 = arith.addf %add3A_1555, %mul3A_1560 : vector<56x64xf32>
    %get3A_1562 = arith.constant 3 : index
    %get3A_1563 = arith.constant 7 : index
    %get3A_1564 = memref.load %arg12[%get3A_1562, %get3A_1563] : memref<4x8xf32, #tpu.memory_space<smem>>
    %mul3A_1565 = vector.broadcast %get3A_1564 : f32 to vector<56x64xf32>
    %mul3A_1566 = arith.mulf %select_n3A_1095, %mul3A_1565 : vector<56x64xf32>
    %add3A_1567 = arith.addf %add3A_1561, %mul3A_1566 : vector<56x64xf32>
    %get3A_1568 = arith.constant 0 : index
    %get3A_1569 = arith.constant 7 : index
    %get3A_1570 = memref.load %arg13[%get3A_1568, %get3A_1569] : memref<1x8xf32, #tpu.memory_space<smem>>
    %add3A_1571 = vector.broadcast %get3A_1570 : f32 to vector<56x64xf32>
    %add3A_1572 = arith.addf %add3A_1567, %add3A_1571 : vector<56x64xf32>
    %jit3A_1573 = arith.constant 0.000000e+00 : f32
    %broadcast_in_dim3A_1574 = vector.broadcast %jit3A_1573 : f32 to vector<56x64xf32>
    %select_n3A_1575 = arith.select %and3A_1087, %add3A_1572, %broadcast_in_dim3A_1574 : vector<56x64xi1>, vector<56x64xf32>
    %add3A_1576 = arith.addf %div3A_1544, %select_n3A_1575 : vector<56x64xf32>
    %dot_general3A_1577 = arith.constant dense<0.000000e+00> : vector<56x32xf32>
    %dot_general3A_1578 = tpu.matmul %add3A_1576, %slice3A_1524, %dot_general3A_1577 {dimension_numbers = #tpu.dot_dimension_numbers<[1], [0], [0], [1], [0, 0, 1, 1], [], []>, transpose_lhs_hint = false} : vector<56x64xf32>, vector<64x32xf32>, vector<56x32xf32> -> vector<56x32xf32>
    %concatenate3A_1579 = tpu.concatenate %dot_general3A_1179, %dot_general3A_1236, %dot_general3A_1293, %dot_general3A_1350, %dot_general3A_1407, %dot_general3A_1464, %dot_general3A_1521, %dot_general3A_1578 in 1 : vector<56x32xf32>, vector<56x32xf32>, vector<56x32xf32>, vector<56x32xf32>, vector<56x32xf32>, vector<56x32xf32>, vector<56x32xf32>, vector<56x32xf32> -> vector<56x256xf32>
    %swap3A_1580 = arith.constant 112 : index
    %swap3A_1581 = arith.constant 0 : index
    %swap3A_1582 = vector.load %arg16[%swap3A_1580, %swap3A_1581] : memref<224x256xf32, #tpu.memory_space<vmem>>, vector<56x256xf32>
    tpu.vector_store %arg16[%swap3A_1580, %swap3A_1581], %concatenate3A_1579 {strides = array<i32>} : memref<224x256xf32, #tpu.memory_space<vmem>>, vector<56x256xf32>,
    %get3A_1583 = arith.constant 3 : index
    %get3A_1584 = arith.constant 0 : index
    %get3A_1585 = arith.constant 0 : index
    %get3A_1586 = vector.load %arg3[%get3A_1583, %get3A_1584, %get3A_1585] : memref<4x56x64xf32, #tpu.memory_space<vmem>>, vector<1x56x64xf32>
    %get3A_1587 = vector.shape_cast %get3A_1586 : vector<1x56x64xf32> to vector<56x64xf32>
    %lt3A_1588 = arith.constant 51 : i32
    %lt3A_1589 = vector.broadcast %lt3A_1588 : i32 to vector<56x64xi32>
    %lt3A_1590 = arith.cmpi slt, %iota3A, %lt3A_1589 : vector<56x64xi32>
    %ne3A_1591 = arith.constant 0.000000e+00 : f32
    %ne3A_1592 = vector.broadcast %ne3A_1591 : f32 to vector<56x64xf32>
    %ne3A_1593 = arith.cmpf one, %get3A_1587, %ne3A_1592 : vector<56x64xf32>
    %or3A_1594 = arith.ori %or3A, %ne3A_1593 : vector<56x64xi1>
    %and3A_1595 = arith.andi %lt3A_1590, %or3A_1594 : vector<56x64xi1>
    %get3A_1596 = arith.constant 3 : index
    %get3A_1597 = arith.constant 0 : index
    %get3A_1598 = arith.constant 0 : index
    %get3A_1599 = vector.load %arg7[%get3A_1596, %get3A_1597, %get3A_1598] : memref<4x56x64xf32, #tpu.memory_space<vmem>>, vector<1x56x64xf32>
    %get3A_1600 = vector.shape_cast %get3A_1599 : vector<1x56x64xf32> to vector<56x64xf32>
    %jit3A_1601 = arith.constant 1.000000e+00 : f32
    %broadcast_in_dim3A_1602 = vector.broadcast %jit3A_1601 : f32 to vector<56x64xf32>
    %select_n3A_1603 = arith.select %or3A, %broadcast_in_dim3A_1602, %get3A_1600 : vector<56x64xi1>, vector<56x64xf32>
    %get3A_1604 = arith.constant 3 : index
    %get3A_1605 = arith.constant 0 : index
    %get3A_1606 = arith.constant 0 : index
    %get3A_1607 = vector.load %arg4[%get3A_1604, %get3A_1605, %get3A_1606] : memref<4x56x64xf32, #tpu.memory_space<vmem>>, vector<1x56x64xf32>
    %get3A_1608 = vector.shape_cast %get3A_1607 : vector<1x56x64xf32> to vector<56x64xf32>
    %jit3A_1609 = arith.constant 0.000000e+00 : f32
    %broadcast_in_dim3A_1610 = vector.broadcast %jit3A_1609 : f32 to vector<56x64xf32>
    %select_n3A_1611 = arith.select %or3A, %broadcast_in_dim3A_1610, %get3A_1608 : vector<56x64xi1>, vector<56x64xf32>
    %get3A_1612 = arith.constant 3 : index
    %get3A_1613 = arith.constant 0 : index
    %get3A_1614 = arith.constant 0 : index
    %get3A_1615 = vector.load %arg5[%get3A_1612, %get3A_1613, %get3A_1614] : memref<4x56x64xf32, #tpu.memory_space<vmem>>, vector<1x56x64xf32>
    %get3A_1616 = vector.shape_cast %get3A_1615 : vector<1x56x64xf32> to vector<56x64xf32>
    %jit3A_1617 = arith.constant 0.000000e+00 : f32
    %broadcast_in_dim3A_1618 = vector.broadcast %jit3A_1617 : f32 to vector<56x64xf32>
    %select_n3A_1619 = arith.select %or3A, %broadcast_in_dim3A_1618, %get3A_1616 : vector<56x64xi1>, vector<56x64xf32>
    %get3A_1620 = arith.constant 3 : index
    %get3A_1621 = arith.constant 0 : index
    %get3A_1622 = arith.constant 0 : index
    %get3A_1623 = vector.load %arg6[%get3A_1620, %get3A_1621, %get3A_1622] : memref<4x56x64xf32, #tpu.memory_space<vmem>>, vector<1x56x64xf32>
    %get3A_1624 = vector.shape_cast %get3A_1623 : vector<1x56x64xf32> to vector<56x64xf32>
    %jit3A_1625 = arith.constant 0.000000e+00 : f32
    %broadcast_in_dim3A_1626 = vector.broadcast %jit3A_1625 : f32 to vector<56x64xf32>
    %select_n3A_1627 = arith.select %or3A, %broadcast_in_dim3A_1626, %get3A_1624 : vector<56x64xi1>, vector<56x64xf32>
    %slice3A_1628 = vector.extract_strided_slice %add3A_64 {offsets = [192, 0], sizes = [56, 256], strides = [1, 1]} : vector<256x768xf32> to vector<56x256xf32>
    %slice3A_1629 = vector.extract_strided_slice %add3A_64 {offsets = [192, 256], sizes = [64, 256], strides = [1, 1]} : vector<256x768xf32> to vector<64x256xf32>
    %slice3A_1630 = vector.extract_strided_slice %add3A_64 {offsets = [192, 512], sizes = [64, 256], strides = [1, 1]} : vector<256x768xf32> to vector<64x256xf32>
    %slice3A_1631 = vector.extract_strided_slice %slice3A_1628 {offsets = [0, 0], sizes = [56, 32], strides = [1, 1]} : vector<56x256xf32> to vector<56x32xf32>
    %slice3A_1632 = vector.extract_strided_slice %slice3A_1629 {offsets = [0, 0], sizes = [64, 32], strides = [1, 1]} : vector<64x256xf32> to vector<64x32xf32>
    %slice3A_1633 = vector.extract_strided_slice %slice3A_1630 {offsets = [0, 0], sizes = [64, 32], strides = [1, 1]} : vector<64x256xf32> to vector<64x32xf32>
    %dot_general3A_1634 = arith.constant dense<0.000000e+00> : vector<56x64xf32>
    %dot_general3A_1635 = tpu.matmul %slice3A_1631, %slice3A_1632, %dot_general3A_1634 {dimension_numbers = #tpu.dot_dimension_numbers<[1], [1], [0], [0], [0, 0, 1, 0], [], []>, transpose_lhs_hint = false} : vector<56x32xf32>, vector<64x32xf32>, vector<56x64xf32> -> vector<56x64xf32>
    %mul3A_1636 = arith.constant 0.176776692 : f32
    %mul3A_1637 = vector.broadcast %mul3A_1636 : f32 to vector<56x64xf32>
    %mul3A_1638 = arith.mulf %dot_general3A_1635, %mul3A_1637 : vector<56x64xf32>
    %add3A_1639 = arith.addf %mul3A_1638, %select_n3A_1603 : vector<56x64xf32>
    %jit3A_1640 = arith.constant -1.000000e+30 : f32
    %broadcast_in_dim3A_1641 = vector.broadcast %jit3A_1640 : f32 to vector<56x64xf32>
    %select_n3A_1642 = arith.select %and3A_1595, %add3A_1639, %broadcast_in_dim3A_1641 : vector<56x64xi1>, vector<56x64xf32>
    %reduce_max3A_1643 = arith.constant dense<0xFF800000> : vector<56xf32>
    %reduce_max3A_1644 = vector.multi_reduction <maximumf>, %select_n3A_1642, %reduce_max3A_1643 [1] : vector<56x64xf32> to vector<56xf32>
    %broadcast_in_dim3A_1645 = vector.shape_cast %reduce_max3A_1644 : vector<56xf32> to vector<56x1xf32>
    %sub3A_1646 = vector.broadcast %broadcast_in_dim3A_1645 : vector<56x1xf32> to vector<56x64xf32>
    %sub3A_1647 = arith.subf %select_n3A_1642, %sub3A_1646 : vector<56x64xf32>
    %exp3A_1648 = math.exp %sub3A_1647 : vector<56x64xf32>
    %reduce_sum3A_1649 = arith.constant dense<0.000000e+00> : vector<56xf32>
    %reduce_sum3A_1650 = vector.multi_reduction <add>, %exp3A_1648, %reduce_sum3A_1649 [1] : vector<56x64xf32> to vector<56xf32>
    %broadcast_in_dim3A_1651 = vector.shape_cast %reduce_sum3A_1650 : vector<56xf32> to vector<56x1xf32>
    %div3A_1652 = vector.broadcast %broadcast_in_dim3A_1651 : vector<56x1xf32> to vector<56x64xf32>
    %div3A_1653 = arith.divf %exp3A_1648, %div3A_1652 : vector<56x64xf32>
    %get3A_1654 = arith.constant 0 : index
    %get3A_1655 = arith.constant 0 : index
    %get3A_1656 = memref.load %arg12[%get3A_1654, %get3A_1655] : memref<4x8xf32, #tpu.memory_space<smem>>
    %mul3A_1657 = vector.broadcast %get3A_1656 : f32 to vector<56x64xf32>
    %mul3A_1658 = arith.mulf %select_n3A_1611, %mul3A_1657 : vector<56x64xf32>
    %get3A_1659 = arith.constant 1 : index
    %get3A_1660 = arith.constant 0 : index
    %get3A_1661 = memref.load %arg12[%get3A_1659, %get3A_1660] : memref<4x8xf32, #tpu.memory_space<smem>>
    %mul3A_1662 = vector.broadcast %get3A_1661 : f32 to vector<56x64xf32>
    %mul3A_1663 = arith.mulf %select_n3A_1619, %mul3A_1662 : vector<56x64xf32>
    %add3A_1664 = arith.addf %mul3A_1658, %mul3A_1663 : vector<56x64xf32>
    %get3A_1665 = arith.constant 2 : index
    %get3A_1666 = arith.constant 0 : index
    %get3A_1667 = memref.load %arg12[%get3A_1665, %get3A_1666] : memref<4x8xf32, #tpu.memory_space<smem>>
    %mul3A_1668 = vector.broadcast %get3A_1667 : f32 to vector<56x64xf32>
    %mul3A_1669 = arith.mulf %select_n3A_1627, %mul3A_1668 : vector<56x64xf32>
    %add3A_1670 = arith.addf %add3A_1664, %mul3A_1669 : vector<56x64xf32>
    %get3A_1671 = arith.constant 3 : index
    %get3A_1672 = arith.constant 0 : index
    %get3A_1673 = memref.load %arg12[%get3A_1671, %get3A_1672] : memref<4x8xf32, #tpu.memory_space<smem>>
    %mul3A_1674 = vector.broadcast %get3A_1673 : f32 to vector<56x64xf32>
    %mul3A_1675 = arith.mulf %select_n3A_1603, %mul3A_1674 : vector<56x64xf32>
    %add3A_1676 = arith.addf %add3A_1670, %mul3A_1675 : vector<56x64xf32>
    %get3A_1677 = arith.constant 0 : index
    %get3A_1678 = arith.constant 0 : index
    %get3A_1679 = memref.load %arg13[%get3A_1677, %get3A_1678] : memref<1x8xf32, #tpu.memory_space<smem>>
    %add3A_1680 = vector.broadcast %get3A_1679 : f32 to vector<56x64xf32>
    %add3A_1681 = arith.addf %add3A_1676, %add3A_1680 : vector<56x64xf32>
    %jit3A_1682 = arith.constant 0.000000e+00 : f32
    %broadcast_in_dim3A_1683 = vector.broadcast %jit3A_1682 : f32 to vector<56x64xf32>
    %select_n3A_1684 = arith.select %and3A_1595, %add3A_1681, %broadcast_in_dim3A_1683 : vector<56x64xi1>, vector<56x64xf32>
    %add3A_1685 = arith.addf %div3A_1653, %select_n3A_1684 : vector<56x64xf32>
    %dot_general3A_1686 = arith.constant dense<0.000000e+00> : vector<56x32xf32>
    %dot_general3A_1687 = tpu.matmul %add3A_1685, %slice3A_1633, %dot_general3A_1686 {dimension_numbers = #tpu.dot_dimension_numbers<[1], [0], [0], [1], [0, 0, 1, 1], [], []>, transpose_lhs_hint = false} : vector<56x64xf32>, vector<64x32xf32>, vector<56x32xf32> -> vector<56x32xf32>
    %slice3A_1688 = vector.extract_strided_slice %slice3A_1628 {offsets = [0, 32], sizes = [56, 32], strides = [1, 1]} : vector<56x256xf32> to vector<56x32xf32>
    %slice3A_1689 = vector.extract_strided_slice %slice3A_1629 {offsets = [0, 32], sizes = [64, 32], strides = [1, 1]} : vector<64x256xf32> to vector<64x32xf32>
    %slice3A_1690 = vector.extract_strided_slice %slice3A_1630 {offsets = [0, 32], sizes = [64, 32], strides = [1, 1]} : vector<64x256xf32> to vector<64x32xf32>
    %dot_general3A_1691 = arith.constant dense<0.000000e+00> : vector<56x64xf32>
    %dot_general3A_1692 = tpu.matmul %slice3A_1688, %slice3A_1689, %dot_general3A_1691 {dimension_numbers = #tpu.dot_dimension_numbers<[1], [1], [0], [0], [0, 0, 1, 0], [], []>, transpose_lhs_hint = false} : vector<56x32xf32>, vector<64x32xf32>, vector<56x64xf32> -> vector<56x64xf32>
    %mul3A_1693 = arith.constant 0.176776692 : f32
    %mul3A_1694 = vector.broadcast %mul3A_1693 : f32 to vector<56x64xf32>
    %mul3A_1695 = arith.mulf %dot_general3A_1692, %mul3A_1694 : vector<56x64xf32>
    %add3A_1696 = arith.addf %mul3A_1695, %select_n3A_1603 : vector<56x64xf32>
    %jit3A_1697 = arith.constant -1.000000e+30 : f32
    %broadcast_in_dim3A_1698 = vector.broadcast %jit3A_1697 : f32 to vector<56x64xf32>
    %select_n3A_1699 = arith.select %and3A_1595, %add3A_1696, %broadcast_in_dim3A_1698 : vector<56x64xi1>, vector<56x64xf32>
    %reduce_max3A_1700 = arith.constant dense<0xFF800000> : vector<56xf32>
    %reduce_max3A_1701 = vector.multi_reduction <maximumf>, %select_n3A_1699, %reduce_max3A_1700 [1] : vector<56x64xf32> to vector<56xf32>
    %broadcast_in_dim3A_1702 = vector.shape_cast %reduce_max3A_1701 : vector<56xf32> to vector<56x1xf32>
    %sub3A_1703 = vector.broadcast %broadcast_in_dim3A_1702 : vector<56x1xf32> to vector<56x64xf32>
    %sub3A_1704 = arith.subf %select_n3A_1699, %sub3A_1703 : vector<56x64xf32>
    %exp3A_1705 = math.exp %sub3A_1704 : vector<56x64xf32>
    %reduce_sum3A_1706 = arith.constant dense<0.000000e+00> : vector<56xf32>
    %reduce_sum3A_1707 = vector.multi_reduction <add>, %exp3A_1705, %reduce_sum3A_1706 [1] : vector<56x64xf32> to vector<56xf32>
    %broadcast_in_dim3A_1708 = vector.shape_cast %reduce_sum3A_1707 : vector<56xf32> to vector<56x1xf32>
    %div3A_1709 = vector.broadcast %broadcast_in_dim3A_1708 : vector<56x1xf32> to vector<56x64xf32>
    %div3A_1710 = arith.divf %exp3A_1705, %div3A_1709 : vector<56x64xf32>
    %get3A_1711 = arith.constant 0 : index
    %get3A_1712 = arith.constant 1 : index
    %get3A_1713 = memref.load %arg12[%get3A_1711, %get3A_1712] : memref<4x8xf32, #tpu.memory_space<smem>>
    %mul3A_1714 = vector.broadcast %get3A_1713 : f32 to vector<56x64xf32>
    %mul3A_1715 = arith.mulf %select_n3A_1611, %mul3A_1714 : vector<56x64xf32>
    %get3A_1716 = arith.constant 1 : index
    %get3A_1717 = arith.constant 1 : index
    %get3A_1718 = memref.load %arg12[%get3A_1716, %get3A_1717] : memref<4x8xf32, #tpu.memory_space<smem>>
    %mul3A_1719 = vector.broadcast %get3A_1718 : f32 to vector<56x64xf32>
    %mul3A_1720 = arith.mulf %select_n3A_1619, %mul3A_1719 : vector<56x64xf32>
    %add3A_1721 = arith.addf %mul3A_1715, %mul3A_1720 : vector<56x64xf32>
    %get3A_1722 = arith.constant 2 : index
    %get3A_1723 = arith.constant 1 : index
    %get3A_1724 = memref.load %arg12[%get3A_1722, %get3A_1723] : memref<4x8xf32, #tpu.memory_space<smem>>
    %mul3A_1725 = vector.broadcast %get3A_1724 : f32 to vector<56x64xf32>
    %mul3A_1726 = arith.mulf %select_n3A_1627, %mul3A_1725 : vector<56x64xf32>
    %add3A_1727 = arith.addf %add3A_1721, %mul3A_1726 : vector<56x64xf32>
    %get3A_1728 = arith.constant 3 : index
    %get3A_1729 = arith.constant 1 : index
    %get3A_1730 = memref.load %arg12[%get3A_1728, %get3A_1729] : memref<4x8xf32, #tpu.memory_space<smem>>
    %mul3A_1731 = vector.broadcast %get3A_1730 : f32 to vector<56x64xf32>
    %mul3A_1732 = arith.mulf %select_n3A_1603, %mul3A_1731 : vector<56x64xf32>
    %add3A_1733 = arith.addf %add3A_1727, %mul3A_1732 : vector<56x64xf32>
    %get3A_1734 = arith.constant 0 : index
    %get3A_1735 = arith.constant 1 : index
    %get3A_1736 = memref.load %arg13[%get3A_1734, %get3A_1735] : memref<1x8xf32, #tpu.memory_space<smem>>
    %add3A_1737 = vector.broadcast %get3A_1736 : f32 to vector<56x64xf32>
    %add3A_1738 = arith.addf %add3A_1733, %add3A_1737 : vector<56x64xf32>
    %jit3A_1739 = arith.constant 0.000000e+00 : f32
    %broadcast_in_dim3A_1740 = vector.broadcast %jit3A_1739 : f32 to vector<56x64xf32>
    %select_n3A_1741 = arith.select %and3A_1595, %add3A_1738, %broadcast_in_dim3A_1740 : vector<56x64xi1>, vector<56x64xf32>
    %add3A_1742 = arith.addf %div3A_1710, %select_n3A_1741 : vector<56x64xf32>
    %dot_general3A_1743 = arith.constant dense<0.000000e+00> : vector<56x32xf32>
    %dot_general3A_1744 = tpu.matmul %add3A_1742, %slice3A_1690, %dot_general3A_1743 {dimension_numbers = #tpu.dot_dimension_numbers<[1], [0], [0], [1], [0, 0, 1, 1], [], []>, transpose_lhs_hint = false} : vector<56x64xf32>, vector<64x32xf32>, vector<56x32xf32> -> vector<56x32xf32>
    %slice3A_1745 = vector.extract_strided_slice %slice3A_1628 {offsets = [0, 64], sizes = [56, 32], strides = [1, 1]} : vector<56x256xf32> to vector<56x32xf32>
    %slice3A_1746 = vector.extract_strided_slice %slice3A_1629 {offsets = [0, 64], sizes = [64, 32], strides = [1, 1]} : vector<64x256xf32> to vector<64x32xf32>
    %slice3A_1747 = vector.extract_strided_slice %slice3A_1630 {offsets = [0, 64], sizes = [64, 32], strides = [1, 1]} : vector<64x256xf32> to vector<64x32xf32>
    %dot_general3A_1748 = arith.constant dense<0.000000e+00> : vector<56x64xf32>
    %dot_general3A_1749 = tpu.matmul %slice3A_1745, %slice3A_1746, %dot_general3A_1748 {dimension_numbers = #tpu.dot_dimension_numbers<[1], [1], [0], [0], [0, 0, 1, 0], [], []>, transpose_lhs_hint = false} : vector<56x32xf32>, vector<64x32xf32>, vector<56x64xf32> -> vector<56x64xf32>
    %mul3A_1750 = arith.constant 0.176776692 : f32
    %mul3A_1751 = vector.broadcast %mul3A_1750 : f32 to vector<56x64xf32>
    %mul3A_1752 = arith.mulf %dot_general3A_1749, %mul3A_1751 : vector<56x64xf32>
    %add3A_1753 = arith.addf %mul3A_1752, %select_n3A_1603 : vector<56x64xf32>
    %jit3A_1754 = arith.constant -1.000000e+30 : f32
    %broadcast_in_dim3A_1755 = vector.broadcast %jit3A_1754 : f32 to vector<56x64xf32>
    %select_n3A_1756 = arith.select %and3A_1595, %add3A_1753, %broadcast_in_dim3A_1755 : vector<56x64xi1>, vector<56x64xf32>
    %reduce_max3A_1757 = arith.constant dense<0xFF800000> : vector<56xf32>
    %reduce_max3A_1758 = vector.multi_reduction <maximumf>, %select_n3A_1756, %reduce_max3A_1757 [1] : vector<56x64xf32> to vector<56xf32>
    %broadcast_in_dim3A_1759 = vector.shape_cast %reduce_max3A_1758 : vector<56xf32> to vector<56x1xf32>
    %sub3A_1760 = vector.broadcast %broadcast_in_dim3A_1759 : vector<56x1xf32> to vector<56x64xf32>
    %sub3A_1761 = arith.subf %select_n3A_1756, %sub3A_1760 : vector<56x64xf32>
    %exp3A_1762 = math.exp %sub3A_1761 : vector<56x64xf32>
    %reduce_sum3A_1763 = arith.constant dense<0.000000e+00> : vector<56xf32>
    %reduce_sum3A_1764 = vector.multi_reduction <add>, %exp3A_1762, %reduce_sum3A_1763 [1] : vector<56x64xf32> to vector<56xf32>
    %broadcast_in_dim3A_1765 = vector.shape_cast %reduce_sum3A_1764 : vector<56xf32> to vector<56x1xf32>
    %div3A_1766 = vector.broadcast %broadcast_in_dim3A_1765 : vector<56x1xf32> to vector<56x64xf32>
    %div3A_1767 = arith.divf %exp3A_1762, %div3A_1766 : vector<56x64xf32>
    %get3A_1768 = arith.constant 0 : index
    %get3A_1769 = arith.constant 2 : index
    %get3A_1770 = memref.load %arg12[%get3A_1768, %get3A_1769] : memref<4x8xf32, #tpu.memory_space<smem>>
    %mul3A_1771 = vector.broadcast %get3A_1770 : f32 to vector<56x64xf32>
    %mul3A_1772 = arith.mulf %select_n3A_1611, %mul3A_1771 : vector<56x64xf32>
    %get3A_1773 = arith.constant 1 : index
    %get3A_1774 = arith.constant 2 : index
    %get3A_1775 = memref.load %arg12[%get3A_1773, %get3A_1774] : memref<4x8xf32, #tpu.memory_space<smem>>
    %mul3A_1776 = vector.broadcast %get3A_1775 : f32 to vector<56x64xf32>
    %mul3A_1777 = arith.mulf %select_n3A_1619, %mul3A_1776 : vector<56x64xf32>
    %add3A_1778 = arith.addf %mul3A_1772, %mul3A_1777 : vector<56x64xf32>
    %get3A_1779 = arith.constant 2 : index
    %get3A_1780 = arith.constant 2 : index
    %get3A_1781 = memref.load %arg12[%get3A_1779, %get3A_1780] : memref<4x8xf32, #tpu.memory_space<smem>>
    %mul3A_1782 = vector.broadcast %get3A_1781 : f32 to vector<56x64xf32>
    %mul3A_1783 = arith.mulf %select_n3A_1627, %mul3A_1782 : vector<56x64xf32>
    %add3A_1784 = arith.addf %add3A_1778, %mul3A_1783 : vector<56x64xf32>
    %get3A_1785 = arith.constant 3 : index
    %get3A_1786 = arith.constant 2 : index
    %get3A_1787 = memref.load %arg12[%get3A_1785, %get3A_1786] : memref<4x8xf32, #tpu.memory_space<smem>>
    %mul3A_1788 = vector.broadcast %get3A_1787 : f32 to vector<56x64xf32>
    %mul3A_1789 = arith.mulf %select_n3A_1603, %mul3A_1788 : vector<56x64xf32>
    %add3A_1790 = arith.addf %add3A_1784, %mul3A_1789 : vector<56x64xf32>
    %get3A_1791 = arith.constant 0 : index
    %get3A_1792 = arith.constant 2 : index
    %get3A_1793 = memref.load %arg13[%get3A_1791, %get3A_1792] : memref<1x8xf32, #tpu.memory_space<smem>>
    %add3A_1794 = vector.broadcast %get3A_1793 : f32 to vector<56x64xf32>
    %add3A_1795 = arith.addf %add3A_1790, %add3A_1794 : vector<56x64xf32>
    %jit3A_1796 = arith.constant 0.000000e+00 : f32
    %broadcast_in_dim3A_1797 = vector.broadcast %jit3A_1796 : f32 to vector<56x64xf32>
    %select_n3A_1798 = arith.select %and3A_1595, %add3A_1795, %broadcast_in_dim3A_1797 : vector<56x64xi1>, vector<56x64xf32>
    %add3A_1799 = arith.addf %div3A_1767, %select_n3A_1798 : vector<56x64xf32>
    %dot_general3A_1800 = arith.constant dense<0.000000e+00> : vector<56x32xf32>
    %dot_general3A_1801 = tpu.matmul %add3A_1799, %slice3A_1747, %dot_general3A_1800 {dimension_numbers = #tpu.dot_dimension_numbers<[1], [0], [0], [1], [0, 0, 1, 1], [], []>, transpose_lhs_hint = false} : vector<56x64xf32>, vector<64x32xf32>, vector<56x32xf32> -> vector<56x32xf32>
    %slice3A_1802 = vector.extract_strided_slice %slice3A_1628 {offsets = [0, 96], sizes = [56, 32], strides = [1, 1]} : vector<56x256xf32> to vector<56x32xf32>
    %slice3A_1803 = vector.extract_strided_slice %slice3A_1629 {offsets = [0, 96], sizes = [64, 32], strides = [1, 1]} : vector<64x256xf32> to vector<64x32xf32>
    %slice3A_1804 = vector.extract_strided_slice %slice3A_1630 {offsets = [0, 96], sizes = [64, 32], strides = [1, 1]} : vector<64x256xf32> to vector<64x32xf32>
    %dot_general3A_1805 = arith.constant dense<0.000000e+00> : vector<56x64xf32>
    %dot_general3A_1806 = tpu.matmul %slice3A_1802, %slice3A_1803, %dot_general3A_1805 {dimension_numbers = #tpu.dot_dimension_numbers<[1], [1], [0], [0], [0, 0, 1, 0], [], []>, transpose_lhs_hint = false} : vector<56x32xf32>, vector<64x32xf32>, vector<56x64xf32> -> vector<56x64xf32>
    %mul3A_1807 = arith.constant 0.176776692 : f32
    %mul3A_1808 = vector.broadcast %mul3A_1807 : f32 to vector<56x64xf32>
    %mul3A_1809 = arith.mulf %dot_general3A_1806, %mul3A_1808 : vector<56x64xf32>
    %add3A_1810 = arith.addf %mul3A_1809, %select_n3A_1603 : vector<56x64xf32>
    %jit3A_1811 = arith.constant -1.000000e+30 : f32
    %broadcast_in_dim3A_1812 = vector.broadcast %jit3A_1811 : f32 to vector<56x64xf32>
    %select_n3A_1813 = arith.select %and3A_1595, %add3A_1810, %broadcast_in_dim3A_1812 : vector<56x64xi1>, vector<56x64xf32>
    %reduce_max3A_1814 = arith.constant dense<0xFF800000> : vector<56xf32>
    %reduce_max3A_1815 = vector.multi_reduction <maximumf>, %select_n3A_1813, %reduce_max3A_1814 [1] : vector<56x64xf32> to vector<56xf32>
    %broadcast_in_dim3A_1816 = vector.shape_cast %reduce_max3A_1815 : vector<56xf32> to vector<56x1xf32>
    %sub3A_1817 = vector.broadcast %broadcast_in_dim3A_1816 : vector<56x1xf32> to vector<56x64xf32>
    %sub3A_1818 = arith.subf %select_n3A_1813, %sub3A_1817 : vector<56x64xf32>
    %exp3A_1819 = math.exp %sub3A_1818 : vector<56x64xf32>
    %reduce_sum3A_1820 = arith.constant dense<0.000000e+00> : vector<56xf32>
    %reduce_sum3A_1821 = vector.multi_reduction <add>, %exp3A_1819, %reduce_sum3A_1820 [1] : vector<56x64xf32> to vector<56xf32>
    %broadcast_in_dim3A_1822 = vector.shape_cast %reduce_sum3A_1821 : vector<56xf32> to vector<56x1xf32>
    %div3A_1823 = vector.broadcast %broadcast_in_dim3A_1822 : vector<56x1xf32> to vector<56x64xf32>
    %div3A_1824 = arith.divf %exp3A_1819, %div3A_1823 : vector<56x64xf32>
    %get3A_1825 = arith.constant 0 : index
    %get3A_1826 = arith.constant 3 : index
    %get3A_1827 = memref.load %arg12[%get3A_1825, %get3A_1826] : memref<4x8xf32, #tpu.memory_space<smem>>
    %mul3A_1828 = vector.broadcast %get3A_1827 : f32 to vector<56x64xf32>
    %mul3A_1829 = arith.mulf %select_n3A_1611, %mul3A_1828 : vector<56x64xf32>
    %get3A_1830 = arith.constant 1 : index
    %get3A_1831 = arith.constant 3 : index
    %get3A_1832 = memref.load %arg12[%get3A_1830, %get3A_1831] : memref<4x8xf32, #tpu.memory_space<smem>>
    %mul3A_1833 = vector.broadcast %get3A_1832 : f32 to vector<56x64xf32>
    %mul3A_1834 = arith.mulf %select_n3A_1619, %mul3A_1833 : vector<56x64xf32>
    %add3A_1835 = arith.addf %mul3A_1829, %mul3A_1834 : vector<56x64xf32>
    %get3A_1836 = arith.constant 2 : index
    %get3A_1837 = arith.constant 3 : index
    %get3A_1838 = memref.load %arg12[%get3A_1836, %get3A_1837] : memref<4x8xf32, #tpu.memory_space<smem>>
    %mul3A_1839 = vector.broadcast %get3A_1838 : f32 to vector<56x64xf32>
    %mul3A_1840 = arith.mulf %select_n3A_1627, %mul3A_1839 : vector<56x64xf32>
    %add3A_1841 = arith.addf %add3A_1835, %mul3A_1840 : vector<56x64xf32>
    %get3A_1842 = arith.constant 3 : index
    %get3A_1843 = arith.constant 3 : index
    %get3A_1844 = memref.load %arg12[%get3A_1842, %get3A_1843] : memref<4x8xf32, #tpu.memory_space<smem>>
    %mul3A_1845 = vector.broadcast %get3A_1844 : f32 to vector<56x64xf32>
    %mul3A_1846 = arith.mulf %select_n3A_1603, %mul3A_1845 : vector<56x64xf32>
    %add3A_1847 = arith.addf %add3A_1841, %mul3A_1846 : vector<56x64xf32>
    %get3A_1848 = arith.constant 0 : index
    %get3A_1849 = arith.constant 3 : index
    %get3A_1850 = memref.load %arg13[%get3A_1848, %get3A_1849] : memref<1x8xf32, #tpu.memory_space<smem>>
    %add3A_1851 = vector.broadcast %get3A_1850 : f32 to vector<56x64xf32>
    %add3A_1852 = arith.addf %add3A_1847, %add3A_1851 : vector<56x64xf32>
    %jit3A_1853 = arith.constant 0.000000e+00 : f32
    %broadcast_in_dim3A_1854 = vector.broadcast %jit3A_1853 : f32 to vector<56x64xf32>
    %select_n3A_1855 = arith.select %and3A_1595, %add3A_1852, %broadcast_in_dim3A_1854 : vector<56x64xi1>, vector<56x64xf32>
    %add3A_1856 = arith.addf %div3A_1824, %select_n3A_1855 : vector<56x64xf32>
    %dot_general3A_1857 = arith.constant dense<0.000000e+00> : vector<56x32xf32>
    %dot_general3A_1858 = tpu.matmul %add3A_1856, %slice3A_1804, %dot_general3A_1857 {dimension_numbers = #tpu.dot_dimension_numbers<[1], [0], [0], [1], [0, 0, 1, 1], [], []>, transpose_lhs_hint = false} : vector<56x64xf32>, vector<64x32xf32>, vector<56x32xf32> -> vector<56x32xf32>
    %slice3A_1859 = vector.extract_strided_slice %slice3A_1628 {offsets = [0, 128], sizes = [56, 32], strides = [1, 1]} : vector<56x256xf32> to vector<56x32xf32>
    %slice3A_1860 = vector.extract_strided_slice %slice3A_1629 {offsets = [0, 128], sizes = [64, 32], strides = [1, 1]} : vector<64x256xf32> to vector<64x32xf32>
    %slice3A_1861 = vector.extract_strided_slice %slice3A_1630 {offsets = [0, 128], sizes = [64, 32], strides = [1, 1]} : vector<64x256xf32> to vector<64x32xf32>
    %dot_general3A_1862 = arith.constant dense<0.000000e+00> : vector<56x64xf32>
    %dot_general3A_1863 = tpu.matmul %slice3A_1859, %slice3A_1860, %dot_general3A_1862 {dimension_numbers = #tpu.dot_dimension_numbers<[1], [1], [0], [0], [0, 0, 1, 0], [], []>, transpose_lhs_hint = false} : vector<56x32xf32>, vector<64x32xf32>, vector<56x64xf32> -> vector<56x64xf32>
    %mul3A_1864 = arith.constant 0.176776692 : f32
    %mul3A_1865 = vector.broadcast %mul3A_1864 : f32 to vector<56x64xf32>
    %mul3A_1866 = arith.mulf %dot_general3A_1863, %mul3A_1865 : vector<56x64xf32>
    %add3A_1867 = arith.addf %mul3A_1866, %select_n3A_1603 : vector<56x64xf32>
    %jit3A_1868 = arith.constant -1.000000e+30 : f32
    %broadcast_in_dim3A_1869 = vector.broadcast %jit3A_1868 : f32 to vector<56x64xf32>
    %select_n3A_1870 = arith.select %and3A_1595, %add3A_1867, %broadcast_in_dim3A_1869 : vector<56x64xi1>, vector<56x64xf32>
    %reduce_max3A_1871 = arith.constant dense<0xFF800000> : vector<56xf32>
    %reduce_max3A_1872 = vector.multi_reduction <maximumf>, %select_n3A_1870, %reduce_max3A_1871 [1] : vector<56x64xf32> to vector<56xf32>
    %broadcast_in_dim3A_1873 = vector.shape_cast %reduce_max3A_1872 : vector<56xf32> to vector<56x1xf32>
    %sub3A_1874 = vector.broadcast %broadcast_in_dim3A_1873 : vector<56x1xf32> to vector<56x64xf32>
    %sub3A_1875 = arith.subf %select_n3A_1870, %sub3A_1874 : vector<56x64xf32>
    %exp3A_1876 = math.exp %sub3A_1875 : vector<56x64xf32>
    %reduce_sum3A_1877 = arith.constant dense<0.000000e+00> : vector<56xf32>
    %reduce_sum3A_1878 = vector.multi_reduction <add>, %exp3A_1876, %reduce_sum3A_1877 [1] : vector<56x64xf32> to vector<56xf32>
    %broadcast_in_dim3A_1879 = vector.shape_cast %reduce_sum3A_1878 : vector<56xf32> to vector<56x1xf32>
    %div3A_1880 = vector.broadcast %broadcast_in_dim3A_1879 : vector<56x1xf32> to vector<56x64xf32>
    %div3A_1881 = arith.divf %exp3A_1876, %div3A_1880 : vector<56x64xf32>
    %get3A_1882 = arith.constant 0 : index
    %get3A_1883 = arith.constant 4 : index
    %get3A_1884 = memref.load %arg12[%get3A_1882, %get3A_1883] : memref<4x8xf32, #tpu.memory_space<smem>>
    %mul3A_1885 = vector.broadcast %get3A_1884 : f32 to vector<56x64xf32>
    %mul3A_1886 = arith.mulf %select_n3A_1611, %mul3A_1885 : vector<56x64xf32>
    %get3A_1887 = arith.constant 1 : index
    %get3A_1888 = arith.constant 4 : index
    %get3A_1889 = memref.load %arg12[%get3A_1887, %get3A_1888] : memref<4x8xf32, #tpu.memory_space<smem>>
    %mul3A_1890 = vector.broadcast %get3A_1889 : f32 to vector<56x64xf32>
    %mul3A_1891 = arith.mulf %select_n3A_1619, %mul3A_1890 : vector<56x64xf32>
    %add3A_1892 = arith.addf %mul3A_1886, %mul3A_1891 : vector<56x64xf32>
    %get3A_1893 = arith.constant 2 : index
    %get3A_1894 = arith.constant 4 : index
    %get3A_1895 = memref.load %arg12[%get3A_1893, %get3A_1894] : memref<4x8xf32, #tpu.memory_space<smem>>
    %mul3A_1896 = vector.broadcast %get3A_1895 : f32 to vector<56x64xf32>
    %mul3A_1897 = arith.mulf %select_n3A_1627, %mul3A_1896 : vector<56x64xf32>
    %add3A_1898 = arith.addf %add3A_1892, %mul3A_1897 : vector<56x64xf32>
    %get3A_1899 = arith.constant 3 : index
    %get3A_1900 = arith.constant 4 : index
    %get3A_1901 = memref.load %arg12[%get3A_1899, %get3A_1900] : memref<4x8xf32, #tpu.memory_space<smem>>
    %mul3A_1902 = vector.broadcast %get3A_1901 : f32 to vector<56x64xf32>
    %mul3A_1903 = arith.mulf %select_n3A_1603, %mul3A_1902 : vector<56x64xf32>
    %add3A_1904 = arith.addf %add3A_1898, %mul3A_1903 : vector<56x64xf32>
    %get3A_1905 = arith.constant 0 : index
    %get3A_1906 = arith.constant 4 : index
    %get3A_1907 = memref.load %arg13[%get3A_1905, %get3A_1906] : memref<1x8xf32, #tpu.memory_space<smem>>
    %add3A_1908 = vector.broadcast %get3A_1907 : f32 to vector<56x64xf32>
    %add3A_1909 = arith.addf %add3A_1904, %add3A_1908 : vector<56x64xf32>
    %jit3A_1910 = arith.constant 0.000000e+00 : f32
    %broadcast_in_dim3A_1911 = vector.broadcast %jit3A_1910 : f32 to vector<56x64xf32>
    %select_n3A_1912 = arith.select %and3A_1595, %add3A_1909, %broadcast_in_dim3A_1911 : vector<56x64xi1>, vector<56x64xf32>
    %add3A_1913 = arith.addf %div3A_1881, %select_n3A_1912 : vector<56x64xf32>
    %dot_general3A_1914 = arith.constant dense<0.000000e+00> : vector<56x32xf32>
    %dot_general3A_1915 = tpu.matmul %add3A_1913, %slice3A_1861, %dot_general3A_1914 {dimension_numbers = #tpu.dot_dimension_numbers<[1], [0], [0], [1], [0, 0, 1, 1], [], []>, transpose_lhs_hint = false} : vector<56x64xf32>, vector<64x32xf32>, vector<56x32xf32> -> vector<56x32xf32>
    %slice3A_1916 = vector.extract_strided_slice %slice3A_1628 {offsets = [0, 160], sizes = [56, 32], strides = [1, 1]} : vector<56x256xf32> to vector<56x32xf32>
    %slice3A_1917 = vector.extract_strided_slice %slice3A_1629 {offsets = [0, 160], sizes = [64, 32], strides = [1, 1]} : vector<64x256xf32> to vector<64x32xf32>
    %slice3A_1918 = vector.extract_strided_slice %slice3A_1630 {offsets = [0, 160], sizes = [64, 32], strides = [1, 1]} : vector<64x256xf32> to vector<64x32xf32>
    %dot_general3A_1919 = arith.constant dense<0.000000e+00> : vector<56x64xf32>
    %dot_general3A_1920 = tpu.matmul %slice3A_1916, %slice3A_1917, %dot_general3A_1919 {dimension_numbers = #tpu.dot_dimension_numbers<[1], [1], [0], [0], [0, 0, 1, 0], [], []>, transpose_lhs_hint = false} : vector<56x32xf32>, vector<64x32xf32>, vector<56x64xf32> -> vector<56x64xf32>
    %mul3A_1921 = arith.constant 0.176776692 : f32
    %mul3A_1922 = vector.broadcast %mul3A_1921 : f32 to vector<56x64xf32>
    %mul3A_1923 = arith.mulf %dot_general3A_1920, %mul3A_1922 : vector<56x64xf32>
    %add3A_1924 = arith.addf %mul3A_1923, %select_n3A_1603 : vector<56x64xf32>
    %jit3A_1925 = arith.constant -1.000000e+30 : f32
    %broadcast_in_dim3A_1926 = vector.broadcast %jit3A_1925 : f32 to vector<56x64xf32>
    %select_n3A_1927 = arith.select %and3A_1595, %add3A_1924, %broadcast_in_dim3A_1926 : vector<56x64xi1>, vector<56x64xf32>
    %reduce_max3A_1928 = arith.constant dense<0xFF800000> : vector<56xf32>
    %reduce_max3A_1929 = vector.multi_reduction <maximumf>, %select_n3A_1927, %reduce_max3A_1928 [1] : vector<56x64xf32> to vector<56xf32>
    %broadcast_in_dim3A_1930 = vector.shape_cast %reduce_max3A_1929 : vector<56xf32> to vector<56x1xf32>
    %sub3A_1931 = vector.broadcast %broadcast_in_dim3A_1930 : vector<56x1xf32> to vector<56x64xf32>
    %sub3A_1932 = arith.subf %select_n3A_1927, %sub3A_1931 : vector<56x64xf32>
    %exp3A_1933 = math.exp %sub3A_1932 : vector<56x64xf32>
    %reduce_sum3A_1934 = arith.constant dense<0.000000e+00> : vector<56xf32>
    %reduce_sum3A_1935 = vector.multi_reduction <add>, %exp3A_1933, %reduce_sum3A_1934 [1] : vector<56x64xf32> to vector<56xf32>
    %broadcast_in_dim3A_1936 = vector.shape_cast %reduce_sum3A_1935 : vector<56xf32> to vector<56x1xf32>
    %div3A_1937 = vector.broadcast %broadcast_in_dim3A_1936 : vector<56x1xf32> to vector<56x64xf32>
    %div3A_1938 = arith.divf %exp3A_1933, %div3A_1937 : vector<56x64xf32>
    %get3A_1939 = arith.constant 0 : index
    %get3A_1940 = arith.constant 5 : index
    %get3A_1941 = memref.load %arg12[%get3A_1939, %get3A_1940] : memref<4x8xf32, #tpu.memory_space<smem>>
    %mul3A_1942 = vector.broadcast %get3A_1941 : f32 to vector<56x64xf32>
    %mul3A_1943 = arith.mulf %select_n3A_1611, %mul3A_1942 : vector<56x64xf32>
    %get3A_1944 = arith.constant 1 : index
    %get3A_1945 = arith.constant 5 : index
    %get3A_1946 = memref.load %arg12[%get3A_1944, %get3A_1945] : memref<4x8xf32, #tpu.memory_space<smem>>
    %mul3A_1947 = vector.broadcast %get3A_1946 : f32 to vector<56x64xf32>
    %mul3A_1948 = arith.mulf %select_n3A_1619, %mul3A_1947 : vector<56x64xf32>
    %add3A_1949 = arith.addf %mul3A_1943, %mul3A_1948 : vector<56x64xf32>
    %get3A_1950 = arith.constant 2 : index
    %get3A_1951 = arith.constant 5 : index
    %get3A_1952 = memref.load %arg12[%get3A_1950, %get3A_1951] : memref<4x8xf32, #tpu.memory_space<smem>>
    %mul3A_1953 = vector.broadcast %get3A_1952 : f32 to vector<56x64xf32>
    %mul3A_1954 = arith.mulf %select_n3A_1627, %mul3A_1953 : vector<56x64xf32>
    %add3A_1955 = arith.addf %add3A_1949, %mul3A_1954 : vector<56x64xf32>
    %get3A_1956 = arith.constant 3 : index
    %get3A_1957 = arith.constant 5 : index
    %get3A_1958 = memref.load %arg12[%get3A_1956, %get3A_1957] : memref<4x8xf32, #tpu.memory_space<smem>>
    %mul3A_1959 = vector.broadcast %get3A_1958 : f32 to vector<56x64xf32>
    %mul3A_1960 = arith.mulf %select_n3A_1603, %mul3A_1959 : vector<56x64xf32>
    %add3A_1961 = arith.addf %add3A_1955, %mul3A_1960 : vector<56x64xf32>
    %get3A_1962 = arith.constant 0 : index
    %get3A_1963 = arith.constant 5 : index
    %get3A_1964 = memref.load %arg13[%get3A_1962, %get3A_1963] : memref<1x8xf32, #tpu.memory_space<smem>>
    %add3A_1965 = vector.broadcast %get3A_1964 : f32 to vector<56x64xf32>
    %add3A_1966 = arith.addf %add3A_1961, %add3A_1965 : vector<56x64xf32>
    %jit3A_1967 = arith.constant 0.000000e+00 : f32
    %broadcast_in_dim3A_1968 = vector.broadcast %jit3A_1967 : f32 to vector<56x64xf32>
    %select_n3A_1969 = arith.select %and3A_1595, %add3A_1966, %broadcast_in_dim3A_1968 : vector<56x64xi1>, vector<56x64xf32>
    %add3A_1970 = arith.addf %div3A_1938, %select_n3A_1969 : vector<56x64xf32>
    %dot_general3A_1971 = arith.constant dense<0.000000e+00> : vector<56x32xf32>
    %dot_general3A_1972 = tpu.matmul %add3A_1970, %slice3A_1918, %dot_general3A_1971 {dimension_numbers = #tpu.dot_dimension_numbers<[1], [0], [0], [1], [0, 0, 1, 1], [], []>, transpose_lhs_hint = false} : vector<56x64xf32>, vector<64x32xf32>, vector<56x32xf32> -> vector<56x32xf32>
    %slice3A_1973 = vector.extract_strided_slice %slice3A_1628 {offsets = [0, 192], sizes = [56, 32], strides = [1, 1]} : vector<56x256xf32> to vector<56x32xf32>
    %slice3A_1974 = vector.extract_strided_slice %slice3A_1629 {offsets = [0, 192], sizes = [64, 32], strides = [1, 1]} : vector<64x256xf32> to vector<64x32xf32>
    %slice3A_1975 = vector.extract_strided_slice %slice3A_1630 {offsets = [0, 192], sizes = [64, 32], strides = [1, 1]} : vector<64x256xf32> to vector<64x32xf32>
    %dot_general3A_1976 = arith.constant dense<0.000000e+00> : vector<56x64xf32>
    %dot_general3A_1977 = tpu.matmul %slice3A_1973, %slice3A_1974, %dot_general3A_1976 {dimension_numbers = #tpu.dot_dimension_numbers<[1], [1], [0], [0], [0, 0, 1, 0], [], []>, transpose_lhs_hint = false} : vector<56x32xf32>, vector<64x32xf32>, vector<56x64xf32> -> vector<56x64xf32>
    %mul3A_1978 = arith.constant 0.176776692 : f32
    %mul3A_1979 = vector.broadcast %mul3A_1978 : f32 to vector<56x64xf32>
    %mul3A_1980 = arith.mulf %dot_general3A_1977, %mul3A_1979 : vector<56x64xf32>
    %add3A_1981 = arith.addf %mul3A_1980, %select_n3A_1603 : vector<56x64xf32>
    %jit3A_1982 = arith.constant -1.000000e+30 : f32
    %broadcast_in_dim3A_1983 = vector.broadcast %jit3A_1982 : f32 to vector<56x64xf32>
    %select_n3A_1984 = arith.select %and3A_1595, %add3A_1981, %broadcast_in_dim3A_1983 : vector<56x64xi1>, vector<56x64xf32>
    %reduce_max3A_1985 = arith.constant dense<0xFF800000> : vector<56xf32>
    %reduce_max3A_1986 = vector.multi_reduction <maximumf>, %select_n3A_1984, %reduce_max3A_1985 [1] : vector<56x64xf32> to vector<56xf32>
    %broadcast_in_dim3A_1987 = vector.shape_cast %reduce_max3A_1986 : vector<56xf32> to vector<56x1xf32>
    %sub3A_1988 = vector.broadcast %broadcast_in_dim3A_1987 : vector<56x1xf32> to vector<56x64xf32>
    %sub3A_1989 = arith.subf %select_n3A_1984, %sub3A_1988 : vector<56x64xf32>
    %exp3A_1990 = math.exp %sub3A_1989 : vector<56x64xf32>
    %reduce_sum3A_1991 = arith.constant dense<0.000000e+00> : vector<56xf32>
    %reduce_sum3A_1992 = vector.multi_reduction <add>, %exp3A_1990, %reduce_sum3A_1991 [1] : vector<56x64xf32> to vector<56xf32>
    %broadcast_in_dim3A_1993 = vector.shape_cast %reduce_sum3A_1992 : vector<56xf32> to vector<56x1xf32>
    %div3A_1994 = vector.broadcast %broadcast_in_dim3A_1993 : vector<56x1xf32> to vector<56x64xf32>
    %div3A_1995 = arith.divf %exp3A_1990, %div3A_1994 : vector<56x64xf32>
    %get3A_1996 = arith.constant 0 : index
    %get3A_1997 = arith.constant 6 : index
    %get3A_1998 = memref.load %arg12[%get3A_1996, %get3A_1997] : memref<4x8xf32, #tpu.memory_space<smem>>
    %mul3A_1999 = vector.broadcast %get3A_1998 : f32 to vector<56x64xf32>
    %mul3A_2000 = arith.mulf %select_n3A_1611, %mul3A_1999 : vector<56x64xf32>
    %get3A_2001 = arith.constant 1 : index
    %get3A_2002 = arith.constant 6 : index
    %get3A_2003 = memref.load %arg12[%get3A_2001, %get3A_2002] : memref<4x8xf32, #tpu.memory_space<smem>>
    %mul3A_2004 = vector.broadcast %get3A_2003 : f32 to vector<56x64xf32>
    %mul3A_2005 = arith.mulf %select_n3A_1619, %mul3A_2004 : vector<56x64xf32>
    %add3A_2006 = arith.addf %mul3A_2000, %mul3A_2005 : vector<56x64xf32>
    %get3A_2007 = arith.constant 2 : index
    %get3A_2008 = arith.constant 6 : index
    %get3A_2009 = memref.load %arg12[%get3A_2007, %get3A_2008] : memref<4x8xf32, #tpu.memory_space<smem>>
    %mul3A_2010 = vector.broadcast %get3A_2009 : f32 to vector<56x64xf32>
    %mul3A_2011 = arith.mulf %select_n3A_1627, %mul3A_2010 : vector<56x64xf32>
    %add3A_2012 = arith.addf %add3A_2006, %mul3A_2011 : vector<56x64xf32>
    %get3A_2013 = arith.constant 3 : index
    %get3A_2014 = arith.constant 6 : index
    %get3A_2015 = memref.load %arg12[%get3A_2013, %get3A_2014] : memref<4x8xf32, #tpu.memory_space<smem>>
    %mul3A_2016 = vector.broadcast %get3A_2015 : f32 to vector<56x64xf32>
    %mul3A_2017 = arith.mulf %select_n3A_1603, %mul3A_2016 : vector<56x64xf32>
    %add3A_2018 = arith.addf %add3A_2012, %mul3A_2017 : vector<56x64xf32>
    %get3A_2019 = arith.constant 0 : index
    %get3A_2020 = arith.constant 6 : index
    %get3A_2021 = memref.load %arg13[%get3A_2019, %get3A_2020] : memref<1x8xf32, #tpu.memory_space<smem>>
    %add3A_2022 = vector.broadcast %get3A_2021 : f32 to vector<56x64xf32>
    %add3A_2023 = arith.addf %add3A_2018, %add3A_2022 : vector<56x64xf32>
    %jit3A_2024 = arith.constant 0.000000e+00 : f32
    %broadcast_in_dim3A_2025 = vector.broadcast %jit3A_2024 : f32 to vector<56x64xf32>
    %select_n3A_2026 = arith.select %and3A_1595, %add3A_2023, %broadcast_in_dim3A_2025 : vector<56x64xi1>, vector<56x64xf32>
    %add3A_2027 = arith.addf %div3A_1995, %select_n3A_2026 : vector<56x64xf32>
    %dot_general3A_2028 = arith.constant dense<0.000000e+00> : vector<56x32xf32>
    %dot_general3A_2029 = tpu.matmul %add3A_2027, %slice3A_1975, %dot_general3A_2028 {dimension_numbers = #tpu.dot_dimension_numbers<[1], [0], [0], [1], [0, 0, 1, 1], [], []>, transpose_lhs_hint = false} : vector<56x64xf32>, vector<64x32xf32>, vector<56x32xf32> -> vector<56x32xf32>
    %slice3A_2030 = vector.extract_strided_slice %slice3A_1628 {offsets = [0, 224], sizes = [56, 32], strides = [1, 1]} : vector<56x256xf32> to vector<56x32xf32>
    %slice3A_2031 = vector.extract_strided_slice %slice3A_1629 {offsets = [0, 224], sizes = [64, 32], strides = [1, 1]} : vector<64x256xf32> to vector<64x32xf32>
    %slice3A_2032 = vector.extract_strided_slice %slice3A_1630 {offsets = [0, 224], sizes = [64, 32], strides = [1, 1]} : vector<64x256xf32> to vector<64x32xf32>
    %dot_general3A_2033 = arith.constant dense<0.000000e+00> : vector<56x64xf32>
    %dot_general3A_2034 = tpu.matmul %slice3A_2030, %slice3A_2031, %dot_general3A_2033 {dimension_numbers = #tpu.dot_dimension_numbers<[1], [1], [0], [0], [0, 0, 1, 0], [], []>, transpose_lhs_hint = false} : vector<56x32xf32>, vector<64x32xf32>, vector<56x64xf32> -> vector<56x64xf32>
    %mul3A_2035 = arith.constant 0.176776692 : f32
    %mul3A_2036 = vector.broadcast %mul3A_2035 : f32 to vector<56x64xf32>
    %mul3A_2037 = arith.mulf %dot_general3A_2034, %mul3A_2036 : vector<56x64xf32>
    %add3A_2038 = arith.addf %mul3A_2037, %select_n3A_1603 : vector<56x64xf32>
    %jit3A_2039 = arith.constant -1.000000e+30 : f32
    %broadcast_in_dim3A_2040 = vector.broadcast %jit3A_2039 : f32 to vector<56x64xf32>
    %select_n3A_2041 = arith.select %and3A_1595, %add3A_2038, %broadcast_in_dim3A_2040 : vector<56x64xi1>, vector<56x64xf32>
    %reduce_max3A_2042 = arith.constant dense<0xFF800000> : vector<56xf32>
    %reduce_max3A_2043 = vector.multi_reduction <maximumf>, %select_n3A_2041, %reduce_max3A_2042 [1] : vector<56x64xf32> to vector<56xf32>
    %broadcast_in_dim3A_2044 = vector.shape_cast %reduce_max3A_2043 : vector<56xf32> to vector<56x1xf32>
    %sub3A_2045 = vector.broadcast %broadcast_in_dim3A_2044 : vector<56x1xf32> to vector<56x64xf32>
    %sub3A_2046 = arith.subf %select_n3A_2041, %sub3A_2045 : vector<56x64xf32>
    %exp3A_2047 = math.exp %sub3A_2046 : vector<56x64xf32>
    %reduce_sum3A_2048 = arith.constant dense<0.000000e+00> : vector<56xf32>
    %reduce_sum3A_2049 = vector.multi_reduction <add>, %exp3A_2047, %reduce_sum3A_2048 [1] : vector<56x64xf32> to vector<56xf32>
    %broadcast_in_dim3A_2050 = vector.shape_cast %reduce_sum3A_2049 : vector<56xf32> to vector<56x1xf32>
    %div3A_2051 = vector.broadcast %broadcast_in_dim3A_2050 : vector<56x1xf32> to vector<56x64xf32>
    %div3A_2052 = arith.divf %exp3A_2047, %div3A_2051 : vector<56x64xf32>
    %get3A_2053 = arith.constant 0 : index
    %get3A_2054 = arith.constant 7 : index
    %get3A_2055 = memref.load %arg12[%get3A_2053, %get3A_2054] : memref<4x8xf32, #tpu.memory_space<smem>>
    %mul3A_2056 = vector.broadcast %get3A_2055 : f32 to vector<56x64xf32>
    %mul3A_2057 = arith.mulf %select_n3A_1611, %mul3A_2056 : vector<56x64xf32>
    %get3A_2058 = arith.constant 1 : index
    %get3A_2059 = arith.constant 7 : index
    %get3A_2060 = memref.load %arg12[%get3A_2058, %get3A_2059] : memref<4x8xf32, #tpu.memory_space<smem>>
    %mul3A_2061 = vector.broadcast %get3A_2060 : f32 to vector<56x64xf32>
    %mul3A_2062 = arith.mulf %select_n3A_1619, %mul3A_2061 : vector<56x64xf32>
    %add3A_2063 = arith.addf %mul3A_2057, %mul3A_2062 : vector<56x64xf32>
    %get3A_2064 = arith.constant 2 : index
    %get3A_2065 = arith.constant 7 : index
    %get3A_2066 = memref.load %arg12[%get3A_2064, %get3A_2065] : memref<4x8xf32, #tpu.memory_space<smem>>
    %mul3A_2067 = vector.broadcast %get3A_2066 : f32 to vector<56x64xf32>
    %mul3A_2068 = arith.mulf %select_n3A_1627, %mul3A_2067 : vector<56x64xf32>
    %add3A_2069 = arith.addf %add3A_2063, %mul3A_2068 : vector<56x64xf32>
    %get3A_2070 = arith.constant 3 : index
    %get3A_2071 = arith.constant 7 : index
    %get3A_2072 = memref.load %arg12[%get3A_2070, %get3A_2071] : memref<4x8xf32, #tpu.memory_space<smem>>
    %mul3A_2073 = vector.broadcast %get3A_2072 : f32 to vector<56x64xf32>
    %mul3A_2074 = arith.mulf %select_n3A_1603, %mul3A_2073 : vector<56x64xf32>
    %add3A_2075 = arith.addf %add3A_2069, %mul3A_2074 : vector<56x64xf32>
    %get3A_2076 = arith.constant 0 : index
    %get3A_2077 = arith.constant 7 : index
    %get3A_2078 = memref.load %arg13[%get3A_2076, %get3A_2077] : memref<1x8xf32, #tpu.memory_space<smem>>
    %add3A_2079 = vector.broadcast %get3A_2078 : f32 to vector<56x64xf32>
    %add3A_2080 = arith.addf %add3A_2075, %add3A_2079 : vector<56x64xf32>
    %jit3A_2081 = arith.constant 0.000000e+00 : f32
    %broadcast_in_dim3A_2082 = vector.broadcast %jit3A_2081 : f32 to vector<56x64xf32>
    %select_n3A_2083 = arith.select %and3A_1595, %add3A_2080, %broadcast_in_dim3A_2082 : vector<56x64xi1>, vector<56x64xf32>
    %add3A_2084 = arith.addf %div3A_2052, %select_n3A_2083 : vector<56x64xf32>
    %dot_general3A_2085 = arith.constant dense<0.000000e+00> : vector<56x32xf32>
    %dot_general3A_2086 = tpu.matmul %add3A_2084, %slice3A_2032, %dot_general3A_2085 {dimension_numbers = #tpu.dot_dimension_numbers<[1], [0], [0], [1], [0, 0, 1, 1], [], []>, transpose_lhs_hint = false} : vector<56x64xf32>, vector<64x32xf32>, vector<56x32xf32> -> vector<56x32xf32>
    %concatenate3A_2087 = tpu.concatenate %dot_general3A_1687, %dot_general3A_1744, %dot_general3A_1801, %dot_general3A_1858, %dot_general3A_1915, %dot_general3A_1972, %dot_general3A_2029, %dot_general3A_2086 in 1 : vector<56x32xf32>, vector<56x32xf32>, vector<56x32xf32>, vector<56x32xf32>, vector<56x32xf32>, vector<56x32xf32>, vector<56x32xf32>, vector<56x32xf32> -> vector<56x256xf32>
    %swap3A_2088 = arith.constant 168 : index
    %swap3A_2089 = arith.constant 0 : index
    %swap3A_2090 = vector.load %arg16[%swap3A_2088, %swap3A_2089] : memref<224x256xf32, #tpu.memory_space<vmem>>, vector<56x256xf32>
    tpu.vector_store %arg16[%swap3A_2088, %swap3A_2089], %concatenate3A_2087 {strides = array<i32>} : memref<224x256xf32, #tpu.memory_space<vmem>>, vector<56x256xf32>,
    %get3A_2091 = arith.constant 0 : index
    %get3A_2092 = arith.constant 0 : index
    %get3A_2093 = vector.load %arg16[%get3A_2091, %get3A_2092] : memref<224x256xf32, #tpu.memory_space<vmem>>, vector<224x256xf32>
    %get3A_2094 = arith.constant 0 : index
    %get3A_2095 = arith.constant 0 : index
    %get3A_2096 = vector.load %arg10[%get3A_2094, %get3A_2095] : memref<256x256xf32, #tpu.memory_space<vmem>>, vector<256x256xf32>
    %dot_general3A_2097 = arith.constant dense<0.000000e+00> : vector<224x256xf32>
    %dot_general3A_2098 = tpu.matmul %get3A_2093, %get3A_2096, %dot_general3A_2097 {dimension_numbers = #tpu.dot_dimension_numbers<[1], [0], [0], [1], [0, 0, 1, 1], [], []>, transpose_lhs_hint = false} : vector<224x256xf32>, vector<256x256xf32>, vector<224x256xf32> -> vector<224x256xf32>
    %get3A_2099 = arith.constant 0 : index
    %get3A_2100 = arith.constant 0 : index
    %get3A_2101 = vector.load %arg11[%get3A_2099, %get3A_2100] : memref<1x256xf32, #tpu.memory_space<vmem>>, vector<1x256xf32>
    %add3A_2102 = vector.broadcast %get3A_2101 : vector<1x256xf32> to vector<224x256xf32>
    %add3A_2103 = arith.addf %dot_general3A_2098, %add3A_2102 : vector<224x256xf32>
    %slice3A_2104 = vector.extract_strided_slice %add3A_2103 {offsets = [0, 0], sizes = [50, 256], strides = [1, 1]} : vector<224x256xf32> to vector<50x256xf32>
    %swap3A_2105 = arith.constant 0 : index
    %swap3A_2106 = arith.constant 0 : index
    %swap3A_2107 = arith.constant 0 : index
    %swap3A_2108 = arith.constant 0 : index
    %swap3A_2109 = vector.load %arg14[%swap3A_2105, %swap3A_2106, %swap3A_2107, %swap3A_2108] : memref<1x4x50x256xf32, #tpu.memory_space<vmem>>, vector<1x1x50x256xf32>
    %swap3A_2110 = vector.shape_cast %swap3A_2109 : vector<1x1x50x256xf32> to vector<50x256xf32>
    %swap3A_2111 = vector.shape_cast %slice3A_2104 : vector<50x256xf32> to vector<1x1x50x256xf32>
    tpu.vector_store %arg14[%swap3A_2105, %swap3A_2106, %swap3A_2107, %swap3A_2108], %swap3A_2111 {strides = array<i32>} : memref<1x4x50x256xf32, #tpu.memory_space<vmem>>, vector<1x1x50x256xf32>,
    %slice3A_2112 = vector.extract_strided_slice %add3A_2103 {offsets = [56, 0], sizes = [50, 256], strides = [1, 1]} : vector<224x256xf32> to vector<50x256xf32>
    %swap3A_2113 = arith.constant 0 : index
    %swap3A_2114 = arith.constant 1 : index
    %swap3A_2115 = arith.constant 0 : index
    %swap3A_2116 = arith.constant 0 : index
    %swap3A_2117 = vector.load %arg14[%swap3A_2113, %swap3A_2114, %swap3A_2115, %swap3A_2116] : memref<1x4x50x256xf32, #tpu.memory_space<vmem>>, vector<1x1x50x256xf32>
    %swap3A_2118 = vector.shape_cast %swap3A_2117 : vector<1x1x50x256xf32> to vector<50x256xf32>
    %swap3A_2119 = vector.shape_cast %slice3A_2112 : vector<50x256xf32> to vector<1x1x50x256xf32>
    tpu.vector_store %arg14[%swap3A_2113, %swap3A_2114, %swap3A_2115, %swap3A_2116], %swap3A_2119 {strides = array<i32>} : memref<1x4x50x256xf32, #tpu.memory_space<vmem>>, vector<1x1x50x256xf32>,
    %slice3A_2120 = vector.extract_strided_slice %add3A_2103 {offsets = [112, 0], sizes = [50, 256], strides = [1, 1]} : vector<224x256xf32> to vector<50x256xf32>
    %swap3A_2121 = arith.constant 0 : index
    %swap3A_2122 = arith.constant 2 : index
    %swap3A_2123 = arith.constant 0 : index
    %swap3A_2124 = arith.constant 0 : index
    %swap3A_2125 = vector.load %arg14[%swap3A_2121, %swap3A_2122, %swap3A_2123, %swap3A_2124] : memref<1x4x50x256xf32, #tpu.memory_space<vmem>>, vector<1x1x50x256xf32>
    %swap3A_2126 = vector.shape_cast %swap3A_2125 : vector<1x1x50x256xf32> to vector<50x256xf32>
    %swap3A_2127 = vector.shape_cast %slice3A_2120 : vector<50x256xf32> to vector<1x1x50x256xf32>
    tpu.vector_store %arg14[%swap3A_2121, %swap3A_2122, %swap3A_2123, %swap3A_2124], %swap3A_2127 {strides = array<i32>} : memref<1x4x50x256xf32, #tpu.memory_space<vmem>>, vector<1x1x50x256xf32>,
    %slice3A_2128 = vector.extract_strided_slice %add3A_2103 {offsets = [168, 0], sizes = [50, 256], strides = [1, 1]} : vector<224x256xf32> to vector<50x256xf32>
    %swap3A_2129 = arith.constant 0 : index
    %swap3A_2130 = arith.constant 3 : index
    %swap3A_2131 = arith.constant 0 : index
    %swap3A_2132 = arith.constant 0 : index
    %swap3A_2133 = vector.load %arg14[%swap3A_2129, %swap3A_2130, %swap3A_2131, %swap3A_2132] : memref<1x4x50x256xf32, #tpu.memory_space<vmem>>, vector<1x1x50x256xf32>
    %swap3A_2134 = vector.shape_cast %swap3A_2133 : vector<1x1x50x256xf32> to vector<50x256xf32>
    %swap3A_2135 = vector.shape_cast %slice3A_2128 : vector<50x256xf32> to vector<1x1x50x256xf32>
    tpu.vector_store %arg14[%swap3A_2129, %swap3A_2130, %swap3A_2131, %swap3A_2132], %swap3A_2135 {strides = array<i32>} : memref<1x4x50x256xf32, #tpu.memory_space<vmem>>, vector<1x1x50x256xf32>,
    return
  }
  func.func @transform_0(%arg0: i32, %arg1: i32) -> (i32, i32, i32, i32) {
    %c0_i32 = arith.constant 0 : i32
    %c0_i32_0 = arith.constant 0 : i32
    %c0_i32_1 = arith.constant 0 : i32
    return %arg0, %arg1, %c0_i32, %c0_i32_0 : i32, i32, i32, i32
  }
  func.func @transform_1(%arg0: i32, %arg1: i32) -> (i32, i32, i32) {
    %c0_i32 = arith.constant 0 : i32
    %c0_i32_0 = arith.constant 0 : i32
    %c0_i32_1 = arith.constant 0 : i32
    return %arg1, %c0_i32, %c0_i32_0 : i32, i32, i32
  }
  func.func @transform_2(%arg0: i32, %arg1: i32) -> (i32, i32, i32) {
    %c0_i32 = arith.constant 0 : i32
    %c0_i32_0 = arith.constant 0 : i32
    %c0_i32_1 = arith.constant 0 : i32
    return %arg1, %c0_i32, %c0_i32_0 : i32, i32, i32
  }
  func.func @transform_3(%arg0: i32, %arg1: i32) -> (i32, i32, i32) {
    %c0_i32 = arith.constant 0 : i32
    %c0_i32_0 = arith.constant 0 : i32
    %c0_i32_1 = arith.constant 0 : i32
    return %arg1, %c0_i32, %c0_i32_0 : i32, i32, i32
  }
  func.func @transform_4(%arg0: i32, %arg1: i32) -> (i32, i32, i32) {
    %c0_i32 = arith.constant 0 : i32
    %c0_i32_0 = arith.constant 0 : i32
    %c0_i32_1 = arith.constant 0 : i32
    return %arg1, %c0_i32, %c0_i32_0 : i32, i32, i32
  }
  func.func @transform_5(%arg0: i32, %arg1: i32) -> (i32, i32, i32) {
    %c0_i32 = arith.constant 0 : i32
    %c0_i32_0 = arith.constant 0 : i32
    %c0_i32_1 = arith.constant 0 : i32
    return %arg1, %c0_i32, %c0_i32_0 : i32, i32, i32
  }
  func.func @transform_6(%arg0: i32, %arg1: i32) -> (i32, i32) {
    %c0_i32 = arith.constant 0 : i32
    %c0_i32_0 = arith.constant 0 : i32
    %c0_i32_1 = arith.constant 0 : i32
    return %c0_i32, %c0_i32_0 : i32, i32
  }
  func.func @transform_7(%arg0: i32, %arg1: i32) -> (i32, i32) {
    %c0_i32 = arith.constant 0 : i32
    %c0_i32_0 = arith.constant 0 : i32
    %c0_i32_1 = arith.constant 0 : i32
    return %c0_i32, %c0_i32_0 : i32, i32
  }
  func.func @transform_8(%arg0: i32, %arg1: i32) -> (i32, i32) {
    %c0_i32 = arith.constant 0 : i32
    %c0_i32_0 = arith.constant 0 : i32
    %c0_i32_1 = arith.constant 0 : i32
    return %c0_i32, %c0_i32_0 : i32, i32
  }
  func.func @transform_9(%arg0: i32, %arg1: i32) -> (i32, i32) {
    %c0_i32 = arith.constant 0 : i32
    %c0_i32_0 = arith.constant 0 : i32
    %c0_i32_1 = arith.constant 0 : i32
    return %c0_i32, %c0_i32_0 : i32, i32
  }
  func.func @transform_10(%arg0: i32, %arg1: i32) -> (i32, i32) {
    %c0_i32 = arith.constant 0 : i32
    %c0_i32_0 = arith.constant 0 : i32
    %c0_i32_1 = arith.constant 0 : i32
    return %c0_i32, %c0_i32_0 : i32, i32
  }
  func.func @transform_11(%arg0: i32, %arg1: i32) -> (i32, i32) {
    %c0_i32 = arith.constant 0 : i32
    %c0_i32_0 = arith.constant 0 : i32
    %c0_i32_1 = arith.constant 0 : i32
    return %c0_i32, %c0_i32_0 : i32, i32
  }
  func.func @transform_12(%arg0: i32, %arg1: i32) -> (i32, i32, i32, i32) {
    %c0_i32 = arith.constant 0 : i32
    %c0_i32_0 = arith.constant 0 : i32
    %c0_i32_1 = arith.constant 0 : i32
    return %arg0, %arg1, %c0_i32, %c0_i32_0 : i32, i32, i32, i32
  }
}

</mosaic_0001>

<sc_bundles>
// kernel: scatter_offload_async_start.1
scs
__scs_entry_jumppad:
0x0: {  	(pc) =	sbr.rel $0x88, $3  }
0x1: {  	(tag) =	ssettag $0x0;
	lr =	simm.s32 $0x1  }
0x2: {  	[smem:$0x3F97] =	sst lr;
	_ =	strace $0xD0000000  }
0x3: {  	_ = 	snop  }
0x4: {  	_ = 	snop  }
0x5: {  	_ = 	snop  }
0x6: {  	_ = 	snop  }
0x7: {  	_ = 	snop  }
__scs_overlays_trampoline_lowered:
0x8: {  	[smem:$0x3FA6] =	sst s0  }
0x9: {  	[smem:$0x3FA7] =	sst s1  }
0xa: {  	[smem:$0x3FA8] =	sst s2  }
0xb: {  	[smem:$0x3FA9] =	sst s3  }
0xc: {  	[smem:$0x3FAA] =	sst s4  }
0xd: {  	[smem:$0x3FAB] =	sst s5  }
0xe: {  	[smem:$0x3FAC] =	sst s6  }
0xf: {  	[smem:$0x3FAD] =	sst s7  }
0x10: {  	[smem:$0x3FAE] =	sst s8  }
0x11: {  	[smem:$0x3FAF] =	sst s9;
	s0 =	simm.s32 @!p0 $0x0  }
0x12: {  	s1 =	sld [smem:$0x3F95];
	s0 =	simm.s32 @p0 $0x1  }
0x13: {  	[smem:$0x3FB0] =	sst s0;
	s0 =	simm.s32 @!p1 $0x0  }
0x14: {  	s2 =	sld [smem:$0x3F94];
	s0 =	simm.s32 @p1 $0x1  }
0x15: {  	[smem:$0x3FB1] =	sst s0;
	s0 =	simm.s32 @!p2 $0x0  }
0x16: {  	s3 =	sld [smem:$0x3FDB];
	s0 =	simm.s32 @p2 $0x1  }
0x17: {  	s4 =	simm.s32 $0x1BF5;
	[smem:$0x3FB3] =	sst s0  }
0x18: {  	s0 =	sld [smem:$0x3F96];
	_ =	swait.ge [sflag:s4], $0x0  }
0x19: {  	s7 =	sld [smem:$0x3F97]  }
0x1a: {  	s8 =	sadd.s32 $0xFFFFE003, lr  }
0x1b: {  	s9 =	sadd.s32 $0xFFFFFEF7, lr;
	s5 =	simm.s32 $0xFFFFFFFF;
	p2 =	slt.u32 s8, $0xFFFFF086  }
0x1c: {  	p1 =	slt.u32 s9, $0xF7A;
	s5 =	simm.s32 @!p2 $0x0  }
0x1d: {  	s5 =	simm.s32 @p1 $0x1;
	p0 =	seq.s32 s7, s2  }
0x1e: {  	s7 =	smul.u32 @!p0 $0xF7A, s2;
	p2 =	seq.s32 @!p0 s5, $0x0  }
0x1f: {  	s9 =	smul.u32 $0xF7A, s1;
	s8 =	simm.s32 @!p0 $0x1BF5;
	p2 =	por !p2, p0  }
0x20: {  	[sflag:s8] =	ssyncset.s32 @!p0 $0xFFFFF086;
	s6 =	sadd.s32 @!p0 s3, s7;
	s7 =	simm.s32 @!p0 $0x108  }
0x21: {  	s3 =	sadd.s32 s3, s9;
	s6 =	sadd.s32 @!p0 $0x88, s6;
	s7 =	simm.s32 @p2 $0x1082  }
0x22: {  	[simem:s7], [sflag:s8] =	dma.local @!p0 [hbm:s6], $0xF7A  }
0x23: {  	s9 =	sor.u32 $0xD0000000, s2;
	s6 =	simm.s32 $0x108;
	_ =	swait.ge @!p0 [sflag:s8], $0x0  }
0x24: {  	s3 =	sadd.s32 $0x88, s3;
	s6 =	simm.s32 @!p1 $0x1082;
	[sflag:s4] =	ssyncset.s32 $0xFFFFF086  }
0x25: {  	[simem:s6], [sflag:s4] =	dma.local [hbm:s3], $0xF7A  }
0x26: {  	[smem:$0x3F97] =	sst s1;
	(tag) =	ssettag s2;
	_ =	strace s9  }
0x27: {  	s1 =	sld [smem:$0x3FA7]  }
0x28: {  	s2 =	sld [smem:$0x3FA8]  }
0x29: {  	s4 =	sld [smem:$0x3FAA]  }
0x2a: {  	p0 =	seq.s32 s5, $0x0;
	s5 =	sld [smem:$0x3FAB]  }
0x2b: {  	s6 =	sld [smem:$0x3FAC]  }
0x2c: {  	s7 =	sld [smem:$0x3FAD]  }
0x2d: {  	s3 =	simm.s32 $0x108;
	s8 =	sld [smem:$0x3FAE]  }
0x2e: {  	s3 =	simm.s32 @!p0 $0x1082;
	s9 =	sld [smem:$0x3FAF]  }
0x2f: {  	lr =	sadd.s32 s0, s3;
	s0 =	sld [smem:$0x3FA6]  }
0x30: {  	s3 =	sld [smem:$0x3FA9]  }
0x31: {  	[smem:$0x3FB2] =	sst s10  }
0x32: {  	s10 =	sld [smem:$0x3FB0];
	_ =	sdelay $0x3  }
0x33: {  	p0 =	seq.s32 s10, $0x1;
	s10 =	sld [smem:$0x3FB2];
	_ =	sdelay $0x3  }
0x34: {  	[smem:$0x3FB2] =	sst s10  }
0x35: {  	s10 =	sld [smem:$0x3FB1];
	_ =	sdelay $0x3  }
0x36: {  	p1 =	seq.s32 s10, $0x1;
	s10 =	sld [smem:$0x3FB2];
	_ =	sdelay $0x3  }
0x37: {  	[smem:$0x3FB2] =	sst s10  }
0x38: {  	s10 =	sld [smem:$0x3FB3]  }
0x39: {  	_ = 	snop;
	(pc) =	sbr.ind lr, $3  }
0x3a: {  	_ = 	snop  }
0x3b: {  	_ = 	snop  }
0x3c: {  	p2 =	seq.s32 s10, $0x1;
	s10 =	sld [smem:$0x3FB2]  }
0x3d: {  	_ =	shalt  }
0x3e: {  	_ =	shalt  }
0x3f: {  	_ =	shalt  }
0x40: {  	_ =	shalt  }
0x41: {  	_ =	shalt  }
0x42: {  	_ =	shalt  }
0x43: {  	_ =	shalt  }
0x44: {  	_ =	shalt  }
0x45: {  	_ =	shalt  }
0x46: {  	_ =	shalt  }
0x47: {  	_ =	shalt  }
0x48: {  	_ =	shalt  }
0x49: {  	_ =	shalt  }
0x4a: {  	_ =	shalt  }
0x4b: {  	_ =	shalt  }
0x4c: {  	_ =	shalt  }
0x4d: {  	_ =	shalt  }
0x4e: {  	_ =	shalt  }
0x4f: {  	_ =	shalt  }
0x50: {  	_ =	shalt  }
0x51: {  	_ =	shalt  }
0x52: {  	_ =	shalt  }
0x53: {  	_ =	shalt  }
0x54: {  	_ =	shalt  }
0x55: {  	_ =	shalt  }
0x56: {  	_ =	shalt  }
0x57: {  	_ =	shalt  }
0x58: {  	_ =	shalt  }
0x59: {  	_ =	shalt  }
0x5a: {  	_ =	shalt  }
0x5b: {  	_ =	shalt  }
0x5c: {  	_ =	shalt  }
0x5d: {  	_ =	shalt  }
0x5e: {  	_ =	shalt  }
0x5f: {  	_ =	shalt  }
0x60: {  	_ =	shalt  }
0x61: {  	_ =	shalt  }
0x62: {  	_ =	shalt  }
0x63: {  	_ =	shalt  }
0x64: {  	_ =	shalt  }
0x65: {  	_ =	shalt  }
0x66: {  	_ =	shalt  }
0x67: {  	_ =	shalt  }
0x68: {  	_ =	shalt  }
0x69: {  	_ =	shalt  }
0x6a: {  	_ =	shalt  }
0x6b: {  	_ =	shalt  }
0x6c: {  	_ =	shalt  }
0x6d: {  	_ =	shalt  }
0x6e: {  	_ =	shalt  }
0x6f: {  	_ =	shalt  }
0x70: {  	_ =	shalt  }
0x71: {  	_ =	shalt  }
0x72: {  	_ =	shalt  }
0x73: {  	_ =	shalt  }
0x74: {  	_ =	shalt  }
0x75: {  	_ =	shalt  }
0x76: {  	_ =	shalt  }
0x77: {  	_ =	shalt  }
0x78: {  	_ =	shalt  }
0x79: {  	_ =	shalt  }
0x7a: {  	_ =	shalt  }
0x7b: {  	_ =	shalt  }
0x7c: {  	_ =	shalt  }
0x7d: {  	_ =	shalt  }
0x7e: {  	_ =	shalt  }
0x7f: {  	_ =	shalt  }
0x80: {  	_ =	shalt  }
0x81: {  	_ =	shalt  }
0x82: {  	_ =	shalt  }
0x83: {  	_ =	shalt  }
0x84: {  	_ =	shalt  }
0x85: {  	_ =	shalt  }
0x86: {  	_ =	shalt  }
0x87: {  	_ =	shalt  }
.Lfunc_end0:
.L_simem_size_0:
called_computation.1_lowered:
.L_overlay_start_0:
0x88: {  	s0 =	sld [smem:$0x3FD9]  }
0x89: {  	s1 =	sld [smem:$0x3FFE];
	_ =	sdelay $0x3  }
0x8a: {  	s0 =	sadd.s32 s1, s0  }
0x8b: {  	[smem:$0x3FBE] =	sst s0  }
0x8c: {  	_ = 	snop  }
0x8d: {  	(tm) =	ssettm $0x1  }
0x8e: {  	s14 =	sld [smem:$0x3FFB];
	_ =	sdelay $0x3  }
0x8f: {  	_ =	strace s14  }
0x90: {  	s0 =	sld [smem:$0x3FFC];
	_ =	sdelay $0x3  }
0x91: {  	_ =	strace s0  }
0x92: {  	s0 =	sld [smem:$0x3FFD];
	_ =	sdelay $0x3  }
0x93: {  	_ =	strace s0  }
0x94: {  	_ =	strace $0x8FFFFFFF  }
0x95: {  	s15 =	sld [smem:$0x3FDB];
	_ =	sdelay $0x1  }
0x96: {  	s16 =	simm.s32 $_scs_section_size  }
0x97: {  	s2 =	simm.s32 $_size__tile_overlayer_lowered;
	s3 =	simm.s32 $_tile_overlayer_lowered  }
0x98: {  	s4 =	simm.s32 $0x1BFF;
	s17 =	sshll.u32 s3, $0x1;
	s1 =	sadd.s32 s16, s15  }
0x99: {  	s18 =	simm.s32 $0x0;
	s2 =	sshll.u32 s2, $0x1;
	s3 =	sadd.s32 s17, s1  }
0x9a: {  	[timem:s18], [sflag:s4] =	dma.local [hbm:s3], s2  }
0x9b: {  	_ =	swait.ge [sflag:s4], s2  }
0x9c: {  	s2 =	ssub.s32 $0x0, s2;
	[sflag:s4] =	ssyncset.done $0x0  }
0x9d: {  	[sflag:s4] =	ssyncadd.s32 s2;
	_ =	sdelay $0x1  }
0x9e: {  	s19 =	simm.s32 $0x1B8B  }
0x9f: {  	_ =	swait.ge [sflag:s19], $0x1  }
0xa0: {  	[sflag:s19] =	ssyncset.done $0x0  }
0xa1: {  	s21 =	simm.s32 $0x1B8E;
	s20 =	sld [smem:$0x3FFE];
	[sflag:s19] =	ssyncadd.s32 $0xFFFFFFFF  }
0xa2: {  	s22 =	simm.s32 $execute0_lowered;
	[smem:$0x3FD2] =	sst s21  }
0xa3: {  	s3 =	sshll.u32 s22, $0x1;
	_ =	strace $0x80000052;
	[dreg:$0x1] =	wrdreg $0xFFFFFFFF  }
0xa4: {  	s23 =	simm.s32 $_size_execute0_lowered;
	s3 =	sadd.s32 s1, s3;
	[dreg:$0x0] =	wrdreg $0x0  }
0xa5: {  	s4 =	sshll.u32 s23, $0x1;
	[dreg:$0x2] =	wrdreg s3  }
0xa6: {  	[dreg:$0x3] =	wrdreg s4  }
0xa7: {  	[dreg:$0x4] =	wrdreg $0xC0  }
0xa8: {  	s24 =	simm.s32 $execute1_lowered;
	_ =	task [dreg:s18], $0x5FFFF  }
0xa9: {  	s3 =	sshll.u32 s24, $0x1;
	[dreg:$0x1] =	wrdreg $0xFFFFFFFF  }
0xaa: {  	s1 =	sadd.s32 s1, s3;
	[dreg:$0x0] =	wrdreg $0x60  }
0xab: {  	[dreg:$0x2] =	wrdreg s1  }
0xac: {  	[dreg:$0x3] =	wrdreg s20  }
0xad: {  	[dreg:$0x4] =	wrdreg $0xB  }
0xae: {  	_ =	task.clear_ibuf [dreg:s18], $0x5FFFF;
	_ =	strace $0x90000052  }
0xaf: {  	s25 =	simm.s32 $0xB;
	_ =	strace $0x80000054  }
0xb0: {  	_ =	swait.ge [sflag:s25], $0x1  }
0xb1: {  	[sflag:s25] =	ssyncadd.s32 $0xFFFFFFFF  }
0xb2: {  	_ =	strace $0x90000054  }
0xb3: {  	_ =	strace $0x80000055;
	[dreg:$0x1] =	wrdreg $0xFFFFFFFF  }
0xb4: {  	[dreg:$0x0] =	wrdreg $0x2030  }
0xb5: {  	[dreg:$0x2] =	wrdreg s20  }
0xb6: {  	[dreg:$0x3] =	wrdreg $0xC  }
0xb7: {  	_ =	task.clear_ibuf [dreg:s18], $0x4FFFF;
	_ =	strace $0x90000055  }
0xb8: {  	s26 =	simm.s32 $0xC;
	_ =	strace $0x80000057  }
0xb9: {  	_ =	swait.ge [sflag:s26], $0x1  }
0xba: {  	[sflag:s26] =	ssyncadd.s32 $0xFFFFFFFF  }
0xbb: {  	_ =	strace $0x90000057  }
0xbc: {  	_ =	sfence  }
0xbd: {  	s28 =	sld [smem:$0x0];
	_ =	sdelay $0x1  }
0xbe: {  	s29 =	srdreg.scid  }
0xbf: {  	s30 =	sshll.u32 s29, $0xD;
	s31 =	sshrl.u32 s29, $0x2  }
0xc0: {  	s2 =	sand.u32 $0x1, s29;
	s3 =	sand.u32 $0x4000, s30;
	s1 =	sadd.s32 s31, s28  }
0xc1: {  	s2 =	sor.u32 s3, s2;
	s1 =	sshll.u32 s1, $0x11  }
0xc2: {  	s1 =	sor.u32 s1, s2  }
0xc3: {  	s1 =	sadd.s32 $0x8F2B, s1  }
0xc4: {  	[sflag:s1] =	ssyncadd.remote.s32 $0x1  }
0xc5: {  	_ =	sfence.sel $0xFFFF  }
0xc6: {  	[dreg:$0x0] =	wrdreg $0xFFFFFFFF;
	(pc) =	sbr.abs _section_cstart, $3  }
0xc7: {  	[dreg:$0x1] =	wrdreg $0xFFFFFFFF  }
0xc8: {  	_ =	task.clear_ibuf [dreg:s18], $0x2FFFF;
	_ =	strace $0x9FFFFFFF  }
0xc9: {  	(tm) =	ssettm $0x7FFFFFFF  }
tec
execute0_lowered:
.L_overlay_start_1:
0x0: {  	(tag) =	ssettag $0x1  }
0x1: {  	s3 =	rddreg [dreg:$0x0];
	s4 =	stileid.u32  }
0x2: {  	s5 =	rddreg [dreg:$0x1];
	s2 =	smul.u32 $0x2BC0, s4  }
0x3: {  	s0 =	rddreg [dreg:$0x2];
	[bflag:$0x3] =	sbarrier.arrive $0xFFFF;
	s1 =	simm.s32 $_size_execute1_lowered  }
0x4: {  	s1 =	sshll.u32 s1, $0x1;
	p0 =	sne.s32 s4, $0x0;
	s6 =	ssub.s32 $0xAF000, s2  }
0x5: {  	s4 =	simm.s32 @!p0 $0x1C3F;
	s7 =	simm.s32 @!p0 $0x4060;
	s8 =	smulhi.u32 $0xBB3EF, s6  }
0x6: {  	[timem:s7], [sflag:s4] =	dma.local @!p0 [hbm:s3], s1  }
0x7: {  	s30 =	sshrl.u32 s8, $0x5  }
0x8: {  	s31 =	simm.s32 $0x2;
	s8 =	smul.u32 $0x2BC00, s30  }
.Ltmp0:
0x9: {  	s10 =	simm.s32 $0x0;
	s9 =	simm.s32 $0x0;
	(pc) =	sbr.rel .LBB2_1-.Ltmp0, $4  }
0xa: {  	s3 =	sadd.s32 $0x15400, s5;
	p1 =	sne.s32 s6, s8;
	s6 =	simm.s32 $0x1  }
0xb: {  	s4 =	simm.s32 $0x1;
	_ =	strace $0x80000053;
	s6 =	simm.s32 @!p1 $0x0  }
0xc: {  	s5 =	sadd.s32 $0x50000, s5;
	[sflag:s4] =	ssyncpa.u1 $0x0;
	s6 =	sadd.s32 s6, s30  }
0xd: {  	[sflag:s31] =	ssyncpa.u1 $0x0;
	s8 =	smov.u32 s2;
	s7 =	sadd.s32 $0x1, s6  }
.LBB2_7:
0xe: {  	s12 =	sadd.s32 $0x2BC00, s8  }
0xf: {  	p2 =	sgt.s32 s12, $0xAEFFF  }
0x10: {  	s12 =	smov.u32 @p2 s2;
	p2 =	sne.s32 s9, s7  }
.Ltmp1:
0x11: {  	p1 =	slt.u32 s9, $0x2;
	(pc) =	sbr.rel @!p2 .LBB2_8-.Ltmp1, $4  }
0x12: {  	s11 =	simm.s32 @!p1 $0x2  }
0x13: {  	_ =	swait.ge @!p1 [sflag:s11], $0x2BC0  }
0x14: {  	s13 =	sadd.s32 $0x1, s9;
	s10 =	smov.u32 s8;
	[sflag:s11] =	ssyncset.done @!p1 $0x0  }
0x15: {  	s9 =	smov.u32 s13;
	s8 =	smov.u32 s12;
	[sflag:s11] =	ssyncadd.s32 @!p1 $0xFFFFD440  }
.LBB2_1:
0x16: {  	p1 =	sge.u32 s9, s6  }
0x17: {  	s11 =	sxor.u32 @!p1 $0xFFFFFFFF, s9  }
0x18: {  	s11 =	sand.u32 @!p1 $0x1, s11  }
0x19: {  	s11 =	smul.u32 @!p1 $0xAF00, s11  }
0x1a: {  	s31 =	sadd.s32 $0xFFFFFFFF, s9;
	s12 =	sshrl.u32 @!p1 s8, $0x3  }
0x1b: {  	s13 =	sand.u32 @!p1 $0x7, s8;
	s12 =	sadd.s32 @!p1 s3, s12;
	s11 =	sshrl.u32 @!p1 s11, $0x2  }
0x1c: {  	[tilespmem:s11], [sflag:$0x1] =	stream.linear.gather @!p1 [hbm4b:s12+s13], $0x2BC0, $0x38;
	[tilespmem:$0xAF00] =	vst v63  }
0x1d: {  	p1 =	sge.u32 s31, s6  }
.Ltmp2:
0x1e: {  	_ = 	snop;
	(pc) =	sbr.rel @p1 .LBB2_7-.Ltmp2, $1  }
0x1f: {  	_ =	sdelay $0x3  }
0x20: {  	s11 =	sand.u32 $0x1, s9  }
0x21: {  	_ =	swait.ge [sflag:s4], $0x2BC0;
	s13 =	simm.s32 $0x2BC0;
	p1 =	seq.s32 s11, $0x1  }
0x22: {  	[sflag:s4] =	ssyncset.done $0x0;
	s13 =	simm.s32 @!p1 $0x0  }
0x23: {  	[sflag:s4] =	ssyncadd.s32 $0xFFFFD440;
	s15 =	sadd.s32 $0x80, s13  }
0x24: {  	v0 =	vld [tilespmem:s15+$0x70]  }
0x25: {  	v1 =	vld [tilespmem:s15+$0xFFFFFF90]  }
0x26: {  	v2 =	vld [tilespmem:s15+$0xFFFFFFA0]  }
0x27: {  	v3 =	vld [tilespmem:s15+$0xFFFFFFB0]  }
0x28: {  	s11 =	sadd.s32 $0x5800, s13;
	v4 =	vld [tilespmem:s15+$0xFFFFFFC0]  }
0x29: {  	v5 =	vld [tilespmem:s15+$0xFFFFFFD0];
	[tilespmem:s11+$0x70] =	vst v0  }
0x2a: {  	[tilespmem:s11+$0xFFFFFF90] =	vst v1;
	v0 =	vld [tilespmem:s15+$0xFFFFFFE0]  }
0x2b: {  	[tilespmem:s11+$0xFFFFFFA0] =	vst v2;
	v1 =	vld [tilespmem:s15+$0xFFFFFFF0]  }
0x2c: {  	[tilespmem:s11+$0xFFFFFFB0] =	vst v3;
	v2 =	vld [tilespmem:s15+$0x0]  }
0x2d: {  	[tilespmem:s11+$0xFFFFFFC0] =	vst v4;
	v3 =	vld [tilespmem:s15+$0x10]  }
0x2e: {  	[tilespmem:s11+$0xFFFFFFD0] =	vst v5;
	v5 =	vld [tilespmem:s15+$0x20]  }
0x2f: {  	[tilespmem:s11+$0xFFFFFFE0] =	vst v0;
	v0 =	vld [tilespmem:s15+$0x30]  }
0x30: {  	[tilespmem:s11+$0xFFFFFFF0] =	vst v1;
	v1 =	vld [tilespmem:s15+$0x40]  }
0x31: {  	[tilespmem:s11+$0x0] =	vst v2;
	v2 =	vld [tilespmem:s15+$0x50]  }
0x32: {  	s14 =	simm.s32 $0x0;
	[tilespmem:s11+$0x10] =	vst v3;
	v3 =	vld [tilespmem:s15+$0x60]  }
0x33: {  	s12 =	sadd.s32 $0x5780, s13;
	s13 =	sshll.u32 s13, $0x2;
	v4 =	vld [tilespmem:s15+$0xFFFFFF80];
	[tilespmem:s11+$0x20] =	vst v5;
	s15 =	sadd.s32 $0x100, s15  }
.LBB2_3:
0x34: {  	v5 =	vld [tilespmem:s15+$0x70];
	s14 =	sadd.s32 $0x100, s14;
	[tilespmem:s11+$0x30] =	vst v0  }
0x35: {  	v0 =	vld [tilespmem:s15+$0xFFFFFF90];
	p1 =	slt.u32 s14, $0x2A00;
	[tilespmem:s11+$0x40] =	vst v1  }
0x36: {  	v1 =	vld [tilespmem:s15+$0xFFFFFFA0];
	[tilespmem:s11+$0x50] =	vst v2  }
0x37: {  	v2 =	vld [tilespmem:s15+$0xFFFFFFB0];
	[tilespmem:s11+$0x60] =	vst v3  }
0x38: {  	v3 =	vld [tilespmem:s15+$0xFFFFFFC0];
	[tilespmem:s11+$0xFFFFFF80] =	vst v4;
	s11 =	sadd.s32 $0x100, s11  }
0x39: {  	v4 =	vld [tilespmem:s15+$0xFFFFFFD0];
	[tilespmem:s11+$0x70] =	vst v5  }
0x3a: {  	[tilespmem:s11+$0xFFFFFF90] =	vst v0;
	v0 =	vld [tilespmem:s15+$0xFFFFFFE0]  }
0x3b: {  	[tilespmem:s11+$0xFFFFFFA0] =	vst v1;
	v1 =	vld [tilespmem:s15+$0xFFFFFFF0]  }
0x3c: {  	[tilespmem:s11+$0xFFFFFFB0] =	vst v2;
	v2 =	vld [tilespmem:s15+$0x0]  }
0x3d: {  	[tilespmem:s11+$0xFFFFFFC0] =	vst v3;
	v3 =	vld [tilespmem:s15+$0x10]  }
0x3e: {  	[tilespmem:s11+$0xFFFFFFD0] =	vst v4;
	v5 =	vld [tilespmem:s15+$0x20]  }
.Ltmp3:
0x3f: {  	[tilespmem:s11+$0xFFFFFFE0] =	vst v0;
	v0 =	vld [tilespmem:s15+$0x30];
	(pc) =	sbr.rel @p1 .LBB2_3-.Ltmp3, $4  }
0x40: {  	[tilespmem:s11+$0xFFFFFFF0] =	vst v1;
	v1 =	vld [tilespmem:s15+$0x40]  }
0x41: {  	[tilespmem:s11+$0x0] =	vst v2;
	v2 =	vld [tilespmem:s15+$0x50]  }
0x42: {  	[tilespmem:s11+$0x10] =	vst v3;
	v3 =	vld [tilespmem:s15+$0x60]  }
0x43: {  	v4 =	vld [tilespmem:s15+$0xFFFFFF80];
	[tilespmem:s11+$0x20] =	vst v5;
	s15 =	sadd.s32 $0x100, s15  }
0x44: {  	[tilespmem:s11+$0x30] =	vst v0  }
0x45: {  	[tilespmem:s11+$0x40] =	vst v1  }
0x46: {  	[tilespmem:s11+$0x50] =	vst v2  }
0x47: {  	s13 =	sshrl.u32 s13, $0x2;
	[tilespmem:s11+$0x60] =	vst v3  }
0x48: {  	s14 =	simm.s32 $0x2AF0;
	[tilespmem:s11+$0xFFFFFF80] =	vst v4;
	s11 =	sadd.s32 $0x8280, s13;
	s13 =	sadd.s32 $0x2B00, s13  }
.LBB2_5:
0x49: {  	s14 =	sadd.s32 $0x10, s14  }
0x4a: {  	v0 =	vld [tilespmem:s13+$0x0];
	p1 =	slt.u32 s14, $0x2BB0  }
.Ltmp4:
0x4b: {  	_ = 	snop;
	(pc) =	sbr.rel @p1 .LBB2_5-.Ltmp4, $2  }
0x4c: {  	_ =	sdelay $0x2  }
0x4d: {  	s13 =	sadd.s32 $0x10, s13;
	[tilespmem:s11+$0x0] =	vst v0;
	s11 =	sadd.s32 $0x10, s11  }
.Ltmp5:
0x4e: {  	(pc) =	sbr.rel .LBB2_7-.Ltmp5, $4  }
0x4f: {  	_ = 	snop  }
0x50: {  	s11 =	sshrl.u32 s10, $0x3  }
0x51: {  	s31 =	sand.u32 $0x7, s10;
	s11 =	sadd.s32 s5, s11  }
0x52: {  	[hbm4b:s11+s31] =	stream.linear.scatter [tilespmem:s12], [sflag:$0x2], $0x2BC0, $0x38;
	[tilespmem:$0xAF00] =	vst v63  }
.LBB2_8:
0x53: {  	_ =	sfence.sel $0x180000  }
0x54: {  	s2 =	simm.s32 $0x1;
	[bflag:$0x0] =	sbarrier.arrive $0xFFFF  }
0x55: {  	s31 =	simm.s32 $0x2;
	[sflag:s2] =	ssyncpa.u1 $0x1  }
0x56: {  	[sflag:s31] =	ssyncpa.u1 $0x1  }
0x57: {  	_ =	strace $0x90000053  }
0x58: {  	s0 =	sadd.s32 @!p0 $0x100000, s0;
	[bflag:$0x2] =	sbarrier.arrive $0xFFFF  }
0x59: {  	[sflag:s0] =	ssyncadd.tile.s32 @!p0 $0x1;
	s0 =	simm.s32 @!p0 $0x3F  }
0x5a: {  	_ =	swait.ge @!p0 [sflag:s0], s1  }
0x5b: {  	s1 =	ssub.s32 @!p0 $0x0, s1;
	[sflag:s0] =	ssyncset.done @!p0 $0x0  }
0x5c: {  	[sflag:s0] =	ssyncadd.s32 @!p0 s1  }
0x5d: {  	[bflag:$0x3] =	sbarrier.arrive $0xFFFF  }
0x5e: {  	_ =	shalt  }
.Lfunc_end2:
execute1_lowered:
.L_overlay_start_2:
0x5f: {  	(tag) =	ssettag $0x2  }
0x60: {  	s0 =	rddreg [dreg:$0x0]  }
0x61: {  	s14 =	stileid.u32;
	_ =	strace $0x80000056;
	s2 =	simm.s32 $0x1  }
0x62: {  	v1 =	vimm.s32 $0xFFFFFFFF;
	s1 =	smin.u32 s14, $0x4;
	[sflag:s2] =	ssyncpa.u1 $0x0  }
0x63: {  	s1 =	sadd.s32 s14, s1;
	[tilespmem:$0x10] =	vst v1  }
0x64: {  	v0 =	vimm.f32 $0.0e+00;
	p0 =	slt.u32 s14, $0x4;
	[tilespmem:$0x20] =	vst v1;
	s3 =	smul.u32 $0x1F40, s1;
	s1 =	simm.s32 $0x3E80  }
0x65: {  	[tilespmem:$0x30] =	vst v0;
	s1 =	simm.s32 @!p0 $0x1F40  }
0x66: {  	[tilespmem:$0x40] =	vst v0;
	s1 =	sadd.s32 s1, s3  }
0x67: {  	[tilespmem:$0x50] =	vst v0;
	s4 =	smin.u32 s1, $0x27100  }
0x68: {  	[tilespmem:$0x60] =	vst v1;
	s9 =	ssub.s32 s4, s3  }
0x69: {  	s7 =	simm.s32 $0x2;
	s8 =	simm.s32 $0x8;
	[tilespmem:$0x70] =	vst v1;
	p0 =	sgt.s32 s9, $0x0  }
0x6a: {  	s31 =	simm.s32 $0x9;
	s16 =	simm.s32 $0x0;
	[tilespmem:$0x80] =	vst v1;
	s9 =	simm.s32 @!p0 $0x0  }
0x6b: {  	s17 =	simm.s32 $0xF0;
	s18 =	simm.s32 $0xFFFFFFFF;
	v1 =	vimm.s32 $0x0;
	[tilespmem:$0xB0] =	vst v0;
	s5 =	smulhi.u32 $0x10624DD3, s9  }
0x6c: {  	s19 =	simm.s32 $0xFFFFC280;
	s20 =	simm.s32 $0xFFFFFFFE;
	s21 =	simm.s32 $0xF;
	[tilespmem:$0x90] =	vst v1  }
0x6d: {  	[tilespmem:$0xA0] =	vst v1;
	[sflag:s7] =	ssyncpa.u1 $0x0;
	s7 =	simm.s32 $0x7;
	s10 =	sshrl.u32 s5, $0x9  }
0x6e: {  	s25 =	simm.s32 $0x0;
	[sflag:s7] =	ssyncpa.u1 $0x0;
	s11 =	smul.u32 $0x1F40, s10  }
0x6f: {  	s24 =	simm.s32 $0x0;
	s6 =	sadd.s32 $0x4B000, s0;
	[sflag:s8] =	ssyncpa.u1 $0x0  }
.Ltmp6:
0x70: {  	s23 =	smov.u32 s3;
	p0 =	sne.s32 s9, s11;
	(pc) =	sbr.rel .LBB3_1-.Ltmp6, $4  }
0x71: {  	s1 =	sadd.s32 $0x50000, s0;
	[sflag:s31] =	ssyncpa.u1 $0x0;
	s2 =	simm.s32 @!p0 $0x0  }
0x72: {  	s5 =	sadd.s32 $0x46000, s0;
	p0 =	por $0x0, $0x0;
	s9 =	sadd.s32 s2, s10  }
0x73: {  	vm0 =	vmmov $0xffff;
	v2 =	vlaneseq.u32;
	s10 =	sshll.u32 s14, $0x1;
	s14 =	sshllo.u32 s14, $0x1;
	s11 =	sadd.s32 $0x1, s9  }
0x74: {  	vm1 =	vmxor vm1, vm1;
	vm2 =	vmmov $0x1;
	vm3 =	vcmask $0x3F3C;
	s12 =	sadd.s32 $0x2, s9;
	s13 =	sor.u32 $0x81, s10;
	s15 =	sor.u32 $0x80, s10  }
.LBB3_9:
0x75: {  	p1 =	slt.u32 s24, $0x3  }
0x76: {  	s0 =	simm.s32 @!p1 $0x2  }
0x77: {  	_ =	swait.ge @!p1 [sflag:s0], $0x1F40  }
0x78: {  	[sflag:s0] =	ssyncset.done @!p1 $0x0  }
0x79: {  	[sflag:s0] =	ssyncadd.s32 @!p1 $0xFFFFE0C0;
	s0 =	simm.s32 @!p1 $0x9  }
0x7a: {  	_ =	swait.ge @!p1 [sflag:s0], $0x10  }
0x7b: {  	[sflag:s0] =	ssyncset.done @!p1 $0x0  }
0x7c: {  	[sflag:s0] =	ssyncadd.s32 @!p1 $0xFFFFFFF0;
	p1 =	sne.s32 s24, s12  }
.Ltmp7:
0x7d: {  	s2 =	sadd.s32 $0x1F40, s23;
	(pc) =	sbr.rel @!p1 .LBB3_10-.Ltmp7, $4  }
0x7e: {  	s22 =	smov.u32 s3;
	s31 =	sadd.s32 $0x1, s24;
	s17 =	sadd.s32 $0x1F40, s17  }
0x7f: {  	s18 =	sadd.s32 $0x1, s18;
	s25 =	smov.u32 s23;
	p2 =	slt.s32 s2, s4  }
0x80: {  	p0 =	por !p0, !p0;
	s19 =	sadd.s32 $0x1F40, s19;
	s22 =	smov.u32 @p2 s2  }
0x81: {  	s20 =	sadd.s32 $0x1, s20;
	s23 =	smov.u32 s22;
	s24 =	smov.u32 s31  }
.LBB3_1:
0x82: {  	p1 =	sge.u32 s24, s9  }
0x83: {  	s0 =	smulhi.u32 @!p1 $0xAAAAAAAB, s24;
	_ =	sdelay $0x1  }
0x84: {  	s0 =	sshrl.u32 @!p1 s0, $0x1  }
0x85: {  	s0 =	smul.u32 @!p1 $0x3, s0;
	_ =	sdelay $0x1  }
0x86: {  	s0 =	ssub.s32 @!p1 s24, s0  }
0x87: {  	s0 =	smul.u32 @!p1 $0x7D00, s0;
	_ =	sdelay $0x1  }
0x88: {  	s2 =	sshrl.u32 @!p1 s23, $0x3;
	s0 =	sshrl.u32 @!p1 s0, $0x2  }
0x89: {  	s22 =	sand.u32 @!p1 $0x7, s23;
	s2 =	sadd.s32 @!p1 s5, s2;
	s0 =	sadd.s32 @!p1 $0x100, s0  }
0x8a: {  	[tilespmem:s0], [sflag:$0x7] =	stream.linear.gather @!p1 [hbm4b:s2+s22], $0x1F40, $0x38;
	[tilespmem:$0x11A60] =	vst v63  }
0x8b: {  	s0 =	sadd.s32 $0xFFFFFFFF, s24  }
0x8c: {  	p1 =	sge.u32 s0, s9  }
.Ltmp8:
0x8d: {  	_ = 	snop;
	(pc) =	sbr.rel @p1 .LBB3_5-.Ltmp8, $1  }
0x8e: {  	_ =	sdelay $0x3  }
0x8f: {  	s2 =	smulhi.u32 $0xAAAAAAAB, s0;
	_ =	sdelay $0x1  }
0x90: {  	s2 =	sshrl.u32 s2, $0x1  }
0x91: {  	s2 =	smul.u32 $0x3, s2;
	_ =	sdelay $0x1  }
0x92: {  	s2 =	ssub.s32 s0, s2  }
0x93: {  	s2 =	smul.u32 $0x7D00, s2  }
0x94: {  	_ =	swait.ge [sflag:s7], $0x1F40  }
0x95: {  	[sflag:s7] =	ssyncset.done $0x0;
	s2 =	sshrl.u32 s2, $0x2  }
0x96: {  	[sflag:s7] =	ssyncadd.s32 $0xFFFFE0C0;
	(ifvalue) =	ssetifvalue $0xFFFFFFFF;
	v3 =	vld.msk [tilespmem:s2+$0x100 ss:$0x1], $0xffff;
	_ =	sdelay $0x2  }
0x97: {  	s30 =	smulhi.u32 $0xAAAAAAAB, s18;
	p1 =	sne.s32 s24, $0x1  }
0x98: {  	v4 =	vimm.s32 @!p1 $0x0  }
0x99: {  	s2 =	sshrl.u32 s30, $0x1;
	v4 =	vperm.xlane @!p1 v3, v4  }
0x9a: {  	s22 =	sshll.u32 s24, $0x4;
	s2 =	smul.u32 $0xFFFE8900, s2;
	vm4 =	vlt.u32 v3, $0xAF000  }
0x9b: {  	s22 =	sand.u32 $0x10, s22;
	v3 =	vnsel vm4, $0xFFFFFFFE, v3;
	vm4 =	vlt.u32 @!p1 v4, $0xAF000  }
0x9c: {  	s2 =	sshra.s32 s2, $0x2;
	[tilespmem:s22+$0x60] =	vst v3;
	v3 =	vnsel @!p1 vm4, $0xFFFFFFFE, v4  }
0x9d: {  	s28 =	sadd.s32 s2, s17;
	[tilespmem:$0x80] =	vst @!p1 v3  }
0x9e: {  	v3 =	vld.msk [tilespmem:s28+$0x0 ss:$0x1], $0xffff;
	_ =	sdelay $0x4  }
0x9f: {  	(xrf1) =	vunique.msk.u32 $0xffff, v3;
	_ =	sdelay $0xd  }
0xa0: {  	v4 =	vimm.s32 $0xFFFFFFFF;
	v5, _, _ =	vpop (xrf1)  }
0xa1: {  	vm5 =	vne.s32 v3, v4;
	vm4 =	veq.s32 v5, v2  }
0xa2: {  	vm6 =	vlt.u32 v3, $0xAF000;
	vm4 =	vmand vm5, vm4  }
0xa3: {  	vm4 =	vmand vm6, vm4  }
0xa4: {  	v4 =	vnsel vm4, $0xFFFFFFFF, v3  }
0xa5: {  	s31 =	sand.u32 $0x1, s0  }
0xa6: {  	s0 =	simm.s32 $0x1F40;
	p1 =	seq.s32 s31, $0x1  }
0xa7: {  	s0 =	simm.s32 @!p1 $0x0  }
0xa8: {  	s26 =	sadd.s32 $0x7DF0, s0;
	(ifvalue) =	ssetifvalue $0xFFFFFFFF  }
0xa9: {  	v3 =	vperm.xlane v3, v1;
	[tilespmem:s26], [sflag:$0x8] =	stream.indirect_vreg.gather [hbm4b:s1+s16], $0x1, v4, vm0, $0x4038;
	v4 =	vnsel vm6, $0xFFFFFFFE, v4;
	[tilespmem:$0x11A60] =	vst v63  }
0xaa: {  	s2 =	simm.s32 $0x0;
	s22 =	sadd.s32 $0xFFFFFFF0, s28;
	[tilespmem:s28+$0x0] =	vst v4  }
.LBB3_3:
0xab: {  	v4 =	vld.msk [tilespmem:s22+$0x0 ss:$0x1], $0xffff;
	s2 =	sadd.s32 $0x10, s2;
	v5 =	vmov v3;
	s28 =	smov.u32 s22  }
0xac: {  	p1 =	slt.u32 s2, $0x1F30;
	_ =	sdelay $0x4  }
0xad: {  	v3 =	vperm.xlane v4, v1;
	(xrf1) =	vunique.msk.u32 $0xffff, v4;
	_ =	sdelay $0xd  }
0xae: {  	v6, _, _ =	vpop (xrf1)  }
0xaf: {  	vm5 =	vne.s32 v4, v5;
	vm4 =	veq.s32 v6, v2  }
0xb0: {  	vm6 =	vlt.u32 v4, $0xAF000;
	vm4 =	vmand vm5, vm4  }
0xb1: {  	vm4 =	vmand vm6, vm4  }
0xb2: {  	v4 =	vnsel vm4, $0xFFFFFFFF, v4  }
.Ltmp9:
0xb3: {  	v5 =	vnsel vm6, $0xFFFFFFFE, v4;
	(pc) =	sbr.rel @p1 .LBB3_3-.Ltmp9, $3  }
0xb4: {  	_ =	sdelay $0x1  }
0xb5: {  	s22 =	sadd.s32 $0xFFFFFFF0, s22;
	s26 =	sadd.s32 $0xFFFFFFF0, s26;
	(ifvalue) =	ssetifvalue $0xFFFFFFFF  }
0xb6: {  	[tilespmem:s26], [sflag:$0x8] =	stream.indirect_vreg.gather [hbm4b:s1+s16], $0x1, v4, vm0, $0x4038;
	[tilespmem:s28+$0x0] =	vst v5  }
0xb7: {  	s2 =	sshrl.u32 s25, $0x3  }
0xb8: {  	s0 =	sadd.s32 $0x9D40, s0;
	s2 =	sadd.s32 s6, s2  }
0xb9: {  	[tilespmem:s0], [sflag:$0x8] =	stream.linear.gather [hbm:s2], $0x1F40, $0x38;
	[tilespmem:$0x11A60] =	vst v63  }
.LBB3_5:
0xba: {  	p1 =	slt.u32 s24, $0x2  }
0xbb: {  	p2 =	sge.u32 @!p1 s24, s12  }
0xbc: {  	p1 =	por p1, p2  }
.Ltmp10:
0xbd: {  	_ = 	snop;
	(pc) =	sbr.rel @p1 .LBB3_9-.Ltmp10, $1  }
0xbe: {  	_ =	sdelay $0x3  }
0xbf: {  	s0 =	sadd.s32 $0xFFFFFFFE, s24  }
0xc0: {  	s2 =	smulhi.u32 $0xAAAAAAAB, s0;
	_ =	sdelay $0x1  }
0xc1: {  	s2 =	sshrl.u32 s2, $0x1  }
0xc2: {  	s2 =	smul.u32 $0x3, s2;
	_ =	sdelay $0x1  }
0xc3: {  	s0 =	ssub.s32 s0, s2  }
0xc4: {  	_ =	swait.ge [sflag:s8], $0x3E80;
	s0 =	smul.u32 $0x1F40, s0  }
0xc5: {  	p1 =	sne.s32 s24, s11;
	[sflag:s8] =	ssyncset.done $0x0  }
0xc6: {  	[sflag:s8] =	ssyncadd.s32 $0xFFFFC180;
	s2 =	sadd.s32 @!p1 $0x203F, s0  }
0xc7: {  	[spmem:s13] =	stream.linear.scatter @!p1 [tilespmem:s2], [sflag:$0x1], $0x1, $0x38;
	[tilespmem:$0x11A60] =	vst v63  }
0xc8: {  	s2 =	simm.s32 @!p1 $0x1  }
0xc9: {  	_ =	swait.ge @!p1 [sflag:s2], $0x1  }
0xca: {  	s22 =	sshll.u32 s24, $0x4;
	[sflag:s2] =	ssyncset.done @!p1 $0x0  }
0xcb: {  	s25 =	sand.u32 $0x10, s22;
	[sflag:s2] =	ssyncadd.s32 @!p1 $0xFFFFFFFF  }
0xcc: {  	s2 =	sxor.u32 $0x10, s25;
	v4 =	vld [tilespmem:s25+$0x10]  }
0xcd: {  	v5 =	vld [tilespmem:s2+$0x60]  }
0xce: {  	v3 =	vld [tilespmem:$0x80];
	_ =	sdelay $0x2  }
0xcf: {  	(v2sf) =	vpush v4, $0x0  }
0xd0: {  	(v2sf) =	vpush v5, $0x0  }
0xd1: {  	(v2sf) =	vpush v3, $0x0;
	_ =	sdelay $0xc  }
0xd2: {  	s22 =	spop (v2sf)  }
0xd3: {  	s26 =	spop (v2sf)  }
0xd4: {  	s28 =	spop (v2sf)  }
0xd5: {  	p2 =	seq.s32 s22, s26;
	p3 =	seq.s32 s28, s22  }
0xd6: {  	p3 =	por p2, p3  }
0xd7: {  	s26 =	sand.u32 $0x1, s24;
	v4 =	vpsel p3, $0xFFFFFFFF, v4  }
0xd8: {  	s29 =	smul.u32 $0x1F40, s26;
	[tilespmem:s25+$0x10] =	vst.msk $0x1, v4  }
0xd9: {  	v4 =	vld [tilespmem:$0x30]  }
0xda: {  	v5 =	vld [tilespmem:s29+$0x9D40]  }
0xdb: {  	v6 =	vld [tilespmem:s25+$0x40];
	_ =	sdelay $0x3  }
0xdc: {  	vm4 =	vmmov vm1;
	v5 =	vadd.f32 v5, v4  }
0xdd: {  	vm5 =	vmmov vm2;
	vm4 =	vmmov @p2 vm2;
	s22 =	sshll.u32 s26, $0x4;
	v4 =	vadd.f32 v6, v4  }
0xde: {  	s26 =	sor.u32 $0x11A40, s22;
	vm5 =	vmmov @p3 vm1;
	[tilespmem:s29+$0x9D40] =	vst.msk vm4, v5  }
0xdf: {  	[tilespmem:s26+$0x0] =	vst.msk vm5, v4  }
0xe0: {  	v4 =	vld [tilespmem:s29+$0x7DF0];
	_ =	sdelay $0x3  }
0xe1: {  	v5 =	vimm.f32 $0.0e+00  }
0xe2: {  	v4 =	vshift.insert v4, v5, s21  }
0xe3: {  	s22 =	sor.u32 $0x40, s2  }
0xe4: {  	[tilespmem:s22+$0x0] =	vst.msk $0x1, v4  }
0xe5: {  	[tilespmem:s29+$0x7DFF] =	vst.msk $0x1, v5  }
0xe6: {  	v4 =	vld [tilespmem:s0+$0x2030];
	_ =	sdelay $0x1  }
0xe7: {  	s22 =	smulhi.u32 $0xAAAAAAAB, s20;
	s0 =	simm.s32 $0x1  }
0xe8: {  	s0 =	simm.s32 @!p0 $0x0  }
0xe9: {  	s22 =	sshrl.u32 s22, $0x1;
	s0 =	smul.u32 $0x7D00, s0  }
0xea: {  	s22 =	smul.u32 $0xFFFE8900, s22;
	v4 =	vshift.insert v4, v1, s21  }
0xeb: {  	s0 =	sshrl.u32 s0, $0x2  }
0xec: {  	s22 =	sshra.s32 s22, $0x2;
	s30 =	sadd.s32 $0x9D40, s0;
	[tilespmem:s2+$0x10] =	vst.msk $0x1, v4  }
0xed: {  	s22 =	sadd.s32 s22, s19;
	v6 =	vld [tilespmem:s30+$0x0]  }
0xee: {  	v7 =	vld [tilespmem:s22+$0x0];
	_ =	sdelay $0x3  }
0xef: {  	v5 =	vadd.f32 v6, v5  }
0xf0: {  	vm4 =	vne.s32 v7, $0xFFFFFFFF  }
0xf1: {  	(xrf2) =	vadd.seg.scan.f32 vm4, v5;
	_ =	sdelay $0x3  }
0xf2: {  	s31 =	sadd.s32 $0x5EC0, s0;
	v5 =	vperm.xlane v4, v1  }
0xf3: {  	v6 =	vld [tilespmem:s31+$0x0]  }
0xf4: {  	vm5 =	veq.s32 v7, v3;
	vm6 =	veq.s32 v7, v5  }
0xf5: {  	vm7 =	vgt.u32 v7, $0xFFFFFFFD;
	vm6 =	vmor vm6, vm5  }
0xf6: {  	vm6 =	vmor vm6, vm7  }
0xf7: {  	v9 =	vld [tilespmem:$0xA0];
	v7 =	vsel vm6, $0xFFFFFFFF, v7  }
0xf8: {  	v10 =	vld [tilespmem:$0x90];
	v6 =	vsel vm5, $0x0, v6;
	v8, _, _ =	vpop (xrf2)  }
0xf9: {  	v6 =	vadd.f32 v8, v6  }
0xfa: {  	s0 =	sadd.s32 $0xDBC0, s0  }
0xfb: {  	vm4 =	vmand vm4, vm3;
	[tilespmem:s0+$0x0] =	vst v6;
	(ifvalue) =	ssetifvalue $0xFFFFFFFF  }
0xfc: {  	vm6 =	veq.s32 v9, $0x1;
	[hbm4b:s1+s16] =	stream.indirect_vreg.scatter [tilespmem:s0], [sflag:$0x2], $0x1, v7, vm0, $0x4038;
	v7 =	vsel vm4, $0x0, v8;
	[tilespmem:$0x11A60] =	vst v63  }
0xfd: {  	s2 =	simm.s32 $0x0;
	s22 =	sadd.s32 $0x10, s22;
	vm4 =	vmor vm6, vm5;
	v6 =	vsel vm5, v8, v10;
	v7 =	vshift.insert v7, v0, s21  }
.LBB3_7:
0xfe: {  	v8 =	vld [tilespmem:s22+$0x0];
	s30 =	sadd.s32 $0x10, s30  }
0xff: {  	s31 =	sadd.s32 $0x10, s31;
	v9 =	vld [tilespmem:s30+$0x0]  }
0x100: {  	s2 =	sadd.s32 $0x10, s2;
	v10 =	vld [tilespmem:s31+$0x0]  }
0x101: {  	p2 =	slt.u32 s2, $0x1F30;
	_ =	sdelay $0x2  }
0x102: {  	v7 =	vadd.f32 v9, v7  }
0x103: {  	vm5 =	vne.s32 v8, $0xFFFFFFFF  }
0x104: {  	vm6 =	vmand vm5, vm3;
	(xrf2) =	vadd.seg.scan.f32 vm5, v7;
	_ =	sdelay $0x5  }
0x105: {  	vm7 =	veq.s32 v8, v5;
	vm5 =	veq.s32 v8, v3  }
0x106: {  	vm8 =	vgt.u32 v8, $0xFFFFFFFD;
	vm4 =	vmor vm4, vm5;
	vm7 =	vmor vm7, vm5  }
0x107: {  	vm7 =	vmor vm7, vm8  }
0x108: {  	v8 =	vsel vm7, $0xFFFFFFFF, v8  }
.Ltmp11:
0x109: {  	v7 =	vsel vm5, $0x0, v10;
	v9, _, _ =	vpop (xrf2);
	(pc) =	sbr.rel @p2 .LBB3_7-.Ltmp11, $4  }
0x10a: {  	v6 =	vsel vm5, v9, v6;
	v10 =	vadd.f32 v9, v7;
	v7 =	vsel vm6, $0x0, v9  }
0x10b: {  	s0 =	sadd.s32 $0x10, s0;
	v7 =	vshift.insert v7, v0, s21  }
0x10c: {  	s22 =	sadd.s32 $0x10, s22;
	[tilespmem:s0+$0x0] =	vst v10;
	(ifvalue) =	ssetifvalue $0xFFFFFFFF  }
0x10d: {  	[hbm4b:s1+s16] =	stream.indirect_vreg.scatter [tilespmem:s0], [sflag:$0x2], $0x1, v8, vm0, $0x4038;
	[tilespmem:$0x11A60] =	vst v63  }
0x10e: {  	v3 =	vld [tilespmem:s29+$0xFAF0];
	_ =	sdelay $0x4  }
0x10f: {  	v3 =	vshift.insert v3, v0, s21  }
0x110: {  	s0 =	simm.s32 $0x30  }
0x111: {  	[tilespmem:s0+$0x0] =	vst.msk $0x1, v3  }
0x112: {  	v3 =	vsel vm4, $0x1, v1;
	[tilespmem:$0x90] =	vst v6  }
0x113: {  	s0 =	sadd.s32 @!p1 $0xFAFF, s29;
	[tilespmem:$0xA0] =	vst v3  }
0x114: {  	[spmem:s14] =	stream.linear.scatter @!p1 [tilespmem:s0], [sflag:$0x1], $0x1, $0x38;
	[tilespmem:$0x11A60] =	vst v63  }
0x115: {  	s0 =	simm.s32 @!p1 $0x1  }
0x116: {  	v3 =	vmctz.xlane @!p1 vm4;
	_ =	swait.ge @!p1 [sflag:s0], $0x1  }
0x117: {  	(v2sf) =	vpush @!p1 v4, $0x0  }
0x118: {  	(v2sf) =	vpush @!p1 v3, $0x0;
	_ =	sdelay $0xd  }
0x119: {  	s2 =	spop @!p1 (v2sf)  }
0x11a: {  	s22 =	spop @!p1 (v2sf)  }
0x11b: {  	p2 =	sne.s32 @!p1 s28, s2;
	p3 =	slt.s32 @!p1 s22, $0xF  }
0x11c: {  	[sflag:s0] =	ssyncset.done @!p1 $0x0;
	p2 =	por p2, p1;
	p3 =	por !p3, p1  }
0x11d: {  	[sflag:s0] =	ssyncadd.s32 @!p1 $0xFFFFFFFF;
	v3 =	vimm.s32 @!p2 $0xFFFFFFFF;
	s22 =	simm.s32 @p3 $0xF  }
0x11e: {  	[tilespmem:$0x80] =	vst @!p2 v3;
	s2 =	sadd.s32 @!p1 $0x90, s22  }
0x11f: {  	[spmem:s10] =	stream.linear.scatter @!p1 [tilespmem:s2], [sflag:$0x1], $0x1, $0x38;
	[tilespmem:$0x11A60] =	vst v63  }
0x120: {  	_ =	swait.ge @!p1 [sflag:s0], $0x1  }
0x121: {  	[sflag:s0] =	ssyncset.done @!p1 $0x0  }
0x122: {  	s2 =	simm.s32 @!p1 $0x80;
	[sflag:s0] =	ssyncadd.s32 @!p1 $0xFFFFFFFF  }
0x123: {  	[spmem:s15] =	stream.linear.scatter @!p1 [tilespmem:s2], [sflag:$0x1], $0x1, $0x38;
	[tilespmem:$0x11A60] =	vst v63  }
0x124: {  	_ =	swait.ge @!p1 [sflag:s0], $0x1  }
0x125: {  	[sflag:s0] =	ssyncset.done @!p1 $0x0  }
0x126: {  	[sflag:s0] =	ssyncadd.s32 @!p1 $0xFFFFFFFF;
	(ifvalue) =	ssetifvalue $0xFFFFFFFF;
	v3 =	vld [tilespmem:s25+$0x10];
	_ =	sdelay $0x3  }
.Ltmp12:
0x127: {  	_ = 	snop;
	(pc) =	sbr.rel .LBB3_9-.Ltmp12, $3  }
0x128: {  	_ =	sdelay $0x1  }
0x129: {  	(ifvalue) =	ssetifvalue $0xFFFFFFFF  }
0x12a: {  	[hbm4b:s1+s16] =	stream.indirect_vreg.scatter [tilespmem:s26], [sflag:$0x9], $0x1, v3, vm0, $0x4038;
	[tilespmem:$0x11A60] =	vst v63  }
.LBB3_10:
0x12b: {  	_ =	sfence.sel $0x180000  }
0x12c: {  	s0 =	simm.s32 $0x7;
	[bflag:$0x0] =	sbarrier.arrive $0xFFFF  }
0x12d: {  	s26 =	simm.s32 $0x8;
	[sflag:s0] =	ssyncpa.u1 $0x1  }
0x12e: {  	s28 =	simm.s32 $0x9;
	[sflag:s26] =	ssyncpa.u1 $0x1  }
0x12f: {  	[sflag:s28] =	ssyncpa.u1 $0x1  }
0x130: {  	_ =	sfence.stream.spmem  }
0x131: {  	s29 =	simm.s32 $0x3;
	[bflag:$0x0] =	sbarrier.arrive $0xFFFF  }
0x132: {  	s30 =	simm.s32 $0x4;
	[sflag:s29] =	ssyncpa.u1 $0x1  }
0x133: {  	s31 =	simm.s32 $0x3C;
	s2 =	stileid.u32;
	[sflag:s30] =	ssyncpa.u1 $0x1  }
0x134: {  	p0 =	sne.s32 s2, $0x0;
	[sflag:s31] =	ssyncpa.u1 $0x1  }
0x135: {  	s0 =	simm.s32 @p0 $0x1;
	_ =	sfence @p0  }
0x136: {  	[sflag:s0] =	ssyncpa.u1 @p0 $0x1;
	s0 =	simm.s32 @p0 $0x2  }
0x137: {  	[sflag:s0] =	ssyncpa.u1 @p0 $0x1  }
0x138: {  	_ =	strace @p0 $0x90000056  }
0x139: {  	[bflag:$0x2] =	sbarrier.arrive @p0 $0xFFFF  }
0x13a: {  	_ =	shalt @p0  }
.LBB3_11:
0x13b: {  	_ =	sfence.stream.spmem;
	s0 =	simm.s32 $0x5  }
0x13c: {  	s2 =	simm.s32 $0x80;
	s3 =	simm.s32 $0xC0;
	[sflag:s0] =	ssyncpa.u1 $0x0  }
0x13d: {  	[tilespmem:s3], [sflag:$0x5] =	stream.linear.gather [spmem:s2], $0x20, $0x38;
	[tilespmem:$0x11A60] =	vst v63  }
0x13e: {  	s2 =	simm.s32 $0x0;
	s3 =	simm.s32 $0xE0  }
0x13f: {  	[tilespmem:s3], [sflag:$0x5] =	stream.linear.gather [spmem:s2], $0x20, $0x38;
	[tilespmem:$0x11A60] =	vst v63  }
.Ltmp13:
0x140: {  	_ = 	snop;
	(pc) =	sbr.rel .LBB3_12-.Ltmp13, $4  }
0x141: {  	_ =	swait.ge [sflag:s0], $0x40  }
0x142: {  	[sflag:s0] =	ssyncset.done $0x0  }
0x143: {  	s31 =	simm.s32 $0x6;
	[sflag:s0] =	ssyncadd.s32 $0xFFFFFFC0  }
0x144: {  	s4 =	simm.s32 $0x0;
	[sflag:s31] =	ssyncpa.u1 $0x0  }
.LBB3_17:
0x145: {  	p0 =	sgt.u32 s5, $0xAEFFF  }
0x146: {  	s0 =	sshrl.u32 @!p0 s5, $0x3  }
0x147: {  	s5 =	sand.u32 @!p0 $0x7, s5;
	s6 =	simm.s32 @!p0 $0xB0;
	s0 =	sadd.s32 @!p0 s1, s0  }
0x148: {  	[tilespmem:s6], [sflag:$0x6] =	stream.linear.gather @!p0 [hbm4b:s0+s5], $0x1, $0x38;
	[tilespmem:$0x11A60] =	vst v63  }
0x149: {  	s0 =	simm.s32 @!p0 $0x6  }
0x14a: {  	_ =	swait.ge @!p0 [sflag:s0], $0x1  }
0x14b: {  	[sflag:s0] =	ssyncset.done @!p0 $0x0  }
0x14c: {  	[sflag:s0] =	ssyncadd.s32 @!p0 $0xFFFFFFFF  }
0x14d: {  	v2 =	vmov @!p0 s4;
	v1 =	vld.msk @!p0 [tilespmem:$0xB0], $0x1;
	_ =	sdelay $0x3  }
0x14e: {  	s0 =	simm.s32 @!p0 $0xE0  }
0x14f: {  	[tilespmem:v2+s0+$0x0], v1 =	vst.idx.ret.add.f32.msk @!p0 $0x1, v1  }
0x150: {  	[tilespmem:s2+$0xC0] =	vst.msk $0x1, v0  }
0x151: {  	v0 =	vld.msk [tilespmem:s4+$0xE0], $0x1;
	_ =	sdelay $0x4  }
0x152: {  	[tilespmem:s2+$0xE0] =	vst.msk $0x1, v0;
	s2 =	sadd.s32 $0x1, s2  }
.LBB3_19:
0x153: {  	s4 =	sadd.s32 $0x1, s4  }
0x154: {  	p0 =	sne.s32 s4, $0x20  }
.Ltmp14:
0x155: {  	_ = 	snop;
	(pc) =	sbr.rel @!p0 .LBB3_20-.Ltmp14, $1  }
0x156: {  	_ =	sdelay $0x3  }
.LBB3_12:
0x157: {  	v0 =	vld.msk [tilespmem:s4+$0xC0], $0x1;
	_ =	sdelay $0x4  }
0x158: {  	(v2sf) =	vpush v0, $0x0;
	_ =	sdelay $0xe  }
0x159: {  	s5 =	spop (v2sf)  }
0x15a: {  	p0 =	seq.s32 s5, $0xFFFFFFFF  }
.Ltmp15:
0x15b: {  	_ = 	snop;
	(pc) =	sbr.rel @p0 .LBB3_19-.Ltmp15, $1  }
0x15c: {  	_ =	sdelay $0x3  }
0x15d: {  	p0 =	slt.s32 s2, $0x1  }
.Ltmp16:
0x15e: {  	_ = 	snop;
	(pc) =	sbr.rel @p0 .LBB3_17-.Ltmp16, $1  }
0x15f: {  	_ =	sdelay $0x3  }
0x160: {  	s0 =	simm.s32 $0xC0;
	p0 =	por $0x0, $0x0  }
0x161: {  	v1 =	vld.msk @!p0 [tilespmem:s0+$0x0], $0x1;
	_ =	sdelay $0x4  }
0x162: {  	(v2sf) =	vpush @!p0 v1, $0x0;
	_ =	sdelay $0xd  }
0x163: {  	p2 =	sne.s32 s2, $0x1  }
.Ltmp17:
0x164: {  	s6 =	spop @!p0 (v2sf);
	(pc) =	sbr.rel @!p2 .LBB3_16-.Ltmp17, $4  }
0x165: {  	p1 =	seq.s32 @!p0 s5, s6  }
0x166: {  	s6 =	simm.s32 $0x0;
	p1 =	por !p1, p0  }
0x167: {  	s8 =	simm.s32 $0xFFFFFFFF;
	s6 =	simm.s32 @p1 $0xFFFFFFFF  }
0x168: {  	s7 =	simm.s32 $0x1;
	s6 =	smov.u32 @p0 s8  }
.LBB3_15:
0x169: {  	s8 =	smov.u32 s6;
	p0 =	sne.s32 s6, $0xFFFFFFFF  }
0x16a: {  	s0 =	sadd.s32 $0x1, s0;
	s6 =	smov.u32 s7;
	s7 =	sadd.s32 $0x1, s7  }
0x16b: {  	p1 =	sne.s32 s2, s7;
	v1 =	vld.msk @!p0 [tilespmem:s0+$0x0], $0x1;
	_ =	sdelay $0x4  }
0x16c: {  	(v2sf) =	vpush @!p0 v1, $0x0;
	_ =	sdelay $0xe  }
.Ltmp18:
0x16d: {  	s9 =	spop @!p0 (v2sf);
	(pc) =	sbr.rel @p1 .LBB3_15-.Ltmp18, $4  }
0x16e: {  	p2 =	seq.s32 @!p0 s5, s9  }
0x16f: {  	p2 =	por !p2, p0  }
0x170: {  	s6 =	simm.s32 @p2 $0xFFFFFFFF  }
0x171: {  	s6 =	smov.u32 @p0 s8  }
.LBB3_16:
0x172: {  	p0 =	sne.s32 s6, $0xFFFFFFFF  }
.Ltmp19:
0x173: {  	_ = 	snop;
	(pc) =	sbr.rel @!p0 .LBB3_17-.Ltmp19, $1  }
0x174: {  	_ =	sdelay $0x3  }
0x175: {  	v0 =	vld.msk [tilespmem:s4+$0xE0], $0x1;
	v1 =	vmov s6  }
.Ltmp20:
0x176: {  	_ = 	snop;
	(pc) =	sbr.rel .LBB3_19-.Ltmp20, $2  }
0x177: {  	_ =	sdelay $0x2  }
0x178: {  	[tilespmem:v1+s3+$0x0], v0 =	vst.idx.ret.add.f32.msk $0x1, v0  }
.LBB3_20:
0x179: {  	p0 =	slt.s32 s2, $0x1  }
.Ltmp21:
0x17a: {  	_ = 	snop;
	(pc) =	sbr.rel @p0 .LBB3_24-.Ltmp21, $3  }
0x17b: {  	_ =	sdelay $0x1  }
0x17c: {  	s0 =	simm.s32 $0x6  }
0x17d: {  	s3 =	simm.s32 $0x0;
	[sflag:s0] =	ssyncpa.u1 $0x1  }
0x17e: {  	s0 =	simm.s32 $0xC0  }
0x17f: {  	v0 =	vld.msk [tilespmem:s0+$0x0], $0x1;
	_ =	sdelay $0x4  }
0x180: {  	(v2sf) =	vpush v0, $0x0;
	_ =	sdelay $0xe  }
0x181: {  	s2 =	sadd.s32 $0xFFFFFFFF, s2;
	s4 =	spop (v2sf)  }
0x182: {  	p1 =	sne.s32 s2, $0x0;
	p0 =	sgt.u32 s4, $0xAEFFF  }
.Ltmp22:
0x183: {  	s5 =	sshrl.u32 @!p0 s4, $0x3;
	(pc) =	sbr.rel @!p1 .LBB3_23-.Ltmp22, $4  }
0x184: {  	s0 =	simm.s32 $0xE0;
	s4 =	sand.u32 @!p0 $0x7, s4;
	s5 =	sadd.s32 @!p0 s1, s5  }
0x185: {  	[hbm4b:s5+s4] =	stream.linear.scatter @!p0 [tilespmem:s0], [sflag:$0x5], $0x1, $0x38;
	[tilespmem:$0x11A60] =	vst v63  }
0x186: {  	s5 =	simm.s32 $0x0  }
0x187: {  	s4 =	simm.s32 $0xC1;
	s5 =	simm.s32 @!p0 $0x4  }
.LBB3_22:
0x188: {  	v0 =	vld.msk [tilespmem:s4+$0x0], $0x1;
	s2 =	sadd.s32 $0xFFFFFFFF, s2;
	s3 =	sadd.s32 s3, s5  }
0x189: {  	p0 =	sne.s32 s2, $0x0;
	_ =	sdelay $0x3  }
0x18a: {  	(v2sf) =	vpush v0, $0x0;
	_ =	sdelay $0xe  }
.Ltmp23:
0x18b: {  	s6 =	spop (v2sf);
	(pc) =	sbr.rel @p0 .LBB3_22-.Ltmp23, $4  }
0x18c: {  	s5 =	simm.s32 $0x0;
	p1 =	sgt.u32 s6, $0xAEFFF  }
0x18d: {  	s0 =	sadd.s32 $0x1, s0;
	s5 =	simm.s32 @!p1 $0x4;
	s7 =	sshrl.u32 @!p1 s6, $0x3  }
0x18e: {  	s4 =	sadd.s32 $0x1, s4;
	s6 =	sand.u32 @!p1 $0x7, s6;
	s7 =	sadd.s32 @!p1 s1, s7  }
0x18f: {  	[hbm4b:s7+s6] =	stream.linear.scatter @!p1 [tilespmem:s0], [sflag:$0x5], $0x1, $0x38;
	[tilespmem:$0x11A60] =	vst v63  }
.LBB3_23:
0x190: {  	s0 =	sadd.s32 s3, s5  }
0x191: {  	s3 =	sshrl.u32 s0, $0x2  }
.LBB3_24:
0x192: {  	s0 =	simm.s32 $0x5  }
0x193: {  	_ =	swait.ge [sflag:s0], s3  }
0x194: {  	s1 =	ssub.s32 $0x0, s3;
	[sflag:s0] =	ssyncset.done $0x0  }
0x195: {  	[sflag:s0] =	ssyncadd.s32 s1  }
0x196: {  	[sflag:s0] =	ssyncpa.u1 $0x1  }
0x197: {  	s29 =	simm.s32 $0x1;
	_ =	sfence  }
0x198: {  	s30 =	simm.s32 $0x2;
	[sflag:s29] =	ssyncpa.u1 $0x1  }
0x199: {  	[sflag:s30] =	ssyncpa.u1 $0x1  }
0x19a: {  	_ =	strace $0x90000056  }
0x19b: {  	[bflag:$0x2] =	sbarrier.arrive $0xFFFF  }
0x19c: {  	s31 =	rddreg [dreg:$0x1]  }
0x19d: {  	s0 =	sadd.s32 $0x100000, s31  }
0x19e: {  	[sflag:s0] =	ssyncadd.tile.s32 $0x1;
	_ =	shalt  }
.Lfunc_end3:
_tile_overlayer_lowered:
.L_overlay_start_3:
0x19f: {  	(tag) =	ssettag $0x3  }
0x1a0: {  	s0 =	rddreg [dreg:$0x0];
	s2 =	stileid.u32  }
0x1a1: {  	s1 =	rddreg [dreg:$0x1];
	p0 =	sne.s32 s2, $0x0  }
0x1a2: {  	s3 =	rddreg [dreg:$0x2];
	[bflag:$0x3] =	sbarrier.arrive $0xFFFF;
	s2 =	simm.s32 @!p0 $0x1C01  }
0x1a3: {  	[timem:s3], [sflag:s2] =	dma.local @!p0 [hbm:s0], s1  }
0x1a4: {  	s0 =	simm.s32 @!p0 $0x1  }
0x1a5: {  	_ =	swait.ge @!p0 [sflag:s0], s1  }
0x1a6: {  	s1 =	ssub.s32 @!p0 $0x0, s1;
	[sflag:s0] =	ssyncset.done @!p0 $0x0  }
0x1a7: {  	[sflag:s0] =	ssyncadd.s32 @!p0 s1  }
0x1a8: {  	[bflag:$0x3] =	sbarrier.arrive $0xFFFF  }
0x1a9: {  	_ =	shalt  }

// kernel: scatter_offload_async_start.2
scs
__scs_entry_jumppad:
0x0: {  	(pc) =	sbr.rel $0x88, $3  }
0x1: {  	(tag) =	ssettag $0x0;
	lr =	simm.s32 $0x1  }
0x2: {  	[smem:$0x3F97] =	sst lr;
	_ =	strace $0xD0000000  }
0x3: {  	_ = 	snop  }
0x4: {  	_ = 	snop  }
0x5: {  	_ = 	snop  }
0x6: {  	_ = 	snop  }
0x7: {  	_ = 	snop  }
__scs_overlays_trampoline_lowered:
0x8: {  	[smem:$0x3FA6] =	sst s0  }
0x9: {  	[smem:$0x3FA7] =	sst s1  }
0xa: {  	[smem:$0x3FA8] =	sst s2  }
0xb: {  	[smem:$0x3FA9] =	sst s3  }
0xc: {  	[smem:$0x3FAA] =	sst s4  }
0xd: {  	[smem:$0x3FAB] =	sst s5  }
0xe: {  	[smem:$0x3FAC] =	sst s6  }
0xf: {  	[smem:$0x3FAD] =	sst s7  }
0x10: {  	[smem:$0x3FAE] =	sst s8  }
0x11: {  	[smem:$0x3FAF] =	sst s9;
	s0 =	simm.s32 @!p0 $0x0  }
0x12: {  	s1 =	sld [smem:$0x3F95];
	s0 =	simm.s32 @p0 $0x1  }
0x13: {  	[smem:$0x3FB0] =	sst s0;
	s0 =	simm.s32 @!p1 $0x0  }
0x14: {  	s2 =	sld [smem:$0x3F94];
	s0 =	simm.s32 @p1 $0x1  }
0x15: {  	[smem:$0x3FB1] =	sst s0;
	s0 =	simm.s32 @!p2 $0x0  }
0x16: {  	s3 =	sld [smem:$0x3FDB];
	s0 =	simm.s32 @p2 $0x1  }
0x17: {  	s4 =	simm.s32 $0x1BF5;
	[smem:$0x3FB3] =	sst s0  }
0x18: {  	s0 =	sld [smem:$0x3F96];
	_ =	swait.ge [sflag:s4], $0x0  }
0x19: {  	s7 =	sld [smem:$0x3F97]  }
0x1a: {  	s8 =	sadd.s32 $0xFFFFE003, lr  }
0x1b: {  	s9 =	sadd.s32 $0xFFFFFEF7, lr;
	s5 =	simm.s32 $0xFFFFFFFF;
	p2 =	slt.u32 s8, $0xFFFFF086  }
0x1c: {  	p1 =	slt.u32 s9, $0xF7A;
	s5 =	simm.s32 @!p2 $0x0  }
0x1d: {  	s5 =	simm.s32 @p1 $0x1;
	p0 =	seq.s32 s7, s2  }
0x1e: {  	s7 =	smul.u32 @!p0 $0xF7A, s2;
	p2 =	seq.s32 @!p0 s5, $0x0  }
0x1f: {  	s9 =	smul.u32 $0xF7A, s1;
	s8 =	simm.s32 @!p0 $0x1BF5;
	p2 =	por !p2, p0  }
0x20: {  	[sflag:s8] =	ssyncset.s32 @!p0 $0xFFFFF086;
	s6 =	sadd.s32 @!p0 s3, s7;
	s7 =	simm.s32 @!p0 $0x108  }
0x21: {  	s3 =	sadd.s32 s3, s9;
	s6 =	sadd.s32 @!p0 $0x88, s6;
	s7 =	simm.s32 @p2 $0x1082  }
0x22: {  	[simem:s7], [sflag:s8] =	dma.local @!p0 [hbm:s6], $0xF7A  }
0x23: {  	s9 =	sor.u32 $0xD0000000, s2;
	s6 =	simm.s32 $0x108;
	_ =	swait.ge @!p0 [sflag:s8], $0x0  }
0x24: {  	s3 =	sadd.s32 $0x88, s3;
	s6 =	simm.s32 @!p1 $0x1082;
	[sflag:s4] =	ssyncset.s32 $0xFFFFF086  }
0x25: {  	[simem:s6], [sflag:s4] =	dma.local [hbm:s3], $0xF7A  }
0x26: {  	[smem:$0x3F97] =	sst s1;
	(tag) =	ssettag s2;
	_ =	strace s9  }
0x27: {  	s1 =	sld [smem:$0x3FA7]  }
0x28: {  	s2 =	sld [smem:$0x3FA8]  }
0x29: {  	s4 =	sld [smem:$0x3FAA]  }
0x2a: {  	p0 =	seq.s32 s5, $0x0;
	s5 =	sld [smem:$0x3FAB]  }
0x2b: {  	s6 =	sld [smem:$0x3FAC]  }
0x2c: {  	s7 =	sld [smem:$0x3FAD]  }
0x2d: {  	s3 =	simm.s32 $0x108;
	s8 =	sld [smem:$0x3FAE]  }
0x2e: {  	s3 =	simm.s32 @!p0 $0x1082;
	s9 =	sld [smem:$0x3FAF]  }
0x2f: {  	lr =	sadd.s32 s0, s3;
	s0 =	sld [smem:$0x3FA6]  }
0x30: {  	s3 =	sld [smem:$0x3FA9]  }
0x31: {  	[smem:$0x3FB2] =	sst s10  }
0x32: {  	s10 =	sld [smem:$0x3FB0];
	_ =	sdelay $0x3  }
0x33: {  	p0 =	seq.s32 s10, $0x1;
	s10 =	sld [smem:$0x3FB2];
	_ =	sdelay $0x3  }
0x34: {  	[smem:$0x3FB2] =	sst s10  }
0x35: {  	s10 =	sld [smem:$0x3FB1];
	_ =	sdelay $0x3  }
0x36: {  	p1 =	seq.s32 s10, $0x1;
	s10 =	sld [smem:$0x3FB2];
	_ =	sdelay $0x3  }
0x37: {  	[smem:$0x3FB2] =	sst s10  }
0x38: {  	s10 =	sld [smem:$0x3FB3]  }
0x39: {  	_ = 	snop;
	(pc) =	sbr.ind lr, $3  }
0x3a: {  	_ = 	snop  }
0x3b: {  	_ = 	snop  }
0x3c: {  	p2 =	seq.s32 s10, $0x1;
	s10 =	sld [smem:$0x3FB2]  }
0x3d: {  	_ =	shalt  }
0x3e: {  	_ =	shalt  }
0x3f: {  	_ =	shalt  }
0x40: {  	_ =	shalt  }
0x41: {  	_ =	shalt  }
0x42: {  	_ =	shalt  }
0x43: {  	_ =	shalt  }
0x44: {  	_ =	shalt  }
0x45: {  	_ =	shalt  }
0x46: {  	_ =	shalt  }
0x47: {  	_ =	shalt  }
0x48: {  	_ =	shalt  }
0x49: {  	_ =	shalt  }
0x4a: {  	_ =	shalt  }
0x4b: {  	_ =	shalt  }
0x4c: {  	_ =	shalt  }
0x4d: {  	_ =	shalt  }
0x4e: {  	_ =	shalt  }
0x4f: {  	_ =	shalt  }
0x50: {  	_ =	shalt  }
0x51: {  	_ =	shalt  }
0x52: {  	_ =	shalt  }
0x53: {  	_ =	shalt  }
0x54: {  	_ =	shalt  }
0x55: {  	_ =	shalt  }
0x56: {  	_ =	shalt  }
0x57: {  	_ =	shalt  }
0x58: {  	_ =	shalt  }
0x59: {  	_ =	shalt  }
0x5a: {  	_ =	shalt  }
0x5b: {  	_ =	shalt  }
0x5c: {  	_ =	shalt  }
0x5d: {  	_ =	shalt  }
0x5e: {  	_ =	shalt  }
0x5f: {  	_ =	shalt  }
0x60: {  	_ =	shalt  }
0x61: {  	_ =	shalt  }
0x62: {  	_ =	shalt  }
0x63: {  	_ =	shalt  }
0x64: {  	_ =	shalt  }
0x65: {  	_ =	shalt  }
0x66: {  	_ =	shalt  }
0x67: {  	_ =	shalt  }
0x68: {  	_ =	shalt  }
0x69: {  	_ =	shalt  }
0x6a: {  	_ =	shalt  }
0x6b: {  	_ =	shalt  }
0x6c: {  	_ =	shalt  }
0x6d: {  	_ =	shalt  }
0x6e: {  	_ =	shalt  }
0x6f: {  	_ =	shalt  }
0x70: {  	_ =	shalt  }
0x71: {  	_ =	shalt  }
0x72: {  	_ =	shalt  }
0x73: {  	_ =	shalt  }
0x74: {  	_ =	shalt  }
0x75: {  	_ =	shalt  }
0x76: {  	_ =	shalt  }
0x77: {  	_ =	shalt  }
0x78: {  	_ =	shalt  }
0x79: {  	_ =	shalt  }
0x7a: {  	_ =	shalt  }
0x7b: {  	_ =	shalt  }
0x7c: {  	_ =	shalt  }
0x7d: {  	_ =	shalt  }
0x7e: {  	_ =	shalt  }
0x7f: {  	_ =	shalt  }
0x80: {  	_ =	shalt  }
0x81: {  	_ =	shalt  }
0x82: {  	_ =	shalt  }
0x83: {  	_ =	shalt  }
0x84: {  	_ =	shalt  }
0x85: {  	_ =	shalt  }
0x86: {  	_ =	shalt  }
0x87: {  	_ =	shalt  }
.Lfunc_end0:
.L_simem_size_0:
called_computation.2_lowered:
.L_overlay_start_0:
0x88: {  	s0 =	sld [smem:$0x3FD9]  }
0x89: {  	s1 =	sld [smem:$0x3FFE];
	_ =	sdelay $0x3  }
0x8a: {  	s0 =	sadd.s32 s1, s0  }
0x8b: {  	[smem:$0x3FBE] =	sst s0  }
0x8c: {  	_ = 	snop  }
0x8d: {  	(tm) =	ssettm $0x1  }
0x8e: {  	s14 =	sld [smem:$0x3FFB];
	_ =	sdelay $0x3  }
0x8f: {  	_ =	strace s14  }
0x90: {  	s0 =	sld [smem:$0x3FFC];
	_ =	sdelay $0x3  }
0x91: {  	_ =	strace s0  }
0x92: {  	s0 =	sld [smem:$0x3FFD];
	_ =	sdelay $0x3  }
0x93: {  	_ =	strace s0  }
0x94: {  	_ =	strace $0x8FFFFFFF  }
0x95: {  	s15 =	sld [smem:$0x3FDB];
	_ =	sdelay $0x1  }
0x96: {  	s16 =	simm.s32 $_scs_section_size  }
0x97: {  	s2 =	simm.s32 $_size__tile_overlayer_lowered;
	s3 =	simm.s32 $_tile_overlayer_lowered  }
0x98: {  	s4 =	simm.s32 $0x1BFF;
	s17 =	sshll.u32 s3, $0x1;
	s1 =	sadd.s32 s16, s15  }
0x99: {  	s18 =	simm.s32 $0x0;
	s2 =	sshll.u32 s2, $0x1;
	s3 =	sadd.s32 s17, s1  }
0x9a: {  	[timem:s18], [sflag:s4] =	dma.local [hbm:s3], s2  }
0x9b: {  	_ =	swait.ge [sflag:s4], s2  }
0x9c: {  	s2 =	ssub.s32 $0x0, s2;
	[sflag:s4] =	ssyncset.done $0x0  }
0x9d: {  	[sflag:s4] =	ssyncadd.s32 s2;
	_ =	sdelay $0x1  }
0x9e: {  	s19 =	simm.s32 $0x1B8B  }
0x9f: {  	_ =	swait.ge [sflag:s19], $0x1  }
0xa0: {  	[sflag:s19] =	ssyncset.done $0x0  }
0xa1: {  	s21 =	simm.s32 $0x1B8E;
	s20 =	sld [smem:$0x3FFE];
	[sflag:s19] =	ssyncadd.s32 $0xFFFFFFFF  }
0xa2: {  	s22 =	simm.s32 $execute0_lowered;
	[smem:$0x3FD2] =	sst s21  }
0xa3: {  	s3 =	sshll.u32 s22, $0x1;
	_ =	strace $0x8000004C;
	[dreg:$0x1] =	wrdreg $0xFFFFFFFF  }
0xa4: {  	s23 =	simm.s32 $_size_execute0_lowered;
	s3 =	sadd.s32 s1, s3;
	[dreg:$0x0] =	wrdreg $0x0  }
0xa5: {  	s4 =	sshll.u32 s23, $0x1;
	[dreg:$0x2] =	wrdreg s3  }
0xa6: {  	[dreg:$0x3] =	wrdreg s4  }
0xa7: {  	[dreg:$0x4] =	wrdreg $0xC0  }
0xa8: {  	s24 =	simm.s32 $execute1_lowered;
	_ =	task [dreg:s18], $0x5FFFF  }
0xa9: {  	s3 =	sshll.u32 s24, $0x1;
	[dreg:$0x1] =	wrdreg $0xFFFFFFFF  }
0xaa: {  	s1 =	sadd.s32 s1, s3;
	[dreg:$0x0] =	wrdreg $0x60  }
0xab: {  	[dreg:$0x2] =	wrdreg s1  }
0xac: {  	[dreg:$0x3] =	wrdreg s20  }
0xad: {  	[dreg:$0x4] =	wrdreg $0xD  }
0xae: {  	_ =	task.clear_ibuf [dreg:s18], $0x5FFFF;
	_ =	strace $0x9000004C  }
0xaf: {  	s25 =	simm.s32 $0xD;
	_ =	strace $0x8000004E  }
0xb0: {  	_ =	swait.ge [sflag:s25], $0x1  }
0xb1: {  	[sflag:s25] =	ssyncadd.s32 $0xFFFFFFFF  }
0xb2: {  	_ =	strace $0x9000004E  }
0xb3: {  	_ =	strace $0x8000004F;
	[dreg:$0x1] =	wrdreg $0xFFFFFFFF  }
0xb4: {  	[dreg:$0x0] =	wrdreg $0x2030  }
0xb5: {  	[dreg:$0x2] =	wrdreg s20  }
0xb6: {  	[dreg:$0x3] =	wrdreg $0xE  }
0xb7: {  	_ =	task.clear_ibuf [dreg:s18], $0x4FFFF;
	_ =	strace $0x9000004F  }
0xb8: {  	s26 =	simm.s32 $0xE;
	_ =	strace $0x80000051  }
0xb9: {  	_ =	swait.ge [sflag:s26], $0x1  }
0xba: {  	[sflag:s26] =	ssyncadd.s32 $0xFFFFFFFF  }
0xbb: {  	_ =	strace $0x90000051  }
0xbc: {  	_ =	sfence  }
0xbd: {  	s28 =	sld [smem:$0x0];
	_ =	sdelay $0x1  }
0xbe: {  	s29 =	srdreg.scid  }
0xbf: {  	s30 =	sshll.u32 s29, $0xD;
	s31 =	sshrl.u32 s29, $0x2  }
0xc0: {  	s2 =	sand.u32 $0x1, s29;
	s3 =	sand.u32 $0x4000, s30;
	s1 =	sadd.s32 s31, s28  }
0xc1: {  	s2 =	sor.u32 s3, s2;
	s1 =	sshll.u32 s1, $0x11  }
0xc2: {  	s1 =	sor.u32 s1, s2  }
0xc3: {  	s1 =	sadd.s32 $0x8F2B, s1  }
0xc4: {  	[sflag:s1] =	ssyncadd.remote.s32 $0x1  }
0xc5: {  	_ =	sfence.sel $0xFFFF  }
0xc6: {  	[dreg:$0x0] =	wrdreg $0xFFFFFFFF;
	(pc) =	sbr.abs _section_cstart, $3  }
0xc7: {  	[dreg:$0x1] =	wrdreg $0xFFFFFFFF  }
0xc8: {  	_ =	task.clear_ibuf [dreg:s18], $0x2FFFF;
	_ =	strace $0x9FFFFFFF  }
0xc9: {  	(tm) =	ssettm $0x7FFFFFFF  }
tec
execute0_lowered:
.L_overlay_start_1:
0x0: {  	(tag) =	ssettag $0x1  }
0x1: {  	s3 =	rddreg [dreg:$0x0];
	s4 =	stileid.u32  }
0x2: {  	s5 =	rddreg [dreg:$0x1];
	s2 =	smul.u32 $0x2BC0, s4  }
0x3: {  	s0 =	rddreg [dreg:$0x2];
	[bflag:$0x3] =	sbarrier.arrive $0xFFFF;
	s1 =	simm.s32 $_size_execute1_lowered  }
0x4: {  	s1 =	sshll.u32 s1, $0x1;
	p0 =	sne.s32 s4, $0x0;
	s6 =	ssub.s32 $0xAF000, s2  }
0x5: {  	s4 =	simm.s32 @!p0 $0x1C3F;
	s7 =	simm.s32 @!p0 $0x4060;
	s8 =	smulhi.u32 $0xBB3EF, s6  }
0x6: {  	[timem:s7], [sflag:s4] =	dma.local @!p0 [hbm:s3], s1  }
0x7: {  	s30 =	sshrl.u32 s8, $0x5  }
0x8: {  	s31 =	simm.s32 $0x2;
	s8 =	smul.u32 $0x2BC00, s30  }
.Ltmp0:
0x9: {  	s10 =	simm.s32 $0x0;
	s9 =	simm.s32 $0x0;
	(pc) =	sbr.rel .LBB2_1-.Ltmp0, $4  }
0xa: {  	s3 =	sadd.s32 $0x15400, s5;
	p1 =	sne.s32 s6, s8;
	s6 =	simm.s32 $0x1  }
0xb: {  	s4 =	simm.s32 $0x1;
	_ =	strace $0x8000004D;
	s6 =	simm.s32 @!p1 $0x0  }
0xc: {  	s5 =	sadd.s32 $0x30200, s5;
	[sflag:s4] =	ssyncpa.u1 $0x0;
	s6 =	sadd.s32 s6, s30  }
0xd: {  	[sflag:s31] =	ssyncpa.u1 $0x0;
	s8 =	smov.u32 s2;
	s7 =	sadd.s32 $0x1, s6  }
.LBB2_7:
0xe: {  	s12 =	sadd.s32 $0x2BC00, s8  }
0xf: {  	p2 =	sgt.s32 s12, $0xAEFFF  }
0x10: {  	s12 =	smov.u32 @p2 s2;
	p2 =	sne.s32 s9, s7  }
.Ltmp1:
0x11: {  	p1 =	slt.u32 s9, $0x2;
	(pc) =	sbr.rel @!p2 .LBB2_8-.Ltmp1, $4  }
0x12: {  	s11 =	simm.s32 @!p1 $0x2  }
0x13: {  	_ =	swait.ge @!p1 [sflag:s11], $0x2BC0  }
0x14: {  	s13 =	sadd.s32 $0x1, s9;
	s10 =	smov.u32 s8;
	[sflag:s11] =	ssyncset.done @!p1 $0x0  }
0x15: {  	s9 =	smov.u32 s13;
	s8 =	smov.u32 s12;
	[sflag:s11] =	ssyncadd.s32 @!p1 $0xFFFFD440  }
.LBB2_1:
0x16: {  	p1 =	sge.u32 s9, s6  }
0x17: {  	s11 =	sxor.u32 @!p1 $0xFFFFFFFF, s9  }
0x18: {  	s11 =	sand.u32 @!p1 $0x1, s11  }
0x19: {  	s11 =	smul.u32 @!p1 $0xAF00, s11  }
0x1a: {  	s31 =	sadd.s32 $0xFFFFFFFF, s9;
	s12 =	sshrl.u32 @!p1 s8, $0x3  }
0x1b: {  	s13 =	sand.u32 @!p1 $0x7, s8;
	s12 =	sadd.s32 @!p1 s3, s12;
	s11 =	sshrl.u32 @!p1 s11, $0x2  }
0x1c: {  	[tilespmem:s11], [sflag:$0x1] =	stream.linear.gather @!p1 [hbm4b:s12+s13], $0x2BC0, $0x38;
	[tilespmem:$0xAF00] =	vst v63  }
0x1d: {  	p1 =	sge.u32 s31, s6  }
.Ltmp2:
0x1e: {  	_ = 	snop;
	(pc) =	sbr.rel @p1 .LBB2_7-.Ltmp2, $1  }
0x1f: {  	_ =	sdelay $0x3  }
0x20: {  	s11 =	sand.u32 $0x1, s9  }
0x21: {  	_ =	swait.ge [sflag:s4], $0x2BC0;
	s13 =	simm.s32 $0x2BC0;
	p1 =	seq.s32 s11, $0x1  }
0x22: {  	[sflag:s4] =	ssyncset.done $0x0;
	s13 =	simm.s32 @!p1 $0x0  }
0x23: {  	[sflag:s4] =	ssyncadd.s32 $0xFFFFD440;
	s15 =	sadd.s32 $0x80, s13  }
0x24: {  	v0 =	vld [tilespmem:s15+$0x70]  }
0x25: {  	v1 =	vld [tilespmem:s15+$0xFFFFFF90]  }
0x26: {  	v2 =	vld [tilespmem:s15+$0xFFFFFFA0]  }
0x27: {  	v3 =	vld [tilespmem:s15+$0xFFFFFFB0]  }
0x28: {  	s11 =	sadd.s32 $0x5800, s13;
	v4 =	vld [tilespmem:s15+$0xFFFFFFC0]  }
0x29: {  	v5 =	vld [tilespmem:s15+$0xFFFFFFD0];
	[tilespmem:s11+$0x70] =	vst v0  }
0x2a: {  	[tilespmem:s11+$0xFFFFFF90] =	vst v1;
	v0 =	vld [tilespmem:s15+$0xFFFFFFE0]  }
0x2b: {  	[tilespmem:s11+$0xFFFFFFA0] =	vst v2;
	v1 =	vld [tilespmem:s15+$0xFFFFFFF0]  }
0x2c: {  	[tilespmem:s11+$0xFFFFFFB0] =	vst v3;
	v2 =	vld [tilespmem:s15+$0x0]  }
0x2d: {  	[tilespmem:s11+$0xFFFFFFC0] =	vst v4;
	v3 =	vld [tilespmem:s15+$0x10]  }
0x2e: {  	[tilespmem:s11+$0xFFFFFFD0] =	vst v5;
	v5 =	vld [tilespmem:s15+$0x20]  }
0x2f: {  	[tilespmem:s11+$0xFFFFFFE0] =	vst v0;
	v0 =	vld [tilespmem:s15+$0x30]  }
0x30: {  	[tilespmem:s11+$0xFFFFFFF0] =	vst v1;
	v1 =	vld [tilespmem:s15+$0x40]  }
0x31: {  	[tilespmem:s11+$0x0] =	vst v2;
	v2 =	vld [tilespmem:s15+$0x50]  }
0x32: {  	s14 =	simm.s32 $0x0;
	[tilespmem:s11+$0x10] =	vst v3;
	v3 =	vld [tilespmem:s15+$0x60]  }
0x33: {  	s12 =	sadd.s32 $0x5780, s13;
	s13 =	sshll.u32 s13, $0x2;
	v4 =	vld [tilespmem:s15+$0xFFFFFF80];
	[tilespmem:s11+$0x20] =	vst v5;
	s15 =	sadd.s32 $0x100, s15  }
.LBB2_3:
0x34: {  	v5 =	vld [tilespmem:s15+$0x70];
	s14 =	sadd.s32 $0x100, s14;
	[tilespmem:s11+$0x30] =	vst v0  }
0x35: {  	v0 =	vld [tilespmem:s15+$0xFFFFFF90];
	p1 =	slt.u32 s14, $0x2A00;
	[tilespmem:s11+$0x40] =	vst v1  }
0x36: {  	v1 =	vld [tilespmem:s15+$0xFFFFFFA0];
	[tilespmem:s11+$0x50] =	vst v2  }
0x37: {  	v2 =	vld [tilespmem:s15+$0xFFFFFFB0];
	[tilespmem:s11+$0x60] =	vst v3  }
0x38: {  	v3 =	vld [tilespmem:s15+$0xFFFFFFC0];
	[tilespmem:s11+$0xFFFFFF80] =	vst v4;
	s11 =	sadd.s32 $0x100, s11  }
0x39: {  	v4 =	vld [tilespmem:s15+$0xFFFFFFD0];
	[tilespmem:s11+$0x70] =	vst v5  }
0x3a: {  	[tilespmem:s11+$0xFFFFFF90] =	vst v0;
	v0 =	vld [tilespmem:s15+$0xFFFFFFE0]  }
0x3b: {  	[tilespmem:s11+$0xFFFFFFA0] =	vst v1;
	v1 =	vld [tilespmem:s15+$0xFFFFFFF0]  }
0x3c: {  	[tilespmem:s11+$0xFFFFFFB0] =	vst v2;
	v2 =	vld [tilespmem:s15+$0x0]  }
0x3d: {  	[tilespmem:s11+$0xFFFFFFC0] =	vst v3;
	v3 =	vld [tilespmem:s15+$0x10]  }
0x3e: {  	[tilespmem:s11+$0xFFFFFFD0] =	vst v4;
	v5 =	vld [tilespmem:s15+$0x20]  }
.Ltmp3:
0x3f: {  	[tilespmem:s11+$0xFFFFFFE0] =	vst v0;
	v0 =	vld [tilespmem:s15+$0x30];
	(pc) =	sbr.rel @p1 .LBB2_3-.Ltmp3, $4  }
0x40: {  	[tilespmem:s11+$0xFFFFFFF0] =	vst v1;
	v1 =	vld [tilespmem:s15+$0x40]  }
0x41: {  	[tilespmem:s11+$0x0] =	vst v2;
	v2 =	vld [tilespmem:s15+$0x50]  }
0x42: {  	[tilespmem:s11+$0x10] =	vst v3;
	v3 =	vld [tilespmem:s15+$0x60]  }
0x43: {  	v4 =	vld [tilespmem:s15+$0xFFFFFF80];
	[tilespmem:s11+$0x20] =	vst v5;
	s15 =	sadd.s32 $0x100, s15  }
0x44: {  	[tilespmem:s11+$0x30] =	vst v0  }
0x45: {  	[tilespmem:s11+$0x40] =	vst v1  }
0x46: {  	[tilespmem:s11+$0x50] =	vst v2  }
0x47: {  	s13 =	sshrl.u32 s13, $0x2;
	[tilespmem:s11+$0x60] =	vst v3  }
0x48: {  	s14 =	simm.s32 $0x2AF0;
	[tilespmem:s11+$0xFFFFFF80] =	vst v4;
	s11 =	sadd.s32 $0x8280, s13;
	s13 =	sadd.s32 $0x2B00, s13  }
.LBB2_5:
0x49: {  	s14 =	sadd.s32 $0x10, s14  }
0x4a: {  	v0 =	vld [tilespmem:s13+$0x0];
	p1 =	slt.u32 s14, $0x2BB0  }
.Ltmp4:
0x4b: {  	_ = 	snop;
	(pc) =	sbr.rel @p1 .LBB2_5-.Ltmp4, $2  }
0x4c: {  	_ =	sdelay $0x2  }
0x4d: {  	s13 =	sadd.s32 $0x10, s13;
	[tilespmem:s11+$0x0] =	vst v0;
	s11 =	sadd.s32 $0x10, s11  }
.Ltmp5:
0x4e: {  	(pc) =	sbr.rel .LBB2_7-.Ltmp5, $4  }
0x4f: {  	_ = 	snop  }
0x50: {  	s11 =	sshrl.u32 s10, $0x3  }
0x51: {  	s31 =	sand.u32 $0x7, s10;
	s11 =	sadd.s32 s5, s11  }
0x52: {  	[hbm4b:s11+s31] =	stream.linear.scatter [tilespmem:s12], [sflag:$0x2], $0x2BC0, $0x38;
	[tilespmem:$0xAF00] =	vst v63  }
.LBB2_8:
0x53: {  	_ =	sfence.sel $0x180000  }
0x54: {  	s2 =	simm.s32 $0x1;
	[bflag:$0x0] =	sbarrier.arrive $0xFFFF  }
0x55: {  	s31 =	simm.s32 $0x2;
	[sflag:s2] =	ssyncpa.u1 $0x1  }
0x56: {  	[sflag:s31] =	ssyncpa.u1 $0x1  }
0x57: {  	_ =	strace $0x9000004D  }
0x58: {  	s0 =	sadd.s32 @!p0 $0x100000, s0;
	[bflag:$0x2] =	sbarrier.arrive $0xFFFF  }
0x59: {  	[sflag:s0] =	ssyncadd.tile.s32 @!p0 $0x1;
	s0 =	simm.s32 @!p0 $0x3F  }
0x5a: {  	_ =	swait.ge @!p0 [sflag:s0], s1  }
0x5b: {  	s1 =	ssub.s32 @!p0 $0x0, s1;
	[sflag:s0] =	ssyncset.done @!p0 $0x0  }
0x5c: {  	[sflag:s0] =	ssyncadd.s32 @!p0 s1  }
0x5d: {  	[bflag:$0x3] =	sbarrier.arrive $0xFFFF  }
0x5e: {  	_ =	shalt  }
.Lfunc_end2:
execute1_lowered:
.L_overlay_start_2:
0x5f: {  	(tag) =	ssettag $0x2  }
0x60: {  	s3 =	rddreg [dreg:$0x0]  }
0x61: {  	s14 =	stileid.u32;
	_ =	strace $0x80000050;
	s0 =	simm.s32 $0x1  }
0x62: {  	v1 =	vimm.s32 $0xFFFFFFFF;
	s1 =	smin.u32 s14, $0x4;
	[sflag:s0] =	ssyncpa.u1 $0x0  }
0x63: {  	s1 =	sadd.s32 s14, s1;
	[tilespmem:$0x10] =	vst v1  }
0x64: {  	v0 =	vimm.f32 $0.0e+00;
	p0 =	slt.u32 s14, $0x4;
	[tilespmem:$0x20] =	vst v1;
	s4 =	smul.u32 $0x1F40, s1;
	s1 =	simm.s32 $0x3E80  }
0x65: {  	[tilespmem:$0x30] =	vst v0;
	s1 =	simm.s32 @!p0 $0x1F40  }
0x66: {  	[tilespmem:$0x40] =	vst v0;
	s1 =	sadd.s32 s1, s4  }
0x67: {  	[tilespmem:$0x50] =	vst v0;
	s5 =	smin.u32 s1, $0x27100  }
0x68: {  	s7 =	simm.s32 $0x2;
	s8 =	simm.s32 $0x8;
	[tilespmem:$0x60] =	vst v1;
	s2 =	ssub.s32 s5, s4  }
0x69: {  	s31 =	simm.s32 $0x9;
	s16 =	simm.s32 $0x0;
	[tilespmem:$0x70] =	vst v1;
	p0 =	sgt.s32 s2, $0x0  }
0x6a: {  	s17 =	simm.s32 $0xF0;
	s18 =	simm.s32 $0xFFFFFFFF;
	[tilespmem:$0x80] =	vst v1;
	s2 =	simm.s32 @!p0 $0x0  }
0x6b: {  	s19 =	simm.s32 $0xFFFFC280;
	s20 =	simm.s32 $0xFFFFFFFE;
	v1 =	vimm.s32 $0x0;
	[tilespmem:$0xB0] =	vst v0;
	s30 =	smulhi.u32 $0x10624DD3, s2  }
0x6c: {  	s21 =	simm.s32 $0xF;
	s25 =	simm.s32 $0x0;
	s24 =	simm.s32 $0x0;
	[tilespmem:$0x90] =	vst v1  }
0x6d: {  	[tilespmem:$0xA0] =	vst v1;
	[sflag:s7] =	ssyncpa.u1 $0x0;
	s7 =	simm.s32 $0x7;
	s9 =	sshrl.u32 s30, $0x9  }
0x6e: {  	s6 =	sadd.s32 $0x2B200, s3;
	[sflag:s7] =	ssyncpa.u1 $0x0;
	s10 =	smul.u32 $0x1F40, s9  }
.Ltmp6:
0x6f: {  	[sflag:s8] =	ssyncpa.u1 $0x0;
	s23 =	smov.u32 s4;
	(pc) =	sbr.rel .LBB3_1-.Ltmp6, $4  }
0x70: {  	s1 =	sadd.s32 $0x30200, s3;
	[sflag:s31] =	ssyncpa.u1 $0x0;
	p0 =	sne.s32 s2, s10  }
0x71: {  	s10 =	sshll.u32 s14, $0x1;
	s14 =	sshllo.u32 s14, $0x1;
	s0 =	simm.s32 @!p0 $0x0  }
0x72: {  	vm0 =	vmmov $0xffff;
	v2 =	vlaneseq.u32;
	s13 =	sor.u32 $0x81, s10;
	s15 =	sor.u32 $0x80, s10;
	s9 =	sadd.s32 s0, s9  }
0x73: {  	vm1 =	vmxor vm1, vm1;
	vm2 =	vmmov $0x1;
	vm3 =	vcmask $0x3F3C;
	p0 =	por $0x0, $0x0;
	s11 =	sadd.s32 $0x1, s9;
	s12 =	sadd.s32 $0x2, s9  }
.LBB3_9:
0x74: {  	p1 =	slt.u32 s24, $0x3  }
0x75: {  	s0 =	simm.s32 @!p1 $0x2  }
0x76: {  	_ =	swait.ge @!p1 [sflag:s0], $0x1F40  }
0x77: {  	[sflag:s0] =	ssyncset.done @!p1 $0x0  }
0x78: {  	[sflag:s0] =	ssyncadd.s32 @!p1 $0xFFFFE0C0;
	s0 =	simm.s32 @!p1 $0x9  }
0x79: {  	_ =	swait.ge @!p1 [sflag:s0], $0x10  }
0x7a: {  	[sflag:s0] =	ssyncset.done @!p1 $0x0  }
0x7b: {  	[sflag:s0] =	ssyncadd.s32 @!p1 $0xFFFFFFF0;
	p1 =	sne.s32 s24, s12  }
.Ltmp7:
0x7c: {  	s2 =	sadd.s32 $0x1F40, s23;
	(pc) =	sbr.rel @!p1 .LBB3_10-.Ltmp7, $4  }
0x7d: {  	s22 =	smov.u32 s4;
	s31 =	sadd.s32 $0x1, s24;
	s17 =	sadd.s32 $0x1F40, s17  }
0x7e: {  	s18 =	sadd.s32 $0x1, s18;
	s25 =	smov.u32 s23;
	p2 =	slt.s32 s2, s5  }
0x7f: {  	p0 =	por !p0, !p0;
	s19 =	sadd.s32 $0x1F40, s19;
	s22 =	smov.u32 @p2 s2  }
0x80: {  	s20 =	sadd.s32 $0x1, s20;
	s23 =	smov.u32 s22;
	s24 =	smov.u32 s31  }
.LBB3_1:
0x81: {  	p1 =	sge.u32 s24, s9  }
0x82: {  	s0 =	smulhi.u32 @!p1 $0xAAAAAAAB, s24;
	_ =	sdelay $0x1  }
0x83: {  	s0 =	sshrl.u32 @!p1 s0, $0x1  }
0x84: {  	s0 =	smul.u32 @!p1 $0x3, s0;
	_ =	sdelay $0x1  }
0x85: {  	s0 =	ssub.s32 @!p1 s24, s0  }
0x86: {  	s0 =	smul.u32 @!p1 $0x7D00, s0;
	_ =	sdelay $0x1  }
0x87: {  	s2 =	sshrl.u32 @!p1 s23, $0x3;
	s0 =	sshrl.u32 @!p1 s0, $0x2  }
0x88: {  	s22 =	sand.u32 @!p1 $0x7, s23;
	s2 =	sadd.s32 @!p1 s3, s2;
	s0 =	sadd.s32 @!p1 $0x100, s0  }
0x89: {  	[tilespmem:s0], [sflag:$0x7] =	stream.linear.gather @!p1 [hbm4b:s2+s22], $0x1F40, $0x38;
	[tilespmem:$0x11A60] =	vst v63  }
0x8a: {  	s0 =	sadd.s32 $0xFFFFFFFF, s24  }
0x8b: {  	p1 =	sge.u32 s0, s9  }
.Ltmp8:
0x8c: {  	_ = 	snop;
	(pc) =	sbr.rel @p1 .LBB3_5-.Ltmp8, $1  }
0x8d: {  	_ =	sdelay $0x3  }
0x8e: {  	s2 =	smulhi.u32 $0xAAAAAAAB, s0;
	_ =	sdelay $0x1  }
0x8f: {  	s2 =	sshrl.u32 s2, $0x1  }
0x90: {  	s2 =	smul.u32 $0x3, s2;
	_ =	sdelay $0x1  }
0x91: {  	s2 =	ssub.s32 s0, s2  }
0x92: {  	s2 =	smul.u32 $0x7D00, s2  }
0x93: {  	_ =	swait.ge [sflag:s7], $0x1F40  }
0x94: {  	[sflag:s7] =	ssyncset.done $0x0;
	s2 =	sshrl.u32 s2, $0x2  }
0x95: {  	[sflag:s7] =	ssyncadd.s32 $0xFFFFE0C0;
	(ifvalue) =	ssetifvalue $0xFFFFFFFF;
	v3 =	vld.msk [tilespmem:s2+$0x100 ss:$0x1], $0xffff;
	_ =	sdelay $0x2  }
0x96: {  	s30 =	smulhi.u32 $0xAAAAAAAB, s18;
	p1 =	sne.s32 s24, $0x1  }
0x97: {  	v4 =	vimm.s32 @!p1 $0x0  }
0x98: {  	s2 =	sshrl.u32 s30, $0x1;
	v4 =	vperm.xlane @!p1 v3, v4  }
0x99: {  	s22 =	sshll.u32 s24, $0x4;
	s2 =	smul.u32 $0xFFFE8900, s2;
	vm4 =	vlt.u32 v3, $0xAF000  }
0x9a: {  	s22 =	sand.u32 $0x10, s22;
	v3 =	vnsel vm4, $0xFFFFFFFE, v3;
	vm4 =	vlt.u32 @!p1 v4, $0xAF000  }
0x9b: {  	s2 =	sshra.s32 s2, $0x2;
	[tilespmem:s22+$0x60] =	vst v3;
	v3 =	vnsel @!p1 vm4, $0xFFFFFFFE, v4  }
0x9c: {  	s28 =	sadd.s32 s2, s17;
	[tilespmem:$0x80] =	vst @!p1 v3  }
0x9d: {  	v3 =	vld.msk [tilespmem:s28+$0x0 ss:$0x1], $0xffff;
	_ =	sdelay $0x4  }
0x9e: {  	(xrf1) =	vunique.msk.u32 $0xffff, v3;
	_ =	sdelay $0xd  }
0x9f: {  	v4 =	vimm.s32 $0xFFFFFFFF;
	v5, _, _ =	vpop (xrf1)  }
0xa0: {  	vm5 =	vne.s32 v3, v4;
	vm4 =	veq.s32 v5, v2  }
0xa1: {  	vm6 =	vlt.u32 v3, $0xAF000;
	vm4 =	vmand vm5, vm4  }
0xa2: {  	vm4 =	vmand vm6, vm4  }
0xa3: {  	v4 =	vnsel vm4, $0xFFFFFFFF, v3  }
0xa4: {  	s31 =	sand.u32 $0x1, s0  }
0xa5: {  	s0 =	simm.s32 $0x1F40;
	p1 =	seq.s32 s31, $0x1  }
0xa6: {  	s0 =	simm.s32 @!p1 $0x0  }
0xa7: {  	s26 =	sadd.s32 $0x7DF0, s0;
	(ifvalue) =	ssetifvalue $0xFFFFFFFF  }
0xa8: {  	v3 =	vperm.xlane v3, v1;
	[tilespmem:s26], [sflag:$0x8] =	stream.indirect_vreg.gather [hbm4b:s1+s16], $0x1, v4, vm0, $0x4038;
	v4 =	vnsel vm6, $0xFFFFFFFE, v4;
	[tilespmem:$0x11A60] =	vst v63  }
0xa9: {  	s2 =	simm.s32 $0x0;
	s22 =	sadd.s32 $0xFFFFFFF0, s28;
	[tilespmem:s28+$0x0] =	vst v4  }
.LBB3_3:
0xaa: {  	v4 =	vld.msk [tilespmem:s22+$0x0 ss:$0x1], $0xffff;
	s2 =	sadd.s32 $0x10, s2;
	v5 =	vmov v3;
	s28 =	smov.u32 s22  }
0xab: {  	p1 =	slt.u32 s2, $0x1F30;
	_ =	sdelay $0x4  }
0xac: {  	v3 =	vperm.xlane v4, v1;
	(xrf1) =	vunique.msk.u32 $0xffff, v4;
	_ =	sdelay $0xd  }
0xad: {  	v6, _, _ =	vpop (xrf1)  }
0xae: {  	vm5 =	vne.s32 v4, v5;
	vm4 =	veq.s32 v6, v2  }
0xaf: {  	vm6 =	vlt.u32 v4, $0xAF000;
	vm4 =	vmand vm5, vm4  }
0xb0: {  	vm4 =	vmand vm6, vm4  }
0xb1: {  	v4 =	vnsel vm4, $0xFFFFFFFF, v4  }
.Ltmp9:
0xb2: {  	v5 =	vnsel vm6, $0xFFFFFFFE, v4;
	(pc) =	sbr.rel @p1 .LBB3_3-.Ltmp9, $3  }
0xb3: {  	_ =	sdelay $0x1  }
0xb4: {  	s22 =	sadd.s32 $0xFFFFFFF0, s22;
	s26 =	sadd.s32 $0xFFFFFFF0, s26;
	(ifvalue) =	ssetifvalue $0xFFFFFFFF  }
0xb5: {  	[tilespmem:s26], [sflag:$0x8] =	stream.indirect_vreg.gather [hbm4b:s1+s16], $0x1, v4, vm0, $0x4038;
	[tilespmem:s28+$0x0] =	vst v5  }
0xb6: {  	s2 =	sshrl.u32 s25, $0x3  }
0xb7: {  	s0 =	sadd.s32 $0x9D40, s0;
	s2 =	sadd.s32 s6, s2  }
0xb8: {  	[tilespmem:s0], [sflag:$0x8] =	stream.linear.gather [hbm:s2], $0x1F40, $0x38;
	[tilespmem:$0x11A60] =	vst v63  }
.LBB3_5:
0xb9: {  	p1 =	slt.u32 s24, $0x2  }
0xba: {  	p2 =	sge.u32 @!p1 s24, s12  }
0xbb: {  	p1 =	por p1, p2  }
.Ltmp10:
0xbc: {  	_ = 	snop;
	(pc) =	sbr.rel @p1 .LBB3_9-.Ltmp10, $1  }
0xbd: {  	_ =	sdelay $0x3  }
0xbe: {  	s0 =	sadd.s32 $0xFFFFFFFE, s24  }
0xbf: {  	s2 =	smulhi.u32 $0xAAAAAAAB, s0;
	_ =	sdelay $0x1  }
0xc0: {  	s2 =	sshrl.u32 s2, $0x1  }
0xc1: {  	s2 =	smul.u32 $0x3, s2;
	_ =	sdelay $0x1  }
0xc2: {  	s0 =	ssub.s32 s0, s2  }
0xc3: {  	_ =	swait.ge [sflag:s8], $0x3E80;
	s0 =	smul.u32 $0x1F40, s0  }
0xc4: {  	p1 =	sne.s32 s24, s11;
	[sflag:s8] =	ssyncset.done $0x0  }
0xc5: {  	[sflag:s8] =	ssyncadd.s32 $0xFFFFC180;
	s2 =	sadd.s32 @!p1 $0x203F, s0  }
0xc6: {  	[spmem:s13] =	stream.linear.scatter @!p1 [tilespmem:s2], [sflag:$0x1], $0x1, $0x38;
	[tilespmem:$0x11A60] =	vst v63  }
0xc7: {  	s2 =	simm.s32 @!p1 $0x1  }
0xc8: {  	_ =	swait.ge @!p1 [sflag:s2], $0x1  }
0xc9: {  	s22 =	sshll.u32 s24, $0x4;
	[sflag:s2] =	ssyncset.done @!p1 $0x0  }
0xca: {  	s25 =	sand.u32 $0x10, s22;
	[sflag:s2] =	ssyncadd.s32 @!p1 $0xFFFFFFFF  }
0xcb: {  	s2 =	sxor.u32 $0x10, s25;
	v4 =	vld [tilespmem:s25+$0x10]  }
0xcc: {  	v5 =	vld [tilespmem:s2+$0x60]  }
0xcd: {  	v3 =	vld [tilespmem:$0x80];
	_ =	sdelay $0x2  }
0xce: {  	(v2sf) =	vpush v4, $0x0  }
0xcf: {  	(v2sf) =	vpush v5, $0x0  }
0xd0: {  	(v2sf) =	vpush v3, $0x0;
	_ =	sdelay $0xc  }
0xd1: {  	s22 =	spop (v2sf)  }
0xd2: {  	s26 =	spop (v2sf)  }
0xd3: {  	s28 =	spop (v2sf)  }
0xd4: {  	p2 =	seq.s32 s22, s26;
	p3 =	seq.s32 s28, s22  }
0xd5: {  	p3 =	por p2, p3  }
0xd6: {  	s26 =	sand.u32 $0x1, s24;
	v4 =	vpsel p3, $0xFFFFFFFF, v4  }
0xd7: {  	s29 =	smul.u32 $0x1F40, s26;
	[tilespmem:s25+$0x10] =	vst.msk $0x1, v4  }
0xd8: {  	v4 =	vld [tilespmem:$0x30]  }
0xd9: {  	v5 =	vld [tilespmem:s29+$0x9D40]  }
0xda: {  	v6 =	vld [tilespmem:s25+$0x40];
	_ =	sdelay $0x3  }
0xdb: {  	vm4 =	vmmov vm1;
	v5 =	vadd.f32 v5, v4  }
0xdc: {  	vm5 =	vmmov vm2;
	vm4 =	vmmov @p2 vm2;
	s22 =	sshll.u32 s26, $0x4;
	v4 =	vadd.f32 v6, v4  }
0xdd: {  	s26 =	sor.u32 $0x11A40, s22;
	vm5 =	vmmov @p3 vm1;
	[tilespmem:s29+$0x9D40] =	vst.msk vm4, v5  }
0xde: {  	[tilespmem:s26+$0x0] =	vst.msk vm5, v4  }
0xdf: {  	v4 =	vld [tilespmem:s29+$0x7DF0];
	_ =	sdelay $0x3  }
0xe0: {  	v5 =	vimm.f32 $0.0e+00  }
0xe1: {  	v4 =	vshift.insert v4, v5, s21  }
0xe2: {  	s22 =	sor.u32 $0x40, s2  }
0xe3: {  	[tilespmem:s22+$0x0] =	vst.msk $0x1, v4  }
0xe4: {  	[tilespmem:s29+$0x7DFF] =	vst.msk $0x1, v5  }
0xe5: {  	v4 =	vld [tilespmem:s0+$0x2030];
	_ =	sdelay $0x1  }
0xe6: {  	s22 =	smulhi.u32 $0xAAAAAAAB, s20;
	s0 =	simm.s32 $0x1  }
0xe7: {  	s0 =	simm.s32 @!p0 $0x0  }
0xe8: {  	s22 =	sshrl.u32 s22, $0x1;
	s0 =	smul.u32 $0x7D00, s0  }
0xe9: {  	s22 =	smul.u32 $0xFFFE8900, s22;
	v4 =	vshift.insert v4, v1, s21  }
0xea: {  	s0 =	sshrl.u32 s0, $0x2  }
0xeb: {  	s22 =	sshra.s32 s22, $0x2;
	s30 =	sadd.s32 $0x9D40, s0;
	[tilespmem:s2+$0x10] =	vst.msk $0x1, v4  }
0xec: {  	s22 =	sadd.s32 s22, s19;
	v6 =	vld [tilespmem:s30+$0x0]  }
0xed: {  	v7 =	vld [tilespmem:s22+$0x0];
	_ =	sdelay $0x3  }
0xee: {  	v5 =	vadd.f32 v6, v5  }
0xef: {  	vm4 =	vne.s32 v7, $0xFFFFFFFF  }
0xf0: {  	(xrf2) =	vadd.seg.scan.f32 vm4, v5;
	_ =	sdelay $0x3  }
0xf1: {  	s31 =	sadd.s32 $0x5EC0, s0;
	v5 =	vperm.xlane v4, v1  }
0xf2: {  	v6 =	vld [tilespmem:s31+$0x0]  }
0xf3: {  	vm5 =	veq.s32 v7, v3;
	vm6 =	veq.s32 v7, v5  }
0xf4: {  	vm7 =	vgt.u32 v7, $0xFFFFFFFD;
	vm6 =	vmor vm6, vm5  }
0xf5: {  	vm6 =	vmor vm6, vm7  }
0xf6: {  	v9 =	vld [tilespmem:$0xA0];
	v7 =	vsel vm6, $0xFFFFFFFF, v7  }
0xf7: {  	v10 =	vld [tilespmem:$0x90];
	v6 =	vsel vm5, $0x0, v6;
	v8, _, _ =	vpop (xrf2)  }
0xf8: {  	v6 =	vadd.f32 v8, v6  }
0xf9: {  	s0 =	sadd.s32 $0xDBC0, s0  }
0xfa: {  	vm4 =	vmand vm4, vm3;
	[tilespmem:s0+$0x0] =	vst v6;
	(ifvalue) =	ssetifvalue $0xFFFFFFFF  }
0xfb: {  	vm6 =	veq.s32 v9, $0x1;
	[hbm4b:s1+s16] =	stream.indirect_vreg.scatter [tilespmem:s0], [sflag:$0x2], $0x1, v7, vm0, $0x4038;
	v7 =	vsel vm4, $0x0, v8;
	[tilespmem:$0x11A60] =	vst v63  }
0xfc: {  	s2 =	simm.s32 $0x0;
	s22 =	sadd.s32 $0x10, s22;
	vm4 =	vmor vm6, vm5;
	v6 =	vsel vm5, v8, v10;
	v7 =	vshift.insert v7, v0, s21  }
.LBB3_7:
0xfd: {  	v8 =	vld [tilespmem:s22+$0x0];
	s30 =	sadd.s32 $0x10, s30  }
0xfe: {  	s31 =	sadd.s32 $0x10, s31;
	v9 =	vld [tilespmem:s30+$0x0]  }
0xff: {  	s2 =	sadd.s32 $0x10, s2;
	v10 =	vld [tilespmem:s31+$0x0]  }
0x100: {  	p2 =	slt.u32 s2, $0x1F30;
	_ =	sdelay $0x2  }
0x101: {  	v7 =	vadd.f32 v9, v7  }
0x102: {  	vm5 =	vne.s32 v8, $0xFFFFFFFF  }
0x103: {  	vm6 =	vmand vm5, vm3;
	(xrf2) =	vadd.seg.scan.f32 vm5, v7;
	_ =	sdelay $0x5  }
0x104: {  	vm7 =	veq.s32 v8, v5;
	vm5 =	veq.s32 v8, v3  }
0x105: {  	vm8 =	vgt.u32 v8, $0xFFFFFFFD;
	vm4 =	vmor vm4, vm5;
	vm7 =	vmor vm7, vm5  }
0x106: {  	vm7 =	vmor vm7, vm8  }
0x107: {  	v8 =	vsel vm7, $0xFFFFFFFF, v8  }
.Ltmp11:
0x108: {  	v7 =	vsel vm5, $0x0, v10;
	v9, _, _ =	vpop (xrf2);
	(pc) =	sbr.rel @p2 .LBB3_7-.Ltmp11, $4  }
0x109: {  	v6 =	vsel vm5, v9, v6;
	v10 =	vadd.f32 v9, v7;
	v7 =	vsel vm6, $0x0, v9  }
0x10a: {  	s0 =	sadd.s32 $0x10, s0;
	v7 =	vshift.insert v7, v0, s21  }
0x10b: {  	s22 =	sadd.s32 $0x10, s22;
	[tilespmem:s0+$0x0] =	vst v10;
	(ifvalue) =	ssetifvalue $0xFFFFFFFF  }
0x10c: {  	[hbm4b:s1+s16] =	stream.indirect_vreg.scatter [tilespmem:s0], [sflag:$0x2], $0x1, v8, vm0, $0x4038;
	[tilespmem:$0x11A60] =	vst v63  }
0x10d: {  	v3 =	vld [tilespmem:s29+$0xFAF0];
	_ =	sdelay $0x4  }
0x10e: {  	v3 =	vshift.insert v3, v0, s21  }
0x10f: {  	s0 =	simm.s32 $0x30  }
0x110: {  	[tilespmem:s0+$0x0] =	vst.msk $0x1, v3  }
0x111: {  	v3 =	vsel vm4, $0x1, v1;
	[tilespmem:$0x90] =	vst v6  }
0x112: {  	s0 =	sadd.s32 @!p1 $0xFAFF, s29;
	[tilespmem:$0xA0] =	vst v3  }
0x113: {  	[spmem:s14] =	stream.linear.scatter @!p1 [tilespmem:s0], [sflag:$0x1], $0x1, $0x38;
	[tilespmem:$0x11A60] =	vst v63  }
0x114: {  	s0 =	simm.s32 @!p1 $0x1  }
0x115: {  	v3 =	vmctz.xlane @!p1 vm4;
	_ =	swait.ge @!p1 [sflag:s0], $0x1  }
0x116: {  	(v2sf) =	vpush @!p1 v4, $0x0  }
0x117: {  	(v2sf) =	vpush @!p1 v3, $0x0;
	_ =	sdelay $0xd  }
0x118: {  	s2 =	spop @!p1 (v2sf)  }
0x119: {  	s22 =	spop @!p1 (v2sf)  }
0x11a: {  	p2 =	sne.s32 @!p1 s28, s2;
	p3 =	slt.s32 @!p1 s22, $0xF  }
0x11b: {  	[sflag:s0] =	ssyncset.done @!p1 $0x0;
	p2 =	por p2, p1;
	p3 =	por !p3, p1  }
0x11c: {  	[sflag:s0] =	ssyncadd.s32 @!p1 $0xFFFFFFFF;
	v3 =	vimm.s32 @!p2 $0xFFFFFFFF;
	s22 =	simm.s32 @p3 $0xF  }
0x11d: {  	[tilespmem:$0x80] =	vst @!p2 v3;
	s2 =	sadd.s32 @!p1 $0x90, s22  }
0x11e: {  	[spmem:s10] =	stream.linear.scatter @!p1 [tilespmem:s2], [sflag:$0x1], $0x1, $0x38;
	[tilespmem:$0x11A60] =	vst v63  }
0x11f: {  	_ =	swait.ge @!p1 [sflag:s0], $0x1  }
0x120: {  	[sflag:s0] =	ssyncset.done @!p1 $0x0  }
0x121: {  	s2 =	simm.s32 @!p1 $0x80;
	[sflag:s0] =	ssyncadd.s32 @!p1 $0xFFFFFFFF  }
0x122: {  	[spmem:s15] =	stream.linear.scatter @!p1 [tilespmem:s2], [sflag:$0x1], $0x1, $0x38;
	[tilespmem:$0x11A60] =	vst v63  }
0x123: {  	_ =	swait.ge @!p1 [sflag:s0], $0x1  }
0x124: {  	[sflag:s0] =	ssyncset.done @!p1 $0x0  }
0x125: {  	[sflag:s0] =	ssyncadd.s32 @!p1 $0xFFFFFFFF;
	(ifvalue) =	ssetifvalue $0xFFFFFFFF;
	v3 =	vld [tilespmem:s25+$0x10];
	_ =	sdelay $0x3  }
.Ltmp12:
0x126: {  	_ = 	snop;
	(pc) =	sbr.rel .LBB3_9-.Ltmp12, $3  }
0x127: {  	_ =	sdelay $0x1  }
0x128: {  	(ifvalue) =	ssetifvalue $0xFFFFFFFF  }
0x129: {  	[hbm4b:s1+s16] =	stream.indirect_vreg.scatter [tilespmem:s26], [sflag:$0x9], $0x1, v3, vm0, $0x4038;
	[tilespmem:$0x11A60] =	vst v63  }
.LBB3_10:
0x12a: {  	_ =	sfence.sel $0x180000  }
0x12b: {  	s0 =	simm.s32 $0x7;
	[bflag:$0x0] =	sbarrier.arrive $0xFFFF  }
0x12c: {  	s26 =	simm.s32 $0x8;
	[sflag:s0] =	ssyncpa.u1 $0x1  }
0x12d: {  	s28 =	simm.s32 $0x9;
	[sflag:s26] =	ssyncpa.u1 $0x1  }
0x12e: {  	[sflag:s28] =	ssyncpa.u1 $0x1  }
0x12f: {  	_ =	sfence.stream.spmem  }
0x130: {  	s29 =	simm.s32 $0x3;
	[bflag:$0x0] =	sbarrier.arrive $0xFFFF  }
0x131: {  	s30 =	simm.s32 $0x4;
	[sflag:s29] =	ssyncpa.u1 $0x1  }
0x132: {  	s31 =	simm.s32 $0x3C;
	s2 =	stileid.u32;
	[sflag:s30] =	ssyncpa.u1 $0x1  }
0x133: {  	p0 =	sne.s32 s2, $0x0;
	[sflag:s31] =	ssyncpa.u1 $0x1  }
0x134: {  	s0 =	simm.s32 @p0 $0x1;
	_ =	sfence @p0  }
0x135: {  	[sflag:s0] =	ssyncpa.u1 @p0 $0x1;
	s0 =	simm.s32 @p0 $0x2  }
0x136: {  	[sflag:s0] =	ssyncpa.u1 @p0 $0x1  }
0x137: {  	_ =	strace @p0 $0x90000050  }
0x138: {  	[bflag:$0x2] =	sbarrier.arrive @p0 $0xFFFF  }
0x139: {  	_ =	shalt @p0  }
.LBB3_11:
0x13a: {  	_ =	sfence.stream.spmem;
	s0 =	simm.s32 $0x5  }
0x13b: {  	s2 =	simm.s32 $0x80;
	s3 =	simm.s32 $0xC0;
	[sflag:s0] =	ssyncpa.u1 $0x0  }
0x13c: {  	[tilespmem:s3], [sflag:$0x5] =	stream.linear.gather [spmem:s2], $0x20, $0x38;
	[tilespmem:$0x11A60] =	vst v63  }
0x13d: {  	s2 =	simm.s32 $0x0;
	s3 =	simm.s32 $0xE0  }
0x13e: {  	[tilespmem:s3], [sflag:$0x5] =	stream.linear.gather [spmem:s2], $0x20, $0x38;
	[tilespmem:$0x11A60] =	vst v63  }
.Ltmp13:
0x13f: {  	_ = 	snop;
	(pc) =	sbr.rel .LBB3_12-.Ltmp13, $4  }
0x140: {  	_ =	swait.ge [sflag:s0], $0x40  }
0x141: {  	[sflag:s0] =	ssyncset.done $0x0  }
0x142: {  	s31 =	simm.s32 $0x6;
	[sflag:s0] =	ssyncadd.s32 $0xFFFFFFC0  }
0x143: {  	s4 =	simm.s32 $0x0;
	[sflag:s31] =	ssyncpa.u1 $0x0  }
.LBB3_17:
0x144: {  	p0 =	sgt.u32 s5, $0xAEFFF  }
0x145: {  	s0 =	sshrl.u32 @!p0 s5, $0x3  }
0x146: {  	s5 =	sand.u32 @!p0 $0x7, s5;
	s6 =	simm.s32 @!p0 $0xB0;
	s0 =	sadd.s32 @!p0 s1, s0  }
0x147: {  	[tilespmem:s6], [sflag:$0x6] =	stream.linear.gather @!p0 [hbm4b:s0+s5], $0x1, $0x38;
	[tilespmem:$0x11A60] =	vst v63  }
0x148: {  	s0 =	simm.s32 @!p0 $0x6  }
0x149: {  	_ =	swait.ge @!p0 [sflag:s0], $0x1  }
0x14a: {  	[sflag:s0] =	ssyncset.done @!p0 $0x0  }
0x14b: {  	[sflag:s0] =	ssyncadd.s32 @!p0 $0xFFFFFFFF  }
0x14c: {  	v2 =	vmov @!p0 s4;
	v1 =	vld.msk @!p0 [tilespmem:$0xB0], $0x1;
	_ =	sdelay $0x3  }
0x14d: {  	s0 =	simm.s32 @!p0 $0xE0  }
0x14e: {  	[tilespmem:v2+s0+$0x0], v1 =	vst.idx.ret.add.f32.msk @!p0 $0x1, v1  }
0x14f: {  	[tilespmem:s2+$0xC0] =	vst.msk $0x1, v0  }
0x150: {  	v0 =	vld.msk [tilespmem:s4+$0xE0], $0x1;
	_ =	sdelay $0x4  }
0x151: {  	[tilespmem:s2+$0xE0] =	vst.msk $0x1, v0;
	s2 =	sadd.s32 $0x1, s2  }
.LBB3_19:
0x152: {  	s4 =	sadd.s32 $0x1, s4  }
0x153: {  	p0 =	sne.s32 s4, $0x20  }
.Ltmp14:
0x154: {  	_ = 	snop;
	(pc) =	sbr.rel @!p0 .LBB3_20-.Ltmp14, $1  }
0x155: {  	_ =	sdelay $0x3  }
.LBB3_12:
0x156: {  	v0 =	vld.msk [tilespmem:s4+$0xC0], $0x1;
	_ =	sdelay $0x4  }
0x157: {  	(v2sf) =	vpush v0, $0x0;
	_ =	sdelay $0xe  }
0x158: {  	s5 =	spop (v2sf)  }
0x159: {  	p0 =	seq.s32 s5, $0xFFFFFFFF  }
.Ltmp15:
0x15a: {  	_ = 	snop;
	(pc) =	sbr.rel @p0 .LBB3_19-.Ltmp15, $1  }
0x15b: {  	_ =	sdelay $0x3  }
0x15c: {  	p0 =	slt.s32 s2, $0x1  }
.Ltmp16:
0x15d: {  	_ = 	snop;
	(pc) =	sbr.rel @p0 .LBB3_17-.Ltmp16, $1  }
0x15e: {  	_ =	sdelay $0x3  }
0x15f: {  	s0 =	simm.s32 $0xC0;
	p0 =	por $0x0, $0x0  }
0x160: {  	v1 =	vld.msk @!p0 [tilespmem:s0+$0x0], $0x1;
	_ =	sdelay $0x4  }
0x161: {  	(v2sf) =	vpush @!p0 v1, $0x0;
	_ =	sdelay $0xd  }
0x162: {  	p2 =	sne.s32 s2, $0x1  }
.Ltmp17:
0x163: {  	s6 =	spop @!p0 (v2sf);
	(pc) =	sbr.rel @!p2 .LBB3_16-.Ltmp17, $4  }
0x164: {  	p1 =	seq.s32 @!p0 s5, s6  }
0x165: {  	s6 =	simm.s32 $0x0;
	p1 =	por !p1, p0  }
0x166: {  	s8 =	simm.s32 $0xFFFFFFFF;
	s6 =	simm.s32 @p1 $0xFFFFFFFF  }
0x167: {  	s7 =	simm.s32 $0x1;
	s6 =	smov.u32 @p0 s8  }
.LBB3_15:
0x168: {  	s8 =	smov.u32 s6;
	p0 =	sne.s32 s6, $0xFFFFFFFF  }
0x169: {  	s0 =	sadd.s32 $0x1, s0;
	s6 =	smov.u32 s7;
	s7 =	sadd.s32 $0x1, s7  }
0x16a: {  	p1 =	sne.s32 s2, s7;
	v1 =	vld.msk @!p0 [tilespmem:s0+$0x0], $0x1;
	_ =	sdelay $0x4  }
0x16b: {  	(v2sf) =	vpush @!p0 v1, $0x0;
	_ =	sdelay $0xe  }
.Ltmp18:
0x16c: {  	s9 =	spop @!p0 (v2sf);
	(pc) =	sbr.rel @p1 .LBB3_15-.Ltmp18, $4  }
0x16d: {  	p2 =	seq.s32 @!p0 s5, s9  }
0x16e: {  	p2 =	por !p2, p0  }
0x16f: {  	s6 =	simm.s32 @p2 $0xFFFFFFFF  }
0x170: {  	s6 =	smov.u32 @p0 s8  }
.LBB3_16:
0x171: {  	p0 =	sne.s32 s6, $0xFFFFFFFF  }
.Ltmp19:
0x172: {  	_ = 	snop;
	(pc) =	sbr.rel @!p0 .LBB3_17-.Ltmp19, $1  }
0x173: {  	_ =	sdelay $0x3  }
0x174: {  	v0 =	vld.msk [tilespmem:s4+$0xE0], $0x1;
	v1 =	vmov s6  }
.Ltmp20:
0x175: {  	_ = 	snop;
	(pc) =	sbr.rel .LBB3_19-.Ltmp20, $2  }
0x176: {  	_ =	sdelay $0x2  }
0x177: {  	[tilespmem:v1+s3+$0x0], v0 =	vst.idx.ret.add.f32.msk $0x1, v0  }
.LBB3_20:
0x178: {  	p0 =	slt.s32 s2, $0x1  }
.Ltmp21:
0x179: {  	_ = 	snop;
	(pc) =	sbr.rel @p0 .LBB3_24-.Ltmp21, $3  }
0x17a: {  	_ =	sdelay $0x1  }
0x17b: {  	s0 =	simm.s32 $0x6  }
0x17c: {  	s3 =	simm.s32 $0x0;
	[sflag:s0] =	ssyncpa.u1 $0x1  }
0x17d: {  	s0 =	simm.s32 $0xC0  }
0x17e: {  	v0 =	vld.msk [tilespmem:s0+$0x0], $0x1;
	_ =	sdelay $0x4  }
0x17f: {  	(v2sf) =	vpush v0, $0x0;
	_ =	sdelay $0xe  }
0x180: {  	s2 =	sadd.s32 $0xFFFFFFFF, s2;
	s4 =	spop (v2sf)  }
0x181: {  	p1 =	sne.s32 s2, $0x0;
	p0 =	sgt.u32 s4, $0xAEFFF  }
.Ltmp22:
0x182: {  	s5 =	sshrl.u32 @!p0 s4, $0x3;
	(pc) =	sbr.rel @!p1 .LBB3_23-.Ltmp22, $4  }
0x183: {  	s0 =	simm.s32 $0xE0;
	s4 =	sand.u32 @!p0 $0x7, s4;
	s5 =	sadd.s32 @!p0 s1, s5  }
0x184: {  	[hbm4b:s5+s4] =	stream.linear.scatter @!p0 [tilespmem:s0], [sflag:$0x5], $0x1, $0x38;
	[tilespmem:$0x11A60] =	vst v63  }
0x185: {  	s5 =	simm.s32 $0x0  }
0x186: {  	s4 =	simm.s32 $0xC1;
	s5 =	simm.s32 @!p0 $0x4  }
.LBB3_22:
0x187: {  	v0 =	vld.msk [tilespmem:s4+$0x0], $0x1;
	s2 =	sadd.s32 $0xFFFFFFFF, s2;
	s3 =	sadd.s32 s3, s5  }
0x188: {  	p0 =	sne.s32 s2, $0x0;
	_ =	sdelay $0x3  }
0x189: {  	(v2sf) =	vpush v0, $0x0;
	_ =	sdelay $0xe  }
.Ltmp23:
0x18a: {  	s6 =	spop (v2sf);
	(pc) =	sbr.rel @p0 .LBB3_22-.Ltmp23, $4  }
0x18b: {  	s5 =	simm.s32 $0x0;
	p1 =	sgt.u32 s6, $0xAEFFF  }
0x18c: {  	s0 =	sadd.s32 $0x1, s0;
	s5 =	simm.s32 @!p1 $0x4;
	s7 =	sshrl.u32 @!p1 s6, $0x3  }
0x18d: {  	s4 =	sadd.s32 $0x1, s4;
	s6 =	sand.u32 @!p1 $0x7, s6;
	s7 =	sadd.s32 @!p1 s1, s7  }
0x18e: {  	[hbm4b:s7+s6] =	stream.linear.scatter @!p1 [tilespmem:s0], [sflag:$0x5], $0x1, $0x38;
	[tilespmem:$0x11A60] =	vst v63  }
.LBB3_23:
0x18f: {  	s0 =	sadd.s32 s3, s5  }
0x190: {  	s3 =	sshrl.u32 s0, $0x2  }
.LBB3_24:
0x191: {  	s0 =	simm.s32 $0x5  }
0x192: {  	_ =	swait.ge [sflag:s0], s3  }
0x193: {  	s1 =	ssub.s32 $0x0, s3;
	[sflag:s0] =	ssyncset.done $0x0  }
0x194: {  	[sflag:s0] =	ssyncadd.s32 s1  }
0x195: {  	[sflag:s0] =	ssyncpa.u1 $0x1  }
0x196: {  	s29 =	simm.s32 $0x1;
	_ =	sfence  }
0x197: {  	s30 =	simm.s32 $0x2;
	[sflag:s29] =	ssyncpa.u1 $0x1  }
0x198: {  	[sflag:s30] =	ssyncpa.u1 $0x1  }
0x199: {  	_ =	strace $0x90000050  }
0x19a: {  	[bflag:$0x2] =	sbarrier.arrive $0xFFFF  }
0x19b: {  	s31 =	rddreg [dreg:$0x1]  }
0x19c: {  	s0 =	sadd.s32 $0x100000, s31  }
0x19d: {  	[sflag:s0] =	ssyncadd.tile.s32 $0x1;
	_ =	shalt  }
.Lfunc_end3:
_tile_overlayer_lowered:
.L_overlay_start_3:
0x19e: {  	(tag) =	ssettag $0x3  }
0x19f: {  	s0 =	rddreg [dreg:$0x0];
	s2 =	stileid.u32  }
0x1a0: {  	s1 =	rddreg [dreg:$0x1];
	p0 =	sne.s32 s2, $0x0  }
0x1a1: {  	s3 =	rddreg [dreg:$0x2];
	[bflag:$0x3] =	sbarrier.arrive $0xFFFF;
	s2 =	simm.s32 @!p0 $0x1C01  }
0x1a2: {  	[timem:s3], [sflag:s2] =	dma.local @!p0 [hbm:s0], s1  }
0x1a3: {  	s0 =	simm.s32 @!p0 $0x1  }
0x1a4: {  	_ =	swait.ge @!p0 [sflag:s0], s1  }
0x1a5: {  	s1 =	ssub.s32 @!p0 $0x0, s1;
	[sflag:s0] =	ssyncset.done @!p0 $0x0  }
0x1a6: {  	[sflag:s0] =	ssyncadd.s32 @!p0 s1  }
0x1a7: {  	[bflag:$0x3] =	sbarrier.arrive $0xFFFF  }
0x1a8: {  	_ =	shalt  }

// kernel: scatter_offload_async_start.3
scs
__scs_entry_jumppad:
0x0: {  	(pc) =	sbr.rel $0x88, $3  }
0x1: {  	(tag) =	ssettag $0x0;
	lr =	simm.s32 $0x1  }
0x2: {  	[smem:$0x3F97] =	sst lr;
	_ =	strace $0xD0000000  }
0x3: {  	_ = 	snop  }
0x4: {  	_ = 	snop  }
0x5: {  	_ = 	snop  }
0x6: {  	_ = 	snop  }
0x7: {  	_ = 	snop  }
__scs_overlays_trampoline_lowered:
0x8: {  	[smem:$0x3FA6] =	sst s0  }
0x9: {  	[smem:$0x3FA7] =	sst s1  }
0xa: {  	[smem:$0x3FA8] =	sst s2  }
0xb: {  	[smem:$0x3FA9] =	sst s3  }
0xc: {  	[smem:$0x3FAA] =	sst s4  }
0xd: {  	[smem:$0x3FAB] =	sst s5  }
0xe: {  	[smem:$0x3FAC] =	sst s6  }
0xf: {  	[smem:$0x3FAD] =	sst s7  }
0x10: {  	[smem:$0x3FAE] =	sst s8  }
0x11: {  	[smem:$0x3FAF] =	sst s9;
	s0 =	simm.s32 @!p0 $0x0  }
0x12: {  	s1 =	sld [smem:$0x3F95];
	s0 =	simm.s32 @p0 $0x1  }
0x13: {  	[smem:$0x3FB0] =	sst s0;
	s0 =	simm.s32 @!p1 $0x0  }
0x14: {  	s2 =	sld [smem:$0x3F94];
	s0 =	simm.s32 @p1 $0x1  }
0x15: {  	[smem:$0x3FB1] =	sst s0;
	s0 =	simm.s32 @!p2 $0x0  }
0x16: {  	s3 =	sld [smem:$0x3FDB];
	s0 =	simm.s32 @p2 $0x1  }
0x17: {  	s4 =	simm.s32 $0x1BF5;
	[smem:$0x3FB3] =	sst s0  }
0x18: {  	s0 =	sld [smem:$0x3F96];
	_ =	swait.ge [sflag:s4], $0x0  }
0x19: {  	s7 =	sld [smem:$0x3F97]  }
0x1a: {  	s8 =	sadd.s32 $0xFFFFE003, lr  }
0x1b: {  	s9 =	sadd.s32 $0xFFFFFEF7, lr;
	s5 =	simm.s32 $0xFFFFFFFF;
	p2 =	slt.u32 s8, $0xFFFFF086  }
0x1c: {  	p1 =	slt.u32 s9, $0xF7A;
	s5 =	simm.s32 @!p2 $0x0  }
0x1d: {  	s5 =	simm.s32 @p1 $0x1;
	p0 =	seq.s32 s7, s2  }
0x1e: {  	s7 =	smul.u32 @!p0 $0xF7A, s2;
	p2 =	seq.s32 @!p0 s5, $0x0  }
0x1f: {  	s9 =	smul.u32 $0xF7A, s1;
	s8 =	simm.s32 @!p0 $0x1BF5;
	p2 =	por !p2, p0  }
0x20: {  	[sflag:s8] =	ssyncset.s32 @!p0 $0xFFFFF086;
	s6 =	sadd.s32 @!p0 s3, s7;
	s7 =	simm.s32 @!p0 $0x108  }
0x21: {  	s3 =	sadd.s32 s3, s9;
	s6 =	sadd.s32 @!p0 $0x88, s6;
	s7 =	simm.s32 @p2 $0x1082  }
0x22: {  	[simem:s7], [sflag:s8] =	dma.local @!p0 [hbm:s6], $0xF7A  }
0x23: {  	s9 =	sor.u32 $0xD0000000, s2;
	s6 =	simm.s32 $0x108;
	_ =	swait.ge @!p0 [sflag:s8], $0x0  }
0x24: {  	s3 =	sadd.s32 $0x88, s3;
	s6 =	simm.s32 @!p1 $0x1082;
	[sflag:s4] =	ssyncset.s32 $0xFFFFF086  }
0x25: {  	[simem:s6], [sflag:s4] =	dma.local [hbm:s3], $0xF7A  }
0x26: {  	[smem:$0x3F97] =	sst s1;
	(tag) =	ssettag s2;
	_ =	strace s9  }
0x27: {  	s1 =	sld [smem:$0x3FA7]  }
0x28: {  	s2 =	sld [smem:$0x3FA8]  }
0x29: {  	s4 =	sld [smem:$0x3FAA]  }
0x2a: {  	p0 =	seq.s32 s5, $0x0;
	s5 =	sld [smem:$0x3FAB]  }
0x2b: {  	s6 =	sld [smem:$0x3FAC]  }
0x2c: {  	s7 =	sld [smem:$0x3FAD]  }
0x2d: {  	s3 =	simm.s32 $0x108;
	s8 =	sld [smem:$0x3FAE]  }
0x2e: {  	s3 =	simm.s32 @!p0 $0x1082;
	s9 =	sld [smem:$0x3FAF]  }
0x2f: {  	lr =	sadd.s32 s0, s3;
	s0 =	sld [smem:$0x3FA6]  }
0x30: {  	s3 =	sld [smem:$0x3FA9]  }
0x31: {  	[smem:$0x3FB2] =	sst s10  }
0x32: {  	s10 =	sld [smem:$0x3FB0];
	_ =	sdelay $0x3  }
0x33: {  	p0 =	seq.s32 s10, $0x1;
	s10 =	sld [smem:$0x3FB2];
	_ =	sdelay $0x3  }
0x34: {  	[smem:$0x3FB2] =	sst s10  }
0x35: {  	s10 =	sld [smem:$0x3FB1];
	_ =	sdelay $0x3  }
0x36: {  	p1 =	seq.s32 s10, $0x1;
	s10 =	sld [smem:$0x3FB2];
	_ =	sdelay $0x3  }
0x37: {  	[smem:$0x3FB2] =	sst s10  }
0x38: {  	s10 =	sld [smem:$0x3FB3]  }
0x39: {  	_ = 	snop;
	(pc) =	sbr.ind lr, $3  }
0x3a: {  	_ = 	snop  }
0x3b: {  	_ = 	snop  }
0x3c: {  	p2 =	seq.s32 s10, $0x1;
	s10 =	sld [smem:$0x3FB2]  }
0x3d: {  	_ =	shalt  }
0x3e: {  	_ =	shalt  }
0x3f: {  	_ =	shalt  }
0x40: {  	_ =	shalt  }
0x41: {  	_ =	shalt  }
0x42: {  	_ =	shalt  }
0x43: {  	_ =	shalt  }
0x44: {  	_ =	shalt  }
0x45: {  	_ =	shalt  }
0x46: {  	_ =	shalt  }
0x47: {  	_ =	shalt  }
0x48: {  	_ =	shalt  }
0x49: {  	_ =	shalt  }
0x4a: {  	_ =	shalt  }
0x4b: {  	_ =	shalt  }
0x4c: {  	_ =	shalt  }
0x4d: {  	_ =	shalt  }
0x4e: {  	_ =	shalt  }
0x4f: {  	_ =	shalt  }
0x50: {  	_ =	shalt  }
0x51: {  	_ =	shalt  }
0x52: {  	_ =	shalt  }
0x53: {  	_ =	shalt  }
0x54: {  	_ =	shalt  }
0x55: {  	_ =	shalt  }
0x56: {  	_ =	shalt  }
0x57: {  	_ =	shalt  }
0x58: {  	_ =	shalt  }
0x59: {  	_ =	shalt  }
0x5a: {  	_ =	shalt  }
0x5b: {  	_ =	shalt  }
0x5c: {  	_ =	shalt  }
0x5d: {  	_ =	shalt  }
0x5e: {  	_ =	shalt  }
0x5f: {  	_ =	shalt  }
0x60: {  	_ =	shalt  }
0x61: {  	_ =	shalt  }
0x62: {  	_ =	shalt  }
0x63: {  	_ =	shalt  }
0x64: {  	_ =	shalt  }
0x65: {  	_ =	shalt  }
0x66: {  	_ =	shalt  }
0x67: {  	_ =	shalt  }
0x68: {  	_ =	shalt  }
0x69: {  	_ =	shalt  }
0x6a: {  	_ =	shalt  }
0x6b: {  	_ =	shalt  }
0x6c: {  	_ =	shalt  }
0x6d: {  	_ =	shalt  }
0x6e: {  	_ =	shalt  }
0x6f: {  	_ =	shalt  }
0x70: {  	_ =	shalt  }
0x71: {  	_ =	shalt  }
0x72: {  	_ =	shalt  }
0x73: {  	_ =	shalt  }
0x74: {  	_ =	shalt  }
0x75: {  	_ =	shalt  }
0x76: {  	_ =	shalt  }
0x77: {  	_ =	shalt  }
0x78: {  	_ =	shalt  }
0x79: {  	_ =	shalt  }
0x7a: {  	_ =	shalt  }
0x7b: {  	_ =	shalt  }
0x7c: {  	_ =	shalt  }
0x7d: {  	_ =	shalt  }
0x7e: {  	_ =	shalt  }
0x7f: {  	_ =	shalt  }
0x80: {  	_ =	shalt  }
0x81: {  	_ =	shalt  }
0x82: {  	_ =	shalt  }
0x83: {  	_ =	shalt  }
0x84: {  	_ =	shalt  }
0x85: {  	_ =	shalt  }
0x86: {  	_ =	shalt  }
0x87: {  	_ =	shalt  }
.Lfunc_end0:
.L_simem_size_0:
called_computation.3_lowered:
.L_overlay_start_0:
0x88: {  	s0 =	sld [smem:$0x3FD9]  }
0x89: {  	s1 =	sld [smem:$0x3FFE];
	_ =	sdelay $0x3  }
0x8a: {  	s0 =	sadd.s32 s1, s0  }
0x8b: {  	[smem:$0x3FBE] =	sst s0  }
0x8c: {  	_ = 	snop  }
0x8d: {  	s14 =	sld [smem:$0x3FD0];
	(tm) =	ssettm $0x1  }
0x8e: {  	s15 =	sld [smem:$0x3FFB];
	_ =	sdelay $0x3  }
0x8f: {  	_ =	strace s15  }
0x90: {  	s0 =	sld [smem:$0x3FFC];
	_ =	sdelay $0x3  }
0x91: {  	_ =	strace s0  }
0x92: {  	s0 =	sld [smem:$0x3FFD];
	_ =	sdelay $0x3  }
0x93: {  	_ =	strace s0  }
0x94: {  	_ =	strace $0x8FFFFFFF  }
0x95: {  	s16 =	sld [smem:$0x3FDB];
	_ =	sdelay $0x1  }
0x96: {  	s2 =	simm.s32 $_scs_section_size  }
0x97: {  	s3 =	simm.s32 $_size__tile_overlayer_lowered;
	s4 =	simm.s32 $_tile_overlayer_lowered  }
0x98: {  	s5 =	simm.s32 $0x1BFF;
	s17 =	sshll.u32 s4, $0x1;
	s2 =	sadd.s32 s2, s16  }
0x99: {  	s18 =	simm.s32 $0x0;
	s3 =	sshll.u32 s3, $0x1;
	s4 =	sadd.s32 s17, s2  }
0x9a: {  	[timem:s18], [sflag:s5] =	dma.local [hbm:s4], s3  }
0x9b: {  	_ =	swait.ge [sflag:s5], s3  }
0x9c: {  	s3 =	ssub.s32 $0x0, s3;
	[sflag:s5] =	ssyncset.done $0x0  }
0x9d: {  	[sflag:s5] =	ssyncadd.s32 s3;
	_ =	sdelay $0x1  }
0x9e: {  	s19 =	simm.s32 $0x1B8B  }
0x9f: {  	_ =	swait.ge [sflag:s19], $0x1  }
0xa0: {  	[sflag:s19] =	ssyncset.done $0x0  }
0xa1: {  	s21 =	simm.s32 $0x1B8E;
	s20 =	sld [smem:$0x3FFE];
	[sflag:s19] =	ssyncadd.s32 $0xFFFFFFFF  }
0xa2: {  	s22 =	simm.s32 $execute0_lowered;
	[smem:$0x3FD2] =	sst s21  }
0xa3: {  	s4 =	sshll.u32 s22, $0x1;
	_ =	strace $0x80000046;
	[dreg:$0x1] =	wrdreg $0xFFFFFFFF  }
0xa4: {  	s23 =	simm.s32 $_size_execute0_lowered;
	s4 =	sadd.s32 s2, s4;
	[dreg:$0x0] =	wrdreg $0x0  }
0xa5: {  	s5 =	sshll.u32 s23, $0x1;
	[dreg:$0x2] =	wrdreg s4  }
0xa6: {  	[dreg:$0x3] =	wrdreg s5  }
0xa7: {  	[dreg:$0x4] =	wrdreg $0xC0  }
0xa8: {  	s24 =	simm.s32 $execute1_lowered;
	_ =	task [dreg:s18], $0x5FFFF  }
0xa9: {  	s4 =	sshll.u32 s24, $0x1;
	[dreg:$0x1] =	wrdreg $0xFFFFFFFF  }
0xaa: {  	s2 =	sadd.s32 s2, s4;
	[dreg:$0x0] =	wrdreg $0x60  }
0xab: {  	[dreg:$0x2] =	wrdreg s2  }
0xac: {  	[dreg:$0x3] =	wrdreg s20  }
0xad: {  	[dreg:$0x4] =	wrdreg s14  }
0xae: {  	[dreg:$0x5] =	wrdreg $0xF  }
0xaf: {  	_ =	task.clear_ibuf [dreg:s18], $0x6FFFF;
	_ =	strace $0x90000046  }
0xb0: {  	s25 =	simm.s32 $0xF;
	_ =	strace $0x80000048  }
0xb1: {  	_ =	swait.ge [sflag:s25], $0x1  }
0xb2: {  	[sflag:s25] =	ssyncadd.s32 $0xFFFFFFFF  }
0xb3: {  	_ =	strace $0x90000048  }
0xb4: {  	_ =	strace $0x80000049;
	[dreg:$0x1] =	wrdreg $0xFFFFFFFF  }
0xb5: {  	[dreg:$0x0] =	wrdreg $0x2030  }
0xb6: {  	[dreg:$0x2] =	wrdreg s14  }
0xb7: {  	[dreg:$0x3] =	wrdreg s20  }
0xb8: {  	[dreg:$0x4] =	wrdreg $0x10  }
0xb9: {  	_ =	task.clear_ibuf [dreg:s18], $0x5FFFF;
	_ =	strace $0x90000049  }
0xba: {  	s26 =	simm.s32 $0x10;
	_ =	strace $0x8000004B  }
0xbb: {  	_ =	swait.ge [sflag:s26], $0x1  }
0xbc: {  	[sflag:s26] =	ssyncadd.s32 $0xFFFFFFFF  }
0xbd: {  	_ =	strace $0x9000004B  }
0xbe: {  	_ =	sfence  }
0xbf: {  	s28 =	sld [smem:$0x0];
	_ =	sdelay $0x1  }
0xc0: {  	s29 =	srdreg.scid  }
0xc1: {  	s30 =	sshll.u32 s29, $0xD;
	s31 =	sshrl.u32 s29, $0x2  }
0xc2: {  	s3 =	sand.u32 $0x4000, s30;
	s2 =	sand.u32 $0x1, s29;
	s1 =	sadd.s32 s31, s28  }
0xc3: {  	s2 =	sor.u32 s3, s2;
	s1 =	sshll.u32 s1, $0x11  }
0xc4: {  	s1 =	sor.u32 s1, s2  }
0xc5: {  	s1 =	sadd.s32 $0x8F2B, s1  }
0xc6: {  	[sflag:s1] =	ssyncadd.remote.s32 $0x1  }
0xc7: {  	_ =	sfence.sel $0xFFFF  }
0xc8: {  	[dreg:$0x0] =	wrdreg $0xFFFFFFFF;
	(pc) =	sbr.abs _section_cstart, $3  }
0xc9: {  	[dreg:$0x1] =	wrdreg $0xFFFFFFFF  }
0xca: {  	_ =	task.clear_ibuf [dreg:s18], $0x2FFFF;
	_ =	strace $0x9FFFFFFF  }
0xcb: {  	(tm) =	ssettm $0x7FFFFFFF  }
tec
execute0_lowered:
.L_overlay_start_1:
0x0: {  	(tag) =	ssettag $0x1  }
0x1: {  	s4 =	rddreg [dreg:$0x0]  }
0x2: {  	s5 =	rddreg [dreg:$0x1];
	s6 =	stileid.u32  }
0x3: {  	s2 =	rddreg [dreg:$0x2];
	s3 =	smul.u32 $0x2BC0, s6  }
0x4: {  	s0 =	rddreg [dreg:$0x3];
	[bflag:$0x3] =	sbarrier.arrive $0xFFFF;
	s1 =	simm.s32 $_size_execute1_lowered  }
0x5: {  	s1 =	sshll.u32 s1, $0x1;
	p0 =	sne.s32 s6, $0x0;
	s28 =	ssub.s32 $0xAF000, s3  }
0x6: {  	s7 =	simm.s32 @!p0 $0x1C3F;
	s8 =	simm.s32 @!p0 $0x4060;
	s9 =	smulhi.u32 $0xBB3EF, s28  }
0x7: {  	[timem:s8], [sflag:s7] =	dma.local @!p0 [hbm:s4], s1  }
0x8: {  	s29 =	sshrl.u32 s9, $0x5  }
0x9: {  	s30 =	smul.u32 $0x2BC00, s29  }
.Ltmp0:
0xa: {  	s31 =	simm.s32 $0x2;
	s10 =	simm.s32 $0x0;
	(pc) =	sbr.rel .LBB2_1-.Ltmp0, $4  }
0xb: {  	s6 =	simm.s32 $0x1;
	s5 =	sadd.s32 $0x15400, s5;
	p1 =	sne.s32 s28, s30  }
0xc: {  	s4 =	simm.s32 $0x1;
	_ =	strace $0x80000047;
	s6 =	simm.s32 @!p1 $0x0  }
0xd: {  	s8 =	smov.u32 s3;
	[sflag:s4] =	ssyncpa.u1 $0x0;
	s6 =	sadd.s32 s6, s29  }
0xe: {  	[sflag:s31] =	ssyncpa.u1 $0x0;
	s9 =	simm.s32 $0x0;
	s7 =	sadd.s32 $0x1, s6  }
.LBB2_7:
0xf: {  	s12 =	sadd.s32 $0x2BC00, s8  }
0x10: {  	p2 =	sgt.s32 s12, $0xAEFFF  }
0x11: {  	s12 =	smov.u32 @p2 s3;
	p2 =	sne.s32 s9, s7  }
.Ltmp1:
0x12: {  	p1 =	slt.u32 s9, $0x2;
	(pc) =	sbr.rel @!p2 .LBB2_8-.Ltmp1, $4  }
0x13: {  	s11 =	simm.s32 @!p1 $0x2  }
0x14: {  	_ =	swait.ge @!p1 [sflag:s11], $0x2BC0  }
0x15: {  	s13 =	sadd.s32 $0x1, s9;
	s10 =	smov.u32 s8;
	[sflag:s11] =	ssyncset.done @!p1 $0x0  }
0x16: {  	s9 =	smov.u32 s13;
	s8 =	smov.u32 s12;
	[sflag:s11] =	ssyncadd.s32 @!p1 $0xFFFFD440  }
.LBB2_1:
0x17: {  	p1 =	sge.u32 s9, s6  }
0x18: {  	s11 =	sxor.u32 @!p1 $0xFFFFFFFF, s9  }
0x19: {  	s11 =	sand.u32 @!p1 $0x1, s11  }
0x1a: {  	s11 =	smul.u32 @!p1 $0xAF00, s11  }
0x1b: {  	s31 =	sadd.s32 $0xFFFFFFFF, s9;
	s12 =	sshrl.u32 @!p1 s8, $0x3  }
0x1c: {  	s13 =	sand.u32 @!p1 $0x7, s8;
	s12 =	sadd.s32 @!p1 s5, s12;
	s11 =	sshrl.u32 @!p1 s11, $0x2  }
0x1d: {  	[tilespmem:s11], [sflag:$0x1] =	stream.linear.gather @!p1 [hbm4b:s12+s13], $0x2BC0, $0x38;
	[tilespmem:$0xAF00] =	vst v63  }
0x1e: {  	p1 =	sge.u32 s31, s6  }
.Ltmp2:
0x1f: {  	_ = 	snop;
	(pc) =	sbr.rel @p1 .LBB2_7-.Ltmp2, $1  }
0x20: {  	_ =	sdelay $0x3  }
0x21: {  	s11 =	sand.u32 $0x1, s9  }
0x22: {  	_ =	swait.ge [sflag:s4], $0x2BC0;
	s13 =	simm.s32 $0x2BC0;
	p1 =	seq.s32 s11, $0x1  }
0x23: {  	[sflag:s4] =	ssyncset.done $0x0;
	s13 =	simm.s32 @!p1 $0x0  }
0x24: {  	[sflag:s4] =	ssyncadd.s32 $0xFFFFD440;
	s15 =	sadd.s32 $0x80, s13  }
0x25: {  	v0 =	vld [tilespmem:s15+$0x70]  }
0x26: {  	v1 =	vld [tilespmem:s15+$0xFFFFFF90]  }
0x27: {  	v2 =	vld [tilespmem:s15+$0xFFFFFFA0]  }
0x28: {  	v3 =	vld [tilespmem:s15+$0xFFFFFFB0]  }
0x29: {  	s11 =	sadd.s32 $0x5800, s13;
	v4 =	vld [tilespmem:s15+$0xFFFFFFC0]  }
0x2a: {  	v5 =	vld [tilespmem:s15+$0xFFFFFFD0];
	[tilespmem:s11+$0x70] =	vst v0  }
0x2b: {  	[tilespmem:s11+$0xFFFFFF90] =	vst v1;
	v0 =	vld [tilespmem:s15+$0xFFFFFFE0]  }
0x2c: {  	[tilespmem:s11+$0xFFFFFFA0] =	vst v2;
	v1 =	vld [tilespmem:s15+$0xFFFFFFF0]  }
0x2d: {  	[tilespmem:s11+$0xFFFFFFB0] =	vst v3;
	v2 =	vld [tilespmem:s15+$0x0]  }
0x2e: {  	[tilespmem:s11+$0xFFFFFFC0] =	vst v4;
	v3 =	vld [tilespmem:s15+$0x10]  }
0x2f: {  	[tilespmem:s11+$0xFFFFFFD0] =	vst v5;
	v5 =	vld [tilespmem:s15+$0x20]  }
0x30: {  	[tilespmem:s11+$0xFFFFFFE0] =	vst v0;
	v0 =	vld [tilespmem:s15+$0x30]  }
0x31: {  	[tilespmem:s11+$0xFFFFFFF0] =	vst v1;
	v1 =	vld [tilespmem:s15+$0x40]  }
0x32: {  	[tilespmem:s11+$0x0] =	vst v2;
	v2 =	vld [tilespmem:s15+$0x50]  }
0x33: {  	s14 =	simm.s32 $0x0;
	[tilespmem:s11+$0x10] =	vst v3;
	v3 =	vld [tilespmem:s15+$0x60]  }
0x34: {  	s12 =	sadd.s32 $0x5780, s13;
	s13 =	sshll.u32 s13, $0x2;
	v4 =	vld [tilespmem:s15+$0xFFFFFF80];
	[tilespmem:s11+$0x20] =	vst v5;
	s15 =	sadd.s32 $0x100, s15  }
.LBB2_3:
0x35: {  	v5 =	vld [tilespmem:s15+$0x70];
	s14 =	sadd.s32 $0x100, s14;
	[tilespmem:s11+$0x30] =	vst v0  }
0x36: {  	v0 =	vld [tilespmem:s15+$0xFFFFFF90];
	p1 =	slt.u32 s14, $0x2A00;
	[tilespmem:s11+$0x40] =	vst v1  }
0x37: {  	v1 =	vld [tilespmem:s15+$0xFFFFFFA0];
	[tilespmem:s11+$0x50] =	vst v2  }
0x38: {  	v2 =	vld [tilespmem:s15+$0xFFFFFFB0];
	[tilespmem:s11+$0x60] =	vst v3  }
0x39: {  	v3 =	vld [tilespmem:s15+$0xFFFFFFC0];
	[tilespmem:s11+$0xFFFFFF80] =	vst v4;
	s11 =	sadd.s32 $0x100, s11  }
0x3a: {  	v4 =	vld [tilespmem:s15+$0xFFFFFFD0];
	[tilespmem:s11+$0x70] =	vst v5  }
0x3b: {  	[tilespmem:s11+$0xFFFFFF90] =	vst v0;
	v0 =	vld [tilespmem:s15+$0xFFFFFFE0]  }
0x3c: {  	[tilespmem:s11+$0xFFFFFFA0] =	vst v1;
	v1 =	vld [tilespmem:s15+$0xFFFFFFF0]  }
0x3d: {  	[tilespmem:s11+$0xFFFFFFB0] =	vst v2;
	v2 =	vld [tilespmem:s15+$0x0]  }
0x3e: {  	[tilespmem:s11+$0xFFFFFFC0] =	vst v3;
	v3 =	vld [tilespmem:s15+$0x10]  }
0x3f: {  	[tilespmem:s11+$0xFFFFFFD0] =	vst v4;
	v5 =	vld [tilespmem:s15+$0x20]  }
.Ltmp3:
0x40: {  	[tilespmem:s11+$0xFFFFFFE0] =	vst v0;
	v0 =	vld [tilespmem:s15+$0x30];
	(pc) =	sbr.rel @p1 .LBB2_3-.Ltmp3, $4  }
0x41: {  	[tilespmem:s11+$0xFFFFFFF0] =	vst v1;
	v1 =	vld [tilespmem:s15+$0x40]  }
0x42: {  	[tilespmem:s11+$0x0] =	vst v2;
	v2 =	vld [tilespmem:s15+$0x50]  }
0x43: {  	[tilespmem:s11+$0x10] =	vst v3;
	v3 =	vld [tilespmem:s15+$0x60]  }
0x44: {  	v4 =	vld [tilespmem:s15+$0xFFFFFF80];
	[tilespmem:s11+$0x20] =	vst v5;
	s15 =	sadd.s32 $0x100, s15  }
0x45: {  	[tilespmem:s11+$0x30] =	vst v0  }
0x46: {  	[tilespmem:s11+$0x40] =	vst v1  }
0x47: {  	[tilespmem:s11+$0x50] =	vst v2  }
0x48: {  	s13 =	sshrl.u32 s13, $0x2;
	[tilespmem:s11+$0x60] =	vst v3  }
0x49: {  	s14 =	simm.s32 $0x2AF0;
	[tilespmem:s11+$0xFFFFFF80] =	vst v4;
	s11 =	sadd.s32 $0x8280, s13;
	s13 =	sadd.s32 $0x2B00, s13  }
.LBB2_5:
0x4a: {  	s14 =	sadd.s32 $0x10, s14  }
0x4b: {  	v0 =	vld [tilespmem:s13+$0x0];
	p1 =	slt.u32 s14, $0x2BB0  }
.Ltmp4:
0x4c: {  	_ = 	snop;
	(pc) =	sbr.rel @p1 .LBB2_5-.Ltmp4, $2  }
0x4d: {  	_ =	sdelay $0x2  }
0x4e: {  	s13 =	sadd.s32 $0x10, s13;
	[tilespmem:s11+$0x0] =	vst v0;
	s11 =	sadd.s32 $0x10, s11  }
.Ltmp5:
0x4f: {  	(pc) =	sbr.rel .LBB2_7-.Ltmp5, $4  }
0x50: {  	_ = 	snop  }
0x51: {  	s11 =	sshrl.u32 s10, $0x3  }
0x52: {  	s31 =	sand.u32 $0x7, s10;
	s11 =	sadd.s32 s2, s11  }
0x53: {  	[hbm4b:s11+s31] =	stream.linear.scatter [tilespmem:s12], [sflag:$0x2], $0x2BC0, $0x38;
	[tilespmem:$0xAF00] =	vst v63  }
.LBB2_8:
0x54: {  	_ =	sfence.sel $0x180000  }
0x55: {  	s2 =	simm.s32 $0x1;
	[bflag:$0x0] =	sbarrier.arrive $0xFFFF  }
0x56: {  	s31 =	simm.s32 $0x2;
	[sflag:s2] =	ssyncpa.u1 $0x1  }
0x57: {  	[sflag:s31] =	ssyncpa.u1 $0x1  }
0x58: {  	_ =	strace $0x90000047  }
0x59: {  	s0 =	sadd.s32 @!p0 $0x100000, s0;
	[bflag:$0x2] =	sbarrier.arrive $0xFFFF  }
0x5a: {  	[sflag:s0] =	ssyncadd.tile.s32 @!p0 $0x1;
	s0 =	simm.s32 @!p0 $0x3F  }
0x5b: {  	_ =	swait.ge @!p0 [sflag:s0], s1  }
0x5c: {  	s1 =	ssub.s32 @!p0 $0x0, s1;
	[sflag:s0] =	ssyncset.done @!p0 $0x0  }
0x5d: {  	[sflag:s0] =	ssyncadd.s32 @!p0 s1  }
0x5e: {  	[bflag:$0x3] =	sbarrier.arrive $0xFFFF  }
0x5f: {  	_ =	shalt  }
.Lfunc_end2:
execute1_lowered:
.L_overlay_start_2:
0x60: {  	(tag) =	ssettag $0x2  }
0x61: {  	s1 =	rddreg [dreg:$0x0]  }
0x62: {  	s0 =	rddreg [dreg:$0x1];
	s14 =	stileid.u32  }
0x63: {  	_ =	strace $0x8000004A;
	s2 =	simm.s32 $0x1;
	s3 =	smin.u32 s14, $0x4  }
0x64: {  	v1 =	vimm.s32 $0xFFFFFFFF;
	[sflag:s2] =	ssyncpa.u1 $0x0;
	s3 =	sadd.s32 s14, s3  }
0x65: {  	s4 =	simm.s32 $0x3E80;
	p0 =	slt.u32 s14, $0x4;
	[tilespmem:$0x10] =	vst v1;
	s3 =	smul.u32 $0x1F40, s3  }
0x66: {  	v0 =	vimm.f32 $0.0e+00;
	[tilespmem:$0x20] =	vst v1;
	s4 =	simm.s32 @!p0 $0x1F40  }
0x67: {  	[tilespmem:$0x30] =	vst v0;
	s4 =	sadd.s32 s4, s3  }
0x68: {  	[tilespmem:$0x40] =	vst v0;
	s4 =	smin.u32 s4, $0x27100  }
0x69: {  	[tilespmem:$0x50] =	vst v0;
	s9 =	ssub.s32 s4, s3  }
0x6a: {  	s7 =	simm.s32 $0x2;
	[tilespmem:$0x60] =	vst v1;
	p0 =	sgt.s32 s9, $0x0  }
0x6b: {  	s8 =	simm.s32 $0x8;
	s31 =	simm.s32 $0x9;
	[tilespmem:$0x70] =	vst v1;
	s9 =	simm.s32 @!p0 $0x0  }
0x6c: {  	s16 =	simm.s32 $0x0;
	s17 =	simm.s32 $0xF0;
	[tilespmem:$0x80] =	vst v1;
	s5 =	smulhi.u32 $0x10624DD3, s9  }
0x6d: {  	s18 =	simm.s32 $0xFFFFFFFF;
	s19 =	simm.s32 $0xFFFFC280;
	s20 =	simm.s32 $0xFFFFFFFE;
	v1 =	vimm.s32 $0x0;
	[tilespmem:$0xB0] =	vst v0  }
0x6e: {  	s21 =	simm.s32 $0xF;
	s25 =	simm.s32 $0x0;
	[tilespmem:$0x90] =	vst v1;
	s10 =	sshrl.u32 s5, $0x9  }
0x6f: {  	[tilespmem:$0xA0] =	vst v1;
	[sflag:s7] =	ssyncpa.u1 $0x0;
	s7 =	simm.s32 $0x7;
	s11 =	smul.u32 $0x1F40, s10  }
0x70: {  	s24 =	simm.s32 $0x0;
	s6 =	sadd.s32 $0x10400, s0;
	[sflag:s7] =	ssyncpa.u1 $0x0  }
.Ltmp6:
0x71: {  	[sflag:s8] =	ssyncpa.u1 $0x0;
	p0 =	sne.s32 s9, s11;
	(pc) =	sbr.rel .LBB3_1-.Ltmp6, $4  }
0x72: {  	s23 =	smov.u32 s3;
	[sflag:s31] =	ssyncpa.u1 $0x0;
	s2 =	simm.s32 @!p0 $0x0  }
0x73: {  	s5 =	sadd.s32 $0xB400, s0;
	p0 =	por $0x0, $0x0;
	s9 =	sadd.s32 s2, s10  }
0x74: {  	vm0 =	vmmov $0xffff;
	v2 =	vlaneseq.u32;
	s10 =	sshll.u32 s14, $0x1;
	s14 =	sshllo.u32 s14, $0x1;
	s11 =	sadd.s32 $0x1, s9  }
0x75: {  	vm1 =	vmxor vm1, vm1;
	vm2 =	vmmov $0x1;
	vm3 =	vcmask $0x3F3C;
	s12 =	sadd.s32 $0x2, s9;
	s13 =	sor.u32 $0x81, s10;
	s15 =	sor.u32 $0x80, s10  }
.LBB3_9:
0x76: {  	p1 =	slt.u32 s24, $0x3  }
0x77: {  	s0 =	simm.s32 @!p1 $0x2  }
0x78: {  	_ =	swait.ge @!p1 [sflag:s0], $0x1F40  }
0x79: {  	[sflag:s0] =	ssyncset.done @!p1 $0x0  }
0x7a: {  	[sflag:s0] =	ssyncadd.s32 @!p1 $0xFFFFE0C0;
	s0 =	simm.s32 @!p1 $0x9  }
0x7b: {  	_ =	swait.ge @!p1 [sflag:s0], $0x10  }
0x7c: {  	[sflag:s0] =	ssyncset.done @!p1 $0x0  }
0x7d: {  	[sflag:s0] =	ssyncadd.s32 @!p1 $0xFFFFFFF0;
	p1 =	sne.s32 s24, s12  }
.Ltmp7:
0x7e: {  	s2 =	sadd.s32 $0x1F40, s23;
	(pc) =	sbr.rel @!p1 .LBB3_10-.Ltmp7, $4  }
0x7f: {  	s22 =	smov.u32 s3;
	s31 =	sadd.s32 $0x1, s24;
	s17 =	sadd.s32 $0x1F40, s17  }
0x80: {  	s18 =	sadd.s32 $0x1, s18;
	s25 =	smov.u32 s23;
	p2 =	slt.s32 s2, s4  }
0x81: {  	p0 =	por !p0, !p0;
	s19 =	sadd.s32 $0x1F40, s19;
	s22 =	smov.u32 @p2 s2  }
0x82: {  	s20 =	sadd.s32 $0x1, s20;
	s23 =	smov.u32 s22;
	s24 =	smov.u32 s31  }
.LBB3_1:
0x83: {  	p1 =	sge.u32 s24, s9  }
0x84: {  	s0 =	smulhi.u32 @!p1 $0xAAAAAAAB, s24;
	_ =	sdelay $0x1  }
0x85: {  	s0 =	sshrl.u32 @!p1 s0, $0x1  }
0x86: {  	s0 =	smul.u32 @!p1 $0x3, s0;
	_ =	sdelay $0x1  }
0x87: {  	s0 =	ssub.s32 @!p1 s24, s0  }
0x88: {  	s0 =	smul.u32 @!p1 $0x7D00, s0;
	_ =	sdelay $0x1  }
0x89: {  	s2 =	sshrl.u32 @!p1 s23, $0x3;
	s0 =	sshrl.u32 @!p1 s0, $0x2  }
0x8a: {  	s22 =	sand.u32 @!p1 $0x7, s23;
	s2 =	sadd.s32 @!p1 s5, s2;
	s0 =	sadd.s32 @!p1 $0x100, s0  }
0x8b: {  	[tilespmem:s0], [sflag:$0x7] =	stream.linear.gather @!p1 [hbm4b:s2+s22], $0x1F40, $0x38;
	[tilespmem:$0x11A60] =	vst v63  }
0x8c: {  	s0 =	sadd.s32 $0xFFFFFFFF, s24  }
0x8d: {  	p1 =	sge.u32 s0, s9  }
.Ltmp8:
0x8e: {  	_ = 	snop;
	(pc) =	sbr.rel @p1 .LBB3_5-.Ltmp8, $1  }
0x8f: {  	_ =	sdelay $0x3  }
0x90: {  	s2 =	smulhi.u32 $0xAAAAAAAB, s0;
	_ =	sdelay $0x1  }
0x91: {  	s2 =	sshrl.u32 s2, $0x1  }
0x92: {  	s2 =	smul.u32 $0x3, s2;
	_ =	sdelay $0x1  }
0x93: {  	s2 =	ssub.s32 s0, s2  }
0x94: {  	s2 =	smul.u32 $0x7D00, s2  }
0x95: {  	_ =	swait.ge [sflag:s7], $0x1F40  }
0x96: {  	[sflag:s7] =	ssyncset.done $0x0;
	s2 =	sshrl.u32 s2, $0x2  }
0x97: {  	[sflag:s7] =	ssyncadd.s32 $0xFFFFE0C0;
	(ifvalue) =	ssetifvalue $0xFFFFFFFF;
	v3 =	vld.msk [tilespmem:s2+$0x100 ss:$0x1], $0xffff;
	_ =	sdelay $0x2  }
0x98: {  	s30 =	smulhi.u32 $0xAAAAAAAB, s18;
	p1 =	sne.s32 s24, $0x1  }
0x99: {  	v4 =	vimm.s32 @!p1 $0x0  }
0x9a: {  	s2 =	sshrl.u32 s30, $0x1;
	v4 =	vperm.xlane @!p1 v3, v4  }
0x9b: {  	s22 =	sshll.u32 s24, $0x4;
	s2 =	smul.u32 $0xFFFE8900, s2;
	vm4 =	vlt.u32 v3, $0xAF000  }
0x9c: {  	s22 =	sand.u32 $0x10, s22;
	v3 =	vnsel vm4, $0xFFFFFFFE, v3;
	vm4 =	vlt.u32 @!p1 v4, $0xAF000  }
0x9d: {  	s2 =	sshra.s32 s2, $0x2;
	[tilespmem:s22+$0x60] =	vst v3;
	v3 =	vnsel @!p1 vm4, $0xFFFFFFFE, v4  }
0x9e: {  	s28 =	sadd.s32 s2, s17;
	[tilespmem:$0x80] =	vst @!p1 v3  }
0x9f: {  	v3 =	vld.msk [tilespmem:s28+$0x0 ss:$0x1], $0xffff;
	_ =	sdelay $0x4  }
0xa0: {  	(xrf1) =	vunique.msk.u32 $0xffff, v3;
	_ =	sdelay $0xd  }
0xa1: {  	v4 =	vimm.s32 $0xFFFFFFFF;
	v5, _, _ =	vpop (xrf1)  }
0xa2: {  	vm5 =	vne.s32 v3, v4;
	vm4 =	veq.s32 v5, v2  }
0xa3: {  	vm6 =	vlt.u32 v3, $0xAF000;
	vm4 =	vmand vm5, vm4  }
0xa4: {  	vm4 =	vmand vm6, vm4  }
0xa5: {  	v4 =	vnsel vm4, $0xFFFFFFFF, v3  }
0xa6: {  	s31 =	sand.u32 $0x1, s0  }
0xa7: {  	s0 =	simm.s32 $0x1F40;
	p1 =	seq.s32 s31, $0x1  }
0xa8: {  	s0 =	simm.s32 @!p1 $0x0  }
0xa9: {  	s26 =	sadd.s32 $0x7DF0, s0;
	(ifvalue) =	ssetifvalue $0xFFFFFFFF  }
0xaa: {  	v3 =	vperm.xlane v3, v1;
	[tilespmem:s26], [sflag:$0x8] =	stream.indirect_vreg.gather [hbm4b:s1+s16], $0x1, v4, vm0, $0x4038;
	v4 =	vnsel vm6, $0xFFFFFFFE, v4;
	[tilespmem:$0x11A60] =	vst v63  }
0xab: {  	s2 =	simm.s32 $0x0;
	s22 =	sadd.s32 $0xFFFFFFF0, s28;
	[tilespmem:s28+$0x0] =	vst v4  }
.LBB3_3:
0xac: {  	v4 =	vld.msk [tilespmem:s22+$0x0 ss:$0x1], $0xffff;
	s2 =	sadd.s32 $0x10, s2;
	v5 =	vmov v3;
	s28 =	smov.u32 s22  }
0xad: {  	p1 =	slt.u32 s2, $0x1F30;
	_ =	sdelay $0x4  }
0xae: {  	v3 =	vperm.xlane v4, v1;
	(xrf1) =	vunique.msk.u32 $0xffff, v4;
	_ =	sdelay $0xd  }
0xaf: {  	v6, _, _ =	vpop (xrf1)  }
0xb0: {  	vm5 =	vne.s32 v4, v5;
	vm4 =	veq.s32 v6, v2  }
0xb1: {  	vm6 =	vlt.u32 v4, $0xAF000;
	vm4 =	vmand vm5, vm4  }
0xb2: {  	vm4 =	vmand vm6, vm4  }
0xb3: {  	v4 =	vnsel vm4, $0xFFFFFFFF, v4  }
.Ltmp9:
0xb4: {  	v5 =	vnsel vm6, $0xFFFFFFFE, v4;
	(pc) =	sbr.rel @p1 .LBB3_3-.Ltmp9, $3  }
0xb5: {  	_ =	sdelay $0x1  }
0xb6: {  	s22 =	sadd.s32 $0xFFFFFFF0, s22;
	s26 =	sadd.s32 $0xFFFFFFF0, s26;
	(ifvalue) =	ssetifvalue $0xFFFFFFFF  }
0xb7: {  	[tilespmem:s26], [sflag:$0x8] =	stream.indirect_vreg.gather [hbm4b:s1+s16], $0x1, v4, vm0, $0x4038;
	[tilespmem:s28+$0x0] =	vst v5  }
0xb8: {  	s2 =	sshrl.u32 s25, $0x3  }
0xb9: {  	s0 =	sadd.s32 $0x9D40, s0;
	s2 =	sadd.s32 s6, s2  }
0xba: {  	[tilespmem:s0], [sflag:$0x8] =	stream.linear.gather [hbm:s2], $0x1F40, $0x38;
	[tilespmem:$0x11A60] =	vst v63  }
.LBB3_5:
0xbb: {  	p1 =	slt.u32 s24, $0x2  }
0xbc: {  	p2 =	sge.u32 @!p1 s24, s12  }
0xbd: {  	p1 =	por p1, p2  }
.Ltmp10:
0xbe: {  	_ = 	snop;
	(pc) =	sbr.rel @p1 .LBB3_9-.Ltmp10, $1  }
0xbf: {  	_ =	sdelay $0x3  }
0xc0: {  	s0 =	sadd.s32 $0xFFFFFFFE, s24  }
0xc1: {  	s2 =	smulhi.u32 $0xAAAAAAAB, s0;
	_ =	sdelay $0x1  }
0xc2: {  	s2 =	sshrl.u32 s2, $0x1  }
0xc3: {  	s2 =	smul.u32 $0x3, s2;
	_ =	sdelay $0x1  }
0xc4: {  	s0 =	ssub.s32 s0, s2  }
0xc5: {  	_ =	swait.ge [sflag:s8], $0x3E80;
	s0 =	smul.u32 $0x1F40, s0  }
0xc6: {  	p1 =	sne.s32 s24, s11;
	[sflag:s8] =	ssyncset.done $0x0  }
0xc7: {  	[sflag:s8] =	ssyncadd.s32 $0xFFFFC180;
	s2 =	sadd.s32 @!p1 $0x203F, s0  }
0xc8: {  	[spmem:s13] =	stream.linear.scatter @!p1 [tilespmem:s2], [sflag:$0x1], $0x1, $0x38;
	[tilespmem:$0x11A60] =	vst v63  }
0xc9: {  	s2 =	simm.s32 @!p1 $0x1  }
0xca: {  	_ =	swait.ge @!p1 [sflag:s2], $0x1  }
0xcb: {  	s22 =	sshll.u32 s24, $0x4;
	[sflag:s2] =	ssyncset.done @!p1 $0x0  }
0xcc: {  	s25 =	sand.u32 $0x10, s22;
	[sflag:s2] =	ssyncadd.s32 @!p1 $0xFFFFFFFF  }
0xcd: {  	s2 =	sxor.u32 $0x10, s25;
	v4 =	vld [tilespmem:s25+$0x10]  }
0xce: {  	v5 =	vld [tilespmem:s2+$0x60]  }
0xcf: {  	v3 =	vld [tilespmem:$0x80];
	_ =	sdelay $0x2  }
0xd0: {  	(v2sf) =	vpush v4, $0x0  }
0xd1: {  	(v2sf) =	vpush v5, $0x0  }
0xd2: {  	(v2sf) =	vpush v3, $0x0;
	_ =	sdelay $0xc  }
0xd3: {  	s22 =	spop (v2sf)  }
0xd4: {  	s26 =	spop (v2sf)  }
0xd5: {  	s28 =	spop (v2sf)  }
0xd6: {  	p2 =	seq.s32 s22, s26;
	p3 =	seq.s32 s28, s22  }
0xd7: {  	p3 =	por p2, p3  }
0xd8: {  	s26 =	sand.u32 $0x1, s24;
	v4 =	vpsel p3, $0xFFFFFFFF, v4  }
0xd9: {  	s29 =	smul.u32 $0x1F40, s26;
	[tilespmem:s25+$0x10] =	vst.msk $0x1, v4  }
0xda: {  	v4 =	vld [tilespmem:$0x30]  }
0xdb: {  	v5 =	vld [tilespmem:s29+$0x9D40]  }
0xdc: {  	v6 =	vld [tilespmem:s25+$0x40];
	_ =	sdelay $0x3  }
0xdd: {  	vm4 =	vmmov vm1;
	v5 =	vadd.f32 v5, v4  }
0xde: {  	vm5 =	vmmov vm2;
	vm4 =	vmmov @p2 vm2;
	s22 =	sshll.u32 s26, $0x4;
	v4 =	vadd.f32 v6, v4  }
0xdf: {  	s26 =	sor.u32 $0x11A40, s22;
	vm5 =	vmmov @p3 vm1;
	[tilespmem:s29+$0x9D40] =	vst.msk vm4, v5  }
0xe0: {  	[tilespmem:s26+$0x0] =	vst.msk vm5, v4  }
0xe1: {  	v4 =	vld [tilespmem:s29+$0x7DF0];
	_ =	sdelay $0x3  }
0xe2: {  	v5 =	vimm.f32 $0.0e+00  }
0xe3: {  	v4 =	vshift.insert v4, v5, s21  }
0xe4: {  	s22 =	sor.u32 $0x40, s2  }
0xe5: {  	[tilespmem:s22+$0x0] =	vst.msk $0x1, v4  }
0xe6: {  	[tilespmem:s29+$0x7DFF] =	vst.msk $0x1, v5  }
0xe7: {  	v4 =	vld [tilespmem:s0+$0x2030];
	_ =	sdelay $0x1  }
0xe8: {  	s22 =	smulhi.u32 $0xAAAAAAAB, s20;
	s0 =	simm.s32 $0x1  }
0xe9: {  	s0 =	simm.s32 @!p0 $0x0  }
0xea: {  	s22 =	sshrl.u32 s22, $0x1;
	s0 =	smul.u32 $0x7D00, s0  }
0xeb: {  	s22 =	smul.u32 $0xFFFE8900, s22;
	v4 =	vshift.insert v4, v1, s21  }
0xec: {  	s0 =	sshrl.u32 s0, $0x2  }
0xed: {  	s22 =	sshra.s32 s22, $0x2;
	s30 =	sadd.s32 $0x9D40, s0;
	[tilespmem:s2+$0x10] =	vst.msk $0x1, v4  }
0xee: {  	s22 =	sadd.s32 s22, s19;
	v6 =	vld [tilespmem:s30+$0x0]  }
0xef: {  	v7 =	vld [tilespmem:s22+$0x0];
	_ =	sdelay $0x3  }
0xf0: {  	v5 =	vadd.f32 v6, v5  }
0xf1: {  	vm4 =	vne.s32 v7, $0xFFFFFFFF  }
0xf2: {  	(xrf2) =	vadd.seg.scan.f32 vm4, v5;
	_ =	sdelay $0x3  }
0xf3: {  	s31 =	sadd.s32 $0x5EC0, s0;
	v5 =	vperm.xlane v4, v1  }
0xf4: {  	v6 =	vld [tilespmem:s31+$0x0]  }
0xf5: {  	vm5 =	veq.s32 v7, v3;
	vm6 =	veq.s32 v7, v5  }
0xf6: {  	vm7 =	vgt.u32 v7, $0xFFFFFFFD;
	vm6 =	vmor vm6, vm5  }
0xf7: {  	vm6 =	vmor vm6, vm7  }
0xf8: {  	v9 =	vld [tilespmem:$0xA0];
	v7 =	vsel vm6, $0xFFFFFFFF, v7  }
0xf9: {  	v10 =	vld [tilespmem:$0x90];
	v6 =	vsel vm5, $0x0, v6;
	v8, _, _ =	vpop (xrf2)  }
0xfa: {  	v6 =	vadd.f32 v8, v6  }
0xfb: {  	s0 =	sadd.s32 $0xDBC0, s0  }
0xfc: {  	vm4 =	vmand vm4, vm3;
	[tilespmem:s0+$0x0] =	vst v6;
	(ifvalue) =	ssetifvalue $0xFFFFFFFF  }
0xfd: {  	vm6 =	veq.s32 v9, $0x1;
	[hbm4b:s1+s16] =	stream.indirect_vreg.scatter [tilespmem:s0], [sflag:$0x2], $0x1, v7, vm0, $0x4038;
	v7 =	vsel vm4, $0x0, v8;
	[tilespmem:$0x11A60] =	vst v63  }
0xfe: {  	s2 =	simm.s32 $0x0;
	s22 =	sadd.s32 $0x10, s22;
	vm4 =	vmor vm6, vm5;
	v6 =	vsel vm5, v8, v10;
	v7 =	vshift.insert v7, v0, s21  }
.LBB3_7:
0xff: {  	v8 =	vld [tilespmem:s22+$0x0];
	s30 =	sadd.s32 $0x10, s30  }
0x100: {  	s31 =	sadd.s32 $0x10, s31;
	v9 =	vld [tilespmem:s30+$0x0]  }
0x101: {  	s2 =	sadd.s32 $0x10, s2;
	v10 =	vld [tilespmem:s31+$0x0]  }
0x102: {  	p2 =	slt.u32 s2, $0x1F30;
	_ =	sdelay $0x2  }
0x103: {  	v7 =	vadd.f32 v9, v7  }
0x104: {  	vm5 =	vne.s32 v8, $0xFFFFFFFF  }
0x105: {  	vm6 =	vmand vm5, vm3;
	(xrf2) =	vadd.seg.scan.f32 vm5, v7;
	_ =	sdelay $0x5  }
0x106: {  	vm7 =	veq.s32 v8, v5;
	vm5 =	veq.s32 v8, v3  }
0x107: {  	vm8 =	vgt.u32 v8, $0xFFFFFFFD;
	vm4 =	vmor vm4, vm5;
	vm7 =	vmor vm7, vm5  }
0x108: {  	vm7 =	vmor vm7, vm8  }
0x109: {  	v8 =	vsel vm7, $0xFFFFFFFF, v8  }
.Ltmp11:
0x10a: {  	v7 =	vsel vm5, $0x0, v10;
	v9, _, _ =	vpop (xrf2);
	(pc) =	sbr.rel @p2 .LBB3_7-.Ltmp11, $4  }
0x10b: {  	v6 =	vsel vm5, v9, v6;
	v10 =	vadd.f32 v9, v7;
	v7 =	vsel vm6, $0x0, v9  }
0x10c: {  	s0 =	sadd.s32 $0x10, s0;
	v7 =	vshift.insert v7, v0, s21  }
0x10d: {  	s22 =	sadd.s32 $0x10, s22;
	[tilespmem:s0+$0x0] =	vst v10;
	(ifvalue) =	ssetifvalue $0xFFFFFFFF  }
0x10e: {  	[hbm4b:s1+s16] =	stream.indirect_vreg.scatter [tilespmem:s0], [sflag:$0x2], $0x1, v8, vm0, $0x4038;
	[tilespmem:$0x11A60] =	vst v63  }
0x10f: {  	v3 =	vld [tilespmem:s29+$0xFAF0];
	_ =	sdelay $0x4  }
0x110: {  	v3 =	vshift.insert v3, v0, s21  }
0x111: {  	s0 =	simm.s32 $0x30  }
0x112: {  	[tilespmem:s0+$0x0] =	vst.msk $0x1, v3  }
0x113: {  	v3 =	vsel vm4, $0x1, v1;
	[tilespmem:$0x90] =	vst v6  }
0x114: {  	s0 =	sadd.s32 @!p1 $0xFAFF, s29;
	[tilespmem:$0xA0] =	vst v3  }
0x115: {  	[spmem:s14] =	stream.linear.scatter @!p1 [tilespmem:s0], [sflag:$0x1], $0x1, $0x38;
	[tilespmem:$0x11A60] =	vst v63  }
0x116: {  	s0 =	simm.s32 @!p1 $0x1  }
0x117: {  	v3 =	vmctz.xlane @!p1 vm4;
	_ =	swait.ge @!p1 [sflag:s0], $0x1  }
0x118: {  	(v2sf) =	vpush @!p1 v4, $0x0  }
0x119: {  	(v2sf) =	vpush @!p1 v3, $0x0;
	_ =	sdelay $0xd  }
0x11a: {  	s2 =	spop @!p1 (v2sf)  }
0x11b: {  	s22 =	spop @!p1 (v2sf)  }
0x11c: {  	p2 =	sne.s32 @!p1 s28, s2;
	p3 =	slt.s32 @!p1 s22, $0xF  }
0x11d: {  	[sflag:s0] =	ssyncset.done @!p1 $0x0;
	p2 =	por p2, p1;
	p3 =	por !p3, p1  }
0x11e: {  	[sflag:s0] =	ssyncadd.s32 @!p1 $0xFFFFFFFF;
	v3 =	vimm.s32 @!p2 $0xFFFFFFFF;
	s22 =	simm.s32 @p3 $0xF  }
0x11f: {  	[tilespmem:$0x80] =	vst @!p2 v3;
	s2 =	sadd.s32 @!p1 $0x90, s22  }
0x120: {  	[spmem:s10] =	stream.linear.scatter @!p1 [tilespmem:s2], [sflag:$0x1], $0x1, $0x38;
	[tilespmem:$0x11A60] =	vst v63  }
0x121: {  	_ =	swait.ge @!p1 [sflag:s0], $0x1  }
0x122: {  	[sflag:s0] =	ssyncset.done @!p1 $0x0  }
0x123: {  	s2 =	simm.s32 @!p1 $0x80;
	[sflag:s0] =	ssyncadd.s32 @!p1 $0xFFFFFFFF  }
0x124: {  	[spmem:s15] =	stream.linear.scatter @!p1 [tilespmem:s2], [sflag:$0x1], $0x1, $0x38;
	[tilespmem:$0x11A60] =	vst v63  }
0x125: {  	_ =	swait.ge @!p1 [sflag:s0], $0x1  }
0x126: {  	[sflag:s0] =	ssyncset.done @!p1 $0x0  }
0x127: {  	[sflag:s0] =	ssyncadd.s32 @!p1 $0xFFFFFFFF;
	(ifvalue) =	ssetifvalue $0xFFFFFFFF;
	v3 =	vld [tilespmem:s25+$0x10];
	_ =	sdelay $0x3  }
.Ltmp12:
0x128: {  	_ = 	snop;
	(pc) =	sbr.rel .LBB3_9-.Ltmp12, $3  }
0x129: {  	_ =	sdelay $0x1  }
0x12a: {  	(ifvalue) =	ssetifvalue $0xFFFFFFFF  }
0x12b: {  	[hbm4b:s1+s16] =	stream.indirect_vreg.scatter [tilespmem:s26], [sflag:$0x9], $0x1, v3, vm0, $0x4038;
	[tilespmem:$0x11A60] =	vst v63  }
.LBB3_10:
0x12c: {  	_ =	sfence.sel $0x180000  }
0x12d: {  	s0 =	simm.s32 $0x7;
	[bflag:$0x0] =	sbarrier.arrive $0xFFFF  }
0x12e: {  	s26 =	simm.s32 $0x8;
	[sflag:s0] =	ssyncpa.u1 $0x1  }
0x12f: {  	s28 =	simm.s32 $0x9;
	[sflag:s26] =	ssyncpa.u1 $0x1  }
0x130: {  	[sflag:s28] =	ssyncpa.u1 $0x1  }
0x131: {  	_ =	sfence.stream.spmem  }
0x132: {  	s29 =	simm.s32 $0x3;
	[bflag:$0x0] =	sbarrier.arrive $0xFFFF  }
0x133: {  	s30 =	simm.s32 $0x4;
	[sflag:s29] =	ssyncpa.u1 $0x1  }
0x134: {  	s31 =	simm.s32 $0x3C;
	s2 =	stileid.u32;
	[sflag:s30] =	ssyncpa.u1 $0x1  }
0x135: {  	p0 =	sne.s32 s2, $0x0;
	[sflag:s31] =	ssyncpa.u1 $0x1  }
0x136: {  	s0 =	simm.s32 @p0 $0x1;
	_ =	sfence @p0  }
0x137: {  	[sflag:s0] =	ssyncpa.u1 @p0 $0x1;
	s0 =	simm.s32 @p0 $0x2  }
0x138: {  	[sflag:s0] =	ssyncpa.u1 @p0 $0x1  }
0x139: {  	_ =	strace @p0 $0x9000004A  }
0x13a: {  	[bflag:$0x2] =	sbarrier.arrive @p0 $0xFFFF  }
0x13b: {  	_ =	shalt @p0  }
.LBB3_11:
0x13c: {  	_ =	sfence.stream.spmem;
	s0 =	simm.s32 $0x5  }
0x13d: {  	s2 =	simm.s32 $0x80;
	s3 =	simm.s32 $0xC0;
	[sflag:s0] =	ssyncpa.u1 $0x0  }
0x13e: {  	[tilespmem:s3], [sflag:$0x5] =	stream.linear.gather [spmem:s2], $0x20, $0x38;
	[tilespmem:$0x11A60] =	vst v63  }
0x13f: {  	s2 =	simm.s32 $0x0;
	s3 =	simm.s32 $0xE0  }
0x140: {  	[tilespmem:s3], [sflag:$0x5] =	stream.linear.gather [spmem:s2], $0x20, $0x38;
	[tilespmem:$0x11A60] =	vst v63  }
.Ltmp13:
0x141: {  	_ = 	snop;
	(pc) =	sbr.rel .LBB3_12-.Ltmp13, $4  }
0x142: {  	_ =	swait.ge [sflag:s0], $0x40  }
0x143: {  	[sflag:s0] =	ssyncset.done $0x0  }
0x144: {  	s31 =	simm.s32 $0x6;
	[sflag:s0] =	ssyncadd.s32 $0xFFFFFFC0  }
0x145: {  	s4 =	simm.s32 $0x0;
	[sflag:s31] =	ssyncpa.u1 $0x0  }
.LBB3_17:
0x146: {  	p0 =	sgt.u32 s5, $0xAEFFF  }
0x147: {  	s0 =	sshrl.u32 @!p0 s5, $0x3  }
0x148: {  	s5 =	sand.u32 @!p0 $0x7, s5;
	s6 =	simm.s32 @!p0 $0xB0;
	s0 =	sadd.s32 @!p0 s1, s0  }
0x149: {  	[tilespmem:s6], [sflag:$0x6] =	stream.linear.gather @!p0 [hbm4b:s0+s5], $0x1, $0x38;
	[tilespmem:$0x11A60] =	vst v63  }
0x14a: {  	s0 =	simm.s32 @!p0 $0x6  }
0x14b: {  	_ =	swait.ge @!p0 [sflag:s0], $0x1  }
0x14c: {  	[sflag:s0] =	ssyncset.done @!p0 $0x0  }
0x14d: {  	[sflag:s0] =	ssyncadd.s32 @!p0 $0xFFFFFFFF  }
0x14e: {  	v2 =	vmov @!p0 s4;
	v1 =	vld.msk @!p0 [tilespmem:$0xB0], $0x1;
	_ =	sdelay $0x3  }
0x14f: {  	s0 =	simm.s32 @!p0 $0xE0  }
0x150: {  	[tilespmem:v2+s0+$0x0], v1 =	vst.idx.ret.add.f32.msk @!p0 $0x1, v1  }
0x151: {  	[tilespmem:s2+$0xC0] =	vst.msk $0x1, v0  }
0x152: {  	v0 =	vld.msk [tilespmem:s4+$0xE0], $0x1;
	_ =	sdelay $0x4  }
0x153: {  	[tilespmem:s2+$0xE0] =	vst.msk $0x1, v0;
	s2 =	sadd.s32 $0x1, s2  }
.LBB3_19:
0x154: {  	s4 =	sadd.s32 $0x1, s4  }
0x155: {  	p0 =	sne.s32 s4, $0x20  }
.Ltmp14:
0x156: {  	_ = 	snop;
	(pc) =	sbr.rel @!p0 .LBB3_20-.Ltmp14, $1  }
0x157: {  	_ =	sdelay $0x3  }
.LBB3_12:
0x158: {  	v0 =	vld.msk [tilespmem:s4+$0xC0], $0x1;
	_ =	sdelay $0x4  }
0x159: {  	(v2sf) =	vpush v0, $0x0;
	_ =	sdelay $0xe  }
0x15a: {  	s5 =	spop (v2sf)  }
0x15b: {  	p0 =	seq.s32 s5, $0xFFFFFFFF  }
.Ltmp15:
0x15c: {  	_ = 	snop;
	(pc) =	sbr.rel @p0 .LBB3_19-.Ltmp15, $1  }
0x15d: {  	_ =	sdelay $0x3  }
0x15e: {  	p0 =	slt.s32 s2, $0x1  }
.Ltmp16:
0x15f: {  	_ = 	snop;
	(pc) =	sbr.rel @p0 .LBB3_17-.Ltmp16, $1  }
0x160: {  	_ =	sdelay $0x3  }
0x161: {  	s0 =	simm.s32 $0xC0;
	p0 =	por $0x0, $0x0  }
0x162: {  	v1 =	vld.msk @!p0 [tilespmem:s0+$0x0], $0x1;
	_ =	sdelay $0x4  }
0x163: {  	(v2sf) =	vpush @!p0 v1, $0x0;
	_ =	sdelay $0xd  }
0x164: {  	p2 =	sne.s32 s2, $0x1  }
.Ltmp17:
0x165: {  	s6 =	spop @!p0 (v2sf);
	(pc) =	sbr.rel @!p2 .LBB3_16-.Ltmp17, $4  }
0x166: {  	p1 =	seq.s32 @!p0 s5, s6  }
0x167: {  	s6 =	simm.s32 $0x0;
	p1 =	por !p1, p0  }
0x168: {  	s8 =	simm.s32 $0xFFFFFFFF;
	s6 =	simm.s32 @p1 $0xFFFFFFFF  }
0x169: {  	s7 =	simm.s32 $0x1;
	s6 =	smov.u32 @p0 s8  }
.LBB3_15:
0x16a: {  	s8 =	smov.u32 s6;
	p0 =	sne.s32 s6, $0xFFFFFFFF  }
0x16b: {  	s0 =	sadd.s32 $0x1, s0;
	s6 =	smov.u32 s7;
	s7 =	sadd.s32 $0x1, s7  }
0x16c: {  	p1 =	sne.s32 s2, s7;
	v1 =	vld.msk @!p0 [tilespmem:s0+$0x0], $0x1;
	_ =	sdelay $0x4  }
0x16d: {  	(v2sf) =	vpush @!p0 v1, $0x0;
	_ =	sdelay $0xe  }
.Ltmp18:
0x16e: {  	s9 =	spop @!p0 (v2sf);
	(pc) =	sbr.rel @p1 .LBB3_15-.Ltmp18, $4  }
0x16f: {  	p2 =	seq.s32 @!p0 s5, s9  }
0x170: {  	p2 =	por !p2, p0  }
0x171: {  	s6 =	simm.s32 @p2 $0xFFFFFFFF  }
0x172: {  	s6 =	smov.u32 @p0 s8  }
.LBB3_16:
0x173: {  	p0 =	sne.s32 s6, $0xFFFFFFFF  }
.Ltmp19:
0x174: {  	_ = 	snop;
	(pc) =	sbr.rel @!p0 .LBB3_17-.Ltmp19, $1  }
0x175: {  	_ =	sdelay $0x3  }
0x176: {  	v0 =	vld.msk [tilespmem:s4+$0xE0], $0x1;
	v1 =	vmov s6  }
.Ltmp20:
0x177: {  	_ = 	snop;
	(pc) =	sbr.rel .LBB3_19-.Ltmp20, $2  }
0x178: {  	_ =	sdelay $0x2  }
0x179: {  	[tilespmem:v1+s3+$0x0], v0 =	vst.idx.ret.add.f32.msk $0x1, v0  }
.LBB3_20:
0x17a: {  	p0 =	slt.s32 s2, $0x1  }
.Ltmp21:
0x17b: {  	_ = 	snop;
	(pc) =	sbr.rel @p0 .LBB3_24-.Ltmp21, $3  }
0x17c: {  	_ =	sdelay $0x1  }
0x17d: {  	s0 =	simm.s32 $0x6  }
0x17e: {  	s3 =	simm.s32 $0x0;
	[sflag:s0] =	ssyncpa.u1 $0x1  }
0x17f: {  	s0 =	simm.s32 $0xC0  }
0x180: {  	v0 =	vld.msk [tilespmem:s0+$0x0], $0x1;
	_ =	sdelay $0x4  }
0x181: {  	(v2sf) =	vpush v0, $0x0;
	_ =	sdelay $0xe  }
0x182: {  	s2 =	sadd.s32 $0xFFFFFFFF, s2;
	s4 =	spop (v2sf)  }
0x183: {  	p1 =	sne.s32 s2, $0x0;
	p0 =	sgt.u32 s4, $0xAEFFF  }
.Ltmp22:
0x184: {  	s5 =	sshrl.u32 @!p0 s4, $0x3;
	(pc) =	sbr.rel @!p1 .LBB3_23-.Ltmp22, $4  }
0x185: {  	s0 =	simm.s32 $0xE0;
	s4 =	sand.u32 @!p0 $0x7, s4;
	s5 =	sadd.s32 @!p0 s1, s5  }
0x186: {  	[hbm4b:s5+s4] =	stream.linear.scatter @!p0 [tilespmem:s0], [sflag:$0x5], $0x1, $0x38;
	[tilespmem:$0x11A60] =	vst v63  }
0x187: {  	s5 =	simm.s32 $0x0  }
0x188: {  	s4 =	simm.s32 $0xC1;
	s5 =	simm.s32 @!p0 $0x4  }
.LBB3_22:
0x189: {  	v0 =	vld.msk [tilespmem:s4+$0x0], $0x1;
	s2 =	sadd.s32 $0xFFFFFFFF, s2;
	s3 =	sadd.s32 s3, s5  }
0x18a: {  	p0 =	sne.s32 s2, $0x0;
	_ =	sdelay $0x3  }
0x18b: {  	(v2sf) =	vpush v0, $0x0;
	_ =	sdelay $0xe  }
.Ltmp23:
0x18c: {  	s6 =	spop (v2sf);
	(pc) =	sbr.rel @p0 .LBB3_22-.Ltmp23, $4  }
0x18d: {  	s5 =	simm.s32 $0x0;
	p1 =	sgt.u32 s6, $0xAEFFF  }
0x18e: {  	s0 =	sadd.s32 $0x1, s0;
	s5 =	simm.s32 @!p1 $0x4;
	s7 =	sshrl.u32 @!p1 s6, $0x3  }
0x18f: {  	s4 =	sadd.s32 $0x1, s4;
	s6 =	sand.u32 @!p1 $0x7, s6;
	s7 =	sadd.s32 @!p1 s1, s7  }
0x190: {  	[hbm4b:s7+s6] =	stream.linear.scatter @!p1 [tilespmem:s0], [sflag:$0x5], $0x1, $0x38;
	[tilespmem:$0x11A60] =	vst v63  }
.LBB3_23:
0x191: {  	s0 =	sadd.s32 s3, s5  }
0x192: {  	s3 =	sshrl.u32 s0, $0x2  }
.LBB3_24:
0x193: {  	s0 =	simm.s32 $0x5  }
0x194: {  	_ =	swait.ge [sflag:s0], s3  }
0x195: {  	s1 =	ssub.s32 $0x0, s3;
	[sflag:s0] =	ssyncset.done $0x0  }
0x196: {  	[sflag:s0] =	ssyncadd.s32 s1  }
0x197: {  	[sflag:s0] =	ssyncpa.u1 $0x1  }
0x198: {  	s29 =	simm.s32 $0x1;
	_ =	sfence  }
0x199: {  	s30 =	simm.s32 $0x2;
	[sflag:s29] =	ssyncpa.u1 $0x1  }
0x19a: {  	[sflag:s30] =	ssyncpa.u1 $0x1  }
0x19b: {  	_ =	strace $0x9000004A  }
0x19c: {  	[bflag:$0x2] =	sbarrier.arrive $0xFFFF  }
0x19d: {  	s31 =	rddreg [dreg:$0x2]  }
0x19e: {  	s0 =	sadd.s32 $0x100000, s31  }
0x19f: {  	[sflag:s0] =	ssyncadd.tile.s32 $0x1;
	_ =	shalt  }
.Lfunc_end3:
_tile_overlayer_lowered:
.L_overlay_start_3:
0x1a0: {  	(tag) =	ssettag $0x3  }
0x1a1: {  	s0 =	rddreg [dreg:$0x0];
	s2 =	stileid.u32  }
0x1a2: {  	s1 =	rddreg [dreg:$0x1];
	p0 =	sne.s32 s2, $0x0  }
0x1a3: {  	s3 =	rddreg [dreg:$0x2];
	[bflag:$0x3] =	sbarrier.arrive $0xFFFF;
	s2 =	simm.s32 @!p0 $0x1C01  }
0x1a4: {  	[timem:s3], [sflag:s2] =	dma.local @!p0 [hbm:s0], s1  }
0x1a5: {  	s0 =	simm.s32 @!p0 $0x1  }
0x1a6: {  	_ =	swait.ge @!p0 [sflag:s0], s1  }
0x1a7: {  	s1 =	ssub.s32 @!p0 $0x0, s1;
	[sflag:s0] =	ssyncset.done @!p0 $0x0  }
0x1a8: {  	[sflag:s0] =	ssyncadd.s32 @!p0 s1  }
0x1a9: {  	[bflag:$0x3] =	sbarrier.arrive $0xFFFF  }
0x1aa: {  	_ =	shalt  }

// kernel: scatter_offload_async_start.4
scs
__scs_entry_jumppad:
0x0: {  	(pc) =	sbr.rel $0x88, $3  }
0x1: {  	(tag) =	ssettag $0x0;
	lr =	simm.s32 $0x1  }
0x2: {  	[smem:$0x3F97] =	sst lr;
	_ =	strace $0xD0000000  }
0x3: {  	_ = 	snop  }
0x4: {  	_ = 	snop  }
0x5: {  	_ = 	snop  }
0x6: {  	_ = 	snop  }
0x7: {  	_ = 	snop  }
__scs_overlays_trampoline_lowered:
0x8: {  	[smem:$0x3FA6] =	sst s0  }
0x9: {  	[smem:$0x3FA7] =	sst s1  }
0xa: {  	[smem:$0x3FA8] =	sst s2  }
0xb: {  	[smem:$0x3FA9] =	sst s3  }
0xc: {  	[smem:$0x3FAA] =	sst s4  }
0xd: {  	[smem:$0x3FAB] =	sst s5  }
0xe: {  	[smem:$0x3FAC] =	sst s6  }
0xf: {  	[smem:$0x3FAD] =	sst s7  }
0x10: {  	[smem:$0x3FAE] =	sst s8  }
0x11: {  	[smem:$0x3FAF] =	sst s9;
	s0 =	simm.s32 @!p0 $0x0  }
0x12: {  	s1 =	sld [smem:$0x3F95];
	s0 =	simm.s32 @p0 $0x1  }
0x13: {  	[smem:$0x3FB0] =	sst s0;
	s0 =	simm.s32 @!p1 $0x0  }
0x14: {  	s2 =	sld [smem:$0x3F94];
	s0 =	simm.s32 @p1 $0x1  }
0x15: {  	[smem:$0x3FB1] =	sst s0;
	s0 =	simm.s32 @!p2 $0x0  }
0x16: {  	s3 =	sld [smem:$0x3FDB];
	s0 =	simm.s32 @p2 $0x1  }
0x17: {  	s4 =	simm.s32 $0x1BF5;
	[smem:$0x3FB3] =	sst s0  }
0x18: {  	s0 =	sld [smem:$0x3F96];
	_ =	swait.ge [sflag:s4], $0x0  }
0x19: {  	s7 =	sld [smem:$0x3F97]  }
0x1a: {  	s8 =	sadd.s32 $0xFFFFE003, lr  }
0x1b: {  	s9 =	sadd.s32 $0xFFFFFEF7, lr;
	s5 =	simm.s32 $0xFFFFFFFF;
	p2 =	slt.u32 s8, $0xFFFFF086  }
0x1c: {  	p1 =	slt.u32 s9, $0xF7A;
	s5 =	simm.s32 @!p2 $0x0  }
0x1d: {  	s5 =	simm.s32 @p1 $0x1;
	p0 =	seq.s32 s7, s2  }
0x1e: {  	s7 =	smul.u32 @!p0 $0xF7A, s2;
	p2 =	seq.s32 @!p0 s5, $0x0  }
0x1f: {  	s9 =	smul.u32 $0xF7A, s1;
	s8 =	simm.s32 @!p0 $0x1BF5;
	p2 =	por !p2, p0  }
0x20: {  	[sflag:s8] =	ssyncset.s32 @!p0 $0xFFFFF086;
	s6 =	sadd.s32 @!p0 s3, s7;
	s7 =	simm.s32 @!p0 $0x108  }
0x21: {  	s3 =	sadd.s32 s3, s9;
	s6 =	sadd.s32 @!p0 $0x88, s6;
	s7 =	simm.s32 @p2 $0x1082  }
0x22: {  	[simem:s7], [sflag:s8] =	dma.local @!p0 [hbm:s6], $0xF7A  }
0x23: {  	s9 =	sor.u32 $0xD0000000, s2;
	s6 =	simm.s32 $0x108;
	_ =	swait.ge @!p0 [sflag:s8], $0x0  }
0x24: {  	s3 =	sadd.s32 $0x88, s3;
	s6 =	simm.s32 @!p1 $0x1082;
	[sflag:s4] =	ssyncset.s32 $0xFFFFF086  }
0x25: {  	[simem:s6], [sflag:s4] =	dma.local [hbm:s3], $0xF7A  }
0x26: {  	[smem:$0x3F97] =	sst s1;
	(tag) =	ssettag s2;
	_ =	strace s9  }
0x27: {  	s1 =	sld [smem:$0x3FA7]  }
0x28: {  	s2 =	sld [smem:$0x3FA8]  }
0x29: {  	s4 =	sld [smem:$0x3FAA]  }
0x2a: {  	p0 =	seq.s32 s5, $0x0;
	s5 =	sld [smem:$0x3FAB]  }
0x2b: {  	s6 =	sld [smem:$0x3FAC]  }
0x2c: {  	s7 =	sld [smem:$0x3FAD]  }
0x2d: {  	s3 =	simm.s32 $0x108;
	s8 =	sld [smem:$0x3FAE]  }
0x2e: {  	s3 =	simm.s32 @!p0 $0x1082;
	s9 =	sld [smem:$0x3FAF]  }
0x2f: {  	lr =	sadd.s32 s0, s3;
	s0 =	sld [smem:$0x3FA6]  }
0x30: {  	s3 =	sld [smem:$0x3FA9]  }
0x31: {  	[smem:$0x3FB2] =	sst s10  }
0x32: {  	s10 =	sld [smem:$0x3FB0];
	_ =	sdelay $0x3  }
0x33: {  	p0 =	seq.s32 s10, $0x1;
	s10 =	sld [smem:$0x3FB2];
	_ =	sdelay $0x3  }
0x34: {  	[smem:$0x3FB2] =	sst s10  }
0x35: {  	s10 =	sld [smem:$0x3FB1];
	_ =	sdelay $0x3  }
0x36: {  	p1 =	seq.s32 s10, $0x1;
	s10 =	sld [smem:$0x3FB2];
	_ =	sdelay $0x3  }
0x37: {  	[smem:$0x3FB2] =	sst s10  }
0x38: {  	s10 =	sld [smem:$0x3FB3]  }
0x39: {  	_ = 	snop;
	(pc) =	sbr.ind lr, $3  }
0x3a: {  	_ = 	snop  }
0x3b: {  	_ = 	snop  }
0x3c: {  	p2 =	seq.s32 s10, $0x1;
	s10 =	sld [smem:$0x3FB2]  }
0x3d: {  	_ =	shalt  }
0x3e: {  	_ =	shalt  }
0x3f: {  	_ =	shalt  }
0x40: {  	_ =	shalt  }
0x41: {  	_ =	shalt  }
0x42: {  	_ =	shalt  }
0x43: {  	_ =	shalt  }
0x44: {  	_ =	shalt  }
0x45: {  	_ =	shalt  }
0x46: {  	_ =	shalt  }
0x47: {  	_ =	shalt  }
0x48: {  	_ =	shalt  }
0x49: {  	_ =	shalt  }
0x4a: {  	_ =	shalt  }
0x4b: {  	_ =	shalt  }
0x4c: {  	_ =	shalt  }
0x4d: {  	_ =	shalt  }
0x4e: {  	_ =	shalt  }
0x4f: {  	_ =	shalt  }
0x50: {  	_ =	shalt  }
0x51: {  	_ =	shalt  }
0x52: {  	_ =	shalt  }
0x53: {  	_ =	shalt  }
0x54: {  	_ =	shalt  }
0x55: {  	_ =	shalt  }
0x56: {  	_ =	shalt  }
0x57: {  	_ =	shalt  }
0x58: {  	_ =	shalt  }
0x59: {  	_ =	shalt  }
0x5a: {  	_ =	shalt  }
0x5b: {  	_ =	shalt  }
0x5c: {  	_ =	shalt  }
0x5d: {  	_ =	shalt  }
0x5e: {  	_ =	shalt  }
0x5f: {  	_ =	shalt  }
0x60: {  	_ =	shalt  }
0x61: {  	_ =	shalt  }
0x62: {  	_ =	shalt  }
0x63: {  	_ =	shalt  }
0x64: {  	_ =	shalt  }
0x65: {  	_ =	shalt  }
0x66: {  	_ =	shalt  }
0x67: {  	_ =	shalt  }
0x68: {  	_ =	shalt  }
0x69: {  	_ =	shalt  }
0x6a: {  	_ =	shalt  }
0x6b: {  	_ =	shalt  }
0x6c: {  	_ =	shalt  }
0x6d: {  	_ =	shalt  }
0x6e: {  	_ =	shalt  }
0x6f: {  	_ =	shalt  }
0x70: {  	_ =	shalt  }
0x71: {  	_ =	shalt  }
0x72: {  	_ =	shalt  }
0x73: {  	_ =	shalt  }
0x74: {  	_ =	shalt  }
0x75: {  	_ =	shalt  }
0x76: {  	_ =	shalt  }
0x77: {  	_ =	shalt  }
0x78: {  	_ =	shalt  }
0x79: {  	_ =	shalt  }
0x7a: {  	_ =	shalt  }
0x7b: {  	_ =	shalt  }
0x7c: {  	_ =	shalt  }
0x7d: {  	_ =	shalt  }
0x7e: {  	_ =	shalt  }
0x7f: {  	_ =	shalt  }
0x80: {  	_ =	shalt  }
0x81: {  	_ =	shalt  }
0x82: {  	_ =	shalt  }
0x83: {  	_ =	shalt  }
0x84: {  	_ =	shalt  }
0x85: {  	_ =	shalt  }
0x86: {  	_ =	shalt  }
0x87: {  	_ =	shalt  }
.Lfunc_end0:
.L_simem_size_0:
called_computation.4_lowered:
.L_overlay_start_0:
0x88: {  	s0 =	sld [smem:$0x3FD9]  }
0x89: {  	s1 =	sld [smem:$0x3FFE];
	_ =	sdelay $0x3  }
0x8a: {  	s0 =	sadd.s32 s1, s0  }
0x8b: {  	[smem:$0x3FBE] =	sst s0  }
0x8c: {  	_ = 	snop  }
0x8d: {  	(tm) =	ssettm $0x1  }
0x8e: {  	s14 =	sld [smem:$0x3FFB];
	_ =	sdelay $0x3  }
0x8f: {  	_ =	strace s14  }
0x90: {  	s0 =	sld [smem:$0x3FFC];
	_ =	sdelay $0x3  }
0x91: {  	_ =	strace s0  }
0x92: {  	s0 =	sld [smem:$0x3FFD];
	_ =	sdelay $0x3  }
0x93: {  	_ =	strace s0  }
0x94: {  	_ =	strace $0x8FFFFFFF  }
0x95: {  	s15 =	sld [smem:$0x3FDB];
	_ =	sdelay $0x1  }
0x96: {  	s16 =	simm.s32 $_scs_section_size  }
0x97: {  	s2 =	simm.s32 $_size__tile_overlayer_lowered;
	s3 =	simm.s32 $_tile_overlayer_lowered  }
0x98: {  	s4 =	simm.s32 $0x1BFF;
	s17 =	sshll.u32 s3, $0x1;
	s1 =	sadd.s32 s16, s15  }
0x99: {  	s18 =	simm.s32 $0x0;
	s2 =	sshll.u32 s2, $0x1;
	s3 =	sadd.s32 s17, s1  }
0x9a: {  	[timem:s18], [sflag:s4] =	dma.local [hbm:s3], s2  }
0x9b: {  	_ =	swait.ge [sflag:s4], s2  }
0x9c: {  	s2 =	ssub.s32 $0x0, s2;
	[sflag:s4] =	ssyncset.done $0x0  }
0x9d: {  	[sflag:s4] =	ssyncadd.s32 s2;
	_ =	sdelay $0x1  }
0x9e: {  	s19 =	simm.s32 $0x1B8B  }
0x9f: {  	_ =	swait.ge [sflag:s19], $0x1  }
0xa0: {  	[sflag:s19] =	ssyncset.done $0x0  }
0xa1: {  	s21 =	simm.s32 $0x1B8E;
	s20 =	sld [smem:$0x3FFE];
	[sflag:s19] =	ssyncadd.s32 $0xFFFFFFFF  }
0xa2: {  	s22 =	simm.s32 $execute0_lowered;
	[smem:$0x3FD2] =	sst s21  }
0xa3: {  	s3 =	sshll.u32 s22, $0x1;
	_ =	strace $0x8000005E;
	[dreg:$0x1] =	wrdreg $0xFFFFFFFF  }
0xa4: {  	s23 =	simm.s32 $_size_execute0_lowered;
	s3 =	sadd.s32 s1, s3;
	[dreg:$0x0] =	wrdreg $0x0  }
0xa5: {  	s4 =	sshll.u32 s23, $0x1;
	[dreg:$0x2] =	wrdreg s3  }
0xa6: {  	[dreg:$0x3] =	wrdreg s4  }
0xa7: {  	[dreg:$0x4] =	wrdreg $0xC0  }
0xa8: {  	s24 =	simm.s32 $execute1_lowered;
	_ =	task [dreg:s18], $0x5FFFF  }
0xa9: {  	s3 =	sshll.u32 s24, $0x1;
	[dreg:$0x1] =	wrdreg $0xFFFFFFFF  }
0xaa: {  	s1 =	sadd.s32 s1, s3;
	[dreg:$0x0] =	wrdreg $0x60  }
0xab: {  	[dreg:$0x2] =	wrdreg s1  }
0xac: {  	[dreg:$0x3] =	wrdreg s20  }
0xad: {  	[dreg:$0x4] =	wrdreg $0x11  }
0xae: {  	_ =	task.clear_ibuf [dreg:s18], $0x5FFFF;
	_ =	strace $0x9000005E  }
0xaf: {  	s25 =	simm.s32 $0x11;
	_ =	strace $0x80000060  }
0xb0: {  	_ =	swait.ge [sflag:s25], $0x1  }
0xb1: {  	[sflag:s25] =	ssyncadd.s32 $0xFFFFFFFF  }
0xb2: {  	_ =	strace $0x90000060  }
0xb3: {  	_ =	strace $0x80000061;
	[dreg:$0x1] =	wrdreg $0xFFFFFFFF  }
0xb4: {  	[dreg:$0x0] =	wrdreg $0x2030  }
0xb5: {  	[dreg:$0x2] =	wrdreg s20  }
0xb6: {  	[dreg:$0x3] =	wrdreg $0x12  }
0xb7: {  	_ =	task.clear_ibuf [dreg:s18], $0x4FFFF;
	_ =	strace $0x90000061  }
0xb8: {  	s26 =	simm.s32 $0x12;
	_ =	strace $0x80000063  }
0xb9: {  	_ =	swait.ge [sflag:s26], $0x1  }
0xba: {  	[sflag:s26] =	ssyncadd.s32 $0xFFFFFFFF  }
0xbb: {  	_ =	strace $0x90000063  }
0xbc: {  	_ =	sfence  }
0xbd: {  	s28 =	sld [smem:$0x0];
	_ =	sdelay $0x1  }
0xbe: {  	s29 =	srdreg.scid  }
0xbf: {  	s30 =	sshll.u32 s29, $0xD;
	s31 =	sshrl.u32 s29, $0x2  }
0xc0: {  	s2 =	sand.u32 $0x1, s29;
	s3 =	sand.u32 $0x4000, s30;
	s1 =	sadd.s32 s31, s28  }
0xc1: {  	s2 =	sor.u32 s3, s2;
	s1 =	sshll.u32 s1, $0x11  }
0xc2: {  	s1 =	sor.u32 s1, s2  }
0xc3: {  	s1 =	sadd.s32 $0x8F2B, s1  }
0xc4: {  	[sflag:s1] =	ssyncadd.remote.s32 $0x1  }
0xc5: {  	_ =	sfence.sel $0xFFFF  }
0xc6: {  	[dreg:$0x0] =	wrdreg $0xFFFFFFFF;
	(pc) =	sbr.abs _section_cstart, $3  }
0xc7: {  	[dreg:$0x1] =	wrdreg $0xFFFFFFFF  }
0xc8: {  	_ =	task.clear_ibuf [dreg:s18], $0x2FFFF;
	_ =	strace $0x9FFFFFFF  }
0xc9: {  	(tm) =	ssettm $0x7FFFFFFF  }
tec
execute0_lowered:
.L_overlay_start_1:
0x0: {  	(tag) =	ssettag $0x1  }
0x1: {  	s3 =	rddreg [dreg:$0x0];
	s4 =	stileid.u32  }
0x2: {  	s5 =	rddreg [dreg:$0x1];
	s2 =	smul.u32 $0x2BC0, s4  }
0x3: {  	s0 =	rddreg [dreg:$0x2];
	[bflag:$0x3] =	sbarrier.arrive $0xFFFF;
	s1 =	simm.s32 $_size_execute1_lowered  }
0x4: {  	s1 =	sshll.u32 s1, $0x1;
	p0 =	sne.s32 s4, $0x0;
	s6 =	ssub.s32 $0xAF000, s2  }
0x5: {  	s4 =	simm.s32 @!p0 $0x1C3F;
	s7 =	simm.s32 @!p0 $0x4060;
	s8 =	smulhi.u32 $0xBB3EF, s6  }
0x6: {  	[timem:s7], [sflag:s4] =	dma.local @!p0 [hbm:s3], s1  }
0x7: {  	s30 =	sshrl.u32 s8, $0x5  }
0x8: {  	s31 =	simm.s32 $0x2;
	s8 =	smul.u32 $0x2BC00, s30  }
.Ltmp0:
0x9: {  	s10 =	simm.s32 $0x0;
	s9 =	simm.s32 $0x0;
	(pc) =	sbr.rel .LBB2_1-.Ltmp0, $4  }
0xa: {  	s3 =	sadd.s32 $0x15400, s5;
	p1 =	sne.s32 s6, s8;
	s6 =	simm.s32 $0x1  }
0xb: {  	s4 =	simm.s32 $0x1;
	_ =	strace $0x8000005F;
	s6 =	simm.s32 @!p1 $0x0  }
0xc: {  	s5 =	sadd.s32 $0x8AC00, s5;
	[sflag:s4] =	ssyncpa.u1 $0x0;
	s6 =	sadd.s32 s6, s30  }
0xd: {  	[sflag:s31] =	ssyncpa.u1 $0x0;
	s8 =	smov.u32 s2;
	s7 =	sadd.s32 $0x1, s6  }
.LBB2_7:
0xe: {  	s12 =	sadd.s32 $0x2BC00, s8  }
0xf: {  	p2 =	sgt.s32 s12, $0xAEFFF  }
0x10: {  	s12 =	smov.u32 @p2 s2;
	p2 =	sne.s32 s9, s7  }
.Ltmp1:
0x11: {  	p1 =	slt.u32 s9, $0x2;
	(pc) =	sbr.rel @!p2 .LBB2_8-.Ltmp1, $4  }
0x12: {  	s11 =	simm.s32 @!p1 $0x2  }
0x13: {  	_ =	swait.ge @!p1 [sflag:s11], $0x2BC0  }
0x14: {  	s13 =	sadd.s32 $0x1, s9;
	s10 =	smov.u32 s8;
	[sflag:s11] =	ssyncset.done @!p1 $0x0  }
0x15: {  	s9 =	smov.u32 s13;
	s8 =	smov.u32 s12;
	[sflag:s11] =	ssyncadd.s32 @!p1 $0xFFFFD440  }
.LBB2_1:
0x16: {  	p1 =	sge.u32 s9, s6  }
0x17: {  	s11 =	sxor.u32 @!p1 $0xFFFFFFFF, s9  }
0x18: {  	s11 =	sand.u32 @!p1 $0x1, s11  }
0x19: {  	s11 =	smul.u32 @!p1 $0xAF00, s11  }
0x1a: {  	s31 =	sadd.s32 $0xFFFFFFFF, s9;
	s12 =	sshrl.u32 @!p1 s8, $0x3  }
0x1b: {  	s13 =	sand.u32 @!p1 $0x7, s8;
	s12 =	sadd.s32 @!p1 s3, s12;
	s11 =	sshrl.u32 @!p1 s11, $0x2  }
0x1c: {  	[tilespmem:s11], [sflag:$0x1] =	stream.linear.gather @!p1 [hbm4b:s12+s13], $0x2BC0, $0x38;
	[tilespmem:$0xAF00] =	vst v63  }
0x1d: {  	p1 =	sge.u32 s31, s6  }
.Ltmp2:
0x1e: {  	_ = 	snop;
	(pc) =	sbr.rel @p1 .LBB2_7-.Ltmp2, $1  }
0x1f: {  	_ =	sdelay $0x3  }
0x20: {  	s11 =	sand.u32 $0x1, s9  }
0x21: {  	_ =	swait.ge [sflag:s4], $0x2BC0;
	s13 =	simm.s32 $0x2BC0;
	p1 =	seq.s32 s11, $0x1  }
0x22: {  	[sflag:s4] =	ssyncset.done $0x0;
	s13 =	simm.s32 @!p1 $0x0  }
0x23: {  	[sflag:s4] =	ssyncadd.s32 $0xFFFFD440;
	s15 =	sadd.s32 $0x80, s13  }
0x24: {  	v0 =	vld [tilespmem:s15+$0x70]  }
0x25: {  	v1 =	vld [tilespmem:s15+$0xFFFFFF90]  }
0x26: {  	v2 =	vld [tilespmem:s15+$0xFFFFFFA0]  }
0x27: {  	v3 =	vld [tilespmem:s15+$0xFFFFFFB0]  }
0x28: {  	s11 =	sadd.s32 $0x5800, s13;
	v4 =	vld [tilespmem:s15+$0xFFFFFFC0]  }
0x29: {  	v5 =	vld [tilespmem:s15+$0xFFFFFFD0];
	[tilespmem:s11+$0x70] =	vst v0  }
0x2a: {  	[tilespmem:s11+$0xFFFFFF90] =	vst v1;
	v0 =	vld [tilespmem:s15+$0xFFFFFFE0]  }
0x2b: {  	[tilespmem:s11+$0xFFFFFFA0] =	vst v2;
	v1 =	vld [tilespmem:s15+$0xFFFFFFF0]  }
0x2c: {  	[tilespmem:s11+$0xFFFFFFB0] =	vst v3;
	v2 =	vld [tilespmem:s15+$0x0]  }
0x2d: {  	[tilespmem:s11+$0xFFFFFFC0] =	vst v4;
	v3 =	vld [tilespmem:s15+$0x10]  }
0x2e: {  	[tilespmem:s11+$0xFFFFFFD0] =	vst v5;
	v5 =	vld [tilespmem:s15+$0x20]  }
0x2f: {  	[tilespmem:s11+$0xFFFFFFE0] =	vst v0;
	v0 =	vld [tilespmem:s15+$0x30]  }
0x30: {  	[tilespmem:s11+$0xFFFFFFF0] =	vst v1;
	v1 =	vld [tilespmem:s15+$0x40]  }
0x31: {  	[tilespmem:s11+$0x0] =	vst v2;
	v2 =	vld [tilespmem:s15+$0x50]  }
0x32: {  	s14 =	simm.s32 $0x0;
	[tilespmem:s11+$0x10] =	vst v3;
	v3 =	vld [tilespmem:s15+$0x60]  }
0x33: {  	s12 =	sadd.s32 $0x5780, s13;
	s13 =	sshll.u32 s13, $0x2;
	v4 =	vld [tilespmem:s15+$0xFFFFFF80];
	[tilespmem:s11+$0x20] =	vst v5;
	s15 =	sadd.s32 $0x100, s15  }
.LBB2_3:
0x34: {  	v5 =	vld [tilespmem:s15+$0x70];
	s14 =	sadd.s32 $0x100, s14;
	[tilespmem:s11+$0x30] =	vst v0  }
0x35: {  	v0 =	vld [tilespmem:s15+$0xFFFFFF90];
	p1 =	slt.u32 s14, $0x2A00;
	[tilespmem:s11+$0x40] =	vst v1  }
0x36: {  	v1 =	vld [tilespmem:s15+$0xFFFFFFA0];
	[tilespmem:s11+$0x50] =	vst v2  }
0x37: {  	v2 =	vld [tilespmem:s15+$0xFFFFFFB0];
	[tilespmem:s11+$0x60] =	vst v3  }
0x38: {  	v3 =	vld [tilespmem:s15+$0xFFFFFFC0];
	[tilespmem:s11+$0xFFFFFF80] =	vst v4;
	s11 =	sadd.s32 $0x100, s11  }
0x39: {  	v4 =	vld [tilespmem:s15+$0xFFFFFFD0];
	[tilespmem:s11+$0x70] =	vst v5  }
0x3a: {  	[tilespmem:s11+$0xFFFFFF90] =	vst v0;
	v0 =	vld [tilespmem:s15+$0xFFFFFFE0]  }
0x3b: {  	[tilespmem:s11+$0xFFFFFFA0] =	vst v1;
	v1 =	vld [tilespmem:s15+$0xFFFFFFF0]  }
0x3c: {  	[tilespmem:s11+$0xFFFFFFB0] =	vst v2;
	v2 =	vld [tilespmem:s15+$0x0]  }
0x3d: {  	[tilespmem:s11+$0xFFFFFFC0] =	vst v3;
	v3 =	vld [tilespmem:s15+$0x10]  }
0x3e: {  	[tilespmem:s11+$0xFFFFFFD0] =	vst v4;
	v5 =	vld [tilespmem:s15+$0x20]  }
.Ltmp3:
0x3f: {  	[tilespmem:s11+$0xFFFFFFE0] =	vst v0;
	v0 =	vld [tilespmem:s15+$0x30];
	(pc) =	sbr.rel @p1 .LBB2_3-.Ltmp3, $4  }
0x40: {  	[tilespmem:s11+$0xFFFFFFF0] =	vst v1;
	v1 =	vld [tilespmem:s15+$0x40]  }
0x41: {  	[tilespmem:s11+$0x0] =	vst v2;
	v2 =	vld [tilespmem:s15+$0x50]  }
0x42: {  	[tilespmem:s11+$0x10] =	vst v3;
	v3 =	vld [tilespmem:s15+$0x60]  }
0x43: {  	v4 =	vld [tilespmem:s15+$0xFFFFFF80];
	[tilespmem:s11+$0x20] =	vst v5;
	s15 =	sadd.s32 $0x100, s15  }
0x44: {  	[tilespmem:s11+$0x30] =	vst v0  }
0x45: {  	[tilespmem:s11+$0x40] =	vst v1  }
0x46: {  	[tilespmem:s11+$0x50] =	vst v2  }
0x47: {  	s13 =	sshrl.u32 s13, $0x2;
	[tilespmem:s11+$0x60] =	vst v3  }
0x48: {  	s14 =	simm.s32 $0x2AF0;
	[tilespmem:s11+$0xFFFFFF80] =	vst v4;
	s11 =	sadd.s32 $0x8280, s13;
	s13 =	sadd.s32 $0x2B00, s13  }
.LBB2_5:
0x49: {  	s14 =	sadd.s32 $0x10, s14  }
0x4a: {  	v0 =	vld [tilespmem:s13+$0x0];
	p1 =	slt.u32 s14, $0x2BB0  }
.Ltmp4:
0x4b: {  	_ = 	snop;
	(pc) =	sbr.rel @p1 .LBB2_5-.Ltmp4, $2  }
0x4c: {  	_ =	sdelay $0x2  }
0x4d: {  	s13 =	sadd.s32 $0x10, s13;
	[tilespmem:s11+$0x0] =	vst v0;
	s11 =	sadd.s32 $0x10, s11  }
.Ltmp5:
0x4e: {  	(pc) =	sbr.rel .LBB2_7-.Ltmp5, $4  }
0x4f: {  	_ = 	snop  }
0x50: {  	s11 =	sshrl.u32 s10, $0x3  }
0x51: {  	s31 =	sand.u32 $0x7, s10;
	s11 =	sadd.s32 s5, s11  }
0x52: {  	[hbm4b:s11+s31] =	stream.linear.scatter [tilespmem:s12], [sflag:$0x2], $0x2BC0, $0x38;
	[tilespmem:$0xAF00] =	vst v63  }
.LBB2_8:
0x53: {  	_ =	sfence.sel $0x180000  }
0x54: {  	s2 =	simm.s32 $0x1;
	[bflag:$0x0] =	sbarrier.arrive $0xFFFF  }
0x55: {  	s31 =	simm.s32 $0x2;
	[sflag:s2] =	ssyncpa.u1 $0x1  }
0x56: {  	[sflag:s31] =	ssyncpa.u1 $0x1  }
0x57: {  	_ =	strace $0x9000005F  }
0x58: {  	s0 =	sadd.s32 @!p0 $0x100000, s0;
	[bflag:$0x2] =	sbarrier.arrive $0xFFFF  }
0x59: {  	[sflag:s0] =	ssyncadd.tile.s32 @!p0 $0x1;
	s0 =	simm.s32 @!p0 $0x3F  }
0x5a: {  	_ =	swait.ge @!p0 [sflag:s0], s1  }
0x5b: {  	s1 =	ssub.s32 @!p0 $0x0, s1;
	[sflag:s0] =	ssyncset.done @!p0 $0x0  }
0x5c: {  	[sflag:s0] =	ssyncadd.s32 @!p0 s1  }
0x5d: {  	[bflag:$0x3] =	sbarrier.arrive $0xFFFF  }
0x5e: {  	_ =	shalt  }
.Lfunc_end2:
execute1_lowered:
.L_overlay_start_2:
0x5f: {  	(tag) =	ssettag $0x2  }
0x60: {  	s0 =	rddreg [dreg:$0x0]  }
0x61: {  	s14 =	stileid.u32;
	_ =	strace $0x80000062;
	s2 =	simm.s32 $0x1  }
0x62: {  	v1 =	vimm.s32 $0xFFFFFFFF;
	s1 =	smin.u32 s14, $0x4;
	[sflag:s2] =	ssyncpa.u1 $0x0  }
0x63: {  	s1 =	sadd.s32 s14, s1;
	[tilespmem:$0x10] =	vst v1  }
0x64: {  	v0 =	vimm.f32 $0.0e+00;
	p0 =	slt.u32 s14, $0x4;
	[tilespmem:$0x20] =	vst v1;
	s3 =	smul.u32 $0x1F40, s1;
	s1 =	simm.s32 $0x3E80  }
0x65: {  	[tilespmem:$0x30] =	vst v0;
	s1 =	simm.s32 @!p0 $0x1F40  }
0x66: {  	[tilespmem:$0x40] =	vst v0;
	s1 =	sadd.s32 s1, s3  }
0x67: {  	[tilespmem:$0x50] =	vst v0;
	s4 =	smin.u32 s1, $0x27100  }
0x68: {  	[tilespmem:$0x60] =	vst v1;
	s9 =	ssub.s32 s4, s3  }
0x69: {  	s7 =	simm.s32 $0x2;
	s8 =	simm.s32 $0x8;
	[tilespmem:$0x70] =	vst v1;
	p0 =	sgt.s32 s9, $0x0  }
0x6a: {  	s31 =	simm.s32 $0x9;
	s16 =	simm.s32 $0x0;
	[tilespmem:$0x80] =	vst v1;
	s9 =	simm.s32 @!p0 $0x0  }
0x6b: {  	s17 =	simm.s32 $0xF0;
	s18 =	simm.s32 $0xFFFFFFFF;
	v1 =	vimm.s32 $0x0;
	[tilespmem:$0xB0] =	vst v0;
	s5 =	smulhi.u32 $0x10624DD3, s9  }
0x6c: {  	s19 =	simm.s32 $0xFFFFC280;
	s20 =	simm.s32 $0xFFFFFFFE;
	s21 =	simm.s32 $0xF;
	[tilespmem:$0x90] =	vst v1  }
0x6d: {  	[tilespmem:$0xA0] =	vst v1;
	[sflag:s7] =	ssyncpa.u1 $0x0;
	s7 =	simm.s32 $0x7;
	s10 =	sshrl.u32 s5, $0x9  }
0x6e: {  	s25 =	simm.s32 $0x0;
	[sflag:s7] =	ssyncpa.u1 $0x0;
	s11 =	smul.u32 $0x1F40, s10  }
0x6f: {  	s24 =	simm.s32 $0x0;
	s6 =	sadd.s32 $0x85C00, s0;
	[sflag:s8] =	ssyncpa.u1 $0x0  }
.Ltmp6:
0x70: {  	s23 =	smov.u32 s3;
	p0 =	sne.s32 s9, s11;
	(pc) =	sbr.rel .LBB3_1-.Ltmp6, $4  }
0x71: {  	s1 =	sadd.s32 $0x8AC00, s0;
	[sflag:s31] =	ssyncpa.u1 $0x0;
	s2 =	simm.s32 @!p0 $0x0  }
0x72: {  	s5 =	sadd.s32 $0x5000, s0;
	p0 =	por $0x0, $0x0;
	s9 =	sadd.s32 s2, s10  }
0x73: {  	vm0 =	vmmov $0xffff;
	v2 =	vlaneseq.u32;
	s10 =	sshll.u32 s14, $0x1;
	s14 =	sshllo.u32 s14, $0x1;
	s11 =	sadd.s32 $0x1, s9  }
0x74: {  	vm1 =	vmxor vm1, vm1;
	vm2 =	vmmov $0x1;
	vm3 =	vcmask $0x3F3C;
	s12 =	sadd.s32 $0x2, s9;
	s13 =	sor.u32 $0x81, s10;
	s15 =	sor.u32 $0x80, s10  }
.LBB3_9:
0x75: {  	p1 =	slt.u32 s24, $0x3  }
0x76: {  	s0 =	simm.s32 @!p1 $0x2  }
0x77: {  	_ =	swait.ge @!p1 [sflag:s0], $0x1F40  }
0x78: {  	[sflag:s0] =	ssyncset.done @!p1 $0x0  }
0x79: {  	[sflag:s0] =	ssyncadd.s32 @!p1 $0xFFFFE0C0;
	s0 =	simm.s32 @!p1 $0x9  }
0x7a: {  	_ =	swait.ge @!p1 [sflag:s0], $0x10  }
0x7b: {  	[sflag:s0] =	ssyncset.done @!p1 $0x0  }
0x7c: {  	[sflag:s0] =	ssyncadd.s32 @!p1 $0xFFFFFFF0;
	p1 =	sne.s32 s24, s12  }
.Ltmp7:
0x7d: {  	s2 =	sadd.s32 $0x1F40, s23;
	(pc) =	sbr.rel @!p1 .LBB3_10-.Ltmp7, $4  }
0x7e: {  	s22 =	smov.u32 s3;
	s31 =	sadd.s32 $0x1, s24;
	s17 =	sadd.s32 $0x1F40, s17  }
0x7f: {  	s18 =	sadd.s32 $0x1, s18;
	s25 =	smov.u32 s23;
	p2 =	slt.s32 s2, s4  }
0x80: {  	p0 =	por !p0, !p0;
	s19 =	sadd.s32 $0x1F40, s19;
	s22 =	smov.u32 @p2 s2  }
0x81: {  	s20 =	sadd.s32 $0x1, s20;
	s23 =	smov.u32 s22;
	s24 =	smov.u32 s31  }
.LBB3_1:
0x82: {  	p1 =	sge.u32 s24, s9  }
0x83: {  	s0 =	smulhi.u32 @!p1 $0xAAAAAAAB, s24;
	_ =	sdelay $0x1  }
0x84: {  	s0 =	sshrl.u32 @!p1 s0, $0x1  }
0x85: {  	s0 =	smul.u32 @!p1 $0x3, s0;
	_ =	sdelay $0x1  }
0x86: {  	s0 =	ssub.s32 @!p1 s24, s0  }
0x87: {  	s0 =	smul.u32 @!p1 $0x7D00, s0;
	_ =	sdelay $0x1  }
0x88: {  	s2 =	sshrl.u32 @!p1 s23, $0x3;
	s0 =	sshrl.u32 @!p1 s0, $0x2  }
0x89: {  	s22 =	sand.u32 @!p1 $0x7, s23;
	s2 =	sadd.s32 @!p1 s5, s2;
	s0 =	sadd.s32 @!p1 $0x100, s0  }
0x8a: {  	[tilespmem:s0], [sflag:$0x7] =	stream.linear.gather @!p1 [hbm4b:s2+s22], $0x1F40, $0x38;
	[tilespmem:$0x11A60] =	vst v63  }
0x8b: {  	s0 =	sadd.s32 $0xFFFFFFFF, s24  }
0x8c: {  	p1 =	sge.u32 s0, s9  }
.Ltmp8:
0x8d: {  	_ = 	snop;
	(pc) =	sbr.rel @p1 .LBB3_5-.Ltmp8, $1  }
0x8e: {  	_ =	sdelay $0x3  }
0x8f: {  	s2 =	smulhi.u32 $0xAAAAAAAB, s0;
	_ =	sdelay $0x1  }
0x90: {  	s2 =	sshrl.u32 s2, $0x1  }
0x91: {  	s2 =	smul.u32 $0x3, s2;
	_ =	sdelay $0x1  }
0x92: {  	s2 =	ssub.s32 s0, s2  }
0x93: {  	s2 =	smul.u32 $0x7D00, s2  }
0x94: {  	_ =	swait.ge [sflag:s7], $0x1F40  }
0x95: {  	[sflag:s7] =	ssyncset.done $0x0;
	s2 =	sshrl.u32 s2, $0x2  }
0x96: {  	[sflag:s7] =	ssyncadd.s32 $0xFFFFE0C0;
	(ifvalue) =	ssetifvalue $0xFFFFFFFF;
	v3 =	vld.msk [tilespmem:s2+$0x100 ss:$0x1], $0xffff;
	_ =	sdelay $0x2  }
0x97: {  	s30 =	smulhi.u32 $0xAAAAAAAB, s18;
	p1 =	sne.s32 s24, $0x1  }
0x98: {  	v4 =	vimm.s32 @!p1 $0x0  }
0x99: {  	s2 =	sshrl.u32 s30, $0x1;
	v4 =	vperm.xlane @!p1 v3, v4  }
0x9a: {  	s22 =	sshll.u32 s24, $0x4;
	s2 =	smul.u32 $0xFFFE8900, s2;
	vm4 =	vlt.u32 v3, $0xAF000  }
0x9b: {  	s22 =	sand.u32 $0x10, s22;
	v3 =	vnsel vm4, $0xFFFFFFFE, v3;
	vm4 =	vlt.u32 @!p1 v4, $0xAF000  }
0x9c: {  	s2 =	sshra.s32 s2, $0x2;
	[tilespmem:s22+$0x60] =	vst v3;
	v3 =	vnsel @!p1 vm4, $0xFFFFFFFE, v4  }
0x9d: {  	s28 =	sadd.s32 s2, s17;
	[tilespmem:$0x80] =	vst @!p1 v3  }
0x9e: {  	v3 =	vld.msk [tilespmem:s28+$0x0 ss:$0x1], $0xffff;
	_ =	sdelay $0x4  }
0x9f: {  	(xrf1) =	vunique.msk.u32 $0xffff, v3;
	_ =	sdelay $0xd  }
0xa0: {  	v4 =	vimm.s32 $0xFFFFFFFF;
	v5, _, _ =	vpop (xrf1)  }
0xa1: {  	vm5 =	vne.s32 v3, v4;
	vm4 =	veq.s32 v5, v2  }
0xa2: {  	vm6 =	vlt.u32 v3, $0xAF000;
	vm4 =	vmand vm5, vm4  }
0xa3: {  	vm4 =	vmand vm6, vm4  }
0xa4: {  	v4 =	vnsel vm4, $0xFFFFFFFF, v3  }
0xa5: {  	s31 =	sand.u32 $0x1, s0  }
0xa6: {  	s0 =	simm.s32 $0x1F40;
	p1 =	seq.s32 s31, $0x1  }
0xa7: {  	s0 =	simm.s32 @!p1 $0x0  }
0xa8: {  	s26 =	sadd.s32 $0x7DF0, s0;
	(ifvalue) =	ssetifvalue $0xFFFFFFFF  }
0xa9: {  	v3 =	vperm.xlane v3, v1;
	[tilespmem:s26], [sflag:$0x8] =	stream.indirect_vreg.gather [hbm4b:s1+s16], $0x1, v4, vm0, $0x4038;
	v4 =	vnsel vm6, $0xFFFFFFFE, v4;
	[tilespmem:$0x11A60] =	vst v63  }
0xaa: {  	s2 =	simm.s32 $0x0;
	s22 =	sadd.s32 $0xFFFFFFF0, s28;
	[tilespmem:s28+$0x0] =	vst v4  }
.LBB3_3:
0xab: {  	v4 =	vld.msk [tilespmem:s22+$0x0 ss:$0x1], $0xffff;
	s2 =	sadd.s32 $0x10, s2;
	v5 =	vmov v3;
	s28 =	smov.u32 s22  }
0xac: {  	p1 =	slt.u32 s2, $0x1F30;
	_ =	sdelay $0x4  }
0xad: {  	v3 =	vperm.xlane v4, v1;
	(xrf1) =	vunique.msk.u32 $0xffff, v4;
	_ =	sdelay $0xd  }
0xae: {  	v6, _, _ =	vpop (xrf1)  }
0xaf: {  	vm5 =	vne.s32 v4, v5;
	vm4 =	veq.s32 v6, v2  }
0xb0: {  	vm6 =	vlt.u32 v4, $0xAF000;
	vm4 =	vmand vm5, vm4  }
0xb1: {  	vm4 =	vmand vm6, vm4  }
0xb2: {  	v4 =	vnsel vm4, $0xFFFFFFFF, v4  }
.Ltmp9:
0xb3: {  	v5 =	vnsel vm6, $0xFFFFFFFE, v4;
	(pc) =	sbr.rel @p1 .LBB3_3-.Ltmp9, $3  }
0xb4: {  	_ =	sdelay $0x1  }
0xb5: {  	s22 =	sadd.s32 $0xFFFFFFF0, s22;
	s26 =	sadd.s32 $0xFFFFFFF0, s26;
	(ifvalue) =	ssetifvalue $0xFFFFFFFF  }
0xb6: {  	[tilespmem:s26], [sflag:$0x8] =	stream.indirect_vreg.gather [hbm4b:s1+s16], $0x1, v4, vm0, $0x4038;
	[tilespmem:s28+$0x0] =	vst v5  }
0xb7: {  	s2 =	sshrl.u32 s25, $0x3  }
0xb8: {  	s0 =	sadd.s32 $0x9D40, s0;
	s2 =	sadd.s32 s6, s2  }
0xb9: {  	[tilespmem:s0], [sflag:$0x8] =	stream.linear.gather [hbm:s2], $0x1F40, $0x38;
	[tilespmem:$0x11A60] =	vst v63  }
.LBB3_5:
0xba: {  	p1 =	slt.u32 s24, $0x2  }
0xbb: {  	p2 =	sge.u32 @!p1 s24, s12  }
0xbc: {  	p1 =	por p1, p2  }
.Ltmp10:
0xbd: {  	_ = 	snop;
	(pc) =	sbr.rel @p1 .LBB3_9-.Ltmp10, $1  }
0xbe: {  	_ =	sdelay $0x3  }
0xbf: {  	s0 =	sadd.s32 $0xFFFFFFFE, s24  }
0xc0: {  	s2 =	smulhi.u32 $0xAAAAAAAB, s0;
	_ =	sdelay $0x1  }
0xc1: {  	s2 =	sshrl.u32 s2, $0x1  }
0xc2: {  	s2 =	smul.u32 $0x3, s2;
	_ =	sdelay $0x1  }
0xc3: {  	s0 =	ssub.s32 s0, s2  }
0xc4: {  	_ =	swait.ge [sflag:s8], $0x3E80;
	s0 =	smul.u32 $0x1F40, s0  }
0xc5: {  	p1 =	sne.s32 s24, s11;
	[sflag:s8] =	ssyncset.done $0x0  }
0xc6: {  	[sflag:s8] =	ssyncadd.s32 $0xFFFFC180;
	s2 =	sadd.s32 @!p1 $0x203F, s0  }
0xc7: {  	[spmem:s13] =	stream.linear.scatter @!p1 [tilespmem:s2], [sflag:$0x1], $0x1, $0x38;
	[tilespmem:$0x11A60] =	vst v63  }
0xc8: {  	s2 =	simm.s32 @!p1 $0x1  }
0xc9: {  	_ =	swait.ge @!p1 [sflag:s2], $0x1  }
0xca: {  	s22 =	sshll.u32 s24, $0x4;
	[sflag:s2] =	ssyncset.done @!p1 $0x0  }
0xcb: {  	s25 =	sand.u32 $0x10, s22;
	[sflag:s2] =	ssyncadd.s32 @!p1 $0xFFFFFFFF  }
0xcc: {  	s2 =	sxor.u32 $0x10, s25;
	v4 =	vld [tilespmem:s25+$0x10]  }
0xcd: {  	v5 =	vld [tilespmem:s2+$0x60]  }
0xce: {  	v3 =	vld [tilespmem:$0x80];
	_ =	sdelay $0x2  }
0xcf: {  	(v2sf) =	vpush v4, $0x0  }
0xd0: {  	(v2sf) =	vpush v5, $0x0  }
0xd1: {  	(v2sf) =	vpush v3, $0x0;
	_ =	sdelay $0xc  }
0xd2: {  	s22 =	spop (v2sf)  }
0xd3: {  	s26 =	spop (v2sf)  }
0xd4: {  	s28 =	spop (v2sf)  }
0xd5: {  	p2 =	seq.s32 s22, s26;
	p3 =	seq.s32 s28, s22  }
0xd6: {  	p3 =	por p2, p3  }
0xd7: {  	s26 =	sand.u32 $0x1, s24;
	v4 =	vpsel p3, $0xFFFFFFFF, v4  }
0xd8: {  	s29 =	smul.u32 $0x1F40, s26;
	[tilespmem:s25+$0x10] =	vst.msk $0x1, v4  }
0xd9: {  	v4 =	vld [tilespmem:$0x30]  }
0xda: {  	v5 =	vld [tilespmem:s29+$0x9D40]  }
0xdb: {  	v6 =	vld [tilespmem:s25+$0x40];
	_ =	sdelay $0x3  }
0xdc: {  	vm4 =	vmmov vm1;
	v5 =	vadd.f32 v5, v4  }
0xdd: {  	vm5 =	vmmov vm2;
	vm4 =	vmmov @p2 vm2;
	s22 =	sshll.u32 s26, $0x4;
	v4 =	vadd.f32 v6, v4  }
0xde: {  	s26 =	sor.u32 $0x11A40, s22;
	vm5 =	vmmov @p3 vm1;
	[tilespmem:s29+$0x9D40] =	vst.msk vm4, v5  }
0xdf: {  	[tilespmem:s26+$0x0] =	vst.msk vm5, v4  }
0xe0: {  	v4 =	vld [tilespmem:s29+$0x7DF0];
	_ =	sdelay $0x3  }
0xe1: {  	v5 =	vimm.f32 $0.0e+00  }
0xe2: {  	v4 =	vshift.insert v4, v5, s21  }
0xe3: {  	s22 =	sor.u32 $0x40, s2  }
0xe4: {  	[tilespmem:s22+$0x0] =	vst.msk $0x1, v4  }
0xe5: {  	[tilespmem:s29+$0x7DFF] =	vst.msk $0x1, v5  }
0xe6: {  	v4 =	vld [tilespmem:s0+$0x2030];
	_ =	sdelay $0x1  }
0xe7: {  	s22 =	smulhi.u32 $0xAAAAAAAB, s20;
	s0 =	simm.s32 $0x1  }
0xe8: {  	s0 =	simm.s32 @!p0 $0x0  }
0xe9: {  	s22 =	sshrl.u32 s22, $0x1;
	s0 =	smul.u32 $0x7D00, s0  }
0xea: {  	s22 =	smul.u32 $0xFFFE8900, s22;
	v4 =	vshift.insert v4, v1, s21  }
0xeb: {  	s0 =	sshrl.u32 s0, $0x2  }
0xec: {  	s22 =	sshra.s32 s22, $0x2;
	s30 =	sadd.s32 $0x9D40, s0;
	[tilespmem:s2+$0x10] =	vst.msk $0x1, v4  }
0xed: {  	s22 =	sadd.s32 s22, s19;
	v6 =	vld [tilespmem:s30+$0x0]  }
0xee: {  	v7 =	vld [tilespmem:s22+$0x0];
	_ =	sdelay $0x3  }
0xef: {  	v5 =	vadd.f32 v6, v5  }
0xf0: {  	vm4 =	vne.s32 v7, $0xFFFFFFFF  }
0xf1: {  	(xrf2) =	vadd.seg.scan.f32 vm4, v5;
	_ =	sdelay $0x3  }
0xf2: {  	s31 =	sadd.s32 $0x5EC0, s0;
	v5 =	vperm.xlane v4, v1  }
0xf3: {  	v6 =	vld [tilespmem:s31+$0x0]  }
0xf4: {  	vm5 =	veq.s32 v7, v3;
	vm6 =	veq.s32 v7, v5  }
0xf5: {  	vm7 =	vgt.u32 v7, $0xFFFFFFFD;
	vm6 =	vmor vm6, vm5  }
0xf6: {  	vm6 =	vmor vm6, vm7  }
0xf7: {  	v9 =	vld [tilespmem:$0xA0];
	v7 =	vsel vm6, $0xFFFFFFFF, v7  }
0xf8: {  	v10 =	vld [tilespmem:$0x90];
	v6 =	vsel vm5, $0x0, v6;
	v8, _, _ =	vpop (xrf2)  }
0xf9: {  	v6 =	vadd.f32 v8, v6  }
0xfa: {  	s0 =	sadd.s32 $0xDBC0, s0  }
0xfb: {  	vm4 =	vmand vm4, vm3;
	[tilespmem:s0+$0x0] =	vst v6;
	(ifvalue) =	ssetifvalue $0xFFFFFFFF  }
0xfc: {  	vm6 =	veq.s32 v9, $0x1;
	[hbm4b:s1+s16] =	stream.indirect_vreg.scatter [tilespmem:s0], [sflag:$0x2], $0x1, v7, vm0, $0x4038;
	v7 =	vsel vm4, $0x0, v8;
	[tilespmem:$0x11A60] =	vst v63  }
0xfd: {  	s2 =	simm.s32 $0x0;
	s22 =	sadd.s32 $0x10, s22;
	vm4 =	vmor vm6, vm5;
	v6 =	vsel vm5, v8, v10;
	v7 =	vshift.insert v7, v0, s21  }
.LBB3_7:
0xfe: {  	v8 =	vld [tilespmem:s22+$0x0];
	s30 =	sadd.s32 $0x10, s30  }
0xff: {  	s31 =	sadd.s32 $0x10, s31;
	v9 =	vld [tilespmem:s30+$0x0]  }
0x100: {  	s2 =	sadd.s32 $0x10, s2;
	v10 =	vld [tilespmem:s31+$0x0]  }
0x101: {  	p2 =	slt.u32 s2, $0x1F30;
	_ =	sdelay $0x2  }
0x102: {  	v7 =	vadd.f32 v9, v7  }
0x103: {  	vm5 =	vne.s32 v8, $0xFFFFFFFF  }
0x104: {  	vm6 =	vmand vm5, vm3;
	(xrf2) =	vadd.seg.scan.f32 vm5, v7;
	_ =	sdelay $0x5  }
0x105: {  	vm7 =	veq.s32 v8, v5;
	vm5 =	veq.s32 v8, v3  }
0x106: {  	vm8 =	vgt.u32 v8, $0xFFFFFFFD;
	vm4 =	vmor vm4, vm5;
	vm7 =	vmor vm7, vm5  }
0x107: {  	vm7 =	vmor vm7, vm8  }
0x108: {  	v8 =	vsel vm7, $0xFFFFFFFF, v8  }
.Ltmp11:
0x109: {  	v7 =	vsel vm5, $0x0, v10;
	v9, _, _ =	vpop (xrf2);
	(pc) =	sbr.rel @p2 .LBB3_7-.Ltmp11, $4  }
0x10a: {  	v6 =	vsel vm5, v9, v6;
	v10 =	vadd.f32 v9, v7;
	v7 =	vsel vm6, $0x0, v9  }
0x10b: {  	s0 =	sadd.s32 $0x10, s0;
	v7 =	vshift.insert v7, v0, s21  }
0x10c: {  	s22 =	sadd.s32 $0x10, s22;
	[tilespmem:s0+$0x0] =	vst v10;
	(ifvalue) =	ssetifvalue $0xFFFFFFFF  }
0x10d: {  	[hbm4b:s1+s16] =	stream.indirect_vreg.scatter [tilespmem:s0], [sflag:$0x2], $0x1, v8, vm0, $0x4038;
	[tilespmem:$0x11A60] =	vst v63  }
0x10e: {  	v3 =	vld [tilespmem:s29+$0xFAF0];
	_ =	sdelay $0x4  }
0x10f: {  	v3 =	vshift.insert v3, v0, s21  }
0x110: {  	s0 =	simm.s32 $0x30  }
0x111: {  	[tilespmem:s0+$0x0] =	vst.msk $0x1, v3  }
0x112: {  	v3 =	vsel vm4, $0x1, v1;
	[tilespmem:$0x90] =	vst v6  }
0x113: {  	s0 =	sadd.s32 @!p1 $0xFAFF, s29;
	[tilespmem:$0xA0] =	vst v3  }
0x114: {  	[spmem:s14] =	stream.linear.scatter @!p1 [tilespmem:s0], [sflag:$0x1], $0x1, $0x38;
	[tilespmem:$0x11A60] =	vst v63  }
0x115: {  	s0 =	simm.s32 @!p1 $0x1  }
0x116: {  	v3 =	vmctz.xlane @!p1 vm4;
	_ =	swait.ge @!p1 [sflag:s0], $0x1  }
0x117: {  	(v2sf) =	vpush @!p1 v4, $0x0  }
0x118: {  	(v2sf) =	vpush @!p1 v3, $0x0;
	_ =	sdelay $0xd  }
0x119: {  	s2 =	spop @!p1 (v2sf)  }
0x11a: {  	s22 =	spop @!p1 (v2sf)  }
0x11b: {  	p2 =	sne.s32 @!p1 s28, s2;
	p3 =	slt.s32 @!p1 s22, $0xF  }
0x11c: {  	[sflag:s0] =	ssyncset.done @!p1 $0x0;
	p2 =	por p2, p1;
	p3 =	por !p3, p1  }
0x11d: {  	[sflag:s0] =	ssyncadd.s32 @!p1 $0xFFFFFFFF;
	v3 =	vimm.s32 @!p2 $0xFFFFFFFF;
	s22 =	simm.s32 @p3 $0xF  }
0x11e: {  	[tilespmem:$0x80] =	vst @!p2 v3;
	s2 =	sadd.s32 @!p1 $0x90, s22  }
0x11f: {  	[spmem:s10] =	stream.linear.scatter @!p1 [tilespmem:s2], [sflag:$0x1], $0x1, $0x38;
	[tilespmem:$0x11A60] =	vst v63  }
0x120: {  	_ =	swait.ge @!p1 [sflag:s0], $0x1  }
0x121: {  	[sflag:s0] =	ssyncset.done @!p1 $0x0  }
0x122: {  	s2 =	simm.s32 @!p1 $0x80;
	[sflag:s0] =	ssyncadd.s32 @!p1 $0xFFFFFFFF  }
0x123: {  	[spmem:s15] =	stream.linear.scatter @!p1 [tilespmem:s2], [sflag:$0x1], $0x1, $0x38;
	[tilespmem:$0x11A60] =	vst v63  }
0x124: {  	_ =	swait.ge @!p1 [sflag:s0], $0x1  }
0x125: {  	[sflag:s0] =	ssyncset.done @!p1 $0x0  }
0x126: {  	[sflag:s0] =	ssyncadd.s32 @!p1 $0xFFFFFFFF;
	(ifvalue) =	ssetifvalue $0xFFFFFFFF;
	v3 =	vld [tilespmem:s25+$0x10];
	_ =	sdelay $0x3  }
.Ltmp12:
0x127: {  	_ = 	snop;
	(pc) =	sbr.rel .LBB3_9-.Ltmp12, $3  }
0x128: {  	_ =	sdelay $0x1  }
0x129: {  	(ifvalue) =	ssetifvalue $0xFFFFFFFF  }
0x12a: {  	[hbm4b:s1+s16] =	stream.indirect_vreg.scatter [tilespmem:s26], [sflag:$0x9], $0x1, v3, vm0, $0x4038;
	[tilespmem:$0x11A60] =	vst v63  }
.LBB3_10:
0x12b: {  	_ =	sfence.sel $0x180000  }
0x12c: {  	s0 =	simm.s32 $0x7;
	[bflag:$0x0] =	sbarrier.arrive $0xFFFF  }
0x12d: {  	s26 =	simm.s32 $0x8;
	[sflag:s0] =	ssyncpa.u1 $0x1  }
0x12e: {  	s28 =	simm.s32 $0x9;
	[sflag:s26] =	ssyncpa.u1 $0x1  }
0x12f: {  	[sflag:s28] =	ssyncpa.u1 $0x1  }
0x130: {  	_ =	sfence.stream.spmem  }
0x131: {  	s29 =	simm.s32 $0x3;
	[bflag:$0x0] =	sbarrier.arrive $0xFFFF  }
0x132: {  	s30 =	simm.s32 $0x4;
	[sflag:s29] =	ssyncpa.u1 $0x1  }
0x133: {  	s31 =	simm.s32 $0x3C;
	s2 =	stileid.u32;
	[sflag:s30] =	ssyncpa.u1 $0x1  }
0x134: {  	p0 =	sne.s32 s2, $0x0;
	[sflag:s31] =	ssyncpa.u1 $0x1  }
0x135: {  	s0 =	simm.s32 @p0 $0x1;
	_ =	sfence @p0  }
0x136: {  	[sflag:s0] =	ssyncpa.u1 @p0 $0x1;
	s0 =	simm.s32 @p0 $0x2  }
0x137: {  	[sflag:s0] =	ssyncpa.u1 @p0 $0x1  }
0x138: {  	_ =	strace @p0 $0x90000062  }
0x139: {  	[bflag:$0x2] =	sbarrier.arrive @p0 $0xFFFF  }
0x13a: {  	_ =	shalt @p0  }
.LBB3_11:
0x13b: {  	_ =	sfence.stream.spmem;
	s0 =	simm.s32 $0x5  }
0x13c: {  	s2 =	simm.s32 $0x80;
	s3 =	simm.s32 $0xC0;
	[sflag:s0] =	ssyncpa.u1 $0x0  }
0x13d: {  	[tilespmem:s3], [sflag:$0x5] =	stream.linear.gather [spmem:s2], $0x20, $0x38;
	[tilespmem:$0x11A60] =	vst v63  }
0x13e: {  	s2 =	simm.s32 $0x0;
	s3 =	simm.s32 $0xE0  }
0x13f: {  	[tilespmem:s3], [sflag:$0x5] =	stream.linear.gather [spmem:s2], $0x20, $0x38;
	[tilespmem:$0x11A60] =	vst v63  }
.Ltmp13:
0x140: {  	_ = 	snop;
	(pc) =	sbr.rel .LBB3_12-.Ltmp13, $4  }
0x141: {  	_ =	swait.ge [sflag:s0], $0x40  }
0x142: {  	[sflag:s0] =	ssyncset.done $0x0  }
0x143: {  	s31 =	simm.s32 $0x6;
	[sflag:s0] =	ssyncadd.s32 $0xFFFFFFC0  }
0x144: {  	s4 =	simm.s32 $0x0;
	[sflag:s31] =	ssyncpa.u1 $0x0  }
.LBB3_17:
0x145: {  	p0 =	sgt.u32 s5, $0xAEFFF  }
0x146: {  	s0 =	sshrl.u32 @!p0 s5, $0x3  }
0x147: {  	s5 =	sand.u32 @!p0 $0x7, s5;
	s6 =	simm.s32 @!p0 $0xB0;
	s0 =	sadd.s32 @!p0 s1, s0  }
0x148: {  	[tilespmem:s6], [sflag:$0x6] =	stream.linear.gather @!p0 [hbm4b:s0+s5], $0x1, $0x38;
	[tilespmem:$0x11A60] =	vst v63  }
0x149: {  	s0 =	simm.s32 @!p0 $0x6  }
0x14a: {  	_ =	swait.ge @!p0 [sflag:s0], $0x1  }
0x14b: {  	[sflag:s0] =	ssyncset.done @!p0 $0x0  }
0x14c: {  	[sflag:s0] =	ssyncadd.s32 @!p0 $0xFFFFFFFF  }
0x14d: {  	v2 =	vmov @!p0 s4;
	v1 =	vld.msk @!p0 [tilespmem:$0xB0], $0x1;
	_ =	sdelay $0x3  }
0x14e: {  	s0 =	simm.s32 @!p0 $0xE0  }
0x14f: {  	[tilespmem:v2+s0+$0x0], v1 =	vst.idx.ret.add.f32.msk @!p0 $0x1, v1  }
0x150: {  	[tilespmem:s2+$0xC0] =	vst.msk $0x1, v0  }
0x151: {  	v0 =	vld.msk [tilespmem:s4+$0xE0], $0x1;
	_ =	sdelay $0x4  }
0x152: {  	[tilespmem:s2+$0xE0] =	vst.msk $0x1, v0;
	s2 =	sadd.s32 $0x1, s2  }
.LBB3_19:
0x153: {  	s4 =	sadd.s32 $0x1, s4  }
0x154: {  	p0 =	sne.s32 s4, $0x20  }
.Ltmp14:
0x155: {  	_ = 	snop;
	(pc) =	sbr.rel @!p0 .LBB3_20-.Ltmp14, $1  }
0x156: {  	_ =	sdelay $0x3  }
.LBB3_12:
0x157: {  	v0 =	vld.msk [tilespmem:s4+$0xC0], $0x1;
	_ =	sdelay $0x4  }
0x158: {  	(v2sf) =	vpush v0, $0x0;
	_ =	sdelay $0xe  }
0x159: {  	s5 =	spop (v2sf)  }
0x15a: {  	p0 =	seq.s32 s5, $0xFFFFFFFF  }
.Ltmp15:
0x15b: {  	_ = 	snop;
	(pc) =	sbr.rel @p0 .LBB3_19-.Ltmp15, $1  }
0x15c: {  	_ =	sdelay $0x3  }
0x15d: {  	p0 =	slt.s32 s2, $0x1  }
.Ltmp16:
0x15e: {  	_ = 	snop;
	(pc) =	sbr.rel @p0 .LBB3_17-.Ltmp16, $1  }
0x15f: {  	_ =	sdelay $0x3  }
0x160: {  	s0 =	simm.s32 $0xC0;
	p0 =	por $0x0, $0x0  }
0x161: {  	v1 =	vld.msk @!p0 [tilespmem:s0+$0x0], $0x1;
	_ =	sdelay $0x4  }
0x162: {  	(v2sf) =	vpush @!p0 v1, $0x0;
	_ =	sdelay $0xd  }
0x163: {  	p2 =	sne.s32 s2, $0x1  }
.Ltmp17:
0x164: {  	s6 =	spop @!p0 (v2sf);
	(pc) =	sbr.rel @!p2 .LBB3_16-.Ltmp17, $4  }
0x165: {  	p1 =	seq.s32 @!p0 s5, s6  }
0x166: {  	s6 =	simm.s32 $0x0;
	p1 =	por !p1, p0  }
0x167: {  	s8 =	simm.s32 $0xFFFFFFFF;
	s6 =	simm.s32 @p1 $0xFFFFFFFF  }
0x168: {  	s7 =	simm.s32 $0x1;
	s6 =	smov.u32 @p0 s8  }
.LBB3_15:
0x169: {  	s8 =	smov.u32 s6;
	p0 =	sne.s32 s6, $0xFFFFFFFF  }
0x16a: {  	s0 =	sadd.s32 $0x1, s0;
	s6 =	smov.u32 s7;
	s7 =	sadd.s32 $0x1, s7  }
0x16b: {  	p1 =	sne.s32 s2, s7;
	v1 =	vld.msk @!p0 [tilespmem:s0+$0x0], $0x1;
	_ =	sdelay $0x4  }
0x16c: {  	(v2sf) =	vpush @!p0 v1, $0x0;
	_ =	sdelay $0xe  }
.Ltmp18:
0x16d: {  	s9 =	spop @!p0 (v2sf);
	(pc) =	sbr.rel @p1 .LBB3_15-.Ltmp18, $4  }
0x16e: {  	p2 =	seq.s32 @!p0 s5, s9  }
0x16f: {  	p2 =	por !p2, p0  }
0x170: {  	s6 =	simm.s32 @p2 $0xFFFFFFFF  }
0x171: {  	s6 =	smov.u32 @p0 s8  }
.LBB3_16:
0x172: {  	p0 =	sne.s32 s6, $0xFFFFFFFF  }
.Ltmp19:
0x173: {  	_ = 	snop;
	(pc) =	sbr.rel @!p0 .LBB3_17-.Ltmp19, $1  }
0x174: {  	_ =	sdelay $0x3  }
0x175: {  	v0 =	vld.msk [tilespmem:s4+$0xE0], $0x1;
	v1 =	vmov s6  }
.Ltmp20:
0x176: {  	_ = 	snop;
	(pc) =	sbr.rel .LBB3_19-.Ltmp20, $2  }
0x177: {  	_ =	sdelay $0x2  }
0x178: {  	[tilespmem:v1+s3+$0x0], v0 =	vst.idx.ret.add.f32.msk $0x1, v0  }
.LBB3_20:
0x179: {  	p0 =	slt.s32 s2, $0x1  }
.Ltmp21:
0x17a: {  	_ = 	snop;
	(pc) =	sbr.rel @p0 .LBB3_24-.Ltmp21, $3  }
0x17b: {  	_ =	sdelay $0x1  }
0x17c: {  	s0 =	simm.s32 $0x6  }
0x17d: {  	s3 =	simm.s32 $0x0;
	[sflag:s0] =	ssyncpa.u1 $0x1  }
0x17e: {  	s0 =	simm.s32 $0xC0  }
0x17f: {  	v0 =	vld.msk [tilespmem:s0+$0x0], $0x1;
	_ =	sdelay $0x4  }
0x180: {  	(v2sf) =	vpush v0, $0x0;
	_ =	sdelay $0xe  }
0x181: {  	s2 =	sadd.s32 $0xFFFFFFFF, s2;
	s4 =	spop (v2sf)  }
0x182: {  	p1 =	sne.s32 s2, $0x0;
	p0 =	sgt.u32 s4, $0xAEFFF  }
.Ltmp22:
0x183: {  	s5 =	sshrl.u32 @!p0 s4, $0x3;
	(pc) =	sbr.rel @!p1 .LBB3_23-.Ltmp22, $4  }
0x184: {  	s0 =	simm.s32 $0xE0;
	s4 =	sand.u32 @!p0 $0x7, s4;
	s5 =	sadd.s32 @!p0 s1, s5  }
0x185: {  	[hbm4b:s5+s4] =	stream.linear.scatter @!p0 [tilespmem:s0], [sflag:$0x5], $0x1, $0x38;
	[tilespmem:$0x11A60] =	vst v63  }
0x186: {  	s5 =	simm.s32 $0x0  }
0x187: {  	s4 =	simm.s32 $0xC1;
	s5 =	simm.s32 @!p0 $0x4  }
.LBB3_22:
0x188: {  	v0 =	vld.msk [tilespmem:s4+$0x0], $0x1;
	s2 =	sadd.s32 $0xFFFFFFFF, s2;
	s3 =	sadd.s32 s3, s5  }
0x189: {  	p0 =	sne.s32 s2, $0x0;
	_ =	sdelay $0x3  }
0x18a: {  	(v2sf) =	vpush v0, $0x0;
	_ =	sdelay $0xe  }
.Ltmp23:
0x18b: {  	s6 =	spop (v2sf);
	(pc) =	sbr.rel @p0 .LBB3_22-.Ltmp23, $4  }
0x18c: {  	s5 =	simm.s32 $0x0;
	p1 =	sgt.u32 s6, $0xAEFFF  }
0x18d: {  	s0 =	sadd.s32 $0x1, s0;
	s5 =	simm.s32 @!p1 $0x4;
	s7 =	sshrl.u32 @!p1 s6, $0x3  }
0x18e: {  	s4 =	sadd.s32 $0x1, s4;
	s6 =	sand.u32 @!p1 $0x7, s6;
	s7 =	sadd.s32 @!p1 s1, s7  }
0x18f: {  	[hbm4b:s7+s6] =	stream.linear.scatter @!p1 [tilespmem:s0], [sflag:$0x5], $0x1, $0x38;
	[tilespmem:$0x11A60] =	vst v63  }
.LBB3_23:
0x190: {  	s0 =	sadd.s32 s3, s5  }
0x191: {  	s3 =	sshrl.u32 s0, $0x2  }
.LBB3_24:
0x192: {  	s0 =	simm.s32 $0x5  }
0x193: {  	_ =	swait.ge [sflag:s0], s3  }
0x194: {  	s1 =	ssub.s32 $0x0, s3;
	[sflag:s0] =	ssyncset.done $0x0  }
0x195: {  	[sflag:s0] =	ssyncadd.s32 s1  }
0x196: {  	[sflag:s0] =	ssyncpa.u1 $0x1  }
0x197: {  	s29 =	simm.s32 $0x1;
	_ =	sfence  }
0x198: {  	s30 =	simm.s32 $0x2;
	[sflag:s29] =	ssyncpa.u1 $0x1  }
0x199: {  	[sflag:s30] =	ssyncpa.u1 $0x1  }
0x19a: {  	_ =	strace $0x90000062  }
0x19b: {  	[bflag:$0x2] =	sbarrier.arrive $0xFFFF  }
0x19c: {  	s31 =	rddreg [dreg:$0x1]  }
0x19d: {  	s0 =	sadd.s32 $0x100000, s31  }
0x19e: {  	[sflag:s0] =	ssyncadd.tile.s32 $0x1;
	_ =	shalt  }
.Lfunc_end3:
_tile_overlayer_lowered:
.L_overlay_start_3:
0x19f: {  	(tag) =	ssettag $0x3  }
0x1a0: {  	s0 =	rddreg [dreg:$0x0];
	s2 =	stileid.u32  }
0x1a1: {  	s1 =	rddreg [dreg:$0x1];
	p0 =	sne.s32 s2, $0x0  }
0x1a2: {  	s3 =	rddreg [dreg:$0x2];
	[bflag:$0x3] =	sbarrier.arrive $0xFFFF;
	s2 =	simm.s32 @!p0 $0x1C01  }
0x1a3: {  	[timem:s3], [sflag:s2] =	dma.local @!p0 [hbm:s0], s1  }
0x1a4: {  	s0 =	simm.s32 @!p0 $0x1  }
0x1a5: {  	_ =	swait.ge @!p0 [sflag:s0], s1  }
0x1a6: {  	s1 =	ssub.s32 @!p0 $0x0, s1;
	[sflag:s0] =	ssyncset.done @!p0 $0x0  }
0x1a7: {  	[sflag:s0] =	ssyncadd.s32 @!p0 s1  }
0x1a8: {  	[bflag:$0x3] =	sbarrier.arrive $0xFFFF  }
0x1a9: {  	_ =	shalt  }

// kernel: scatter_offload_async_start
scs
__scs_entry_jumppad:
0x0: {  	(pc) =	sbr.rel $0x88, $3  }
0x1: {  	(tag) =	ssettag $0x0;
	lr =	simm.s32 $0x1  }
0x2: {  	[smem:$0x3F97] =	sst lr;
	_ =	strace $0xD0000000  }
0x3: {  	_ = 	snop  }
0x4: {  	_ = 	snop  }
0x5: {  	_ = 	snop  }
0x6: {  	_ = 	snop  }
0x7: {  	_ = 	snop  }
__scs_overlays_trampoline_lowered:
0x8: {  	[smem:$0x3FA6] =	sst s0  }
0x9: {  	[smem:$0x3FA7] =	sst s1  }
0xa: {  	[smem:$0x3FA8] =	sst s2  }
0xb: {  	[smem:$0x3FA9] =	sst s3  }
0xc: {  	[smem:$0x3FAA] =	sst s4  }
0xd: {  	[smem:$0x3FAB] =	sst s5  }
0xe: {  	[smem:$0x3FAC] =	sst s6  }
0xf: {  	[smem:$0x3FAD] =	sst s7  }
0x10: {  	[smem:$0x3FAE] =	sst s8  }
0x11: {  	[smem:$0x3FAF] =	sst s9;
	s0 =	simm.s32 @!p0 $0x0  }
0x12: {  	s1 =	sld [smem:$0x3F95];
	s0 =	simm.s32 @p0 $0x1  }
0x13: {  	[smem:$0x3FB0] =	sst s0;
	s0 =	simm.s32 @!p1 $0x0  }
0x14: {  	s2 =	sld [smem:$0x3F94];
	s0 =	simm.s32 @p1 $0x1  }
0x15: {  	[smem:$0x3FB1] =	sst s0;
	s0 =	simm.s32 @!p2 $0x0  }
0x16: {  	s3 =	sld [smem:$0x3FDB];
	s0 =	simm.s32 @p2 $0x1  }
0x17: {  	s4 =	simm.s32 $0x1BF5;
	[smem:$0x3FB3] =	sst s0  }
0x18: {  	s0 =	sld [smem:$0x3F96];
	_ =	swait.ge [sflag:s4], $0x0  }
0x19: {  	s7 =	sld [smem:$0x3F97]  }
0x1a: {  	s8 =	sadd.s32 $0xFFFFE003, lr  }
0x1b: {  	s9 =	sadd.s32 $0xFFFFFEF7, lr;
	s5 =	simm.s32 $0xFFFFFFFF;
	p2 =	slt.u32 s8, $0xFFFFF086  }
0x1c: {  	p1 =	slt.u32 s9, $0xF7A;
	s5 =	simm.s32 @!p2 $0x0  }
0x1d: {  	s5 =	simm.s32 @p1 $0x1;
	p0 =	seq.s32 s7, s2  }
0x1e: {  	s7 =	smul.u32 @!p0 $0xF7A, s2;
	p2 =	seq.s32 @!p0 s5, $0x0  }
0x1f: {  	s9 =	smul.u32 $0xF7A, s1;
	s8 =	simm.s32 @!p0 $0x1BF5;
	p2 =	por !p2, p0  }
0x20: {  	[sflag:s8] =	ssyncset.s32 @!p0 $0xFFFFF086;
	s6 =	sadd.s32 @!p0 s3, s7;
	s7 =	simm.s32 @!p0 $0x108  }
0x21: {  	s3 =	sadd.s32 s3, s9;
	s6 =	sadd.s32 @!p0 $0x88, s6;
	s7 =	simm.s32 @p2 $0x1082  }
0x22: {  	[simem:s7], [sflag:s8] =	dma.local @!p0 [hbm:s6], $0xF7A  }
0x23: {  	s9 =	sor.u32 $0xD0000000, s2;
	s6 =	simm.s32 $0x108;
	_ =	swait.ge @!p0 [sflag:s8], $0x0  }
0x24: {  	s3 =	sadd.s32 $0x88, s3;
	s6 =	simm.s32 @!p1 $0x1082;
	[sflag:s4] =	ssyncset.s32 $0xFFFFF086  }
0x25: {  	[simem:s6], [sflag:s4] =	dma.local [hbm:s3], $0xF7A  }
0x26: {  	[smem:$0x3F97] =	sst s1;
	(tag) =	ssettag s2;
	_ =	strace s9  }
0x27: {  	s1 =	sld [smem:$0x3FA7]  }
0x28: {  	s2 =	sld [smem:$0x3FA8]  }
0x29: {  	s4 =	sld [smem:$0x3FAA]  }
0x2a: {  	p0 =	seq.s32 s5, $0x0;
	s5 =	sld [smem:$0x3FAB]  }
0x2b: {  	s6 =	sld [smem:$0x3FAC]  }
0x2c: {  	s7 =	sld [smem:$0x3FAD]  }
0x2d: {  	s3 =	simm.s32 $0x108;
	s8 =	sld [smem:$0x3FAE]  }
0x2e: {  	s3 =	simm.s32 @!p0 $0x1082;
	s9 =	sld [smem:$0x3FAF]  }
0x2f: {  	lr =	sadd.s32 s0, s3;
	s0 =	sld [smem:$0x3FA6]  }
0x30: {  	s3 =	sld [smem:$0x3FA9]  }
0x31: {  	[smem:$0x3FB2] =	sst s10  }
0x32: {  	s10 =	sld [smem:$0x3FB0];
	_ =	sdelay $0x3  }
0x33: {  	p0 =	seq.s32 s10, $0x1;
	s10 =	sld [smem:$0x3FB2];
	_ =	sdelay $0x3  }
0x34: {  	[smem:$0x3FB2] =	sst s10  }
0x35: {  	s10 =	sld [smem:$0x3FB1];
	_ =	sdelay $0x3  }
0x36: {  	p1 =	seq.s32 s10, $0x1;
	s10 =	sld [smem:$0x3FB2];
	_ =	sdelay $0x3  }
0x37: {  	[smem:$0x3FB2] =	sst s10  }
0x38: {  	s10 =	sld [smem:$0x3FB3]  }
0x39: {  	_ = 	snop;
	(pc) =	sbr.ind lr, $3  }
0x3a: {  	_ = 	snop  }
0x3b: {  	_ = 	snop  }
0x3c: {  	p2 =	seq.s32 s10, $0x1;
	s10 =	sld [smem:$0x3FB2]  }
0x3d: {  	_ =	shalt  }
0x3e: {  	_ =	shalt  }
0x3f: {  	_ =	shalt  }
0x40: {  	_ =	shalt  }
0x41: {  	_ =	shalt  }
0x42: {  	_ =	shalt  }
0x43: {  	_ =	shalt  }
0x44: {  	_ =	shalt  }
0x45: {  	_ =	shalt  }
0x46: {  	_ =	shalt  }
0x47: {  	_ =	shalt  }
0x48: {  	_ =	shalt  }
0x49: {  	_ =	shalt  }
0x4a: {  	_ =	shalt  }
0x4b: {  	_ =	shalt  }
0x4c: {  	_ =	shalt  }
0x4d: {  	_ =	shalt  }
0x4e: {  	_ =	shalt  }
0x4f: {  	_ =	shalt  }
0x50: {  	_ =	shalt  }
0x51: {  	_ =	shalt  }
0x52: {  	_ =	shalt  }
0x53: {  	_ =	shalt  }
0x54: {  	_ =	shalt  }
0x55: {  	_ =	shalt  }
0x56: {  	_ =	shalt  }
0x57: {  	_ =	shalt  }
0x58: {  	_ =	shalt  }
0x59: {  	_ =	shalt  }
0x5a: {  	_ =	shalt  }
0x5b: {  	_ =	shalt  }
0x5c: {  	_ =	shalt  }
0x5d: {  	_ =	shalt  }
0x5e: {  	_ =	shalt  }
0x5f: {  	_ =	shalt  }
0x60: {  	_ =	shalt  }
0x61: {  	_ =	shalt  }
0x62: {  	_ =	shalt  }
0x63: {  	_ =	shalt  }
0x64: {  	_ =	shalt  }
0x65: {  	_ =	shalt  }
0x66: {  	_ =	shalt  }
0x67: {  	_ =	shalt  }
0x68: {  	_ =	shalt  }
0x69: {  	_ =	shalt  }
0x6a: {  	_ =	shalt  }
0x6b: {  	_ =	shalt  }
0x6c: {  	_ =	shalt  }
0x6d: {  	_ =	shalt  }
0x6e: {  	_ =	shalt  }
0x6f: {  	_ =	shalt  }
0x70: {  	_ =	shalt  }
0x71: {  	_ =	shalt  }
0x72: {  	_ =	shalt  }
0x73: {  	_ =	shalt  }
0x74: {  	_ =	shalt  }
0x75: {  	_ =	shalt  }
0x76: {  	_ =	shalt  }
0x77: {  	_ =	shalt  }
0x78: {  	_ =	shalt  }
0x79: {  	_ =	shalt  }
0x7a: {  	_ =	shalt  }
0x7b: {  	_ =	shalt  }
0x7c: {  	_ =	shalt  }
0x7d: {  	_ =	shalt  }
0x7e: {  	_ =	shalt  }
0x7f: {  	_ =	shalt  }
0x80: {  	_ =	shalt  }
0x81: {  	_ =	shalt  }
0x82: {  	_ =	shalt  }
0x83: {  	_ =	shalt  }
0x84: {  	_ =	shalt  }
0x85: {  	_ =	shalt  }
0x86: {  	_ =	shalt  }
0x87: {  	_ =	shalt  }
.Lfunc_end0:
.L_simem_size_0:
called_computation_lowered:
.L_overlay_start_0:
0x88: {  	s0 =	sld [smem:$0x3FD9]  }
0x89: {  	s1 =	sld [smem:$0x3FFE];
	_ =	sdelay $0x3  }
0x8a: {  	s0 =	sadd.s32 s1, s0  }
0x8b: {  	[smem:$0x3FBE] =	sst s0  }
0x8c: {  	_ = 	snop  }
0x8d: {  	(tm) =	ssettm $0x1  }
0x8e: {  	s14 =	sld [smem:$0x3FFB];
	_ =	sdelay $0x3  }
0x8f: {  	_ =	strace s14  }
0x90: {  	s0 =	sld [smem:$0x3FFC];
	_ =	sdelay $0x3  }
0x91: {  	_ =	strace s0  }
0x92: {  	s0 =	sld [smem:$0x3FFD];
	_ =	sdelay $0x3  }
0x93: {  	_ =	strace s0  }
0x94: {  	_ =	strace $0x8FFFFFFF  }
0x95: {  	s15 =	sld [smem:$0x3FDB];
	_ =	sdelay $0x1  }
0x96: {  	s16 =	simm.s32 $_scs_section_size  }
0x97: {  	s2 =	simm.s32 $_size__tile_overlayer_lowered;
	s3 =	simm.s32 $_tile_overlayer_lowered  }
0x98: {  	s4 =	simm.s32 $0x1BFF;
	s17 =	sshll.u32 s3, $0x1;
	s1 =	sadd.s32 s16, s15  }
0x99: {  	s18 =	simm.s32 $0x0;
	s2 =	sshll.u32 s2, $0x1;
	s3 =	sadd.s32 s17, s1  }
0x9a: {  	[timem:s18], [sflag:s4] =	dma.local [hbm:s3], s2  }
0x9b: {  	_ =	swait.ge [sflag:s4], s2  }
0x9c: {  	s2 =	ssub.s32 $0x0, s2;
	[sflag:s4] =	ssyncset.done $0x0  }
0x9d: {  	[sflag:s4] =	ssyncadd.s32 s2;
	_ =	sdelay $0x1  }
0x9e: {  	s19 =	simm.s32 $0x1B8B  }
0x9f: {  	_ =	swait.ge [sflag:s19], $0x1  }
0xa0: {  	[sflag:s19] =	ssyncset.done $0x0  }
0xa1: {  	s21 =	simm.s32 $0x1B8E;
	s20 =	sld [smem:$0x3FFE];
	[sflag:s19] =	ssyncadd.s32 $0xFFFFFFFF  }
0xa2: {  	s22 =	simm.s32 $execute0_lowered;
	[smem:$0x3FD2] =	sst s21  }
0xa3: {  	s3 =	sshll.u32 s22, $0x1;
	_ =	strace $0x80000058;
	[dreg:$0x1] =	wrdreg $0xFFFFFFFF  }
0xa4: {  	s23 =	simm.s32 $_size_execute0_lowered;
	s3 =	sadd.s32 s1, s3;
	[dreg:$0x0] =	wrdreg $0x0  }
0xa5: {  	s4 =	sshll.u32 s23, $0x1;
	[dreg:$0x2] =	wrdreg s3  }
0xa6: {  	[dreg:$0x3] =	wrdreg s4  }
0xa7: {  	[dreg:$0x4] =	wrdreg $0xC0  }
0xa8: {  	s24 =	simm.s32 $execute1_lowered;
	_ =	task [dreg:s18], $0x5FFFF  }
0xa9: {  	s3 =	sshll.u32 s24, $0x1;
	[dreg:$0x1] =	wrdreg $0xFFFFFFFF  }
0xaa: {  	s1 =	sadd.s32 s1, s3;
	[dreg:$0x0] =	wrdreg $0x60  }
0xab: {  	[dreg:$0x2] =	wrdreg s1  }
0xac: {  	[dreg:$0x3] =	wrdreg s20  }
0xad: {  	[dreg:$0x4] =	wrdreg $0x9  }
0xae: {  	_ =	task.clear_ibuf [dreg:s18], $0x5FFFF;
	_ =	strace $0x90000058  }
0xaf: {  	s25 =	simm.s32 $0x9;
	_ =	strace $0x8000005A  }
0xb0: {  	_ =	swait.ge [sflag:s25], $0x1  }
0xb1: {  	[sflag:s25] =	ssyncadd.s32 $0xFFFFFFFF  }
0xb2: {  	_ =	strace $0x9000005A  }
0xb3: {  	_ =	strace $0x8000005B;
	[dreg:$0x1] =	wrdreg $0xFFFFFFFF  }
0xb4: {  	[dreg:$0x0] =	wrdreg $0x2030  }
0xb5: {  	[dreg:$0x2] =	wrdreg s20  }
0xb6: {  	[dreg:$0x3] =	wrdreg $0xA  }
0xb7: {  	_ =	task.clear_ibuf [dreg:s18], $0x4FFFF;
	_ =	strace $0x9000005B  }
0xb8: {  	s26 =	simm.s32 $0xA;
	_ =	strace $0x8000005D  }
0xb9: {  	_ =	swait.ge [sflag:s26], $0x1  }
0xba: {  	[sflag:s26] =	ssyncadd.s32 $0xFFFFFFFF  }
0xbb: {  	_ =	strace $0x9000005D  }
0xbc: {  	_ =	sfence  }
0xbd: {  	s28 =	sld [smem:$0x0];
	_ =	sdelay $0x1  }
0xbe: {  	s29 =	srdreg.scid  }
0xbf: {  	s30 =	sshll.u32 s29, $0xD;
	s31 =	sshrl.u32 s29, $0x2  }
0xc0: {  	s2 =	sand.u32 $0x1, s29;
	s3 =	sand.u32 $0x4000, s30;
	s1 =	sadd.s32 s31, s28  }
0xc1: {  	s2 =	sor.u32 s3, s2;
	s1 =	sshll.u32 s1, $0x11  }
0xc2: {  	s1 =	sor.u32 s1, s2  }
0xc3: {  	s1 =	sadd.s32 $0x8F2B, s1  }
0xc4: {  	[sflag:s1] =	ssyncadd.remote.s32 $0x1  }
0xc5: {  	_ =	sfence.sel $0xFFFF  }
0xc6: {  	[dreg:$0x0] =	wrdreg $0xFFFFFFFF;
	(pc) =	sbr.abs _section_cstart, $3  }
0xc7: {  	[dreg:$0x1] =	wrdreg $0xFFFFFFFF  }
0xc8: {  	_ =	task.clear_ibuf [dreg:s18], $0x2FFFF;
	_ =	strace $0x9FFFFFFF  }
0xc9: {  	(tm) =	ssettm $0x7FFFFFFF  }
tec
execute0_lowered:
.L_overlay_start_1:
0x0: {  	(tag) =	ssettag $0x1  }
0x1: {  	s3 =	rddreg [dreg:$0x0];
	s4 =	stileid.u32  }
0x2: {  	s5 =	rddreg [dreg:$0x1];
	s2 =	smul.u32 $0x2BC0, s4  }
0x3: {  	s0 =	rddreg [dreg:$0x2];
	[bflag:$0x3] =	sbarrier.arrive $0xFFFF;
	s1 =	simm.s32 $_size_execute1_lowered  }
0x4: {  	s1 =	sshll.u32 s1, $0x1;
	p0 =	sne.s32 s4, $0x0;
	s6 =	ssub.s32 $0xAF000, s2  }
0x5: {  	s4 =	simm.s32 @!p0 $0x1C3F;
	s7 =	simm.s32 @!p0 $0x4060;
	s8 =	smulhi.u32 $0xBB3EF, s6  }
0x6: {  	[timem:s7], [sflag:s4] =	dma.local @!p0 [hbm:s3], s1  }
0x7: {  	s30 =	sshrl.u32 s8, $0x5  }
0x8: {  	s31 =	simm.s32 $0x2;
	s8 =	smul.u32 $0x2BC00, s30  }
.Ltmp0:
0x9: {  	s10 =	simm.s32 $0x0;
	s9 =	simm.s32 $0x0;
	(pc) =	sbr.rel .LBB2_1-.Ltmp0, $4  }
0xa: {  	s3 =	sadd.s32 $0x15400, s5;
	p1 =	sne.s32 s6, s8;
	s6 =	simm.s32 $0x1  }
0xb: {  	s4 =	simm.s32 $0x1;
	_ =	strace $0x80000059;
	s6 =	simm.s32 @!p1 $0x0  }
0xc: {  	s5 =	sadd.s32 $0x6FE00, s5;
	[sflag:s4] =	ssyncpa.u1 $0x0;
	s6 =	sadd.s32 s6, s30  }
0xd: {  	[sflag:s31] =	ssyncpa.u1 $0x0;
	s8 =	smov.u32 s2;
	s7 =	sadd.s32 $0x1, s6  }
.LBB2_7:
0xe: {  	s12 =	sadd.s32 $0x2BC00, s8  }
0xf: {  	p2 =	sgt.s32 s12, $0xAEFFF  }
0x10: {  	s12 =	smov.u32 @p2 s2;
	p2 =	sne.s32 s9, s7  }
.Ltmp1:
0x11: {  	p1 =	slt.u32 s9, $0x2;
	(pc) =	sbr.rel @!p2 .LBB2_8-.Ltmp1, $4  }
0x12: {  	s11 =	simm.s32 @!p1 $0x2  }
0x13: {  	_ =	swait.ge @!p1 [sflag:s11], $0x2BC0  }
0x14: {  	s13 =	sadd.s32 $0x1, s9;
	s10 =	smov.u32 s8;
	[sflag:s11] =	ssyncset.done @!p1 $0x0  }
0x15: {  	s9 =	smov.u32 s13;
	s8 =	smov.u32 s12;
	[sflag:s11] =	ssyncadd.s32 @!p1 $0xFFFFD440  }
.LBB2_1:
0x16: {  	p1 =	sge.u32 s9, s6  }
0x17: {  	s11 =	sxor.u32 @!p1 $0xFFFFFFFF, s9  }
0x18: {  	s11 =	sand.u32 @!p1 $0x1, s11  }
0x19: {  	s11 =	smul.u32 @!p1 $0xAF00, s11  }
0x1a: {  	s31 =	sadd.s32 $0xFFFFFFFF, s9;
	s12 =	sshrl.u32 @!p1 s8, $0x3  }
0x1b: {  	s13 =	sand.u32 @!p1 $0x7, s8;
	s12 =	sadd.s32 @!p1 s3, s12;
	s11 =	sshrl.u32 @!p1 s11, $0x2  }
0x1c: {  	[tilespmem:s11], [sflag:$0x1] =	stream.linear.gather @!p1 [hbm4b:s12+s13], $0x2BC0, $0x38;
	[tilespmem:$0xAF00] =	vst v63  }
0x1d: {  	p1 =	sge.u32 s31, s6  }
.Ltmp2:
0x1e: {  	_ = 	snop;
	(pc) =	sbr.rel @p1 .LBB2_7-.Ltmp2, $1  }
0x1f: {  	_ =	sdelay $0x3  }
0x20: {  	s11 =	sand.u32 $0x1, s9  }
0x21: {  	_ =	swait.ge [sflag:s4], $0x2BC0;
	s13 =	simm.s32 $0x2BC0;
	p1 =	seq.s32 s11, $0x1  }
0x22: {  	[sflag:s4] =	ssyncset.done $0x0;
	s13 =	simm.s32 @!p1 $0x0  }
0x23: {  	[sflag:s4] =	ssyncadd.s32 $0xFFFFD440;
	s15 =	sadd.s32 $0x80, s13  }
0x24: {  	v0 =	vld [tilespmem:s15+$0x70]  }
0x25: {  	v1 =	vld [tilespmem:s15+$0xFFFFFF90]  }
0x26: {  	v2 =	vld [tilespmem:s15+$0xFFFFFFA0]  }
0x27: {  	v3 =	vld [tilespmem:s15+$0xFFFFFFB0]  }
0x28: {  	s11 =	sadd.s32 $0x5800, s13;
	v4 =	vld [tilespmem:s15+$0xFFFFFFC0]  }
0x29: {  	v5 =	vld [tilespmem:s15+$0xFFFFFFD0];
	[tilespmem:s11+$0x70] =	vst v0  }
0x2a: {  	[tilespmem:s11+$0xFFFFFF90] =	vst v1;
	v0 =	vld [tilespmem:s15+$0xFFFFFFE0]  }
0x2b: {  	[tilespmem:s11+$0xFFFFFFA0] =	vst v2;
	v1 =	vld [tilespmem:s15+$0xFFFFFFF0]  }
0x2c: {  	[tilespmem:s11+$0xFFFFFFB0] =	vst v3;
	v2 =	vld [tilespmem:s15+$0x0]  }
0x2d: {  	[tilespmem:s11+$0xFFFFFFC0] =	vst v4;
	v3 =	vld [tilespmem:s15+$0x10]  }
0x2e: {  	[tilespmem:s11+$0xFFFFFFD0] =	vst v5;
	v5 =	vld [tilespmem:s15+$0x20]  }
0x2f: {  	[tilespmem:s11+$0xFFFFFFE0] =	vst v0;
	v0 =	vld [tilespmem:s15+$0x30]  }
0x30: {  	[tilespmem:s11+$0xFFFFFFF0] =	vst v1;
	v1 =	vld [tilespmem:s15+$0x40]  }
0x31: {  	[tilespmem:s11+$0x0] =	vst v2;
	v2 =	vld [tilespmem:s15+$0x50]  }
0x32: {  	s14 =	simm.s32 $0x0;
	[tilespmem:s11+$0x10] =	vst v3;
	v3 =	vld [tilespmem:s15+$0x60]  }
0x33: {  	s12 =	sadd.s32 $0x5780, s13;
	s13 =	sshll.u32 s13, $0x2;
	v4 =	vld [tilespmem:s15+$0xFFFFFF80];
	[tilespmem:s11+$0x20] =	vst v5;
	s15 =	sadd.s32 $0x100, s15  }
.LBB2_3:
0x34: {  	v5 =	vld [tilespmem:s15+$0x70];
	s14 =	sadd.s32 $0x100, s14;
	[tilespmem:s11+$0x30] =	vst v0  }
0x35: {  	v0 =	vld [tilespmem:s15+$0xFFFFFF90];
	p1 =	slt.u32 s14, $0x2A00;
	[tilespmem:s11+$0x40] =	vst v1  }
0x36: {  	v1 =	vld [tilespmem:s15+$0xFFFFFFA0];
	[tilespmem:s11+$0x50] =	vst v2  }
0x37: {  	v2 =	vld [tilespmem:s15+$0xFFFFFFB0];
	[tilespmem:s11+$0x60] =	vst v3  }
0x38: {  	v3 =	vld [tilespmem:s15+$0xFFFFFFC0];
	[tilespmem:s11+$0xFFFFFF80] =	vst v4;
	s11 =	sadd.s32 $0x100, s11  }
0x39: {  	v4 =	vld [tilespmem:s15+$0xFFFFFFD0];
	[tilespmem:s11+$0x70] =	vst v5  }
0x3a: {  	[tilespmem:s11+$0xFFFFFF90] =	vst v0;
	v0 =	vld [tilespmem:s15+$0xFFFFFFE0]  }
0x3b: {  	[tilespmem:s11+$0xFFFFFFA0] =	vst v1;
	v1 =	vld [tilespmem:s15+$0xFFFFFFF0]  }
0x3c: {  	[tilespmem:s11+$0xFFFFFFB0] =	vst v2;
	v2 =	vld [tilespmem:s15+$0x0]  }
0x3d: {  	[tilespmem:s11+$0xFFFFFFC0] =	vst v3;
	v3 =	vld [tilespmem:s15+$0x10]  }
0x3e: {  	[tilespmem:s11+$0xFFFFFFD0] =	vst v4;
	v5 =	vld [tilespmem:s15+$0x20]  }
.Ltmp3:
0x3f: {  	[tilespmem:s11+$0xFFFFFFE0] =	vst v0;
	v0 =	vld [tilespmem:s15+$0x30];
	(pc) =	sbr.rel @p1 .LBB2_3-.Ltmp3, $4  }
0x40: {  	[tilespmem:s11+$0xFFFFFFF0] =	vst v1;
	v1 =	vld [tilespmem:s15+$0x40]  }
0x41: {  	[tilespmem:s11+$0x0] =	vst v2;
	v2 =	vld [tilespmem:s15+$0x50]  }
0x42: {  	[tilespmem:s11+$0x10] =	vst v3;
	v3 =	vld [tilespmem:s15+$0x60]  }
0x43: {  	v4 =	vld [tilespmem:s15+$0xFFFFFF80];
	[tilespmem:s11+$0x20] =	vst v5;
	s15 =	sadd.s32 $0x100, s15  }
0x44: {  	[tilespmem:s11+$0x30] =	vst v0  }
0x45: {  	[tilespmem:s11+$0x40] =	vst v1  }
0x46: {  	[tilespmem:s11+$0x50] =	vst v2  }
0x47: {  	s13 =	sshrl.u32 s13, $0x2;
	[tilespmem:s11+$0x60] =	vst v3  }
0x48: {  	s14 =	simm.s32 $0x2AF0;
	[tilespmem:s11+$0xFFFFFF80] =	vst v4;
	s11 =	sadd.s32 $0x8280, s13;
	s13 =	sadd.s32 $0x2B00, s13  }
.LBB2_5:
0x49: {  	s14 =	sadd.s32 $0x10, s14  }
0x4a: {  	v0 =	vld [tilespmem:s13+$0x0];
	p1 =	slt.u32 s14, $0x2BB0  }
.Ltmp4:
0x4b: {  	_ = 	snop;
	(pc) =	sbr.rel @p1 .LBB2_5-.Ltmp4, $2  }
0x4c: {  	_ =	sdelay $0x2  }
0x4d: {  	s13 =	sadd.s32 $0x10, s13;
	[tilespmem:s11+$0x0] =	vst v0;
	s11 =	sadd.s32 $0x10, s11  }
.Ltmp5:
0x4e: {  	(pc) =	sbr.rel .LBB2_7-.Ltmp5, $4  }
0x4f: {  	_ = 	snop  }
0x50: {  	s11 =	sshrl.u32 s10, $0x3  }
0x51: {  	s31 =	sand.u32 $0x7, s10;
	s11 =	sadd.s32 s5, s11  }
0x52: {  	[hbm4b:s11+s31] =	stream.linear.scatter [tilespmem:s12], [sflag:$0x2], $0x2BC0, $0x38;
	[tilespmem:$0xAF00] =	vst v63  }
.LBB2_8:
0x53: {  	_ =	sfence.sel $0x180000  }
0x54: {  	s2 =	simm.s32 $0x1;
	[bflag:$0x0] =	sbarrier.arrive $0xFFFF  }
0x55: {  	s31 =	simm.s32 $0x2;
	[sflag:s2] =	ssyncpa.u1 $0x1  }
0x56: {  	[sflag:s31] =	ssyncpa.u1 $0x1  }
0x57: {  	_ =	strace $0x90000059  }
0x58: {  	s0 =	sadd.s32 @!p0 $0x100000, s0;
	[bflag:$0x2] =	sbarrier.arrive $0xFFFF  }
0x59: {  	[sflag:s0] =	ssyncadd.tile.s32 @!p0 $0x1;
	s0 =	simm.s32 @!p0 $0x3F  }
0x5a: {  	_ =	swait.ge @!p0 [sflag:s0], s1  }
0x5b: {  	s1 =	ssub.s32 @!p0 $0x0, s1;
	[sflag:s0] =	ssyncset.done @!p0 $0x0  }
0x5c: {  	[sflag:s0] =	ssyncadd.s32 @!p0 s1  }
0x5d: {  	[bflag:$0x3] =	sbarrier.arrive $0xFFFF  }
0x5e: {  	_ =	shalt  }
.Lfunc_end2:
execute1_lowered:
.L_overlay_start_2:
0x5f: {  	(tag) =	ssettag $0x2  }
0x60: {  	s0 =	rddreg [dreg:$0x0]  }
0x61: {  	s14 =	stileid.u32;
	_ =	strace $0x8000005C;
	s2 =	simm.s32 $0x1  }
0x62: {  	v1 =	vimm.s32 $0xFFFFFFFF;
	s1 =	smin.u32 s14, $0x4;
	[sflag:s2] =	ssyncpa.u1 $0x0  }
0x63: {  	s1 =	sadd.s32 s14, s1;
	[tilespmem:$0x10] =	vst v1  }
0x64: {  	v0 =	vimm.f32 $0.0e+00;
	p0 =	slt.u32 s14, $0x4;
	[tilespmem:$0x20] =	vst v1;
	s3 =	smul.u32 $0x1F40, s1;
	s1 =	simm.s32 $0x3E80  }
0x65: {  	[tilespmem:$0x30] =	vst v0;
	s1 =	simm.s32 @!p0 $0x1F40  }
0x66: {  	[tilespmem:$0x40] =	vst v0;
	s1 =	sadd.s32 s1, s3  }
0x67: {  	[tilespmem:$0x50] =	vst v0;
	s4 =	smin.u32 s1, $0x27100  }
0x68: {  	[tilespmem:$0x60] =	vst v1;
	s9 =	ssub.s32 s4, s3  }
0x69: {  	s7 =	simm.s32 $0x2;
	s8 =	simm.s32 $0x8;
	[tilespmem:$0x70] =	vst v1;
	p0 =	sgt.s32 s9, $0x0  }
0x6a: {  	s31 =	simm.s32 $0x9;
	s16 =	simm.s32 $0x0;
	[tilespmem:$0x80] =	vst v1;
	s9 =	simm.s32 @!p0 $0x0  }
0x6b: {  	s17 =	simm.s32 $0xF0;
	s18 =	simm.s32 $0xFFFFFFFF;
	v1 =	vimm.s32 $0x0;
	[tilespmem:$0xB0] =	vst v0;
	s5 =	smulhi.u32 $0x10624DD3, s9  }
0x6c: {  	s19 =	simm.s32 $0xFFFFC280;
	s20 =	simm.s32 $0xFFFFFFFE;
	s21 =	simm.s32 $0xF;
	[tilespmem:$0x90] =	vst v1  }
0x6d: {  	[tilespmem:$0xA0] =	vst v1;
	[sflag:s7] =	ssyncpa.u1 $0x0;
	s7 =	simm.s32 $0x7;
	s10 =	sshrl.u32 s5, $0x9  }
0x6e: {  	s25 =	simm.s32 $0x0;
	[sflag:s7] =	ssyncpa.u1 $0x0;
	s11 =	smul.u32 $0x1F40, s10  }
0x6f: {  	s24 =	simm.s32 $0x0;
	s6 =	sadd.s32 $0x6AE00, s0;
	[sflag:s8] =	ssyncpa.u1 $0x0  }
.Ltmp6:
0x70: {  	s23 =	smov.u32 s3;
	p0 =	sne.s32 s9, s11;
	(pc) =	sbr.rel .LBB3_1-.Ltmp6, $4  }
0x71: {  	s1 =	sadd.s32 $0x6FE00, s0;
	[sflag:s31] =	ssyncpa.u1 $0x0;
	s2 =	simm.s32 @!p0 $0x0  }
0x72: {  	s5 =	sadd.s32 $0x65E00, s0;
	p0 =	por $0x0, $0x0;
	s9 =	sadd.s32 s2, s10  }
0x73: {  	vm0 =	vmmov $0xffff;
	v2 =	vlaneseq.u32;
	s10 =	sshll.u32 s14, $0x1;
	s14 =	sshllo.u32 s14, $0x1;
	s11 =	sadd.s32 $0x1, s9  }
0x74: {  	vm1 =	vmxor vm1, vm1;
	vm2 =	vmmov $0x1;
	vm3 =	vcmask $0x3F3C;
	s12 =	sadd.s32 $0x2, s9;
	s13 =	sor.u32 $0x81, s10;
	s15 =	sor.u32 $0x80, s10  }
.LBB3_9:
0x75: {  	p1 =	slt.u32 s24, $0x3  }
0x76: {  	s0 =	simm.s32 @!p1 $0x2  }
0x77: {  	_ =	swait.ge @!p1 [sflag:s0], $0x1F40  }
0x78: {  	[sflag:s0] =	ssyncset.done @!p1 $0x0  }
0x79: {  	[sflag:s0] =	ssyncadd.s32 @!p1 $0xFFFFE0C0;
	s0 =	simm.s32 @!p1 $0x9  }
0x7a: {  	_ =	swait.ge @!p1 [sflag:s0], $0x10  }
0x7b: {  	[sflag:s0] =	ssyncset.done @!p1 $0x0  }
0x7c: {  	[sflag:s0] =	ssyncadd.s32 @!p1 $0xFFFFFFF0;
	p1 =	sne.s32 s24, s12  }
.Ltmp7:
0x7d: {  	s2 =	sadd.s32 $0x1F40, s23;
	(pc) =	sbr.rel @!p1 .LBB3_10-.Ltmp7, $4  }
0x7e: {  	s22 =	smov.u32 s3;
	s31 =	sadd.s32 $0x1, s24;
	s17 =	sadd.s32 $0x1F40, s17  }
0x7f: {  	s18 =	sadd.s32 $0x1, s18;
	s25 =	smov.u32 s23;
	p2 =	slt.s32 s2, s4  }
0x80: {  	p0 =	por !p0, !p0;
	s19 =	sadd.s32 $0x1F40, s19;
	s22 =	smov.u32 @p2 s2  }
0x81: {  	s20 =	sadd.s32 $0x1, s20;
	s23 =	smov.u32 s22;
	s24 =	smov.u32 s31  }
.LBB3_1:
0x82: {  	p1 =	sge.u32 s24, s9  }
0x83: {  	s0 =	smulhi.u32 @!p1 $0xAAAAAAAB, s24;
	_ =	sdelay $0x1  }
0x84: {  	s0 =	sshrl.u32 @!p1 s0, $0x1  }
0x85: {  	s0 =	smul.u32 @!p1 $0x3, s0;
	_ =	sdelay $0x1  }
0x86: {  	s0 =	ssub.s32 @!p1 s24, s0  }
0x87: {  	s0 =	smul.u32 @!p1 $0x7D00, s0;
	_ =	sdelay $0x1  }
0x88: {  	s2 =	sshrl.u32 @!p1 s23, $0x3;
	s0 =	sshrl.u32 @!p1 s0, $0x2  }
0x89: {  	s22 =	sand.u32 @!p1 $0x7, s23;
	s2 =	sadd.s32 @!p1 s5, s2;
	s0 =	sadd.s32 @!p1 $0x100, s0  }
0x8a: {  	[tilespmem:s0], [sflag:$0x7] =	stream.linear.gather @!p1 [hbm4b:s2+s22], $0x1F40, $0x38;
	[tilespmem:$0x11A60] =	vst v63  }
0x8b: {  	s0 =	sadd.s32 $0xFFFFFFFF, s24  }
0x8c: {  	p1 =	sge.u32 s0, s9  }
.Ltmp8:
0x8d: {  	_ = 	snop;
	(pc) =	sbr.rel @p1 .LBB3_5-.Ltmp8, $1  }
0x8e: {  	_ =	sdelay $0x3  }
0x8f: {  	s2 =	smulhi.u32 $0xAAAAAAAB, s0;
	_ =	sdelay $0x1  }
0x90: {  	s2 =	sshrl.u32 s2, $0x1  }
0x91: {  	s2 =	smul.u32 $0x3, s2;
	_ =	sdelay $0x1  }
0x92: {  	s2 =	ssub.s32 s0, s2  }
0x93: {  	s2 =	smul.u32 $0x7D00, s2  }
0x94: {  	_ =	swait.ge [sflag:s7], $0x1F40  }
0x95: {  	[sflag:s7] =	ssyncset.done $0x0;
	s2 =	sshrl.u32 s2, $0x2  }
0x96: {  	[sflag:s7] =	ssyncadd.s32 $0xFFFFE0C0;
	(ifvalue) =	ssetifvalue $0xFFFFFFFF;
	v3 =	vld.msk [tilespmem:s2+$0x100 ss:$0x1], $0xffff;
	_ =	sdelay $0x2  }
0x97: {  	s30 =	smulhi.u32 $0xAAAAAAAB, s18;
	p1 =	sne.s32 s24, $0x1  }
0x98: {  	v4 =	vimm.s32 @!p1 $0x0  }
0x99: {  	s2 =	sshrl.u32 s30, $0x1;
	v4 =	vperm.xlane @!p1 v3, v4  }
0x9a: {  	s22 =	sshll.u32 s24, $0x4;
	s2 =	smul.u32 $0xFFFE8900, s2;
	vm4 =	vlt.u32 v3, $0xAF000  }
0x9b: {  	s22 =	sand.u32 $0x10, s22;
	v3 =	vnsel vm4, $0xFFFFFFFE, v3;
	vm4 =	vlt.u32 @!p1 v4, $0xAF000  }
0x9c: {  	s2 =	sshra.s32 s2, $0x2;
	[tilespmem:s22+$0x60] =	vst v3;
	v3 =	vnsel @!p1 vm4, $0xFFFFFFFE, v4  }
0x9d: {  	s28 =	sadd.s32 s2, s17;
	[tilespmem:$0x80] =	vst @!p1 v3  }
0x9e: {  	v3 =	vld.msk [tilespmem:s28+$0x0 ss:$0x1], $0xffff;
	_ =	sdelay $0x4  }
0x9f: {  	(xrf1) =	vunique.msk.u32 $0xffff, v3;
	_ =	sdelay $0xd  }
0xa0: {  	v4 =	vimm.s32 $0xFFFFFFFF;
	v5, _, _ =	vpop (xrf1)  }
0xa1: {  	vm5 =	vne.s32 v3, v4;
	vm4 =	veq.s32 v5, v2  }
0xa2: {  	vm6 =	vlt.u32 v3, $0xAF000;
	vm4 =	vmand vm5, vm4  }
0xa3: {  	vm4 =	vmand vm6, vm4  }
0xa4: {  	v4 =	vnsel vm4, $0xFFFFFFFF, v3  }
0xa5: {  	s31 =	sand.u32 $0x1, s0  }
0xa6: {  	s0 =	simm.s32 $0x1F40;
	p1 =	seq.s32 s31, $0x1  }
0xa7: {  	s0 =	simm.s32 @!p1 $0x0  }
0xa8: {  	s26 =	sadd.s32 $0x7DF0, s0;
	(ifvalue) =	ssetifvalue $0xFFFFFFFF  }
0xa9: {  	v3 =	vperm.xlane v3, v1;
	[tilespmem:s26], [sflag:$0x8] =	stream.indirect_vreg.gather [hbm4b:s1+s16], $0x1, v4, vm0, $0x4038;
	v4 =	vnsel vm6, $0xFFFFFFFE, v4;
	[tilespmem:$0x11A60] =	vst v63  }
0xaa: {  	s2 =	simm.s32 $0x0;
	s22 =	sadd.s32 $0xFFFFFFF0, s28;
	[tilespmem:s28+$0x0] =	vst v4  }
.LBB3_3:
0xab: {  	v4 =	vld.msk [tilespmem:s22+$0x0 ss:$0x1], $0xffff;
	s2 =	sadd.s32 $0x10, s2;
	v5 =	vmov v3;
	s28 =	smov.u32 s22  }
0xac: {  	p1 =	slt.u32 s2, $0x1F30;
	_ =	sdelay $0x4  }
0xad: {  	v3 =	vperm.xlane v4, v1;
	(xrf1) =	vunique.msk.u32 $0xffff, v4;
	_ =	sdelay $0xd  }
0xae: {  	v6, _, _ =	vpop (xrf1)  }
0xaf: {  	vm5 =	vne.s32 v4, v5;
	vm4 =	veq.s32 v6, v2  }
0xb0: {  	vm6 =	vlt.u32 v4, $0xAF000;
	vm4 =	vmand vm5, vm4  }
0xb1: {  	vm4 =	vmand vm6, vm4  }
0xb2: {  	v4 =	vnsel vm4, $0xFFFFFFFF, v4  }
.Ltmp9:
0xb3: {  	v5 =	vnsel vm6, $0xFFFFFFFE, v4;
	(pc) =	sbr.rel @p1 .LBB3_3-.Ltmp9, $3  }
0xb4: {  	_ =	sdelay $0x1  }
0xb5: {  	s22 =	sadd.s32 $0xFFFFFFF0, s22;
	s26 =	sadd.s32 $0xFFFFFFF0, s26;
	(ifvalue) =	ssetifvalue $0xFFFFFFFF  }
0xb6: {  	[tilespmem:s26], [sflag:$0x8] =	stream.indirect_vreg.gather [hbm4b:s1+s16], $0x1, v4, vm0, $0x4038;
	[tilespmem:s28+$0x0] =	vst v5  }
0xb7: {  	s2 =	sshrl.u32 s25, $0x3  }
0xb8: {  	s0 =	sadd.s32 $0x9D40, s0;
	s2 =	sadd.s32 s6, s2  }
0xb9: {  	[tilespmem:s0], [sflag:$0x8] =	stream.linear.gather [hbm:s2], $0x1F40, $0x38;
	[tilespmem:$0x11A60] =	vst v63  }
.LBB3_5:
0xba: {  	p1 =	slt.u32 s24, $0x2  }
0xbb: {  	p2 =	sge.u32 @!p1 s24, s12  }
0xbc: {  	p1 =	por p1, p2  }
.Ltmp10:
0xbd: {  	_ = 	snop;
	(pc) =	sbr.rel @p1 .LBB3_9-.Ltmp10, $1  }
0xbe: {  	_ =	sdelay $0x3  }
0xbf: {  	s0 =	sadd.s32 $0xFFFFFFFE, s24  }
0xc0: {  	s2 =	smulhi.u32 $0xAAAAAAAB, s0;
	_ =	sdelay $0x1  }
0xc1: {  	s2 =	sshrl.u32 s2, $0x1  }
0xc2: {  	s2 =	smul.u32 $0x3, s2;
	_ =	sdelay $0x1  }
0xc3: {  	s0 =	ssub.s32 s0, s2  }
0xc4: {  	_ =	swait.ge [sflag:s8], $0x3E80;
	s0 =	smul.u32 $0x1F40, s0  }
0xc5: {  	p1 =	sne.s32 s24, s11;
	[sflag:s8] =	ssyncset.done $0x0  }
0xc6: {  	[sflag:s8] =	ssyncadd.s32 $0xFFFFC180;
	s2 =	sadd.s32 @!p1 $0x203F, s0  }
0xc7: {  	[spmem:s13] =	stream.linear.scatter @!p1 [tilespmem:s2], [sflag:$0x1], $0x1, $0x38;
	[tilespmem:$0x11A60] =	vst v63  }
0xc8: {  	s2 =	simm.s32 @!p1 $0x1  }
0xc9: {  	_ =	swait.ge @!p1 [sflag:s2], $0x1  }
0xca: {  	s22 =	sshll.u32 s24, $0x4;
	[sflag:s2] =	ssyncset.done @!p1 $0x0  }
0xcb: {  	s25 =	sand.u32 $0x10, s22;
	[sflag:s2] =	ssyncadd.s32 @!p1 $0xFFFFFFFF  }
0xcc: {  	s2 =	sxor.u32 $0x10, s25;
	v4 =	vld [tilespmem:s25+$0x10]  }
0xcd: {  	v5 =	vld [tilespmem:s2+$0x60]  }
0xce: {  	v3 =	vld [tilespmem:$0x80];
	_ =	sdelay $0x2  }
0xcf: {  	(v2sf) =	vpush v4, $0x0  }
0xd0: {  	(v2sf) =	vpush v5, $0x0  }
0xd1: {  	(v2sf) =	vpush v3, $0x0;
	_ =	sdelay $0xc  }
0xd2: {  	s22 =	spop (v2sf)  }
0xd3: {  	s26 =	spop (v2sf)  }
0xd4: {  	s28 =	spop (v2sf)  }
0xd5: {  	p2 =	seq.s32 s22, s26;
	p3 =	seq.s32 s28, s22  }
0xd6: {  	p3 =	por p2, p3  }
0xd7: {  	s26 =	sand.u32 $0x1, s24;
	v4 =	vpsel p3, $0xFFFFFFFF, v4  }
0xd8: {  	s29 =	smul.u32 $0x1F40, s26;
	[tilespmem:s25+$0x10] =	vst.msk $0x1, v4  }
0xd9: {  	v4 =	vld [tilespmem:$0x30]  }
0xda: {  	v5 =	vld [tilespmem:s29+$0x9D40]  }
0xdb: {  	v6 =	vld [tilespmem:s25+$0x40];
	_ =	sdelay $0x3  }
0xdc: {  	vm4 =	vmmov vm1;
	v5 =	vadd.f32 v5, v4  }
0xdd: {  	vm5 =	vmmov vm2;
	vm4 =	vmmov @p2 vm2;
	s22 =	sshll.u32 s26, $0x4;
	v4 =	vadd.f32 v6, v4  }
0xde: {  	s26 =	sor.u32 $0x11A40, s22;
	vm5 =	vmmov @p3 vm1;
	[tilespmem:s29+$0x9D40] =	vst.msk vm4, v5  }
0xdf: {  	[tilespmem:s26+$0x0] =	vst.msk vm5, v4  }
0xe0: {  	v4 =	vld [tilespmem:s29+$0x7DF0];
	_ =	sdelay $0x3  }
0xe1: {  	v5 =	vimm.f32 $0.0e+00  }
0xe2: {  	v4 =	vshift.insert v4, v5, s21  }
0xe3: {  	s22 =	sor.u32 $0x40, s2  }
0xe4: {  	[tilespmem:s22+$0x0] =	vst.msk $0x1, v4  }
0xe5: {  	[tilespmem:s29+$0x7DFF] =	vst.msk $0x1, v5  }
0xe6: {  	v4 =	vld [tilespmem:s0+$0x2030];
	_ =	sdelay $0x1  }
0xe7: {  	s22 =	smulhi.u32 $0xAAAAAAAB, s20;
	s0 =	simm.s32 $0x1  }
0xe8: {  	s0 =	simm.s32 @!p0 $0x0  }
0xe9: {  	s22 =	sshrl.u32 s22, $0x1;
	s0 =	smul.u32 $0x7D00, s0  }
0xea: {  	s22 =	smul.u32 $0xFFFE8900, s22;
	v4 =	vshift.insert v4, v1, s21  }
0xeb: {  	s0 =	sshrl.u32 s0, $0x2  }
0xec: {  	s22 =	sshra.s32 s22, $0x2;
	s30 =	sadd.s32 $0x9D40, s0;
	[tilespmem:s2+$0x10] =	vst.msk $0x1, v4  }
0xed: {  	s22 =	sadd.s32 s22, s19;
	v6 =	vld [tilespmem:s30+$0x0]  }
0xee: {  	v7 =	vld [tilespmem:s22+$0x0];
	_ =	sdelay $0x3  }
0xef: {  	v5 =	vadd.f32 v6, v5  }
0xf0: {  	vm4 =	vne.s32 v7, $0xFFFFFFFF  }
0xf1: {  	(xrf2) =	vadd.seg.scan.f32 vm4, v5;
	_ =	sdelay $0x3  }
0xf2: {  	s31 =	sadd.s32 $0x5EC0, s0;
	v5 =	vperm.xlane v4, v1  }
0xf3: {  	v6 =	vld [tilespmem:s31+$0x0]  }
0xf4: {  	vm5 =	veq.s32 v7, v3;
	vm6 =	veq.s32 v7, v5  }
0xf5: {  	vm7 =	vgt.u32 v7, $0xFFFFFFFD;
	vm6 =	vmor vm6, vm5  }
0xf6: {  	vm6 =	vmor vm6, vm7  }
0xf7: {  	v9 =	vld [tilespmem:$0xA0];
	v7 =	vsel vm6, $0xFFFFFFFF, v7  }
0xf8: {  	v10 =	vld [tilespmem:$0x90];
	v6 =	vsel vm5, $0x0, v6;
	v8, _, _ =	vpop (xrf2)  }
0xf9: {  	v6 =	vadd.f32 v8, v6  }
0xfa: {  	s0 =	sadd.s32 $0xDBC0, s0  }
0xfb: {  	vm4 =	vmand vm4, vm3;
	[tilespmem:s0+$0x0] =	vst v6;
	(ifvalue) =	ssetifvalue $0xFFFFFFFF  }
0xfc: {  	vm6 =	veq.s32 v9, $0x1;
	[hbm4b:s1+s16] =	stream.indirect_vreg.scatter [tilespmem:s0], [sflag:$0x2], $0x1, v7, vm0, $0x4038;
	v7 =	vsel vm4, $0x0, v8;
	[tilespmem:$0x11A60] =	vst v63  }
0xfd: {  	s2 =	simm.s32 $0x0;
	s22 =	sadd.s32 $0x10, s22;
	vm4 =	vmor vm6, vm5;
	v6 =	vsel vm5, v8, v10;
	v7 =	vshift.insert v7, v0, s21  }
.LBB3_7:
0xfe: {  	v8 =	vld [tilespmem:s22+$0x0];
	s30 =	sadd.s32 $0x10, s30  }
0xff: {  	s31 =	sadd.s32 $0x10, s31;
	v9 =	vld [tilespmem:s30+$0x0]  }
0x100: {  	s2 =	sadd.s32 $0x10, s2;
	v10 =	vld [tilespmem:s31+$0x0]  }
0x101: {  	p2 =	slt.u32 s2, $0x1F30;
	_ =	sdelay $0x2  }
0x102: {  	v7 =	vadd.f32 v9, v7  }
0x103: {  	vm5 =	vne.s32 v8, $0xFFFFFFFF  }
0x104: {  	vm6 =	vmand vm5, vm3;
	(xrf2) =	vadd.seg.scan.f32 vm5, v7;
	_ =	sdelay $0x5  }
0x105: {  	vm7 =	veq.s32 v8, v5;
	vm5 =	veq.s32 v8, v3  }
0x106: {  	vm8 =	vgt.u32 v8, $0xFFFFFFFD;
	vm4 =	vmor vm4, vm5;
	vm7 =	vmor vm7, vm5  }
0x107: {  	vm7 =	vmor vm7, vm8  }
0x108: {  	v8 =	vsel vm7, $0xFFFFFFFF, v8  }
.Ltmp11:
0x109: {  	v7 =	vsel vm5, $0x0, v10;
	v9, _, _ =	vpop (xrf2);
	(pc) =	sbr.rel @p2 .LBB3_7-.Ltmp11, $4  }
0x10a: {  	v6 =	vsel vm5, v9, v6;
	v10 =	vadd.f32 v9, v7;
	v7 =	vsel vm6, $0x0, v9  }
0x10b: {  	s0 =	sadd.s32 $0x10, s0;
	v7 =	vshift.insert v7, v0, s21  }
0x10c: {  	s22 =	sadd.s32 $0x10, s22;
	[tilespmem:s0+$0x0] =	vst v10;
	(ifvalue) =	ssetifvalue $0xFFFFFFFF  }
0x10d: {  	[hbm4b:s1+s16] =	stream.indirect_vreg.scatter [tilespmem:s0], [sflag:$0x2], $0x1, v8, vm0, $0x4038;
	[tilespmem:$0x11A60] =	vst v63  }
0x10e: {  	v3 =	vld [tilespmem:s29+$0xFAF0];
	_ =	sdelay $0x4  }
0x10f: {  	v3 =	vshift.insert v3, v0, s21  }
0x110: {  	s0 =	simm.s32 $0x30  }
0x111: {  	[tilespmem:s0+$0x0] =	vst.msk $0x1, v3  }
0x112: {  	v3 =	vsel vm4, $0x1, v1;
	[tilespmem:$0x90] =	vst v6  }
0x113: {  	s0 =	sadd.s32 @!p1 $0xFAFF, s29;
	[tilespmem:$0xA0] =	vst v3  }
0x114: {  	[spmem:s14] =	stream.linear.scatter @!p1 [tilespmem:s0], [sflag:$0x1], $0x1, $0x38;
	[tilespmem:$0x11A60] =	vst v63  }
0x115: {  	s0 =	simm.s32 @!p1 $0x1  }
0x116: {  	v3 =	vmctz.xlane @!p1 vm4;
	_ =	swait.ge @!p1 [sflag:s0], $0x1  }
0x117: {  	(v2sf) =	vpush @!p1 v4, $0x0  }
0x118: {  	(v2sf) =	vpush @!p1 v3, $0x0;
	_ =	sdelay $0xd  }
0x119: {  	s2 =	spop @!p1 (v2sf)  }
0x11a: {  	s22 =	spop @!p1 (v2sf)  }
0x11b: {  	p2 =	sne.s32 @!p1 s28, s2;
	p3 =	slt.s32 @!p1 s22, $0xF  }
0x11c: {  	[sflag:s0] =	ssyncset.done @!p1 $0x0;
	p2 =	por p2, p1;
	p3 =	por !p3, p1  }
0x11d: {  	[sflag:s0] =	ssyncadd.s32 @!p1 $0xFFFFFFFF;
	v3 =	vimm.s32 @!p2 $0xFFFFFFFF;
	s22 =	simm.s32 @p3 $0xF  }
0x11e: {  	[tilespmem:$0x80] =	vst @!p2 v3;
	s2 =	sadd.s32 @!p1 $0x90, s22  }
0x11f: {  	[spmem:s10] =	stream.linear.scatter @!p1 [tilespmem:s2], [sflag:$0x1], $0x1, $0x38;
	[tilespmem:$0x11A60] =	vst v63  }
0x120: {  	_ =	swait.ge @!p1 [sflag:s0], $0x1  }
0x121: {  	[sflag:s0] =	ssyncset.done @!p1 $0x0  }
0x122: {  	s2 =	simm.s32 @!p1 $0x80;
	[sflag:s0] =	ssyncadd.s32 @!p1 $0xFFFFFFFF  }
0x123: {  	[spmem:s15] =	stream.linear.scatter @!p1 [tilespmem:s2], [sflag:$0x1], $0x1, $0x38;
	[tilespmem:$0x11A60] =	vst v63  }
0x124: {  	_ =	swait.ge @!p1 [sflag:s0], $0x1  }
0x125: {  	[sflag:s0] =	ssyncset.done @!p1 $0x0  }
0x126: {  	[sflag:s0] =	ssyncadd.s32 @!p1 $0xFFFFFFFF;
	(ifvalue) =	ssetifvalue $0xFFFFFFFF;
	v3 =	vld [tilespmem:s25+$0x10];
	_ =	sdelay $0x3  }
.Ltmp12:
0x127: {  	_ = 	snop;
	(pc) =	sbr.rel .LBB3_9-.Ltmp12, $3  }
0x128: {  	_ =	sdelay $0x1  }
0x129: {  	(ifvalue) =	ssetifvalue $0xFFFFFFFF  }
0x12a: {  	[hbm4b:s1+s16] =	stream.indirect_vreg.scatter [tilespmem:s26], [sflag:$0x9], $0x1, v3, vm0, $0x4038;
	[tilespmem:$0x11A60] =	vst v63  }
.LBB3_10:
0x12b: {  	_ =	sfence.sel $0x180000  }
0x12c: {  	s0 =	simm.s32 $0x7;
	[bflag:$0x0] =	sbarrier.arrive $0xFFFF  }
0x12d: {  	s26 =	simm.s32 $0x8;
	[sflag:s0] =	ssyncpa.u1 $0x1  }
0x12e: {  	s28 =	simm.s32 $0x9;
	[sflag:s26] =	ssyncpa.u1 $0x1  }
0x12f: {  	[sflag:s28] =	ssyncpa.u1 $0x1  }
0x130: {  	_ =	sfence.stream.spmem  }
0x131: {  	s29 =	simm.s32 $0x3;
	[bflag:$0x0] =	sbarrier.arrive $0xFFFF  }
0x132: {  	s30 =	simm.s32 $0x4;
	[sflag:s29] =	ssyncpa.u1 $0x1  }
0x133: {  	s31 =	simm.s32 $0x3C;
	s2 =	stileid.u32;
	[sflag:s30] =	ssyncpa.u1 $0x1  }
0x134: {  	p0 =	sne.s32 s2, $0x0;
	[sflag:s31] =	ssyncpa.u1 $0x1  }
0x135: {  	s0 =	simm.s32 @p0 $0x1;
	_ =	sfence @p0  }
0x136: {  	[sflag:s0] =	ssyncpa.u1 @p0 $0x1;
	s0 =	simm.s32 @p0 $0x2  }
0x137: {  	[sflag:s0] =	ssyncpa.u1 @p0 $0x1  }
0x138: {  	_ =	strace @p0 $0x9000005C  }
0x139: {  	[bflag:$0x2] =	sbarrier.arrive @p0 $0xFFFF  }
0x13a: {  	_ =	shalt @p0  }
.LBB3_11:
0x13b: {  	_ =	sfence.stream.spmem;
	s0 =	simm.s32 $0x5  }
0x13c: {  	s2 =	simm.s32 $0x80;
	s3 =	simm.s32 $0xC0;
	[sflag:s0] =	ssyncpa.u1 $0x0  }
0x13d: {  	[tilespmem:s3], [sflag:$0x5] =	stream.linear.gather [spmem:s2], $0x20, $0x38;
	[tilespmem:$0x11A60] =	vst v63  }
0x13e: {  	s2 =	simm.s32 $0x0;
	s3 =	simm.s32 $0xE0  }
0x13f: {  	[tilespmem:s3], [sflag:$0x5] =	stream.linear.gather [spmem:s2], $0x20, $0x38;
	[tilespmem:$0x11A60] =	vst v63  }
.Ltmp13:
0x140: {  	_ = 	snop;
	(pc) =	sbr.rel .LBB3_12-.Ltmp13, $4  }
0x141: {  	_ =	swait.ge [sflag:s0], $0x40  }
0x142: {  	[sflag:s0] =	ssyncset.done $0x0  }
0x143: {  	s31 =	simm.s32 $0x6;
	[sflag:s0] =	ssyncadd.s32 $0xFFFFFFC0  }
0x144: {  	s4 =	simm.s32 $0x0;
	[sflag:s31] =	ssyncpa.u1 $0x0  }
.LBB3_17:
0x145: {  	p0 =	sgt.u32 s5, $0xAEFFF  }
0x146: {  	s0 =	sshrl.u32 @!p0 s5, $0x3  }
0x147: {  	s5 =	sand.u32 @!p0 $0x7, s5;
	s6 =	simm.s32 @!p0 $0xB0;
	s0 =	sadd.s32 @!p0 s1, s0  }
0x148: {  	[tilespmem:s6], [sflag:$0x6] =	stream.linear.gather @!p0 [hbm4b:s0+s5], $0x1, $0x38;
	[tilespmem:$0x11A60] =	vst v63  }
0x149: {  	s0 =	simm.s32 @!p0 $0x6  }
0x14a: {  	_ =	swait.ge @!p0 [sflag:s0], $0x1  }
0x14b: {  	[sflag:s0] =	ssyncset.done @!p0 $0x0  }
0x14c: {  	[sflag:s0] =	ssyncadd.s32 @!p0 $0xFFFFFFFF  }
0x14d: {  	v2 =	vmov @!p0 s4;
	v1 =	vld.msk @!p0 [tilespmem:$0xB0], $0x1;
	_ =	sdelay $0x3  }
0x14e: {  	s0 =	simm.s32 @!p0 $0xE0  }
0x14f: {  	[tilespmem:v2+s0+$0x0], v1 =	vst.idx.ret.add.f32.msk @!p0 $0x1, v1  }
0x150: {  	[tilespmem:s2+$0xC0] =	vst.msk $0x1, v0  }
0x151: {  	v0 =	vld.msk [tilespmem:s4+$0xE0], $0x1;
	_ =	sdelay $0x4  }
0x152: {  	[tilespmem:s2+$0xE0] =	vst.msk $0x1, v0;
	s2 =	sadd.s32 $0x1, s2  }
.LBB3_19:
0x153: {  	s4 =	sadd.s32 $0x1, s4  }
0x154: {  	p0 =	sne.s32 s4, $0x20  }
.Ltmp14:
0x155: {  	_ = 	snop;
	(pc) =	sbr.rel @!p0 .LBB3_20-.Ltmp14, $1  }
0x156: {  	_ =	sdelay $0x3  }
.LBB3_12:
0x157: {  	v0 =	vld.msk [tilespmem:s4+$0xC0], $0x1;
	_ =	sdelay $0x4  }
0x158: {  	(v2sf) =	vpush v0, $0x0;
	_ =	sdelay $0xe  }
0x159: {  	s5 =	spop (v2sf)  }
0x15a: {  	p0 =	seq.s32 s5, $0xFFFFFFFF  }
.Ltmp15:
0x15b: {  	_ = 	snop;
	(pc) =	sbr.rel @p0 .LBB3_19-.Ltmp15, $1  }
0x15c: {  	_ =	sdelay $0x3  }
0x15d: {  	p0 =	slt.s32 s2, $0x1  }
.Ltmp16:
0x15e: {  	_ = 	snop;
	(pc) =	sbr.rel @p0 .LBB3_17-.Ltmp16, $1  }
0x15f: {  	_ =	sdelay $0x3  }
0x160: {  	s0 =	simm.s32 $0xC0;
	p0 =	por $0x0, $0x0  }
0x161: {  	v1 =	vld.msk @!p0 [tilespmem:s0+$0x0], $0x1;
	_ =	sdelay $0x4  }
0x162: {  	(v2sf) =	vpush @!p0 v1, $0x0;
	_ =	sdelay $0xd  }
0x163: {  	p2 =	sne.s32 s2, $0x1  }
.Ltmp17:
0x164: {  	s6 =	spop @!p0 (v2sf);
	(pc) =	sbr.rel @!p2 .LBB3_16-.Ltmp17, $4  }
0x165: {  	p1 =	seq.s32 @!p0 s5, s6  }
0x166: {  	s6 =	simm.s32 $0x0;
	p1 =	por !p1, p0  }
0x167: {  	s8 =	simm.s32 $0xFFFFFFFF;
	s6 =	simm.s32 @p1 $0xFFFFFFFF  }
0x168: {  	s7 =	simm.s32 $0x1;
	s6 =	smov.u32 @p0 s8  }
.LBB3_15:
0x169: {  	s8 =	smov.u32 s6;
	p0 =	sne.s32 s6, $0xFFFFFFFF  }
0x16a: {  	s0 =	sadd.s32 $0x1, s0;
	s6 =	smov.u32 s7;
	s7 =	sadd.s32 $0x1, s7  }
0x16b: {  	p1 =	sne.s32 s2, s7;
	v1 =	vld.msk @!p0 [tilespmem:s0+$0x0], $0x1;
	_ =	sdelay $0x4  }
0x16c: {  	(v2sf) =	vpush @!p0 v1, $0x0;
	_ =	sdelay $0xe  }
.Ltmp18:
0x16d: {  	s9 =	spop @!p0 (v2sf);
	(pc) =	sbr.rel @p1 .LBB3_15-.Ltmp18, $4  }
0x16e: {  	p2 =	seq.s32 @!p0 s5, s9  }
0x16f: {  	p2 =	por !p2, p0  }
0x170: {  	s6 =	simm.s32 @p2 $0xFFFFFFFF  }
0x171: {  	s6 =	smov.u32 @p0 s8  }
.LBB3_16:
0x172: {  	p0 =	sne.s32 s6, $0xFFFFFFFF  }
.Ltmp19:
0x173: {  	_ = 	snop;
	(pc) =	sbr.rel @!p0 .LBB3_17-.Ltmp19, $1  }
0x174: {  	_ =	sdelay $0x3  }
0x175: {  	v0 =	vld.msk [tilespmem:s4+$0xE0], $0x1;
	v1 =	vmov s6  }
.Ltmp20:
0x176: {  	_ = 	snop;
	(pc) =	sbr.rel .LBB3_19-.Ltmp20, $2  }
0x177: {  	_ =	sdelay $0x2  }
0x178: {  	[tilespmem:v1+s3+$0x0], v0 =	vst.idx.ret.add.f32.msk $0x1, v0  }
.LBB3_20:
0x179: {  	p0 =	slt.s32 s2, $0x1  }
.Ltmp21:
0x17a: {  	_ = 	snop;
	(pc) =	sbr.rel @p0 .LBB3_24-.Ltmp21, $3  }
0x17b: {  	_ =	sdelay $0x1  }
0x17c: {  	s0 =	simm.s32 $0x6  }
0x17d: {  	s3 =	simm.s32 $0x0;
	[sflag:s0] =	ssyncpa.u1 $0x1  }
0x17e: {  	s0 =	simm.s32 $0xC0  }
0x17f: {  	v0 =	vld.msk [tilespmem:s0+$0x0], $0x1;
	_ =	sdelay $0x4  }
0x180: {  	(v2sf) =	vpush v0, $0x0;
	_ =	sdelay $0xe  }
0x181: {  	s2 =	sadd.s32 $0xFFFFFFFF, s2;
	s4 =	spop (v2sf)  }
0x182: {  	p1 =	sne.s32 s2, $0x0;
	p0 =	sgt.u32 s4, $0xAEFFF  }
.Ltmp22:
0x183: {  	s5 =	sshrl.u32 @!p0 s4, $0x3;
	(pc) =	sbr.rel @!p1 .LBB3_23-.Ltmp22, $4  }
0x184: {  	s0 =	simm.s32 $0xE0;
	s4 =	sand.u32 @!p0 $0x7, s4;
	s5 =	sadd.s32 @!p0 s1, s5  }
0x185: {  	[hbm4b:s5+s4] =	stream.linear.scatter @!p0 [tilespmem:s0], [sflag:$0x5], $0x1, $0x38;
	[tilespmem:$0x11A60] =	vst v63  }
0x186: {  	s5 =	simm.s32 $0x0  }
0x187: {  	s4 =	simm.s32 $0xC1;
	s5 =	simm.s32 @!p0 $0x4  }
.LBB3_22:
0x188: {  	v0 =	vld.msk [tilespmem:s4+$0x0], $0x1;
	s2 =	sadd.s32 $0xFFFFFFFF, s2;
	s3 =	sadd.s32 s3, s5  }
0x189: {  	p0 =	sne.s32 s2, $0x0;
	_ =	sdelay $0x3  }
0x18a: {  	(v2sf) =	vpush v0, $0x0;
	_ =	sdelay $0xe  }
.Ltmp23:
0x18b: {  	s6 =	spop (v2sf);
	(pc) =	sbr.rel @p0 .LBB3_22-.Ltmp23, $4  }
0x18c: {  	s5 =	simm.s32 $0x0;
	p1 =	sgt.u32 s6, $0xAEFFF  }
0x18d: {  	s0 =	sadd.s32 $0x1, s0;
	s5 =	simm.s32 @!p1 $0x4;
	s7 =	sshrl.u32 @!p1 s6, $0x3  }
0x18e: {  	s4 =	sadd.s32 $0x1, s4;
	s6 =	sand.u32 @!p1 $0x7, s6;
	s7 =	sadd.s32 @!p1 s1, s7  }
0x18f: {  	[hbm4b:s7+s6] =	stream.linear.scatter @!p1 [tilespmem:s0], [sflag:$0x5], $0x1, $0x38;
	[tilespmem:$0x11A60] =	vst v63  }
.LBB3_23:
0x190: {  	s0 =	sadd.s32 s3, s5  }
0x191: {  	s3 =	sshrl.u32 s0, $0x2  }
.LBB3_24:
0x192: {  	s0 =	simm.s32 $0x5  }
0x193: {  	_ =	swait.ge [sflag:s0], s3  }
0x194: {  	s1 =	ssub.s32 $0x0, s3;
	[sflag:s0] =	ssyncset.done $0x0  }
0x195: {  	[sflag:s0] =	ssyncadd.s32 s1  }
0x196: {  	[sflag:s0] =	ssyncpa.u1 $0x1  }
0x197: {  	s29 =	simm.s32 $0x1;
	_ =	sfence  }
0x198: {  	s30 =	simm.s32 $0x2;
	[sflag:s29] =	ssyncpa.u1 $0x1  }
0x199: {  	[sflag:s30] =	ssyncpa.u1 $0x1  }
0x19a: {  	_ =	strace $0x9000005C  }
0x19b: {  	[bflag:$0x2] =	sbarrier.arrive $0xFFFF  }
0x19c: {  	s31 =	rddreg [dreg:$0x1]  }
0x19d: {  	s0 =	sadd.s32 $0x100000, s31  }
0x19e: {  	[sflag:s0] =	ssyncadd.tile.s32 $0x1;
	_ =	shalt  }
.Lfunc_end3:
_tile_overlayer_lowered:
.L_overlay_start_3:
0x19f: {  	(tag) =	ssettag $0x3  }
0x1a0: {  	s0 =	rddreg [dreg:$0x0];
	s2 =	stileid.u32  }
0x1a1: {  	s1 =	rddreg [dreg:$0x1];
	p0 =	sne.s32 s2, $0x0  }
0x1a2: {  	s3 =	rddreg [dreg:$0x2];
	[bflag:$0x3] =	sbarrier.arrive $0xFFFF;
	s2 =	simm.s32 @!p0 $0x1C01  }
0x1a3: {  	[timem:s3], [sflag:s2] =	dma.local @!p0 [hbm:s0], s1  }
0x1a4: {  	s0 =	simm.s32 @!p0 $0x1  }
0x1a5: {  	_ =	swait.ge @!p0 [sflag:s0], s1  }
0x1a6: {  	s1 =	ssub.s32 @!p0 $0x0, s1;
	[sflag:s0] =	ssyncset.done @!p0 $0x0  }
0x1a7: {  	[sflag:s0] =	ssyncadd.s32 @!p0 s1  }
0x1a8: {  	[bflag:$0x3] =	sbarrier.arrive $0xFFFF  }
0x1a9: {  	_ =	shalt  }

</sc_bundles>
